<compile_context>
chip_gen: v7x
topology: tpu7x:2x2x1
jax: 0.10.2.dev20260603
libtpu: 0.0.44.dev20260713+nightly
codegen_flags: <defaults>
</compile_context>

<pallas_src>
import functools

import jax
import jax.numpy as jnp
from jax import lax
from jax.experimental import pallas as pl
from jax.experimental.pallas import tpu as pltpu
from jax.experimental.pallas import tpu_sc as plsc

_LANES = 16
_NDEEP = 8
_NQ = 4


@functools.lru_cache(maxsize=None)
def _make_gather(num_entities, batch, dim, nc, ns):
    nw = nc * ns
    b_per_w = batch // nw
    n_grp = b_per_w // _LANES
    grp_per_q = n_grp // _NQ
    mesh = plsc.VectorSubcoreMesh(core_axis_name="c", subcore_axis_name="s")

    @functools.partial(
        pl.kernel,
        out_type=jax.ShapeDtypeStruct((dim, batch), jnp.float32),
        mesh=mesh,
        scratch_types=(
            [pltpu.VMEM((b_per_w,), jnp.int32)]
            + [pltpu.VMEM((dim, 128), jnp.float32) for _ in range(_NDEEP)]
            + [pltpu.VMEM((dim, 128), jnp.float32) for _ in range(_NQ)]
            + [pltpu.SemaphoreType.DMA for _ in range(_NDEEP)]
            + [pltpu.SemaphoreType.DMA]
        ),
        compiler_params=pltpu.CompilerParams(
            disable_bounds_checks=True, needs_layout_passes=False
        ),
    )
    def gather_kernel(idx_hbm, tab_hbm, out_hbm, *refs):
        idx_v = refs[0]
        bufs = refs[1 : 1 + _NDEEP]
        qbufs = refs[1 + _NDEEP : 1 + _NDEEP + _NQ]
        sems = refs[1 + _NDEEP + _NQ : 1 + 2 * _NDEEP + _NQ]
        osem = refs[1 + 2 * _NDEEP + _NQ]
        wid = lax.axis_index("s") * nc + lax.axis_index("c")
        base = wid * b_per_w
        pltpu.sync_copy(idx_hbm.at[pl.ds(base, b_per_w)], idx_v)
        iota = lax.iota(jnp.int32, _LANES)

        def start(v, par):
            off = pl.multiple_of((v >> 7) * 128, 128)
            pltpu.async_copy(tab_hbm.at[:, pl.ds(off, 128)], bufs[par], sems[par])

        def finish(gl, l, v, par, qbuf):
            pltpu.make_async_copy(
                tab_hbm.at[:, pl.ds(0, 128)], bufs[par], sems[par]
            ).wait()
            lane = jnp.full((_LANES,), v & 127, jnp.int32)
            col = jnp.full((_LANES,), gl * _LANES + l, jnp.int32)
            for k in range(dim // _LANES):
                vals = plsc.load_gather(bufs[par], [iota + (k * _LANES), lane])
                plsc.store_scatter(qbuf, [iota + (k * _LANES), col], vals)

        vec0 = idx_v[pl.ds(0, _LANES)]
        for l in range(_NDEEP):
            start(vec0[l], l)

        vec = vec0
        for q in range(_NQ):

            @pl.loop(0, grp_per_q, init_carry=vec)
            def _grp(g, vec, q=q):
                gg = q * grp_per_q + g
                nxt_off = jnp.minimum((gg + 1) * _LANES, b_per_w - _LANES)
                vec_n = idx_v[pl.ds(nxt_off, _LANES)]
                for l in range(_LANES):
                    finish(g, l, vec[l], l % _NDEEP, qbufs[q])
                    if l < _LANES - _NDEEP:
                        start(vec[l + _NDEEP], (l + _NDEEP) % _NDEEP)
                    else:

                        @pl.when(gg < n_grp - 1)
                        def _():
                            start(vec_n[l + _NDEEP - _LANES], (l + _NDEEP) % _NDEEP)

                return vec_n

            vec = _grp
            pltpu.async_copy(
                qbufs[q],
                out_hbm.at[:, pl.ds(base + q * 128, 128)],
                osem,
            )

        for q in range(_NQ):
            pltpu.make_async_copy(
                qbufs[q], out_hbm.at[:, pl.ds(base + q * 128, 128)], osem
            ).wait()

    return gather_kernel


def kernel(elements, entity_embeddings):
    (batch,) = elements.shape
    num_entities, dim = entity_embeddings.shape
    info = plsc.get_sparse_core_info()
    fn = _make_gather(num_entities, batch, dim, info.num_cores, info.num_subcores)
    out_t = fn(elements, entity_embeddings.T)
    return out_t.T

# --- scband reference (transcript-rebuilt; emitter-appended) ---
"""Pipeline reference for scband-base-owamodule-10986526343734 (READ-ONLY COPY).

The authoritative reference and input builder live on the scoring server;
editing this copy changes nothing except your own understanding.
"""

import jax, jax.numpy as jnp
import numpy as np

NUM_ENTITIES = 1000000
EMBED_DIM = 64
BATCH = 16384

def setup_inputs(seed: int = 0) -> dict:
    key = jax.random.key(seed)
    k1, k2 = jax.random.split(key)
    entity_embeddings = jax.random.normal(k1, (NUM_ENTITIES, EMBED_DIM), dtype=jnp.float32)
    elements = jax.random.randint(k2, (BATCH,), 0, NUM_ENTITIES, dtype=jnp.int32)
    return {"elements": elements, "entity_embeddings": entity_embeddings}

def reference(elements, entity_embeddings):
    # _get_embeddings: embedding_module(elements).view(-1, embedding_dim)
    emb = jnp.take(entity_embeddings, elements, axis=0)
    return emb.reshape(-1, EMBED_DIM)

if __name__ == "__main__":
    import jax
    _d = setup_inputs()
    print(jax.jit(kernel)(*tuple(_d.values())))

</pallas_src>

<mosaic_0001>
#map = affine_map<(d0, d1) -> (0)>
#map1 = affine_map<(d0, d1) -> (0, 0)>
module attributes {stable_mosaic.version = 14 : i64} {
  func.func @gather_kernel(%arg0: i32, %arg1: i32, %arg2: memref<16384xi32, #tpu.memory_space<hbm>>, %arg3: memref<64x1000000xf32, #tpu.memory_space<hbm>>, %arg4: memref<64x16384xf32, #tpu.memory_space<hbm>>, %arg5: memref<512xi32, #tpu.memory_space<vmem>>, %arg6: memref<64x128xf32, #tpu.memory_space<vmem>>, %arg7: memref<64x128xf32, #tpu.memory_space<vmem>>, %arg8: memref<64x128xf32, #tpu.memory_space<vmem>>, %arg9: memref<64x128xf32, #tpu.memory_space<vmem>>, %arg10: memref<64x128xf32, #tpu.memory_space<vmem>>, %arg11: memref<64x128xf32, #tpu.memory_space<vmem>>, %arg12: memref<64x128xf32, #tpu.memory_space<vmem>>, %arg13: memref<64x128xf32, #tpu.memory_space<vmem>>, %arg14: memref<64x128xf32, #tpu.memory_space<vmem>>, %arg15: memref<64x128xf32, #tpu.memory_space<vmem>>, %arg16: memref<64x128xf32, #tpu.memory_space<vmem>>, %arg17: memref<64x128xf32, #tpu.memory_space<vmem>>, %arg18: memref<!tpu.dma_semaphore, #tpu.memory_space<semaphore_mem>>, %arg19: memref<!tpu.dma_semaphore, #tpu.memory_space<semaphore_mem>>, %arg20: memref<!tpu.dma_semaphore, #tpu.memory_space<semaphore_mem>>, %arg21: memref<!tpu.dma_semaphore, #tpu.memory_space<semaphore_mem>>, %arg22: memref<!tpu.dma_semaphore, #tpu.memory_space<semaphore_mem>>, %arg23: memref<!tpu.dma_semaphore, #tpu.memory_space<semaphore_mem>>, %arg24: memref<!tpu.dma_semaphore, #tpu.memory_space<semaphore_mem>>, %arg25: memref<!tpu.dma_semaphore, #tpu.memory_space<semaphore_mem>>, %arg26: memref<!tpu.dma_semaphore, #tpu.memory_space<semaphore_mem>>) attributes {dimension_semantics = [#tpu.dimension_semantics<core_parallel>, #tpu.dimension_semantics<subcore_parallel>], iteration_bounds = array<i64: 2, 16>, scalar_prefetch = 0 : i64, scratch_operands = 22 : i64, tpu.core_type = #tpu.core_type<sc_vector_subcore>, window_params = [{transform_indices = #map}, {transform_indices = #map1}, {transform_indices = #map1}]} {
    %mul3A = arith.constant 2 : i32
    %mul3A_0 = arith.muli %arg1, %mul3A : i32
    %add3A = arith.addi %mul3A_0, %arg0 : i32
    %mul3A_1 = arith.constant 512 : i32
    %mul3A_2 = arith.muli %add3A, %mul3A_1 : i32
    "tpu.region"() ({
      %run_scoped3A = tpu.sem_alloc : memref<!tpu.dma_semaphore, #tpu.memory_space<semaphore_mem>>
      %dma_start3A_157 = tpu.memref_slice %arg2[%mul3A_2] : memref<16384xi32, #tpu.memory_space<hbm>> -> memref<512xi32, #tpu.memory_space<hbm>>
      %dma_start3A_158 = tpu.memref_slice %arg2[%mul3A_2] : memref<16384xi32, #tpu.memory_space<hbm>> -> memref<512xi32, #tpu.memory_space<hbm>>
      tpu.enqueue_dma source(%dma_start3A_158 : memref<512xi32, #tpu.memory_space<hbm>>) target(%arg5 : memref<512xi32, #tpu.memory_space<vmem>>) target_semaphore(%run_scoped3A : memref<!tpu.dma_semaphore, #tpu.memory_space<semaphore_mem>>)
      %dma_wait3A_159 = tpu.memref_slice %arg2[%mul3A_2] : memref<16384xi32, #tpu.memory_space<hbm>> -> memref<512xi32, #tpu.memory_space<hbm>>
      %dma_wait3A_160 = tpu.memref_slice %arg2[%mul3A_2] : memref<16384xi32, #tpu.memory_space<hbm>> -> memref<512xi32, #tpu.memory_space<hbm>>
      tpu.wait_dma2 semaphore(%run_scoped3A : memref<!tpu.dma_semaphore, #tpu.memory_space<semaphore_mem>>) src(%dma_wait3A_160 : memref<512xi32, #tpu.memory_space<hbm>>) dst(%arg5 : memref<512xi32, #tpu.memory_space<vmem>>)
      tpu.yield
    }) : () -> ()
    %iota3A = tpu.iota {dimensions = array<i32: 0>} : vector<16xi32>
    %get3A = arith.constant 0 : index
    %get3A_3 = tpu.vector_load %arg5[%get3A] {strides = array<i32>} : memref<512xi32, #tpu.memory_space<vmem>>, vector<16xi32>,
    %slice3A = vector.extract_strided_slice %get3A_3 {offsets = [0], sizes = [1], strides = [1]} : vector<16xi32> to vector<1xi32>
    %squeeze3A = vector.extract %slice3A[0] : i32 from vector<1xi32>
    %shift_right_arithmetic3A = arith.constant 7 : i32
    %shift_right_arithmetic3A_4 = arith.shrsi %squeeze3A, %shift_right_arithmetic3A : i32
    %mul3A_5 = arith.constant 128 : i32
    %mul3A_6 = arith.muli %shift_right_arithmetic3A_4, %mul3A_5 : i32
    %multiple_of3A = tpu.assume_multiple %mul3A_6, 128 : i32
    %dma_start3A = arith.constant 0 : i32
    %dma_start3A_7 = tpu.memref_slice %arg3[%dma_start3A, %multiple_of3A] : memref<64x1000000xf32, #tpu.memory_space<hbm>> -> memref<64x128xf32, #tpu.memory_space<hbm>>
    %dma_start3A_8 = arith.constant 0 : i32
    %dma_start3A_9 = tpu.memref_slice %arg3[%dma_start3A_8, %multiple_of3A] : memref<64x1000000xf32, #tpu.memory_space<hbm>> -> memref<64x128xf32, #tpu.memory_space<hbm>>
    tpu.enqueue_dma source(%dma_start3A_9 : memref<64x128xf32, #tpu.memory_space<hbm>>) target(%arg6 : memref<64x128xf32, #tpu.memory_space<vmem>>) target_semaphore(%arg18 : memref<!tpu.dma_semaphore, #tpu.memory_space<semaphore_mem>>)
    %slice3A_10 = vector.extract_strided_slice %get3A_3 {offsets = [1], sizes = [1], strides = [1]} : vector<16xi32> to vector<1xi32>
    %squeeze3A_11 = vector.extract %slice3A_10[0] : i32 from vector<1xi32>
    %shift_right_arithmetic3A_12 = arith.constant 7 : i32
    %shift_right_arithmetic3A_13 = arith.shrsi %squeeze3A_11, %shift_right_arithmetic3A_12 : i32
    %mul3A_14 = arith.constant 128 : i32
    %mul3A_15 = arith.muli %shift_right_arithmetic3A_13, %mul3A_14 : i32
    %multiple_of3A_16 = tpu.assume_multiple %mul3A_15, 128 : i32
    %dma_start3A_17 = arith.constant 0 : i32
    %dma_start3A_18 = tpu.memref_slice %arg3[%dma_start3A_17, %multiple_of3A_16] : memref<64x1000000xf32, #tpu.memory_space<hbm>> -> memref<64x128xf32, #tpu.memory_space<hbm>>
    %dma_start3A_19 = arith.constant 0 : i32
    %dma_start3A_20 = tpu.memref_slice %arg3[%dma_start3A_19, %multiple_of3A_16] : memref<64x1000000xf32, #tpu.memory_space<hbm>> -> memref<64x128xf32, #tpu.memory_space<hbm>>
    tpu.enqueue_dma source(%dma_start3A_20 : memref<64x128xf32, #tpu.memory_space<hbm>>) target(%arg7 : memref<64x128xf32, #tpu.memory_space<vmem>>) target_semaphore(%arg19 : memref<!tpu.dma_semaphore, #tpu.memory_space<semaphore_mem>>)
    %slice3A_21 = vector.extract_strided_slice %get3A_3 {offsets = [2], sizes = [1], strides = [1]} : vector<16xi32> to vector<1xi32>
    %squeeze3A_22 = vector.extract %slice3A_21[0] : i32 from vector<1xi32>
    %shift_right_arithmetic3A_23 = arith.constant 7 : i32
    %shift_right_arithmetic3A_24 = arith.shrsi %squeeze3A_22, %shift_right_arithmetic3A_23 : i32
    %mul3A_25 = arith.constant 128 : i32
    %mul3A_26 = arith.muli %shift_right_arithmetic3A_24, %mul3A_25 : i32
    %multiple_of3A_27 = tpu.assume_multiple %mul3A_26, 128 : i32
    %dma_start3A_28 = arith.constant 0 : i32
    %dma_start3A_29 = tpu.memref_slice %arg3[%dma_start3A_28, %multiple_of3A_27] : memref<64x1000000xf32, #tpu.memory_space<hbm>> -> memref<64x128xf32, #tpu.memory_space<hbm>>
    %dma_start3A_30 = arith.constant 0 : i32
    %dma_start3A_31 = tpu.memref_slice %arg3[%dma_start3A_30, %multiple_of3A_27] : memref<64x1000000xf32, #tpu.memory_space<hbm>> -> memref<64x128xf32, #tpu.memory_space<hbm>>
    tpu.enqueue_dma source(%dma_start3A_31 : memref<64x128xf32, #tpu.memory_space<hbm>>) target(%arg8 : memref<64x128xf32, #tpu.memory_space<vmem>>) target_semaphore(%arg20 : memref<!tpu.dma_semaphore, #tpu.memory_space<semaphore_mem>>)
    %slice3A_32 = vector.extract_strided_slice %get3A_3 {offsets = [3], sizes = [1], strides = [1]} : vector<16xi32> to vector<1xi32>
    %squeeze3A_33 = vector.extract %slice3A_32[0] : i32 from vector<1xi32>
    %shift_right_arithmetic3A_34 = arith.constant 7 : i32
    %shift_right_arithmetic3A_35 = arith.shrsi %squeeze3A_33, %shift_right_arithmetic3A_34 : i32
    %mul3A_36 = arith.constant 128 : i32
    %mul3A_37 = arith.muli %shift_right_arithmetic3A_35, %mul3A_36 : i32
    %multiple_of3A_38 = tpu.assume_multiple %mul3A_37, 128 : i32
    %dma_start3A_39 = arith.constant 0 : i32
    %dma_start3A_40 = tpu.memref_slice %arg3[%dma_start3A_39, %multiple_of3A_38] : memref<64x1000000xf32, #tpu.memory_space<hbm>> -> memref<64x128xf32, #tpu.memory_space<hbm>>
    %dma_start3A_41 = arith.constant 0 : i32
    %dma_start3A_42 = tpu.memref_slice %arg3[%dma_start3A_41, %multiple_of3A_38] : memref<64x1000000xf32, #tpu.memory_space<hbm>> -> memref<64x128xf32, #tpu.memory_space<hbm>>
    tpu.enqueue_dma source(%dma_start3A_42 : memref<64x128xf32, #tpu.memory_space<hbm>>) target(%arg9 : memref<64x128xf32, #tpu.memory_space<vmem>>) target_semaphore(%arg21 : memref<!tpu.dma_semaphore, #tpu.memory_space<semaphore_mem>>)
    %slice3A_43 = vector.extract_strided_slice %get3A_3 {offsets = [4], sizes = [1], strides = [1]} : vector<16xi32> to vector<1xi32>
    %squeeze3A_44 = vector.extract %slice3A_43[0] : i32 from vector<1xi32>
    %shift_right_arithmetic3A_45 = arith.constant 7 : i32
    %shift_right_arithmetic3A_46 = arith.shrsi %squeeze3A_44, %shift_right_arithmetic3A_45 : i32
    %mul3A_47 = arith.constant 128 : i32
    %mul3A_48 = arith.muli %shift_right_arithmetic3A_46, %mul3A_47 : i32
    %multiple_of3A_49 = tpu.assume_multiple %mul3A_48, 128 : i32
    %dma_start3A_50 = arith.constant 0 : i32
    %dma_start3A_51 = tpu.memref_slice %arg3[%dma_start3A_50, %multiple_of3A_49] : memref<64x1000000xf32, #tpu.memory_space<hbm>> -> memref<64x128xf32, #tpu.memory_space<hbm>>
    %dma_start3A_52 = arith.constant 0 : i32
    %dma_start3A_53 = tpu.memref_slice %arg3[%dma_start3A_52, %multiple_of3A_49] : memref<64x1000000xf32, #tpu.memory_space<hbm>> -> memref<64x128xf32, #tpu.memory_space<hbm>>
    tpu.enqueue_dma source(%dma_start3A_53 : memref<64x128xf32, #tpu.memory_space<hbm>>) target(%arg10 : memref<64x128xf32, #tpu.memory_space<vmem>>) target_semaphore(%arg22 : memref<!tpu.dma_semaphore, #tpu.memory_space<semaphore_mem>>)
    %slice3A_54 = vector.extract_strided_slice %get3A_3 {offsets = [5], sizes = [1], strides = [1]} : vector<16xi32> to vector<1xi32>
    %squeeze3A_55 = vector.extract %slice3A_54[0] : i32 from vector<1xi32>
    %shift_right_arithmetic3A_56 = arith.constant 7 : i32
    %shift_right_arithmetic3A_57 = arith.shrsi %squeeze3A_55, %shift_right_arithmetic3A_56 : i32
    %mul3A_58 = arith.constant 128 : i32
    %mul3A_59 = arith.muli %shift_right_arithmetic3A_57, %mul3A_58 : i32
    %multiple_of3A_60 = tpu.assume_multiple %mul3A_59, 128 : i32
    %dma_start3A_61 = arith.constant 0 : i32
    %dma_start3A_62 = tpu.memref_slice %arg3[%dma_start3A_61, %multiple_of3A_60] : memref<64x1000000xf32, #tpu.memory_space<hbm>> -> memref<64x128xf32, #tpu.memory_space<hbm>>
    %dma_start3A_63 = arith.constant 0 : i32
    %dma_start3A_64 = tpu.memref_slice %arg3[%dma_start3A_63, %multiple_of3A_60] : memref<64x1000000xf32, #tpu.memory_space<hbm>> -> memref<64x128xf32, #tpu.memory_space<hbm>>
    tpu.enqueue_dma source(%dma_start3A_64 : memref<64x128xf32, #tpu.memory_space<hbm>>) target(%arg11 : memref<64x128xf32, #tpu.memory_space<vmem>>) target_semaphore(%arg23 : memref<!tpu.dma_semaphore, #tpu.memory_space<semaphore_mem>>)
    %slice3A_65 = vector.extract_strided_slice %get3A_3 {offsets = [6], sizes = [1], strides = [1]} : vector<16xi32> to vector<1xi32>
    %squeeze3A_66 = vector.extract %slice3A_65[0] : i32 from vector<1xi32>
    %shift_right_arithmetic3A_67 = arith.constant 7 : i32
    %shift_right_arithmetic3A_68 = arith.shrsi %squeeze3A_66, %shift_right_arithmetic3A_67 : i32
    %mul3A_69 = arith.constant 128 : i32
    %mul3A_70 = arith.muli %shift_right_arithmetic3A_68, %mul3A_69 : i32
    %multiple_of3A_71 = tpu.assume_multiple %mul3A_70, 128 : i32
    %dma_start3A_72 = arith.constant 0 : i32
    %dma_start3A_73 = tpu.memref_slice %arg3[%dma_start3A_72, %multiple_of3A_71] : memref<64x1000000xf32, #tpu.memory_space<hbm>> -> memref<64x128xf32, #tpu.memory_space<hbm>>
    %dma_start3A_74 = arith.constant 0 : i32
    %dma_start3A_75 = tpu.memref_slice %arg3[%dma_start3A_74, %multiple_of3A_71] : memref<64x1000000xf32, #tpu.memory_space<hbm>> -> memref<64x128xf32, #tpu.memory_space<hbm>>
    tpu.enqueue_dma source(%dma_start3A_75 : memref<64x128xf32, #tpu.memory_space<hbm>>) target(%arg12 : memref<64x128xf32, #tpu.memory_space<vmem>>) target_semaphore(%arg24 : memref<!tpu.dma_semaphore, #tpu.memory_space<semaphore_mem>>)
    %slice3A_76 = vector.extract_strided_slice %get3A_3 {offsets = [7], sizes = [1], strides = [1]} : vector<16xi32> to vector<1xi32>
    %squeeze3A_77 = vector.extract %slice3A_76[0] : i32 from vector<1xi32>
    %shift_right_arithmetic3A_78 = arith.constant 7 : i32
    %shift_right_arithmetic3A_79 = arith.shrsi %squeeze3A_77, %shift_right_arithmetic3A_78 : i32
    %mul3A_80 = arith.constant 128 : i32
    %mul3A_81 = arith.muli %shift_right_arithmetic3A_79, %mul3A_80 : i32
    %multiple_of3A_82 = tpu.assume_multiple %mul3A_81, 128 : i32
    %dma_start3A_83 = arith.constant 0 : i32
    %dma_start3A_84 = tpu.memref_slice %arg3[%dma_start3A_83, %multiple_of3A_82] : memref<64x1000000xf32, #tpu.memory_space<hbm>> -> memref<64x128xf32, #tpu.memory_space<hbm>>
    %dma_start3A_85 = arith.constant 0 : i32
    %dma_start3A_86 = tpu.memref_slice %arg3[%dma_start3A_85, %multiple_of3A_82] : memref<64x1000000xf32, #tpu.memory_space<hbm>> -> memref<64x128xf32, #tpu.memory_space<hbm>>
    tpu.enqueue_dma source(%dma_start3A_86 : memref<64x128xf32, #tpu.memory_space<hbm>>) target(%arg13 : memref<64x128xf32, #tpu.memory_space<vmem>>) target_semaphore(%arg25 : memref<!tpu.dma_semaphore, #tpu.memory_space<semaphore_mem>>)
    %scan3A = arith.constant 0 : i32
    %scan3A_87 = arith.constant 8 : i32
    %scan3A_88 = arith.addi %scan3A, %scan3A_87 : i32
    %scan3A_89 = arith.constant 1 : i32
    %scan3A_90 = scf.for %scan3A_157 = %scan3A to %scan3A_88 step %scan3A_89 iter_args(%scan3A_158 = %get3A_3) -> (vector<16xi32>)  : i32 {
      %mul3A_159 = arith.constant 1 : i32
      %mul3A_160 = arith.muli %scan3A_157, %mul3A_159 : i32
      %add3A_161 = arith.constant 0 : i32
      %add3A_162 = arith.addi %add3A_161, %mul3A_160 : i32
      %add3A_163 = arith.constant 0 : i32
      %add3A_164 = arith.addi %add3A_163, %add3A_162 : i32
      %add3A_165 = arith.constant 1 : i32
      %add3A_166 = arith.addi %add3A_164, %add3A_165 : i32
      %mul3A_167 = arith.constant 16 : i32
      %mul3A_168 = arith.muli %add3A_166, %mul3A_167 : i32
      %min3A = arith.constant 496 : i32
      %min3A_169 = arith.minsi %mul3A_168, %min3A : i32
      %get3A_170 = arith.index_cast %min3A_169 : i32 to index
      %get3A_171 = tpu.vector_load %arg5[%get3A_170] {strides = array<i32>} : memref<512xi32, #tpu.memory_space<vmem>>, vector<16xi32>,
      %slice3A_172 = vector.extract_strided_slice %scan3A_158 {offsets = [0], sizes = [1], strides = [1]} : vector<16xi32> to vector<1xi32>
      %squeeze3A_173 = vector.extract %slice3A_172[0] : i32 from vector<1xi32>
      %dma_wait3A_174 = arith.constant 0 : i32
      %dma_wait3A_175 = arith.constant 0 : i32
      %dma_wait3A_176 = tpu.memref_slice %arg3[%dma_wait3A_174, %dma_wait3A_175] : memref<64x1000000xf32, #tpu.memory_space<hbm>> -> memref<64x128xf32, #tpu.memory_space<hbm>>
      %dma_wait3A_177 = arith.constant 0 : i32
      %dma_wait3A_178 = arith.constant 0 : i32
      %dma_wait3A_179 = tpu.memref_slice %arg3[%dma_wait3A_177, %dma_wait3A_178] : memref<64x1000000xf32, #tpu.memory_space<hbm>> -> memref<64x128xf32, #tpu.memory_space<hbm>>
      tpu.wait_dma2 semaphore(%arg18 : memref<!tpu.dma_semaphore, #tpu.memory_space<semaphore_mem>>) src(%dma_wait3A_179 : memref<64x128xf32, #tpu.memory_space<hbm>>) dst(%arg6 : memref<64x128xf32, #tpu.memory_space<vmem>>)
      %and3A = arith.constant 127 : i32
      %and3A_180 = arith.andi %squeeze3A_173, %and3A : i32
      %broadcast_in_dim3A = vector.broadcast %and3A_180 : i32 to vector<16xi32>
      %mul3A_181 = arith.constant 16 : i32
      %mul3A_182 = arith.muli %add3A_162, %mul3A_181 : i32
      %add3A_183 = arith.constant 0 : i32
      %add3A_184 = arith.addi %mul3A_182, %add3A_183 : i32
      %broadcast_in_dim3A_185 = vector.broadcast %add3A_184 : i32 to vector<16xi32>
      %add3A_186 = arith.constant 0 : i32
      %add3A_187 = vector.broadcast %add3A_186 : i32 to vector<16xi32>
      %add3A_188 = arith.addi %iota3A, %add3A_187 : vector<16xi32>
      %gather3A = tpu.vector_load_idx %arg6[%add3A_188, %broadcast_in_dim3A] : memref<64x128xf32, #tpu.memory_space<vmem>>[vector<16xi32>, vector<16xi32>], vector<16xf32>,
      %add3A_189 = arith.constant 0 : i32
      %add3A_190 = vector.broadcast %add3A_189 : i32 to vector<16xi32>
      %add3A_191 = arith.addi %iota3A, %add3A_190 : vector<16xi32>
      tpu.vector_store_idx %arg14[%add3A_191, %broadcast_in_dim3A_185], %gather3A : memref<64x128xf32, #tpu.memory_space<vmem>>[vector<16xi32>, vector<16xi32>], vector<16xf32>,
      %add3A_192 = arith.constant 16 : i32
      %add3A_193 = vector.broadcast %add3A_192 : i32 to vector<16xi32>
      %add3A_194 = arith.addi %iota3A, %add3A_193 : vector<16xi32>
      %gather3A_195 = tpu.vector_load_idx %arg6[%add3A_194, %broadcast_in_dim3A] : memref<64x128xf32, #tpu.memory_space<vmem>>[vector<16xi32>, vector<16xi32>], vector<16xf32>,
      %add3A_196 = arith.constant 16 : i32
      %add3A_197 = vector.broadcast %add3A_196 : i32 to vector<16xi32>
      %add3A_198 = arith.addi %iota3A, %add3A_197 : vector<16xi32>
      tpu.vector_store_idx %arg14[%add3A_198, %broadcast_in_dim3A_185], %gather3A_195 : memref<64x128xf32, #tpu.memory_space<vmem>>[vector<16xi32>, vector<16xi32>], vector<16xf32>,
      %add3A_199 = arith.constant 32 : i32
      %add3A_200 = vector.broadcast %add3A_199 : i32 to vector<16xi32>
      %add3A_201 = arith.addi %iota3A, %add3A_200 : vector<16xi32>
      %gather3A_202 = tpu.vector_load_idx %arg6[%add3A_201, %broadcast_in_dim3A] : memref<64x128xf32, #tpu.memory_space<vmem>>[vector<16xi32>, vector<16xi32>], vector<16xf32>,
      %add3A_203 = arith.constant 32 : i32
      %add3A_204 = vector.broadcast %add3A_203 : i32 to vector<16xi32>
      %add3A_205 = arith.addi %iota3A, %add3A_204 : vector<16xi32>
      tpu.vector_store_idx %arg14[%add3A_205, %broadcast_in_dim3A_185], %gather3A_202 : memref<64x128xf32, #tpu.memory_space<vmem>>[vector<16xi32>, vector<16xi32>], vector<16xf32>,
      %add3A_206 = arith.constant 48 : i32
      %add3A_207 = vector.broadcast %add3A_206 : i32 to vector<16xi32>
      %add3A_208 = arith.addi %iota3A, %add3A_207 : vector<16xi32>
      %gather3A_209 = tpu.vector_load_idx %arg6[%add3A_208, %broadcast_in_dim3A] : memref<64x128xf32, #tpu.memory_space<vmem>>[vector<16xi32>, vector<16xi32>], vector<16xf32>,
      %add3A_210 = arith.constant 48 : i32
      %add3A_211 = vector.broadcast %add3A_210 : i32 to vector<16xi32>
      %add3A_212 = arith.addi %iota3A, %add3A_211 : vector<16xi32>
      tpu.vector_store_idx %arg14[%add3A_212, %broadcast_in_dim3A_185], %gather3A_209 : memref<64x128xf32, #tpu.memory_space<vmem>>[vector<16xi32>, vector<16xi32>], vector<16xf32>,
      %slice3A_213 = vector.extract_strided_slice %scan3A_158 {offsets = [8], sizes = [1], strides = [1]} : vector<16xi32> to vector<1xi32>
      %squeeze3A_214 = vector.extract %slice3A_213[0] : i32 from vector<1xi32>
      %shift_right_arithmetic3A_215 = arith.constant 7 : i32
      %shift_right_arithmetic3A_216 = arith.shrsi %squeeze3A_214, %shift_right_arithmetic3A_215 : i32
      %mul3A_217 = arith.constant 128 : i32
      %mul3A_218 = arith.muli %shift_right_arithmetic3A_216, %mul3A_217 : i32
      %multiple_of3A_219 = tpu.assume_multiple %mul3A_218, 128 : i32
      %dma_start3A_220 = arith.constant 0 : i32
      %dma_start3A_221 = tpu.memref_slice %arg3[%dma_start3A_220, %multiple_of3A_219] : memref<64x1000000xf32, #tpu.memory_space<hbm>> -> memref<64x128xf32, #tpu.memory_space<hbm>>
      %dma_start3A_222 = arith.constant 0 : i32
      %dma_start3A_223 = tpu.memref_slice %arg3[%dma_start3A_222, %multiple_of3A_219] : memref<64x1000000xf32, #tpu.memory_space<hbm>> -> memref<64x128xf32, #tpu.memory_space<hbm>>
      tpu.enqueue_dma source(%dma_start3A_223 : memref<64x128xf32, #tpu.memory_space<hbm>>) target(%arg6 : memref<64x128xf32, #tpu.memory_space<vmem>>) target_semaphore(%arg18 : memref<!tpu.dma_semaphore, #tpu.memory_space<semaphore_mem>>)
      %slice3A_224 = vector.extract_strided_slice %scan3A_158 {offsets = [1], sizes = [1], strides = [1]} : vector<16xi32> to vector<1xi32>
      %squeeze3A_225 = vector.extract %slice3A_224[0] : i32 from vector<1xi32>
      %dma_wait3A_226 = arith.constant 0 : i32
      %dma_wait3A_227 = arith.constant 0 : i32
      %dma_wait3A_228 = tpu.memref_slice %arg3[%dma_wait3A_226, %dma_wait3A_227] : memref<64x1000000xf32, #tpu.memory_space<hbm>> -> memref<64x128xf32, #tpu.memory_space<hbm>>
      %dma_wait3A_229 = arith.constant 0 : i32
      %dma_wait3A_230 = arith.constant 0 : i32
      %dma_wait3A_231 = tpu.memref_slice %arg3[%dma_wait3A_229, %dma_wait3A_230] : memref<64x1000000xf32, #tpu.memory_space<hbm>> -> memref<64x128xf32, #tpu.memory_space<hbm>>
      tpu.wait_dma2 semaphore(%arg19 : memref<!tpu.dma_semaphore, #tpu.memory_space<semaphore_mem>>) src(%dma_wait3A_231 : memref<64x128xf32, #tpu.memory_space<hbm>>) dst(%arg7 : memref<64x128xf32, #tpu.memory_space<vmem>>)
      %and3A_232 = arith.constant 127 : i32
      %and3A_233 = arith.andi %squeeze3A_225, %and3A_232 : i32
      %broadcast_in_dim3A_234 = vector.broadcast %and3A_233 : i32 to vector<16xi32>
      %mul3A_235 = arith.constant 16 : i32
      %mul3A_236 = arith.muli %add3A_162, %mul3A_235 : i32
      %add3A_237 = arith.constant 1 : i32
      %add3A_238 = arith.addi %mul3A_236, %add3A_237 : i32
      %broadcast_in_dim3A_239 = vector.broadcast %add3A_238 : i32 to vector<16xi32>
      %add3A_240 = arith.constant 0 : i32
      %add3A_241 = vector.broadcast %add3A_240 : i32 to vector<16xi32>
      %add3A_242 = arith.addi %iota3A, %add3A_241 : vector<16xi32>
      %gather3A_243 = tpu.vector_load_idx %arg7[%add3A_242, %broadcast_in_dim3A_234] : memref<64x128xf32, #tpu.memory_space<vmem>>[vector<16xi32>, vector<16xi32>], vector<16xf32>,
      %add3A_244 = arith.constant 0 : i32
      %add3A_245 = vector.broadcast %add3A_244 : i32 to vector<16xi32>
      %add3A_246 = arith.addi %iota3A, %add3A_245 : vector<16xi32>
      tpu.vector_store_idx %arg14[%add3A_246, %broadcast_in_dim3A_239], %gather3A_243 : memref<64x128xf32, #tpu.memory_space<vmem>>[vector<16xi32>, vector<16xi32>], vector<16xf32>,
      %add3A_247 = arith.constant 16 : i32
      %add3A_248 = vector.broadcast %add3A_247 : i32 to vector<16xi32>
      %add3A_249 = arith.addi %iota3A, %add3A_248 : vector<16xi32>
      %gather3A_250 = tpu.vector_load_idx %arg7[%add3A_249, %broadcast_in_dim3A_234] : memref<64x128xf32, #tpu.memory_space<vmem>>[vector<16xi32>, vector<16xi32>], vector<16xf32>,
      %add3A_251 = arith.constant 16 : i32
      %add3A_252 = vector.broadcast %add3A_251 : i32 to vector<16xi32>
      %add3A_253 = arith.addi %iota3A, %add3A_252 : vector<16xi32>
      tpu.vector_store_idx %arg14[%add3A_253, %broadcast_in_dim3A_239], %gather3A_250 : memref<64x128xf32, #tpu.memory_space<vmem>>[vector<16xi32>, vector<16xi32>], vector<16xf32>,
      %add3A_254 = arith.constant 32 : i32
      %add3A_255 = vector.broadcast %add3A_254 : i32 to vector<16xi32>
      %add3A_256 = arith.addi %iota3A, %add3A_255 : vector<16xi32>
      %gather3A_257 = tpu.vector_load_idx %arg7[%add3A_256, %broadcast_in_dim3A_234] : memref<64x128xf32, #tpu.memory_space<vmem>>[vector<16xi32>, vector<16xi32>], vector<16xf32>,
      %add3A_258 = arith.constant 32 : i32
      %add3A_259 = vector.broadcast %add3A_258 : i32 to vector<16xi32>
      %add3A_260 = arith.addi %iota3A, %add3A_259 : vector<16xi32>
      tpu.vector_store_idx %arg14[%add3A_260, %broadcast_in_dim3A_239], %gather3A_257 : memref<64x128xf32, #tpu.memory_space<vmem>>[vector<16xi32>, vector<16xi32>], vector<16xf32>,
      %add3A_261 = arith.constant 48 : i32
      %add3A_262 = vector.broadcast %add3A_261 : i32 to vector<16xi32>
      %add3A_263 = arith.addi %iota3A, %add3A_262 : vector<16xi32>
      %gather3A_264 = tpu.vector_load_idx %arg7[%add3A_263, %broadcast_in_dim3A_234] : memref<64x128xf32, #tpu.memory_space<vmem>>[vector<16xi32>, vector<16xi32>], vector<16xf32>,
      %add3A_265 = arith.constant 48 : i32
      %add3A_266 = vector.broadcast %add3A_265 : i32 to vector<16xi32>
      %add3A_267 = arith.addi %iota3A, %add3A_266 : vector<16xi32>
      tpu.vector_store_idx %arg14[%add3A_267, %broadcast_in_dim3A_239], %gather3A_264 : memref<64x128xf32, #tpu.memory_space<vmem>>[vector<16xi32>, vector<16xi32>], vector<16xf32>,
      %slice3A_268 = vector.extract_strided_slice %scan3A_158 {offsets = [9], sizes = [1], strides = [1]} : vector<16xi32> to vector<1xi32>
      %squeeze3A_269 = vector.extract %slice3A_268[0] : i32 from vector<1xi32>
      %shift_right_arithmetic3A_270 = arith.constant 7 : i32
      %shift_right_arithmetic3A_271 = arith.shrsi %squeeze3A_269, %shift_right_arithmetic3A_270 : i32
      %mul3A_272 = arith.constant 128 : i32
      %mul3A_273 = arith.muli %shift_right_arithmetic3A_271, %mul3A_272 : i32
      %multiple_of3A_274 = tpu.assume_multiple %mul3A_273, 128 : i32
      %dma_start3A_275 = arith.constant 0 : i32
      %dma_start3A_276 = tpu.memref_slice %arg3[%dma_start3A_275, %multiple_of3A_274] : memref<64x1000000xf32, #tpu.memory_space<hbm>> -> memref<64x128xf32, #tpu.memory_space<hbm>>
      %dma_start3A_277 = arith.constant 0 : i32
      %dma_start3A_278 = tpu.memref_slice %arg3[%dma_start3A_277, %multiple_of3A_274] : memref<64x1000000xf32, #tpu.memory_space<hbm>> -> memref<64x128xf32, #tpu.memory_space<hbm>>
      tpu.enqueue_dma source(%dma_start3A_278 : memref<64x128xf32, #tpu.memory_space<hbm>>) target(%arg7 : memref<64x128xf32, #tpu.memory_space<vmem>>) target_semaphore(%arg19 : memref<!tpu.dma_semaphore, #tpu.memory_space<semaphore_mem>>)
      %slice3A_279 = vector.extract_strided_slice %scan3A_158 {offsets = [2], sizes = [1], strides = [1]} : vector<16xi32> to vector<1xi32>
      %squeeze3A_280 = vector.extract %slice3A_279[0] : i32 from vector<1xi32>
      %dma_wait3A_281 = arith.constant 0 : i32
      %dma_wait3A_282 = arith.constant 0 : i32
      %dma_wait3A_283 = tpu.memref_slice %arg3[%dma_wait3A_281, %dma_wait3A_282] : memref<64x1000000xf32, #tpu.memory_space<hbm>> -> memref<64x128xf32, #tpu.memory_space<hbm>>
      %dma_wait3A_284 = arith.constant 0 : i32
      %dma_wait3A_285 = arith.constant 0 : i32
      %dma_wait3A_286 = tpu.memref_slice %arg3[%dma_wait3A_284, %dma_wait3A_285] : memref<64x1000000xf32, #tpu.memory_space<hbm>> -> memref<64x128xf32, #tpu.memory_space<hbm>>
      tpu.wait_dma2 semaphore(%arg20 : memref<!tpu.dma_semaphore, #tpu.memory_space<semaphore_mem>>) src(%dma_wait3A_286 : memref<64x128xf32, #tpu.memory_space<hbm>>) dst(%arg8 : memref<64x128xf32, #tpu.memory_space<vmem>>)
      %and3A_287 = arith.constant 127 : i32
      %and3A_288 = arith.andi %squeeze3A_280, %and3A_287 : i32
      %broadcast_in_dim3A_289 = vector.broadcast %and3A_288 : i32 to vector<16xi32>
      %mul3A_290 = arith.constant 16 : i32
      %mul3A_291 = arith.muli %add3A_162, %mul3A_290 : i32
      %add3A_292 = arith.constant 2 : i32
      %add3A_293 = arith.addi %mul3A_291, %add3A_292 : i32
      %broadcast_in_dim3A_294 = vector.broadcast %add3A_293 : i32 to vector<16xi32>
      %add3A_295 = arith.constant 0 : i32
      %add3A_296 = vector.broadcast %add3A_295 : i32 to vector<16xi32>
      %add3A_297 = arith.addi %iota3A, %add3A_296 : vector<16xi32>
      %gather3A_298 = tpu.vector_load_idx %arg8[%add3A_297, %broadcast_in_dim3A_289] : memref<64x128xf32, #tpu.memory_space<vmem>>[vector<16xi32>, vector<16xi32>], vector<16xf32>,
      %add3A_299 = arith.constant 0 : i32
      %add3A_300 = vector.broadcast %add3A_299 : i32 to vector<16xi32>
      %add3A_301 = arith.addi %iota3A, %add3A_300 : vector<16xi32>
      tpu.vector_store_idx %arg14[%add3A_301, %broadcast_in_dim3A_294], %gather3A_298 : memref<64x128xf32, #tpu.memory_space<vmem>>[vector<16xi32>, vector<16xi32>], vector<16xf32>,
      %add3A_302 = arith.constant 16 : i32
      %add3A_303 = vector.broadcast %add3A_302 : i32 to vector<16xi32>
      %add3A_304 = arith.addi %iota3A, %add3A_303 : vector<16xi32>
      %gather3A_305 = tpu.vector_load_idx %arg8[%add3A_304, %broadcast_in_dim3A_289] : memref<64x128xf32, #tpu.memory_space<vmem>>[vector<16xi32>, vector<16xi32>], vector<16xf32>,
      %add3A_306 = arith.constant 16 : i32
      %add3A_307 = vector.broadcast %add3A_306 : i32 to vector<16xi32>
      %add3A_308 = arith.addi %iota3A, %add3A_307 : vector<16xi32>
      tpu.vector_store_idx %arg14[%add3A_308, %broadcast_in_dim3A_294], %gather3A_305 : memref<64x128xf32, #tpu.memory_space<vmem>>[vector<16xi32>, vector<16xi32>], vector<16xf32>,
      %add3A_309 = arith.constant 32 : i32
      %add3A_310 = vector.broadcast %add3A_309 : i32 to vector<16xi32>
      %add3A_311 = arith.addi %iota3A, %add3A_310 : vector<16xi32>
      %gather3A_312 = tpu.vector_load_idx %arg8[%add3A_311, %broadcast_in_dim3A_289] : memref<64x128xf32, #tpu.memory_space<vmem>>[vector<16xi32>, vector<16xi32>], vector<16xf32>,
      %add3A_313 = arith.constant 32 : i32
      %add3A_314 = vector.broadcast %add3A_313 : i32 to vector<16xi32>
      %add3A_315 = arith.addi %iota3A, %add3A_314 : vector<16xi32>
      tpu.vector_store_idx %arg14[%add3A_315, %broadcast_in_dim3A_294], %gather3A_312 : memref<64x128xf32, #tpu.memory_space<vmem>>[vector<16xi32>, vector<16xi32>], vector<16xf32>,
      %add3A_316 = arith.constant 48 : i32
      %add3A_317 = vector.broadcast %add3A_316 : i32 to vector<16xi32>
      %add3A_318 = arith.addi %iota3A, %add3A_317 : vector<16xi32>
      %gather3A_319 = tpu.vector_load_idx %arg8[%add3A_318, %broadcast_in_dim3A_289] : memref<64x128xf32, #tpu.memory_space<vmem>>[vector<16xi32>, vector<16xi32>], vector<16xf32>,
      %add3A_320 = arith.constant 48 : i32
      %add3A_321 = vector.broadcast %add3A_320 : i32 to vector<16xi32>
      %add3A_322 = arith.addi %iota3A, %add3A_321 : vector<16xi32>
      tpu.vector_store_idx %arg14[%add3A_322, %broadcast_in_dim3A_294], %gather3A_319 : memref<64x128xf32, #tpu.memory_space<vmem>>[vector<16xi32>, vector<16xi32>], vector<16xf32>,
      %slice3A_323 = vector.extract_strided_slice %scan3A_158 {offsets = [10], sizes = [1], strides = [1]} : vector<16xi32> to vector<1xi32>
      %squeeze3A_324 = vector.extract %slice3A_323[0] : i32 from vector<1xi32>
      %shift_right_arithmetic3A_325 = arith.constant 7 : i32
      %shift_right_arithmetic3A_326 = arith.shrsi %squeeze3A_324, %shift_right_arithmetic3A_325 : i32
      %mul3A_327 = arith.constant 128 : i32
      %mul3A_328 = arith.muli %shift_right_arithmetic3A_326, %mul3A_327 : i32
      %multiple_of3A_329 = tpu.assume_multiple %mul3A_328, 128 : i32
      %dma_start3A_330 = arith.constant 0 : i32
      %dma_start3A_331 = tpu.memref_slice %arg3[%dma_start3A_330, %multiple_of3A_329] : memref<64x1000000xf32, #tpu.memory_space<hbm>> -> memref<64x128xf32, #tpu.memory_space<hbm>>
      %dma_start3A_332 = arith.constant 0 : i32
      %dma_start3A_333 = tpu.memref_slice %arg3[%dma_start3A_332, %multiple_of3A_329] : memref<64x1000000xf32, #tpu.memory_space<hbm>> -> memref<64x128xf32, #tpu.memory_space<hbm>>
      tpu.enqueue_dma source(%dma_start3A_333 : memref<64x128xf32, #tpu.memory_space<hbm>>) target(%arg8 : memref<64x128xf32, #tpu.memory_space<vmem>>) target_semaphore(%arg20 : memref<!tpu.dma_semaphore, #tpu.memory_space<semaphore_mem>>)
      %slice3A_334 = vector.extract_strided_slice %scan3A_158 {offsets = [3], sizes = [1], strides = [1]} : vector<16xi32> to vector<1xi32>
      %squeeze3A_335 = vector.extract %slice3A_334[0] : i32 from vector<1xi32>
      %dma_wait3A_336 = arith.constant 0 : i32
      %dma_wait3A_337 = arith.constant 0 : i32
      %dma_wait3A_338 = tpu.memref_slice %arg3[%dma_wait3A_336, %dma_wait3A_337] : memref<64x1000000xf32, #tpu.memory_space<hbm>> -> memref<64x128xf32, #tpu.memory_space<hbm>>
      %dma_wait3A_339 = arith.constant 0 : i32
      %dma_wait3A_340 = arith.constant 0 : i32
      %dma_wait3A_341 = tpu.memref_slice %arg3[%dma_wait3A_339, %dma_wait3A_340] : memref<64x1000000xf32, #tpu.memory_space<hbm>> -> memref<64x128xf32, #tpu.memory_space<hbm>>
      tpu.wait_dma2 semaphore(%arg21 : memref<!tpu.dma_semaphore, #tpu.memory_space<semaphore_mem>>) src(%dma_wait3A_341 : memref<64x128xf32, #tpu.memory_space<hbm>>) dst(%arg9 : memref<64x128xf32, #tpu.memory_space<vmem>>)
      %and3A_342 = arith.constant 127 : i32
      %and3A_343 = arith.andi %squeeze3A_335, %and3A_342 : i32
      %broadcast_in_dim3A_344 = vector.broadcast %and3A_343 : i32 to vector<16xi32>
      %mul3A_345 = arith.constant 16 : i32
      %mul3A_346 = arith.muli %add3A_162, %mul3A_345 : i32
      %add3A_347 = arith.constant 3 : i32
      %add3A_348 = arith.addi %mul3A_346, %add3A_347 : i32
      %broadcast_in_dim3A_349 = vector.broadcast %add3A_348 : i32 to vector<16xi32>
      %add3A_350 = arith.constant 0 : i32
      %add3A_351 = vector.broadcast %add3A_350 : i32 to vector<16xi32>
      %add3A_352 = arith.addi %iota3A, %add3A_351 : vector<16xi32>
      %gather3A_353 = tpu.vector_load_idx %arg9[%add3A_352, %broadcast_in_dim3A_344] : memref<64x128xf32, #tpu.memory_space<vmem>>[vector<16xi32>, vector<16xi32>], vector<16xf32>,
      %add3A_354 = arith.constant 0 : i32
      %add3A_355 = vector.broadcast %add3A_354 : i32 to vector<16xi32>
      %add3A_356 = arith.addi %iota3A, %add3A_355 : vector<16xi32>
      tpu.vector_store_idx %arg14[%add3A_356, %broadcast_in_dim3A_349], %gather3A_353 : memref<64x128xf32, #tpu.memory_space<vmem>>[vector<16xi32>, vector<16xi32>], vector<16xf32>,
      %add3A_357 = arith.constant 16 : i32
      %add3A_358 = vector.broadcast %add3A_357 : i32 to vector<16xi32>
      %add3A_359 = arith.addi %iota3A, %add3A_358 : vector<16xi32>
      %gather3A_360 = tpu.vector_load_idx %arg9[%add3A_359, %broadcast_in_dim3A_344] : memref<64x128xf32, #tpu.memory_space<vmem>>[vector<16xi32>, vector<16xi32>], vector<16xf32>,
      %add3A_361 = arith.constant 16 : i32
      %add3A_362 = vector.broadcast %add3A_361 : i32 to vector<16xi32>
      %add3A_363 = arith.addi %iota3A, %add3A_362 : vector<16xi32>
      tpu.vector_store_idx %arg14[%add3A_363, %broadcast_in_dim3A_349], %gather3A_360 : memref<64x128xf32, #tpu.memory_space<vmem>>[vector<16xi32>, vector<16xi32>], vector<16xf32>,
      %add3A_364 = arith.constant 32 : i32
      %add3A_365 = vector.broadcast %add3A_364 : i32 to vector<16xi32>
      %add3A_366 = arith.addi %iota3A, %add3A_365 : vector<16xi32>
      %gather3A_367 = tpu.vector_load_idx %arg9[%add3A_366, %broadcast_in_dim3A_344] : memref<64x128xf32, #tpu.memory_space<vmem>>[vector<16xi32>, vector<16xi32>], vector<16xf32>,
      %add3A_368 = arith.constant 32 : i32
      %add3A_369 = vector.broadcast %add3A_368 : i32 to vector<16xi32>
      %add3A_370 = arith.addi %iota3A, %add3A_369 : vector<16xi32>
      tpu.vector_store_idx %arg14[%add3A_370, %broadcast_in_dim3A_349], %gather3A_367 : memref<64x128xf32, #tpu.memory_space<vmem>>[vector<16xi32>, vector<16xi32>], vector<16xf32>,
      %add3A_371 = arith.constant 48 : i32
      %add3A_372 = vector.broadcast %add3A_371 : i32 to vector<16xi32>
      %add3A_373 = arith.addi %iota3A, %add3A_372 : vector<16xi32>
      %gather3A_374 = tpu.vector_load_idx %arg9[%add3A_373, %broadcast_in_dim3A_344] : memref<64x128xf32, #tpu.memory_space<vmem>>[vector<16xi32>, vector<16xi32>], vector<16xf32>,
      %add3A_375 = arith.constant 48 : i32
      %add3A_376 = vector.broadcast %add3A_375 : i32 to vector<16xi32>
      %add3A_377 = arith.addi %iota3A, %add3A_376 : vector<16xi32>
      tpu.vector_store_idx %arg14[%add3A_377, %broadcast_in_dim3A_349], %gather3A_374 : memref<64x128xf32, #tpu.memory_space<vmem>>[vector<16xi32>, vector<16xi32>], vector<16xf32>,
      %slice3A_378 = vector.extract_strided_slice %scan3A_158 {offsets = [11], sizes = [1], strides = [1]} : vector<16xi32> to vector<1xi32>
      %squeeze3A_379 = vector.extract %slice3A_378[0] : i32 from vector<1xi32>
      %shift_right_arithmetic3A_380 = arith.constant 7 : i32
      %shift_right_arithmetic3A_381 = arith.shrsi %squeeze3A_379, %shift_right_arithmetic3A_380 : i32
      %mul3A_382 = arith.constant 128 : i32
      %mul3A_383 = arith.muli %shift_right_arithmetic3A_381, %mul3A_382 : i32
      %multiple_of3A_384 = tpu.assume_multiple %mul3A_383, 128 : i32
      %dma_start3A_385 = arith.constant 0 : i32
      %dma_start3A_386 = tpu.memref_slice %arg3[%dma_start3A_385, %multiple_of3A_384] : memref<64x1000000xf32, #tpu.memory_space<hbm>> -> memref<64x128xf32, #tpu.memory_space<hbm>>
      %dma_start3A_387 = arith.constant 0 : i32
      %dma_start3A_388 = tpu.memref_slice %arg3[%dma_start3A_387, %multiple_of3A_384] : memref<64x1000000xf32, #tpu.memory_space<hbm>> -> memref<64x128xf32, #tpu.memory_space<hbm>>
      tpu.enqueue_dma source(%dma_start3A_388 : memref<64x128xf32, #tpu.memory_space<hbm>>) target(%arg9 : memref<64x128xf32, #tpu.memory_space<vmem>>) target_semaphore(%arg21 : memref<!tpu.dma_semaphore, #tpu.memory_space<semaphore_mem>>)
      %slice3A_389 = vector.extract_strided_slice %scan3A_158 {offsets = [4], sizes = [1], strides = [1]} : vector<16xi32> to vector<1xi32>
      %squeeze3A_390 = vector.extract %slice3A_389[0] : i32 from vector<1xi32>
      %dma_wait3A_391 = arith.constant 0 : i32
      %dma_wait3A_392 = arith.constant 0 : i32
      %dma_wait3A_393 = tpu.memref_slice %arg3[%dma_wait3A_391, %dma_wait3A_392] : memref<64x1000000xf32, #tpu.memory_space<hbm>> -> memref<64x128xf32, #tpu.memory_space<hbm>>
      %dma_wait3A_394 = arith.constant 0 : i32
      %dma_wait3A_395 = arith.constant 0 : i32
      %dma_wait3A_396 = tpu.memref_slice %arg3[%dma_wait3A_394, %dma_wait3A_395] : memref<64x1000000xf32, #tpu.memory_space<hbm>> -> memref<64x128xf32, #tpu.memory_space<hbm>>
      tpu.wait_dma2 semaphore(%arg22 : memref<!tpu.dma_semaphore, #tpu.memory_space<semaphore_mem>>) src(%dma_wait3A_396 : memref<64x128xf32, #tpu.memory_space<hbm>>) dst(%arg10 : memref<64x128xf32, #tpu.memory_space<vmem>>)
      %and3A_397 = arith.constant 127 : i32
      %and3A_398 = arith.andi %squeeze3A_390, %and3A_397 : i32
      %broadcast_in_dim3A_399 = vector.broadcast %and3A_398 : i32 to vector<16xi32>
      %mul3A_400 = arith.constant 16 : i32
      %mul3A_401 = arith.muli %add3A_162, %mul3A_400 : i32
      %add3A_402 = arith.constant 4 : i32
      %add3A_403 = arith.addi %mul3A_401, %add3A_402 : i32
      %broadcast_in_dim3A_404 = vector.broadcast %add3A_403 : i32 to vector<16xi32>
      %add3A_405 = arith.constant 0 : i32
      %add3A_406 = vector.broadcast %add3A_405 : i32 to vector<16xi32>
      %add3A_407 = arith.addi %iota3A, %add3A_406 : vector<16xi32>
      %gather3A_408 = tpu.vector_load_idx %arg10[%add3A_407, %broadcast_in_dim3A_399] : memref<64x128xf32, #tpu.memory_space<vmem>>[vector<16xi32>, vector<16xi32>], vector<16xf32>,
      %add3A_409 = arith.constant 0 : i32
      %add3A_410 = vector.broadcast %add3A_409 : i32 to vector<16xi32>
      %add3A_411 = arith.addi %iota3A, %add3A_410 : vector<16xi32>
      tpu.vector_store_idx %arg14[%add3A_411, %broadcast_in_dim3A_404], %gather3A_408 : memref<64x128xf32, #tpu.memory_space<vmem>>[vector<16xi32>, vector<16xi32>], vector<16xf32>,
      %add3A_412 = arith.constant 16 : i32
      %add3A_413 = vector.broadcast %add3A_412 : i32 to vector<16xi32>
      %add3A_414 = arith.addi %iota3A, %add3A_413 : vector<16xi32>
      %gather3A_415 = tpu.vector_load_idx %arg10[%add3A_414, %broadcast_in_dim3A_399] : memref<64x128xf32, #tpu.memory_space<vmem>>[vector<16xi32>, vector<16xi32>], vector<16xf32>,
      %add3A_416 = arith.constant 16 : i32
      %add3A_417 = vector.broadcast %add3A_416 : i32 to vector<16xi32>
      %add3A_418 = arith.addi %iota3A, %add3A_417 : vector<16xi32>
      tpu.vector_store_idx %arg14[%add3A_418, %broadcast_in_dim3A_404], %gather3A_415 : memref<64x128xf32, #tpu.memory_space<vmem>>[vector<16xi32>, vector<16xi32>], vector<16xf32>,
      %add3A_419 = arith.constant 32 : i32
      %add3A_420 = vector.broadcast %add3A_419 : i32 to vector<16xi32>
      %add3A_421 = arith.addi %iota3A, %add3A_420 : vector<16xi32>
      %gather3A_422 = tpu.vector_load_idx %arg10[%add3A_421, %broadcast_in_dim3A_399] : memref<64x128xf32, #tpu.memory_space<vmem>>[vector<16xi32>, vector<16xi32>], vector<16xf32>,
      %add3A_423 = arith.constant 32 : i32
      %add3A_424 = vector.broadcast %add3A_423 : i32 to vector<16xi32>
      %add3A_425 = arith.addi %iota3A, %add3A_424 : vector<16xi32>
      tpu.vector_store_idx %arg14[%add3A_425, %broadcast_in_dim3A_404], %gather3A_422 : memref<64x128xf32, #tpu.memory_space<vmem>>[vector<16xi32>, vector<16xi32>], vector<16xf32>,
      %add3A_426 = arith.constant 48 : i32
      %add3A_427 = vector.broadcast %add3A_426 : i32 to vector<16xi32>
      %add3A_428 = arith.addi %iota3A, %add3A_427 : vector<16xi32>
      %gather3A_429 = tpu.vector_load_idx %arg10[%add3A_428, %broadcast_in_dim3A_399] : memref<64x128xf32, #tpu.memory_space<vmem>>[vector<16xi32>, vector<16xi32>], vector<16xf32>,
      %add3A_430 = arith.constant 48 : i32
      %add3A_431 = vector.broadcast %add3A_430 : i32 to vector<16xi32>
      %add3A_432 = arith.addi %iota3A, %add3A_431 : vector<16xi32>
      tpu.vector_store_idx %arg14[%add3A_432, %broadcast_in_dim3A_404], %gather3A_429 : memref<64x128xf32, #tpu.memory_space<vmem>>[vector<16xi32>, vector<16xi32>], vector<16xf32>,
      %slice3A_433 = vector.extract_strided_slice %scan3A_158 {offsets = [12], sizes = [1], strides = [1]} : vector<16xi32> to vector<1xi32>
      %squeeze3A_434 = vector.extract %slice3A_433[0] : i32 from vector<1xi32>
      %shift_right_arithmetic3A_435 = arith.constant 7 : i32
      %shift_right_arithmetic3A_436 = arith.shrsi %squeeze3A_434, %shift_right_arithmetic3A_435 : i32
      %mul3A_437 = arith.constant 128 : i32
      %mul3A_438 = arith.muli %shift_right_arithmetic3A_436, %mul3A_437 : i32
      %multiple_of3A_439 = tpu.assume_multiple %mul3A_438, 128 : i32
      %dma_start3A_440 = arith.constant 0 : i32
      %dma_start3A_441 = tpu.memref_slice %arg3[%dma_start3A_440, %multiple_of3A_439] : memref<64x1000000xf32, #tpu.memory_space<hbm>> -> memref<64x128xf32, #tpu.memory_space<hbm>>
      %dma_start3A_442 = arith.constant 0 : i32
      %dma_start3A_443 = tpu.memref_slice %arg3[%dma_start3A_442, %multiple_of3A_439] : memref<64x1000000xf32, #tpu.memory_space<hbm>> -> memref<64x128xf32, #tpu.memory_space<hbm>>
      tpu.enqueue_dma source(%dma_start3A_443 : memref<64x128xf32, #tpu.memory_space<hbm>>) target(%arg10 : memref<64x128xf32, #tpu.memory_space<vmem>>) target_semaphore(%arg22 : memref<!tpu.dma_semaphore, #tpu.memory_space<semaphore_mem>>)
      %slice3A_444 = vector.extract_strided_slice %scan3A_158 {offsets = [5], sizes = [1], strides = [1]} : vector<16xi32> to vector<1xi32>
      %squeeze3A_445 = vector.extract %slice3A_444[0] : i32 from vector<1xi32>
      %dma_wait3A_446 = arith.constant 0 : i32
      %dma_wait3A_447 = arith.constant 0 : i32
      %dma_wait3A_448 = tpu.memref_slice %arg3[%dma_wait3A_446, %dma_wait3A_447] : memref<64x1000000xf32, #tpu.memory_space<hbm>> -> memref<64x128xf32, #tpu.memory_space<hbm>>
      %dma_wait3A_449 = arith.constant 0 : i32
      %dma_wait3A_450 = arith.constant 0 : i32
      %dma_wait3A_451 = tpu.memref_slice %arg3[%dma_wait3A_449, %dma_wait3A_450] : memref<64x1000000xf32, #tpu.memory_space<hbm>> -> memref<64x128xf32, #tpu.memory_space<hbm>>
      tpu.wait_dma2 semaphore(%arg23 : memref<!tpu.dma_semaphore, #tpu.memory_space<semaphore_mem>>) src(%dma_wait3A_451 : memref<64x128xf32, #tpu.memory_space<hbm>>) dst(%arg11 : memref<64x128xf32, #tpu.memory_space<vmem>>)
      %and3A_452 = arith.constant 127 : i32
      %and3A_453 = arith.andi %squeeze3A_445, %and3A_452 : i32
      %broadcast_in_dim3A_454 = vector.broadcast %and3A_453 : i32 to vector<16xi32>
      %mul3A_455 = arith.constant 16 : i32
      %mul3A_456 = arith.muli %add3A_162, %mul3A_455 : i32
      %add3A_457 = arith.constant 5 : i32
      %add3A_458 = arith.addi %mul3A_456, %add3A_457 : i32
      %broadcast_in_dim3A_459 = vector.broadcast %add3A_458 : i32 to vector<16xi32>
      %add3A_460 = arith.constant 0 : i32
      %add3A_461 = vector.broadcast %add3A_460 : i32 to vector<16xi32>
      %add3A_462 = arith.addi %iota3A, %add3A_461 : vector<16xi32>
      %gather3A_463 = tpu.vector_load_idx %arg11[%add3A_462, %broadcast_in_dim3A_454] : memref<64x128xf32, #tpu.memory_space<vmem>>[vector<16xi32>, vector<16xi32>], vector<16xf32>,
      %add3A_464 = arith.constant 0 : i32
      %add3A_465 = vector.broadcast %add3A_464 : i32 to vector<16xi32>
      %add3A_466 = arith.addi %iota3A, %add3A_465 : vector<16xi32>
      tpu.vector_store_idx %arg14[%add3A_466, %broadcast_in_dim3A_459], %gather3A_463 : memref<64x128xf32, #tpu.memory_space<vmem>>[vector<16xi32>, vector<16xi32>], vector<16xf32>,
      %add3A_467 = arith.constant 16 : i32
      %add3A_468 = vector.broadcast %add3A_467 : i32 to vector<16xi32>
      %add3A_469 = arith.addi %iota3A, %add3A_468 : vector<16xi32>
      %gather3A_470 = tpu.vector_load_idx %arg11[%add3A_469, %broadcast_in_dim3A_454] : memref<64x128xf32, #tpu.memory_space<vmem>>[vector<16xi32>, vector<16xi32>], vector<16xf32>,
      %add3A_471 = arith.constant 16 : i32
      %add3A_472 = vector.broadcast %add3A_471 : i32 to vector<16xi32>
      %add3A_473 = arith.addi %iota3A, %add3A_472 : vector<16xi32>
      tpu.vector_store_idx %arg14[%add3A_473, %broadcast_in_dim3A_459], %gather3A_470 : memref<64x128xf32, #tpu.memory_space<vmem>>[vector<16xi32>, vector<16xi32>], vector<16xf32>,
      %add3A_474 = arith.constant 32 : i32
      %add3A_475 = vector.broadcast %add3A_474 : i32 to vector<16xi32>
      %add3A_476 = arith.addi %iota3A, %add3A_475 : vector<16xi32>
      %gather3A_477 = tpu.vector_load_idx %arg11[%add3A_476, %broadcast_in_dim3A_454] : memref<64x128xf32, #tpu.memory_space<vmem>>[vector<16xi32>, vector<16xi32>], vector<16xf32>,
      %add3A_478 = arith.constant 32 : i32
      %add3A_479 = vector.broadcast %add3A_478 : i32 to vector<16xi32>
      %add3A_480 = arith.addi %iota3A, %add3A_479 : vector<16xi32>
      tpu.vector_store_idx %arg14[%add3A_480, %broadcast_in_dim3A_459], %gather3A_477 : memref<64x128xf32, #tpu.memory_space<vmem>>[vector<16xi32>, vector<16xi32>], vector<16xf32>,
      %add3A_481 = arith.constant 48 : i32
      %add3A_482 = vector.broadcast %add3A_481 : i32 to vector<16xi32>
      %add3A_483 = arith.addi %iota3A, %add3A_482 : vector<16xi32>
      %gather3A_484 = tpu.vector_load_idx %arg11[%add3A_483, %broadcast_in_dim3A_454] : memref<64x128xf32, #tpu.memory_space<vmem>>[vector<16xi32>, vector<16xi32>], vector<16xf32>,
      %add3A_485 = arith.constant 48 : i32
      %add3A_486 = vector.broadcast %add3A_485 : i32 to vector<16xi32>
      %add3A_487 = arith.addi %iota3A, %add3A_486 : vector<16xi32>
      tpu.vector_store_idx %arg14[%add3A_487, %broadcast_in_dim3A_459], %gather3A_484 : memref<64x128xf32, #tpu.memory_space<vmem>>[vector<16xi32>, vector<16xi32>], vector<16xf32>,
      %slice3A_488 = vector.extract_strided_slice %scan3A_158 {offsets = [13], sizes = [1], strides = [1]} : vector<16xi32> to vector<1xi32>
      %squeeze3A_489 = vector.extract %slice3A_488[0] : i32 from vector<1xi32>
      %shift_right_arithmetic3A_490 = arith.constant 7 : i32
      %shift_right_arithmetic3A_491 = arith.shrsi %squeeze3A_489, %shift_right_arithmetic3A_490 : i32
      %mul3A_492 = arith.constant 128 : i32
      %mul3A_493 = arith.muli %shift_right_arithmetic3A_491, %mul3A_492 : i32
      %multiple_of3A_494 = tpu.assume_multiple %mul3A_493, 128 : i32
      %dma_start3A_495 = arith.constant 0 : i32
      %dma_start3A_496 = tpu.memref_slice %arg3[%dma_start3A_495, %multiple_of3A_494] : memref<64x1000000xf32, #tpu.memory_space<hbm>> -> memref<64x128xf32, #tpu.memory_space<hbm>>
      %dma_start3A_497 = arith.constant 0 : i32
      %dma_start3A_498 = tpu.memref_slice %arg3[%dma_start3A_497, %multiple_of3A_494] : memref<64x1000000xf32, #tpu.memory_space<hbm>> -> memref<64x128xf32, #tpu.memory_space<hbm>>
      tpu.enqueue_dma source(%dma_start3A_498 : memref<64x128xf32, #tpu.memory_space<hbm>>) target(%arg11 : memref<64x128xf32, #tpu.memory_space<vmem>>) target_semaphore(%arg23 : memref<!tpu.dma_semaphore, #tpu.memory_space<semaphore_mem>>)
      %slice3A_499 = vector.extract_strided_slice %scan3A_158 {offsets = [6], sizes = [1], strides = [1]} : vector<16xi32> to vector<1xi32>
      %squeeze3A_500 = vector.extract %slice3A_499[0] : i32 from vector<1xi32>
      %dma_wait3A_501 = arith.constant 0 : i32
      %dma_wait3A_502 = arith.constant 0 : i32
      %dma_wait3A_503 = tpu.memref_slice %arg3[%dma_wait3A_501, %dma_wait3A_502] : memref<64x1000000xf32, #tpu.memory_space<hbm>> -> memref<64x128xf32, #tpu.memory_space<hbm>>
      %dma_wait3A_504 = arith.constant 0 : i32
      %dma_wait3A_505 = arith.constant 0 : i32
      %dma_wait3A_506 = tpu.memref_slice %arg3[%dma_wait3A_504, %dma_wait3A_505] : memref<64x1000000xf32, #tpu.memory_space<hbm>> -> memref<64x128xf32, #tpu.memory_space<hbm>>
      tpu.wait_dma2 semaphore(%arg24 : memref<!tpu.dma_semaphore, #tpu.memory_space<semaphore_mem>>) src(%dma_wait3A_506 : memref<64x128xf32, #tpu.memory_space<hbm>>) dst(%arg12 : memref<64x128xf32, #tpu.memory_space<vmem>>)
      %and3A_507 = arith.constant 127 : i32
      %and3A_508 = arith.andi %squeeze3A_500, %and3A_507 : i32
      %broadcast_in_dim3A_509 = vector.broadcast %and3A_508 : i32 to vector<16xi32>
      %mul3A_510 = arith.constant 16 : i32
      %mul3A_511 = arith.muli %add3A_162, %mul3A_510 : i32
      %add3A_512 = arith.constant 6 : i32
      %add3A_513 = arith.addi %mul3A_511, %add3A_512 : i32
      %broadcast_in_dim3A_514 = vector.broadcast %add3A_513 : i32 to vector<16xi32>
      %add3A_515 = arith.constant 0 : i32
      %add3A_516 = vector.broadcast %add3A_515 : i32 to vector<16xi32>
      %add3A_517 = arith.addi %iota3A, %add3A_516 : vector<16xi32>
      %gather3A_518 = tpu.vector_load_idx %arg12[%add3A_517, %broadcast_in_dim3A_509] : memref<64x128xf32, #tpu.memory_space<vmem>>[vector<16xi32>, vector<16xi32>], vector<16xf32>,
      %add3A_519 = arith.constant 0 : i32
      %add3A_520 = vector.broadcast %add3A_519 : i32 to vector<16xi32>
      %add3A_521 = arith.addi %iota3A, %add3A_520 : vector<16xi32>
      tpu.vector_store_idx %arg14[%add3A_521, %broadcast_in_dim3A_514], %gather3A_518 : memref<64x128xf32, #tpu.memory_space<vmem>>[vector<16xi32>, vector<16xi32>], vector<16xf32>,
      %add3A_522 = arith.constant 16 : i32
      %add3A_523 = vector.broadcast %add3A_522 : i32 to vector<16xi32>
      %add3A_524 = arith.addi %iota3A, %add3A_523 : vector<16xi32>
      %gather3A_525 = tpu.vector_load_idx %arg12[%add3A_524, %broadcast_in_dim3A_509] : memref<64x128xf32, #tpu.memory_space<vmem>>[vector<16xi32>, vector<16xi32>], vector<16xf32>,
      %add3A_526 = arith.constant 16 : i32
      %add3A_527 = vector.broadcast %add3A_526 : i32 to vector<16xi32>
      %add3A_528 = arith.addi %iota3A, %add3A_527 : vector<16xi32>
      tpu.vector_store_idx %arg14[%add3A_528, %broadcast_in_dim3A_514], %gather3A_525 : memref<64x128xf32, #tpu.memory_space<vmem>>[vector<16xi32>, vector<16xi32>], vector<16xf32>,
      %add3A_529 = arith.constant 32 : i32
      %add3A_530 = vector.broadcast %add3A_529 : i32 to vector<16xi32>
      %add3A_531 = arith.addi %iota3A, %add3A_530 : vector<16xi32>
      %gather3A_532 = tpu.vector_load_idx %arg12[%add3A_531, %broadcast_in_dim3A_509] : memref<64x128xf32, #tpu.memory_space<vmem>>[vector<16xi32>, vector<16xi32>], vector<16xf32>,
      %add3A_533 = arith.constant 32 : i32
      %add3A_534 = vector.broadcast %add3A_533 : i32 to vector<16xi32>
      %add3A_535 = arith.addi %iota3A, %add3A_534 : vector<16xi32>
      tpu.vector_store_idx %arg14[%add3A_535, %broadcast_in_dim3A_514], %gather3A_532 : memref<64x128xf32, #tpu.memory_space<vmem>>[vector<16xi32>, vector<16xi32>], vector<16xf32>,
      %add3A_536 = arith.constant 48 : i32
      %add3A_537 = vector.broadcast %add3A_536 : i32 to vector<16xi32>
      %add3A_538 = arith.addi %iota3A, %add3A_537 : vector<16xi32>
      %gather3A_539 = tpu.vector_load_idx %arg12[%add3A_538, %broadcast_in_dim3A_509] : memref<64x128xf32, #tpu.memory_space<vmem>>[vector<16xi32>, vector<16xi32>], vector<16xf32>,
      %add3A_540 = arith.constant 48 : i32
      %add3A_541 = vector.broadcast %add3A_540 : i32 to vector<16xi32>
      %add3A_542 = arith.addi %iota3A, %add3A_541 : vector<16xi32>
      tpu.vector_store_idx %arg14[%add3A_542, %broadcast_in_dim3A_514], %gather3A_539 : memref<64x128xf32, #tpu.memory_space<vmem>>[vector<16xi32>, vector<16xi32>], vector<16xf32>,
      %slice3A_543 = vector.extract_strided_slice %scan3A_158 {offsets = [14], sizes = [1], strides = [1]} : vector<16xi32> to vector<1xi32>
      %squeeze3A_544 = vector.extract %slice3A_543[0] : i32 from vector<1xi32>
      %shift_right_arithmetic3A_545 = arith.constant 7 : i32
      %shift_right_arithmetic3A_546 = arith.shrsi %squeeze3A_544, %shift_right_arithmetic3A_545 : i32
      %mul3A_547 = arith.constant 128 : i32
      %mul3A_548 = arith.muli %shift_right_arithmetic3A_546, %mul3A_547 : i32
      %multiple_of3A_549 = tpu.assume_multiple %mul3A_548, 128 : i32
      %dma_start3A_550 = arith.constant 0 : i32
      %dma_start3A_551 = tpu.memref_slice %arg3[%dma_start3A_550, %multiple_of3A_549] : memref<64x1000000xf32, #tpu.memory_space<hbm>> -> memref<64x128xf32, #tpu.memory_space<hbm>>
      %dma_start3A_552 = arith.constant 0 : i32
      %dma_start3A_553 = tpu.memref_slice %arg3[%dma_start3A_552, %multiple_of3A_549] : memref<64x1000000xf32, #tpu.memory_space<hbm>> -> memref<64x128xf32, #tpu.memory_space<hbm>>
      tpu.enqueue_dma source(%dma_start3A_553 : memref<64x128xf32, #tpu.memory_space<hbm>>) target(%arg12 : memref<64x128xf32, #tpu.memory_space<vmem>>) target_semaphore(%arg24 : memref<!tpu.dma_semaphore, #tpu.memory_space<semaphore_mem>>)
      %slice3A_554 = vector.extract_strided_slice %scan3A_158 {offsets = [7], sizes = [1], strides = [1]} : vector<16xi32> to vector<1xi32>
      %squeeze3A_555 = vector.extract %slice3A_554[0] : i32 from vector<1xi32>
      %dma_wait3A_556 = arith.constant 0 : i32
      %dma_wait3A_557 = arith.constant 0 : i32
      %dma_wait3A_558 = tpu.memref_slice %arg3[%dma_wait3A_556, %dma_wait3A_557] : memref<64x1000000xf32, #tpu.memory_space<hbm>> -> memref<64x128xf32, #tpu.memory_space<hbm>>
      %dma_wait3A_559 = arith.constant 0 : i32
      %dma_wait3A_560 = arith.constant 0 : i32
      %dma_wait3A_561 = tpu.memref_slice %arg3[%dma_wait3A_559, %dma_wait3A_560] : memref<64x1000000xf32, #tpu.memory_space<hbm>> -> memref<64x128xf32, #tpu.memory_space<hbm>>
      tpu.wait_dma2 semaphore(%arg25 : memref<!tpu.dma_semaphore, #tpu.memory_space<semaphore_mem>>) src(%dma_wait3A_561 : memref<64x128xf32, #tpu.memory_space<hbm>>) dst(%arg13 : memref<64x128xf32, #tpu.memory_space<vmem>>)
      %and3A_562 = arith.constant 127 : i32
      %and3A_563 = arith.andi %squeeze3A_555, %and3A_562 : i32
      %broadcast_in_dim3A_564 = vector.broadcast %and3A_563 : i32 to vector<16xi32>
      %mul3A_565 = arith.constant 16 : i32
      %mul3A_566 = arith.muli %add3A_162, %mul3A_565 : i32
      %add3A_567 = arith.constant 7 : i32
      %add3A_568 = arith.addi %mul3A_566, %add3A_567 : i32
      %broadcast_in_dim3A_569 = vector.broadcast %add3A_568 : i32 to vector<16xi32>
      %add3A_570 = arith.constant 0 : i32
      %add3A_571 = vector.broadcast %add3A_570 : i32 to vector<16xi32>
      %add3A_572 = arith.addi %iota3A, %add3A_571 : vector<16xi32>
      %gather3A_573 = tpu.vector_load_idx %arg13[%add3A_572, %broadcast_in_dim3A_564] : memref<64x128xf32, #tpu.memory_space<vmem>>[vector<16xi32>, vector<16xi32>], vector<16xf32>,
      %add3A_574 = arith.constant 0 : i32
      %add3A_575 = vector.broadcast %add3A_574 : i32 to vector<16xi32>
      %add3A_576 = arith.addi %iota3A, %add3A_575 : vector<16xi32>
      tpu.vector_store_idx %arg14[%add3A_576, %broadcast_in_dim3A_569], %gather3A_573 : memref<64x128xf32, #tpu.memory_space<vmem>>[vector<16xi32>, vector<16xi32>], vector<16xf32>,
      %add3A_577 = arith.constant 16 : i32
      %add3A_578 = vector.broadcast %add3A_577 : i32 to vector<16xi32>
      %add3A_579 = arith.addi %iota3A, %add3A_578 : vector<16xi32>
      %gather3A_580 = tpu.vector_load_idx %arg13[%add3A_579, %broadcast_in_dim3A_564] : memref<64x128xf32, #tpu.memory_space<vmem>>[vector<16xi32>, vector<16xi32>], vector<16xf32>,
      %add3A_581 = arith.constant 16 : i32
      %add3A_582 = vector.broadcast %add3A_581 : i32 to vector<16xi32>
      %add3A_583 = arith.addi %iota3A, %add3A_582 : vector<16xi32>
      tpu.vector_store_idx %arg14[%add3A_583, %broadcast_in_dim3A_569], %gather3A_580 : memref<64x128xf32, #tpu.memory_space<vmem>>[vector<16xi32>, vector<16xi32>], vector<16xf32>,
      %add3A_584 = arith.constant 32 : i32
      %add3A_585 = vector.broadcast %add3A_584 : i32 to vector<16xi32>
      %add3A_586 = arith.addi %iota3A, %add3A_585 : vector<16xi32>
      %gather3A_587 = tpu.vector_load_idx %arg13[%add3A_586, %broadcast_in_dim3A_564] : memref<64x128xf32, #tpu.memory_space<vmem>>[vector<16xi32>, vector<16xi32>], vector<16xf32>,
      %add3A_588 = arith.constant 32 : i32
      %add3A_589 = vector.broadcast %add3A_588 : i32 to vector<16xi32>
      %add3A_590 = arith.addi %iota3A, %add3A_589 : vector<16xi32>
      tpu.vector_store_idx %arg14[%add3A_590, %broadcast_in_dim3A_569], %gather3A_587 : memref<64x128xf32, #tpu.memory_space<vmem>>[vector<16xi32>, vector<16xi32>], vector<16xf32>,
      %add3A_591 = arith.constant 48 : i32
      %add3A_592 = vector.broadcast %add3A_591 : i32 to vector<16xi32>
      %add3A_593 = arith.addi %iota3A, %add3A_592 : vector<16xi32>
      %gather3A_594 = tpu.vector_load_idx %arg13[%add3A_593, %broadcast_in_dim3A_564] : memref<64x128xf32, #tpu.memory_space<vmem>>[vector<16xi32>, vector<16xi32>], vector<16xf32>,
      %add3A_595 = arith.constant 48 : i32
      %add3A_596 = vector.broadcast %add3A_595 : i32 to vector<16xi32>
      %add3A_597 = arith.addi %iota3A, %add3A_596 : vector<16xi32>
      tpu.vector_store_idx %arg14[%add3A_597, %broadcast_in_dim3A_569], %gather3A_594 : memref<64x128xf32, #tpu.memory_space<vmem>>[vector<16xi32>, vector<16xi32>], vector<16xf32>,
      %slice3A_598 = vector.extract_strided_slice %scan3A_158 {offsets = [15], sizes = [1], strides = [1]} : vector<16xi32> to vector<1xi32>
      %squeeze3A_599 = vector.extract %slice3A_598[0] : i32 from vector<1xi32>
      %shift_right_arithmetic3A_600 = arith.constant 7 : i32
      %shift_right_arithmetic3A_601 = arith.shrsi %squeeze3A_599, %shift_right_arithmetic3A_600 : i32
      %mul3A_602 = arith.constant 128 : i32
      %mul3A_603 = arith.muli %shift_right_arithmetic3A_601, %mul3A_602 : i32
      %multiple_of3A_604 = tpu.assume_multiple %mul3A_603, 128 : i32
      %dma_start3A_605 = arith.constant 0 : i32
      %dma_start3A_606 = tpu.memref_slice %arg3[%dma_start3A_605, %multiple_of3A_604] : memref<64x1000000xf32, #tpu.memory_space<hbm>> -> memref<64x128xf32, #tpu.memory_space<hbm>>
      %dma_start3A_607 = arith.constant 0 : i32
      %dma_start3A_608 = tpu.memref_slice %arg3[%dma_start3A_607, %multiple_of3A_604] : memref<64x1000000xf32, #tpu.memory_space<hbm>> -> memref<64x128xf32, #tpu.memory_space<hbm>>
      tpu.enqueue_dma source(%dma_start3A_608 : memref<64x128xf32, #tpu.memory_space<hbm>>) target(%arg13 : memref<64x128xf32, #tpu.memory_space<vmem>>) target_semaphore(%arg25 : memref<!tpu.dma_semaphore, #tpu.memory_space<semaphore_mem>>)
      %slice3A_609 = vector.extract_strided_slice %scan3A_158 {offsets = [8], sizes = [1], strides = [1]} : vector<16xi32> to vector<1xi32>
      %squeeze3A_610 = vector.extract %slice3A_609[0] : i32 from vector<1xi32>
      %dma_wait3A_611 = arith.constant 0 : i32
      %dma_wait3A_612 = arith.constant 0 : i32
      %dma_wait3A_613 = tpu.memref_slice %arg3[%dma_wait3A_611, %dma_wait3A_612] : memref<64x1000000xf32, #tpu.memory_space<hbm>> -> memref<64x128xf32, #tpu.memory_space<hbm>>
      %dma_wait3A_614 = arith.constant 0 : i32
      %dma_wait3A_615 = arith.constant 0 : i32
      %dma_wait3A_616 = tpu.memref_slice %arg3[%dma_wait3A_614, %dma_wait3A_615] : memref<64x1000000xf32, #tpu.memory_space<hbm>> -> memref<64x128xf32, #tpu.memory_space<hbm>>
      tpu.wait_dma2 semaphore(%arg18 : memref<!tpu.dma_semaphore, #tpu.memory_space<semaphore_mem>>) src(%dma_wait3A_616 : memref<64x128xf32, #tpu.memory_space<hbm>>) dst(%arg6 : memref<64x128xf32, #tpu.memory_space<vmem>>)
      %and3A_617 = arith.constant 127 : i32
      %and3A_618 = arith.andi %squeeze3A_610, %and3A_617 : i32
      %broadcast_in_dim3A_619 = vector.broadcast %and3A_618 : i32 to vector<16xi32>
      %mul3A_620 = arith.constant 16 : i32
      %mul3A_621 = arith.muli %add3A_162, %mul3A_620 : i32
      %add3A_622 = arith.constant 8 : i32
      %add3A_623 = arith.addi %mul3A_621, %add3A_622 : i32
      %broadcast_in_dim3A_624 = vector.broadcast %add3A_623 : i32 to vector<16xi32>
      %add3A_625 = arith.constant 0 : i32
      %add3A_626 = vector.broadcast %add3A_625 : i32 to vector<16xi32>
      %add3A_627 = arith.addi %iota3A, %add3A_626 : vector<16xi32>
      %gather3A_628 = tpu.vector_load_idx %arg6[%add3A_627, %broadcast_in_dim3A_619] : memref<64x128xf32, #tpu.memory_space<vmem>>[vector<16xi32>, vector<16xi32>], vector<16xf32>,
      %add3A_629 = arith.constant 0 : i32
      %add3A_630 = vector.broadcast %add3A_629 : i32 to vector<16xi32>
      %add3A_631 = arith.addi %iota3A, %add3A_630 : vector<16xi32>
      tpu.vector_store_idx %arg14[%add3A_631, %broadcast_in_dim3A_624], %gather3A_628 : memref<64x128xf32, #tpu.memory_space<vmem>>[vector<16xi32>, vector<16xi32>], vector<16xf32>,
      %add3A_632 = arith.constant 16 : i32
      %add3A_633 = vector.broadcast %add3A_632 : i32 to vector<16xi32>
      %add3A_634 = arith.addi %iota3A, %add3A_633 : vector<16xi32>
      %gather3A_635 = tpu.vector_load_idx %arg6[%add3A_634, %broadcast_in_dim3A_619] : memref<64x128xf32, #tpu.memory_space<vmem>>[vector<16xi32>, vector<16xi32>], vector<16xf32>,
      %add3A_636 = arith.constant 16 : i32
      %add3A_637 = vector.broadcast %add3A_636 : i32 to vector<16xi32>
      %add3A_638 = arith.addi %iota3A, %add3A_637 : vector<16xi32>
      tpu.vector_store_idx %arg14[%add3A_638, %broadcast_in_dim3A_624], %gather3A_635 : memref<64x128xf32, #tpu.memory_space<vmem>>[vector<16xi32>, vector<16xi32>], vector<16xf32>,
      %add3A_639 = arith.constant 32 : i32
      %add3A_640 = vector.broadcast %add3A_639 : i32 to vector<16xi32>
      %add3A_641 = arith.addi %iota3A, %add3A_640 : vector<16xi32>
      %gather3A_642 = tpu.vector_load_idx %arg6[%add3A_641, %broadcast_in_dim3A_619] : memref<64x128xf32, #tpu.memory_space<vmem>>[vector<16xi32>, vector<16xi32>], vector<16xf32>,
      %add3A_643 = arith.constant 32 : i32
      %add3A_644 = vector.broadcast %add3A_643 : i32 to vector<16xi32>
      %add3A_645 = arith.addi %iota3A, %add3A_644 : vector<16xi32>
      tpu.vector_store_idx %arg14[%add3A_645, %broadcast_in_dim3A_624], %gather3A_642 : memref<64x128xf32, #tpu.memory_space<vmem>>[vector<16xi32>, vector<16xi32>], vector<16xf32>,
      %add3A_646 = arith.constant 48 : i32
      %add3A_647 = vector.broadcast %add3A_646 : i32 to vector<16xi32>
      %add3A_648 = arith.addi %iota3A, %add3A_647 : vector<16xi32>
      %gather3A_649 = tpu.vector_load_idx %arg6[%add3A_648, %broadcast_in_dim3A_619] : memref<64x128xf32, #tpu.memory_space<vmem>>[vector<16xi32>, vector<16xi32>], vector<16xf32>,
      %add3A_650 = arith.constant 48 : i32
      %add3A_651 = vector.broadcast %add3A_650 : i32 to vector<16xi32>
      %add3A_652 = arith.addi %iota3A, %add3A_651 : vector<16xi32>
      tpu.vector_store_idx %arg14[%add3A_652, %broadcast_in_dim3A_624], %gather3A_649 : memref<64x128xf32, #tpu.memory_space<vmem>>[vector<16xi32>, vector<16xi32>], vector<16xf32>,
      %lt3A = arith.constant 31 : i32
      %lt3A_653 = arith.cmpi slt, %add3A_164, %lt3A : i32
      %convert_element_type3A = arith.extui %lt3A_653 : i1 to i32
      %cond3A = arith.constant 0 : i32
      %cond3A_654 = arith.cmpi ne, %convert_element_type3A, %cond3A : i32
      scf.if %cond3A_654 {
        %slice3A_998 = vector.extract_strided_slice %get3A_171 {offsets = [0], sizes = [1], strides = [1]} : vector<16xi32> to vector<1xi32>
        %squeeze3A_999 = vector.extract %slice3A_998[0] : i32 from vector<1xi32>
        %shift_right_arithmetic3A_1000 = arith.constant 7 : i32
        %shift_right_arithmetic3A_1001 = arith.shrsi %squeeze3A_999, %shift_right_arithmetic3A_1000 : i32
        %mul3A_1002 = arith.constant 128 : i32
        %mul3A_1003 = arith.muli %shift_right_arithmetic3A_1001, %mul3A_1002 : i32
        %multiple_of3A_1004 = tpu.assume_multiple %mul3A_1003, 128 : i32
        %dma_start3A_1005 = arith.constant 0 : i32
        %dma_start3A_1006 = tpu.memref_slice %arg3[%dma_start3A_1005, %multiple_of3A_1004] : memref<64x1000000xf32, #tpu.memory_space<hbm>> -> memref<64x128xf32, #tpu.memory_space<hbm>>
        %dma_start3A_1007 = arith.constant 0 : i32
        %dma_start3A_1008 = tpu.memref_slice %arg3[%dma_start3A_1007, %multiple_of3A_1004] : memref<64x1000000xf32, #tpu.memory_space<hbm>> -> memref<64x128xf32, #tpu.memory_space<hbm>>
        tpu.enqueue_dma source(%dma_start3A_1008 : memref<64x128xf32, #tpu.memory_space<hbm>>) target(%arg6 : memref<64x128xf32, #tpu.memory_space<vmem>>) target_semaphore(%arg18 : memref<!tpu.dma_semaphore, #tpu.memory_space<semaphore_mem>>)
      } else {
      }
      %slice3A_655 = vector.extract_strided_slice %scan3A_158 {offsets = [9], sizes = [1], strides = [1]} : vector<16xi32> to vector<1xi32>
      %squeeze3A_656 = vector.extract %slice3A_655[0] : i32 from vector<1xi32>
      %dma_wait3A_657 = arith.constant 0 : i32
      %dma_wait3A_658 = arith.constant 0 : i32
      %dma_wait3A_659 = tpu.memref_slice %arg3[%dma_wait3A_657, %dma_wait3A_658] : memref<64x1000000xf32, #tpu.memory_space<hbm>> -> memref<64x128xf32, #tpu.memory_space<hbm>>
      %dma_wait3A_660 = arith.constant 0 : i32
      %dma_wait3A_661 = arith.constant 0 : i32
      %dma_wait3A_662 = tpu.memref_slice %arg3[%dma_wait3A_660, %dma_wait3A_661] : memref<64x1000000xf32, #tpu.memory_space<hbm>> -> memref<64x128xf32, #tpu.memory_space<hbm>>
      tpu.wait_dma2 semaphore(%arg19 : memref<!tpu.dma_semaphore, #tpu.memory_space<semaphore_mem>>) src(%dma_wait3A_662 : memref<64x128xf32, #tpu.memory_space<hbm>>) dst(%arg7 : memref<64x128xf32, #tpu.memory_space<vmem>>)
      %and3A_663 = arith.constant 127 : i32
      %and3A_664 = arith.andi %squeeze3A_656, %and3A_663 : i32
      %broadcast_in_dim3A_665 = vector.broadcast %and3A_664 : i32 to vector<16xi32>
      %mul3A_666 = arith.constant 16 : i32
      %mul3A_667 = arith.muli %add3A_162, %mul3A_666 : i32
      %add3A_668 = arith.constant 9 : i32
      %add3A_669 = arith.addi %mul3A_667, %add3A_668 : i32
      %broadcast_in_dim3A_670 = vector.broadcast %add3A_669 : i32 to vector<16xi32>
      %add3A_671 = arith.constant 0 : i32
      %add3A_672 = vector.broadcast %add3A_671 : i32 to vector<16xi32>
      %add3A_673 = arith.addi %iota3A, %add3A_672 : vector<16xi32>
      %gather3A_674 = tpu.vector_load_idx %arg7[%add3A_673, %broadcast_in_dim3A_665] : memref<64x128xf32, #tpu.memory_space<vmem>>[vector<16xi32>, vector<16xi32>], vector<16xf32>,
      %add3A_675 = arith.constant 0 : i32
      %add3A_676 = vector.broadcast %add3A_675 : i32 to vector<16xi32>
      %add3A_677 = arith.addi %iota3A, %add3A_676 : vector<16xi32>
      tpu.vector_store_idx %arg14[%add3A_677, %broadcast_in_dim3A_670], %gather3A_674 : memref<64x128xf32, #tpu.memory_space<vmem>>[vector<16xi32>, vector<16xi32>], vector<16xf32>,
      %add3A_678 = arith.constant 16 : i32
      %add3A_679 = vector.broadcast %add3A_678 : i32 to vector<16xi32>
      %add3A_680 = arith.addi %iota3A, %add3A_679 : vector<16xi32>
      %gather3A_681 = tpu.vector_load_idx %arg7[%add3A_680, %broadcast_in_dim3A_665] : memref<64x128xf32, #tpu.memory_space<vmem>>[vector<16xi32>, vector<16xi32>], vector<16xf32>,
      %add3A_682 = arith.constant 16 : i32
      %add3A_683 = vector.broadcast %add3A_682 : i32 to vector<16xi32>
      %add3A_684 = arith.addi %iota3A, %add3A_683 : vector<16xi32>
      tpu.vector_store_idx %arg14[%add3A_684, %broadcast_in_dim3A_670], %gather3A_681 : memref<64x128xf32, #tpu.memory_space<vmem>>[vector<16xi32>, vector<16xi32>], vector<16xf32>,
      %add3A_685 = arith.constant 32 : i32
      %add3A_686 = vector.broadcast %add3A_685 : i32 to vector<16xi32>
      %add3A_687 = arith.addi %iota3A, %add3A_686 : vector<16xi32>
      %gather3A_688 = tpu.vector_load_idx %arg7[%add3A_687, %broadcast_in_dim3A_665] : memref<64x128xf32, #tpu.memory_space<vmem>>[vector<16xi32>, vector<16xi32>], vector<16xf32>,
      %add3A_689 = arith.constant 32 : i32
      %add3A_690 = vector.broadcast %add3A_689 : i32 to vector<16xi32>
      %add3A_691 = arith.addi %iota3A, %add3A_690 : vector<16xi32>
      tpu.vector_store_idx %arg14[%add3A_691, %broadcast_in_dim3A_670], %gather3A_688 : memref<64x128xf32, #tpu.memory_space<vmem>>[vector<16xi32>, vector<16xi32>], vector<16xf32>,
      %add3A_692 = arith.constant 48 : i32
      %add3A_693 = vector.broadcast %add3A_692 : i32 to vector<16xi32>
      %add3A_694 = arith.addi %iota3A, %add3A_693 : vector<16xi32>
      %gather3A_695 = tpu.vector_load_idx %arg7[%add3A_694, %broadcast_in_dim3A_665] : memref<64x128xf32, #tpu.memory_space<vmem>>[vector<16xi32>, vector<16xi32>], vector<16xf32>,
      %add3A_696 = arith.constant 48 : i32
      %add3A_697 = vector.broadcast %add3A_696 : i32 to vector<16xi32>
      %add3A_698 = arith.addi %iota3A, %add3A_697 : vector<16xi32>
      tpu.vector_store_idx %arg14[%add3A_698, %broadcast_in_dim3A_670], %gather3A_695 : memref<64x128xf32, #tpu.memory_space<vmem>>[vector<16xi32>, vector<16xi32>], vector<16xf32>,
      %lt3A_699 = arith.constant 31 : i32
      %lt3A_700 = arith.cmpi slt, %add3A_164, %lt3A_699 : i32
      %convert_element_type3A_701 = arith.extui %lt3A_700 : i1 to i32
      %cond3A_702 = arith.constant 0 : i32
      %cond3A_703 = arith.cmpi ne, %convert_element_type3A_701, %cond3A_702 : i32
      scf.if %cond3A_703 {
        %slice3A_998 = vector.extract_strided_slice %get3A_171 {offsets = [1], sizes = [1], strides = [1]} : vector<16xi32> to vector<1xi32>
        %squeeze3A_999 = vector.extract %slice3A_998[0] : i32 from vector<1xi32>
        %shift_right_arithmetic3A_1000 = arith.constant 7 : i32
        %shift_right_arithmetic3A_1001 = arith.shrsi %squeeze3A_999, %shift_right_arithmetic3A_1000 : i32
        %mul3A_1002 = arith.constant 128 : i32
        %mul3A_1003 = arith.muli %shift_right_arithmetic3A_1001, %mul3A_1002 : i32
        %multiple_of3A_1004 = tpu.assume_multiple %mul3A_1003, 128 : i32
        %dma_start3A_1005 = arith.constant 0 : i32
        %dma_start3A_1006 = tpu.memref_slice %arg3[%dma_start3A_1005, %multiple_of3A_1004] : memref<64x1000000xf32, #tpu.memory_space<hbm>> -> memref<64x128xf32, #tpu.memory_space<hbm>>
        %dma_start3A_1007 = arith.constant 0 : i32
        %dma_start3A_1008 = tpu.memref_slice %arg3[%dma_start3A_1007, %multiple_of3A_1004] : memref<64x1000000xf32, #tpu.memory_space<hbm>> -> memref<64x128xf32, #tpu.memory_space<hbm>>
        tpu.enqueue_dma source(%dma_start3A_1008 : memref<64x128xf32, #tpu.memory_space<hbm>>) target(%arg7 : memref<64x128xf32, #tpu.memory_space<vmem>>) target_semaphore(%arg19 : memref<!tpu.dma_semaphore, #tpu.memory_space<semaphore_mem>>)
      } else {
      }
      %slice3A_704 = vector.extract_strided_slice %scan3A_158 {offsets = [10], sizes = [1], strides = [1]} : vector<16xi32> to vector<1xi32>
      %squeeze3A_705 = vector.extract %slice3A_704[0] : i32 from vector<1xi32>
      %dma_wait3A_706 = arith.constant 0 : i32
      %dma_wait3A_707 = arith.constant 0 : i32
      %dma_wait3A_708 = tpu.memref_slice %arg3[%dma_wait3A_706, %dma_wait3A_707] : memref<64x1000000xf32, #tpu.memory_space<hbm>> -> memref<64x128xf32, #tpu.memory_space<hbm>>
      %dma_wait3A_709 = arith.constant 0 : i32
      %dma_wait3A_710 = arith.constant 0 : i32
      %dma_wait3A_711 = tpu.memref_slice %arg3[%dma_wait3A_709, %dma_wait3A_710] : memref<64x1000000xf32, #tpu.memory_space<hbm>> -> memref<64x128xf32, #tpu.memory_space<hbm>>
      tpu.wait_dma2 semaphore(%arg20 : memref<!tpu.dma_semaphore, #tpu.memory_space<semaphore_mem>>) src(%dma_wait3A_711 : memref<64x128xf32, #tpu.memory_space<hbm>>) dst(%arg8 : memref<64x128xf32, #tpu.memory_space<vmem>>)
      %and3A_712 = arith.constant 127 : i32
      %and3A_713 = arith.andi %squeeze3A_705, %and3A_712 : i32
      %broadcast_in_dim3A_714 = vector.broadcast %and3A_713 : i32 to vector<16xi32>
      %mul3A_715 = arith.constant 16 : i32
      %mul3A_716 = arith.muli %add3A_162, %mul3A_715 : i32
      %add3A_717 = arith.constant 10 : i32
      %add3A_718 = arith.addi %mul3A_716, %add3A_717 : i32
      %broadcast_in_dim3A_719 = vector.broadcast %add3A_718 : i32 to vector<16xi32>
      %add3A_720 = arith.constant 0 : i32
      %add3A_721 = vector.broadcast %add3A_720 : i32 to vector<16xi32>
      %add3A_722 = arith.addi %iota3A, %add3A_721 : vector<16xi32>
      %gather3A_723 = tpu.vector_load_idx %arg8[%add3A_722, %broadcast_in_dim3A_714] : memref<64x128xf32, #tpu.memory_space<vmem>>[vector<16xi32>, vector<16xi32>], vector<16xf32>,
      %add3A_724 = arith.constant 0 : i32
      %add3A_725 = vector.broadcast %add3A_724 : i32 to vector<16xi32>
      %add3A_726 = arith.addi %iota3A, %add3A_725 : vector<16xi32>
      tpu.vector_store_idx %arg14[%add3A_726, %broadcast_in_dim3A_719], %gather3A_723 : memref<64x128xf32, #tpu.memory_space<vmem>>[vector<16xi32>, vector<16xi32>], vector<16xf32>,
      %add3A_727 = arith.constant 16 : i32
      %add3A_728 = vector.broadcast %add3A_727 : i32 to vector<16xi32>
      %add3A_729 = arith.addi %iota3A, %add3A_728 : vector<16xi32>
      %gather3A_730 = tpu.vector_load_idx %arg8[%add3A_729, %broadcast_in_dim3A_714] : memref<64x128xf32, #tpu.memory_space<vmem>>[vector<16xi32>, vector<16xi32>], vector<16xf32>,
      %add3A_731 = arith.constant 16 : i32
      %add3A_732 = vector.broadcast %add3A_731 : i32 to vector<16xi32>
      %add3A_733 = arith.addi %iota3A, %add3A_732 : vector<16xi32>
      tpu.vector_store_idx %arg14[%add3A_733, %broadcast_in_dim3A_719], %gather3A_730 : memref<64x128xf32, #tpu.memory_space<vmem>>[vector<16xi32>, vector<16xi32>], vector<16xf32>,
      %add3A_734 = arith.constant 32 : i32
      %add3A_735 = vector.broadcast %add3A_734 : i32 to vector<16xi32>
      %add3A_736 = arith.addi %iota3A, %add3A_735 : vector<16xi32>
      %gather3A_737 = tpu.vector_load_idx %arg8[%add3A_736, %broadcast_in_dim3A_714] : memref<64x128xf32, #tpu.memory_space<vmem>>[vector<16xi32>, vector<16xi32>], vector<16xf32>,
      %add3A_738 = arith.constant 32 : i32
      %add3A_739 = vector.broadcast %add3A_738 : i32 to vector<16xi32>
      %add3A_740 = arith.addi %iota3A, %add3A_739 : vector<16xi32>
      tpu.vector_store_idx %arg14[%add3A_740, %broadcast_in_dim3A_719], %gather3A_737 : memref<64x128xf32, #tpu.memory_space<vmem>>[vector<16xi32>, vector<16xi32>], vector<16xf32>,
      %add3A_741 = arith.constant 48 : i32
      %add3A_742 = vector.broadcast %add3A_741 : i32 to vector<16xi32>
      %add3A_743 = arith.addi %iota3A, %add3A_742 : vector<16xi32>
      %gather3A_744 = tpu.vector_load_idx %arg8[%add3A_743, %broadcast_in_dim3A_714] : memref<64x128xf32, #tpu.memory_space<vmem>>[vector<16xi32>, vector<16xi32>], vector<16xf32>,
      %add3A_745 = arith.constant 48 : i32
      %add3A_746 = vector.broadcast %add3A_745 : i32 to vector<16xi32>
      %add3A_747 = arith.addi %iota3A, %add3A_746 : vector<16xi32>
      tpu.vector_store_idx %arg14[%add3A_747, %broadcast_in_dim3A_719], %gather3A_744 : memref<64x128xf32, #tpu.memory_space<vmem>>[vector<16xi32>, vector<16xi32>], vector<16xf32>,
      %lt3A_748 = arith.constant 31 : i32
      %lt3A_749 = arith.cmpi slt, %add3A_164, %lt3A_748 : i32
      %convert_element_type3A_750 = arith.extui %lt3A_749 : i1 to i32
      %cond3A_751 = arith.constant 0 : i32
      %cond3A_752 = arith.cmpi ne, %convert_element_type3A_750, %cond3A_751 : i32
      scf.if %cond3A_752 {
        %slice3A_998 = vector.extract_strided_slice %get3A_171 {offsets = [2], sizes = [1], strides = [1]} : vector<16xi32> to vector<1xi32>
        %squeeze3A_999 = vector.extract %slice3A_998[0] : i32 from vector<1xi32>
        %shift_right_arithmetic3A_1000 = arith.constant 7 : i32
        %shift_right_arithmetic3A_1001 = arith.shrsi %squeeze3A_999, %shift_right_arithmetic3A_1000 : i32
        %mul3A_1002 = arith.constant 128 : i32
        %mul3A_1003 = arith.muli %shift_right_arithmetic3A_1001, %mul3A_1002 : i32
        %multiple_of3A_1004 = tpu.assume_multiple %mul3A_1003, 128 : i32
        %dma_start3A_1005 = arith.constant 0 : i32
        %dma_start3A_1006 = tpu.memref_slice %arg3[%dma_start3A_1005, %multiple_of3A_1004] : memref<64x1000000xf32, #tpu.memory_space<hbm>> -> memref<64x128xf32, #tpu.memory_space<hbm>>
        %dma_start3A_1007 = arith.constant 0 : i32
        %dma_start3A_1008 = tpu.memref_slice %arg3[%dma_start3A_1007, %multiple_of3A_1004] : memref<64x1000000xf32, #tpu.memory_space<hbm>> -> memref<64x128xf32, #tpu.memory_space<hbm>>
        tpu.enqueue_dma source(%dma_start3A_1008 : memref<64x128xf32, #tpu.memory_space<hbm>>) target(%arg8 : memref<64x128xf32, #tpu.memory_space<vmem>>) target_semaphore(%arg20 : memref<!tpu.dma_semaphore, #tpu.memory_space<semaphore_mem>>)
      } else {
      }
      %slice3A_753 = vector.extract_strided_slice %scan3A_158 {offsets = [11], sizes = [1], strides = [1]} : vector<16xi32> to vector<1xi32>
      %squeeze3A_754 = vector.extract %slice3A_753[0] : i32 from vector<1xi32>
      %dma_wait3A_755 = arith.constant 0 : i32
      %dma_wait3A_756 = arith.constant 0 : i32
      %dma_wait3A_757 = tpu.memref_slice %arg3[%dma_wait3A_755, %dma_wait3A_756] : memref<64x1000000xf32, #tpu.memory_space<hbm>> -> memref<64x128xf32, #tpu.memory_space<hbm>>
      %dma_wait3A_758 = arith.constant 0 : i32
      %dma_wait3A_759 = arith.constant 0 : i32
      %dma_wait3A_760 = tpu.memref_slice %arg3[%dma_wait3A_758, %dma_wait3A_759] : memref<64x1000000xf32, #tpu.memory_space<hbm>> -> memref<64x128xf32, #tpu.memory_space<hbm>>
      tpu.wait_dma2 semaphore(%arg21 : memref<!tpu.dma_semaphore, #tpu.memory_space<semaphore_mem>>) src(%dma_wait3A_760 : memref<64x128xf32, #tpu.memory_space<hbm>>) dst(%arg9 : memref<64x128xf32, #tpu.memory_space<vmem>>)
      %and3A_761 = arith.constant 127 : i32
      %and3A_762 = arith.andi %squeeze3A_754, %and3A_761 : i32
      %broadcast_in_dim3A_763 = vector.broadcast %and3A_762 : i32 to vector<16xi32>
      %mul3A_764 = arith.constant 16 : i32
      %mul3A_765 = arith.muli %add3A_162, %mul3A_764 : i32
      %add3A_766 = arith.constant 11 : i32
      %add3A_767 = arith.addi %mul3A_765, %add3A_766 : i32
      %broadcast_in_dim3A_768 = vector.broadcast %add3A_767 : i32 to vector<16xi32>
      %add3A_769 = arith.constant 0 : i32
      %add3A_770 = vector.broadcast %add3A_769 : i32 to vector<16xi32>
      %add3A_771 = arith.addi %iota3A, %add3A_770 : vector<16xi32>
      %gather3A_772 = tpu.vector_load_idx %arg9[%add3A_771, %broadcast_in_dim3A_763] : memref<64x128xf32, #tpu.memory_space<vmem>>[vector<16xi32>, vector<16xi32>], vector<16xf32>,
      %add3A_773 = arith.constant 0 : i32
      %add3A_774 = vector.broadcast %add3A_773 : i32 to vector<16xi32>
      %add3A_775 = arith.addi %iota3A, %add3A_774 : vector<16xi32>
      tpu.vector_store_idx %arg14[%add3A_775, %broadcast_in_dim3A_768], %gather3A_772 : memref<64x128xf32, #tpu.memory_space<vmem>>[vector<16xi32>, vector<16xi32>], vector<16xf32>,
      %add3A_776 = arith.constant 16 : i32
      %add3A_777 = vector.broadcast %add3A_776 : i32 to vector<16xi32>
      %add3A_778 = arith.addi %iota3A, %add3A_777 : vector<16xi32>
      %gather3A_779 = tpu.vector_load_idx %arg9[%add3A_778, %broadcast_in_dim3A_763] : memref<64x128xf32, #tpu.memory_space<vmem>>[vector<16xi32>, vector<16xi32>], vector<16xf32>,
      %add3A_780 = arith.constant 16 : i32
      %add3A_781 = vector.broadcast %add3A_780 : i32 to vector<16xi32>
      %add3A_782 = arith.addi %iota3A, %add3A_781 : vector<16xi32>
      tpu.vector_store_idx %arg14[%add3A_782, %broadcast_in_dim3A_768], %gather3A_779 : memref<64x128xf32, #tpu.memory_space<vmem>>[vector<16xi32>, vector<16xi32>], vector<16xf32>,
      %add3A_783 = arith.constant 32 : i32
      %add3A_784 = vector.broadcast %add3A_783 : i32 to vector<16xi32>
      %add3A_785 = arith.addi %iota3A, %add3A_784 : vector<16xi32>
      %gather3A_786 = tpu.vector_load_idx %arg9[%add3A_785, %broadcast_in_dim3A_763] : memref<64x128xf32, #tpu.memory_space<vmem>>[vector<16xi32>, vector<16xi32>], vector<16xf32>,
      %add3A_787 = arith.constant 32 : i32
      %add3A_788 = vector.broadcast %add3A_787 : i32 to vector<16xi32>
      %add3A_789 = arith.addi %iota3A, %add3A_788 : vector<16xi32>
      tpu.vector_store_idx %arg14[%add3A_789, %broadcast_in_dim3A_768], %gather3A_786 : memref<64x128xf32, #tpu.memory_space<vmem>>[vector<16xi32>, vector<16xi32>], vector<16xf32>,
      %add3A_790 = arith.constant 48 : i32
      %add3A_791 = vector.broadcast %add3A_790 : i32 to vector<16xi32>
      %add3A_792 = arith.addi %iota3A, %add3A_791 : vector<16xi32>
      %gather3A_793 = tpu.vector_load_idx %arg9[%add3A_792, %broadcast_in_dim3A_763] : memref<64x128xf32, #tpu.memory_space<vmem>>[vector<16xi32>, vector<16xi32>], vector<16xf32>,
      %add3A_794 = arith.constant 48 : i32
      %add3A_795 = vector.broadcast %add3A_794 : i32 to vector<16xi32>
      %add3A_796 = arith.addi %iota3A, %add3A_795 : vector<16xi32>
      tpu.vector_store_idx %arg14[%add3A_796, %broadcast_in_dim3A_768], %gather3A_793 : memref<64x128xf32, #tpu.memory_space<vmem>>[vector<16xi32>, vector<16xi32>], vector<16xf32>,
      %lt3A_797 = arith.constant 31 : i32
      %lt3A_798 = arith.cmpi slt, %add3A_164, %lt3A_797 : i32
      %convert_element_type3A_799 = arith.extui %lt3A_798 : i1 to i32
      %cond3A_800 = arith.constant 0 : i32
      %cond3A_801 = arith.cmpi ne, %convert_element_type3A_799, %cond3A_800 : i32
      scf.if %cond3A_801 {
        %slice3A_998 = vector.extract_strided_slice %get3A_171 {offsets = [3], sizes = [1], strides = [1]} : vector<16xi32> to vector<1xi32>
        %squeeze3A_999 = vector.extract %slice3A_998[0] : i32 from vector<1xi32>
        %shift_right_arithmetic3A_1000 = arith.constant 7 : i32
        %shift_right_arithmetic3A_1001 = arith.shrsi %squeeze3A_999, %shift_right_arithmetic3A_1000 : i32
        %mul3A_1002 = arith.constant 128 : i32
        %mul3A_1003 = arith.muli %shift_right_arithmetic3A_1001, %mul3A_1002 : i32
        %multiple_of3A_1004 = tpu.assume_multiple %mul3A_1003, 128 : i32
        %dma_start3A_1005 = arith.constant 0 : i32
        %dma_start3A_1006 = tpu.memref_slice %arg3[%dma_start3A_1005, %multiple_of3A_1004] : memref<64x1000000xf32, #tpu.memory_space<hbm>> -> memref<64x128xf32, #tpu.memory_space<hbm>>
        %dma_start3A_1007 = arith.constant 0 : i32
        %dma_start3A_1008 = tpu.memref_slice %arg3[%dma_start3A_1007, %multiple_of3A_1004] : memref<64x1000000xf32, #tpu.memory_space<hbm>> -> memref<64x128xf32, #tpu.memory_space<hbm>>
        tpu.enqueue_dma source(%dma_start3A_1008 : memref<64x128xf32, #tpu.memory_space<hbm>>) target(%arg9 : memref<64x128xf32, #tpu.memory_space<vmem>>) target_semaphore(%arg21 : memref<!tpu.dma_semaphore, #tpu.memory_space<semaphore_mem>>)
      } else {
      }
      %slice3A_802 = vector.extract_strided_slice %scan3A_158 {offsets = [12], sizes = [1], strides = [1]} : vector<16xi32> to vector<1xi32>
      %squeeze3A_803 = vector.extract %slice3A_802[0] : i32 from vector<1xi32>
      %dma_wait3A_804 = arith.constant 0 : i32
      %dma_wait3A_805 = arith.constant 0 : i32
      %dma_wait3A_806 = tpu.memref_slice %arg3[%dma_wait3A_804, %dma_wait3A_805] : memref<64x1000000xf32, #tpu.memory_space<hbm>> -> memref<64x128xf32, #tpu.memory_space<hbm>>
      %dma_wait3A_807 = arith.constant 0 : i32
      %dma_wait3A_808 = arith.constant 0 : i32
      %dma_wait3A_809 = tpu.memref_slice %arg3[%dma_wait3A_807, %dma_wait3A_808] : memref<64x1000000xf32, #tpu.memory_space<hbm>> -> memref<64x128xf32, #tpu.memory_space<hbm>>
      tpu.wait_dma2 semaphore(%arg22 : memref<!tpu.dma_semaphore, #tpu.memory_space<semaphore_mem>>) src(%dma_wait3A_809 : memref<64x128xf32, #tpu.memory_space<hbm>>) dst(%arg10 : memref<64x128xf32, #tpu.memory_space<vmem>>)
      %and3A_810 = arith.constant 127 : i32
      %and3A_811 = arith.andi %squeeze3A_803, %and3A_810 : i32
      %broadcast_in_dim3A_812 = vector.broadcast %and3A_811 : i32 to vector<16xi32>
      %mul3A_813 = arith.constant 16 : i32
      %mul3A_814 = arith.muli %add3A_162, %mul3A_813 : i32
      %add3A_815 = arith.constant 12 : i32
      %add3A_816 = arith.addi %mul3A_814, %add3A_815 : i32
      %broadcast_in_dim3A_817 = vector.broadcast %add3A_816 : i32 to vector<16xi32>
      %add3A_818 = arith.constant 0 : i32
      %add3A_819 = vector.broadcast %add3A_818 : i32 to vector<16xi32>
      %add3A_820 = arith.addi %iota3A, %add3A_819 : vector<16xi32>
      %gather3A_821 = tpu.vector_load_idx %arg10[%add3A_820, %broadcast_in_dim3A_812] : memref<64x128xf32, #tpu.memory_space<vmem>>[vector<16xi32>, vector<16xi32>], vector<16xf32>,
      %add3A_822 = arith.constant 0 : i32
      %add3A_823 = vector.broadcast %add3A_822 : i32 to vector<16xi32>
      %add3A_824 = arith.addi %iota3A, %add3A_823 : vector<16xi32>
      tpu.vector_store_idx %arg14[%add3A_824, %broadcast_in_dim3A_817], %gather3A_821 : memref<64x128xf32, #tpu.memory_space<vmem>>[vector<16xi32>, vector<16xi32>], vector<16xf32>,
      %add3A_825 = arith.constant 16 : i32
      %add3A_826 = vector.broadcast %add3A_825 : i32 to vector<16xi32>
      %add3A_827 = arith.addi %iota3A, %add3A_826 : vector<16xi32>
      %gather3A_828 = tpu.vector_load_idx %arg10[%add3A_827, %broadcast_in_dim3A_812] : memref<64x128xf32, #tpu.memory_space<vmem>>[vector<16xi32>, vector<16xi32>], vector<16xf32>,
      %add3A_829 = arith.constant 16 : i32
      %add3A_830 = vector.broadcast %add3A_829 : i32 to vector<16xi32>
      %add3A_831 = arith.addi %iota3A, %add3A_830 : vector<16xi32>
      tpu.vector_store_idx %arg14[%add3A_831, %broadcast_in_dim3A_817], %gather3A_828 : memref<64x128xf32, #tpu.memory_space<vmem>>[vector<16xi32>, vector<16xi32>], vector<16xf32>,
      %add3A_832 = arith.constant 32 : i32
      %add3A_833 = vector.broadcast %add3A_832 : i32 to vector<16xi32>
      %add3A_834 = arith.addi %iota3A, %add3A_833 : vector<16xi32>
      %gather3A_835 = tpu.vector_load_idx %arg10[%add3A_834, %broadcast_in_dim3A_812] : memref<64x128xf32, #tpu.memory_space<vmem>>[vector<16xi32>, vector<16xi32>], vector<16xf32>,
      %add3A_836 = arith.constant 32 : i32
      %add3A_837 = vector.broadcast %add3A_836 : i32 to vector<16xi32>
      %add3A_838 = arith.addi %iota3A, %add3A_837 : vector<16xi32>
      tpu.vector_store_idx %arg14[%add3A_838, %broadcast_in_dim3A_817], %gather3A_835 : memref<64x128xf32, #tpu.memory_space<vmem>>[vector<16xi32>, vector<16xi32>], vector<16xf32>,
      %add3A_839 = arith.constant 48 : i32
      %add3A_840 = vector.broadcast %add3A_839 : i32 to vector<16xi32>
      %add3A_841 = arith.addi %iota3A, %add3A_840 : vector<16xi32>
      %gather3A_842 = tpu.vector_load_idx %arg10[%add3A_841, %broadcast_in_dim3A_812] : memref<64x128xf32, #tpu.memory_space<vmem>>[vector<16xi32>, vector<16xi32>], vector<16xf32>,
      %add3A_843 = arith.constant 48 : i32
      %add3A_844 = vector.broadcast %add3A_843 : i32 to vector<16xi32>
      %add3A_845 = arith.addi %iota3A, %add3A_844 : vector<16xi32>
      tpu.vector_store_idx %arg14[%add3A_845, %broadcast_in_dim3A_817], %gather3A_842 : memref<64x128xf32, #tpu.memory_space<vmem>>[vector<16xi32>, vector<16xi32>], vector<16xf32>,
      %lt3A_846 = arith.constant 31 : i32
      %lt3A_847 = arith.cmpi slt, %add3A_164, %lt3A_846 : i32
      %convert_element_type3A_848 = arith.extui %lt3A_847 : i1 to i32
      %cond3A_849 = arith.constant 0 : i32
      %cond3A_850 = arith.cmpi ne, %convert_element_type3A_848, %cond3A_849 : i32
      scf.if %cond3A_850 {
        %slice3A_998 = vector.extract_strided_slice %get3A_171 {offsets = [4], sizes = [1], strides = [1]} : vector<16xi32> to vector<1xi32>
        %squeeze3A_999 = vector.extract %slice3A_998[0] : i32 from vector<1xi32>
        %shift_right_arithmetic3A_1000 = arith.constant 7 : i32
        %shift_right_arithmetic3A_1001 = arith.shrsi %squeeze3A_999, %shift_right_arithmetic3A_1000 : i32
        %mul3A_1002 = arith.constant 128 : i32
        %mul3A_1003 = arith.muli %shift_right_arithmetic3A_1001, %mul3A_1002 : i32
        %multiple_of3A_1004 = tpu.assume_multiple %mul3A_1003, 128 : i32
        %dma_start3A_1005 = arith.constant 0 : i32
        %dma_start3A_1006 = tpu.memref_slice %arg3[%dma_start3A_1005, %multiple_of3A_1004] : memref<64x1000000xf32, #tpu.memory_space<hbm>> -> memref<64x128xf32, #tpu.memory_space<hbm>>
        %dma_start3A_1007 = arith.constant 0 : i32
        %dma_start3A_1008 = tpu.memref_slice %arg3[%dma_start3A_1007, %multiple_of3A_1004] : memref<64x1000000xf32, #tpu.memory_space<hbm>> -> memref<64x128xf32, #tpu.memory_space<hbm>>
        tpu.enqueue_dma source(%dma_start3A_1008 : memref<64x128xf32, #tpu.memory_space<hbm>>) target(%arg10 : memref<64x128xf32, #tpu.memory_space<vmem>>) target_semaphore(%arg22 : memref<!tpu.dma_semaphore, #tpu.memory_space<semaphore_mem>>)
      } else {
      }
      %slice3A_851 = vector.extract_strided_slice %scan3A_158 {offsets = [13], sizes = [1], strides = [1]} : vector<16xi32> to vector<1xi32>
      %squeeze3A_852 = vector.extract %slice3A_851[0] : i32 from vector<1xi32>
      %dma_wait3A_853 = arith.constant 0 : i32
      %dma_wait3A_854 = arith.constant 0 : i32
      %dma_wait3A_855 = tpu.memref_slice %arg3[%dma_wait3A_853, %dma_wait3A_854] : memref<64x1000000xf32, #tpu.memory_space<hbm>> -> memref<64x128xf32, #tpu.memory_space<hbm>>
      %dma_wait3A_856 = arith.constant 0 : i32
      %dma_wait3A_857 = arith.constant 0 : i32
      %dma_wait3A_858 = tpu.memref_slice %arg3[%dma_wait3A_856, %dma_wait3A_857] : memref<64x1000000xf32, #tpu.memory_space<hbm>> -> memref<64x128xf32, #tpu.memory_space<hbm>>
      tpu.wait_dma2 semaphore(%arg23 : memref<!tpu.dma_semaphore, #tpu.memory_space<semaphore_mem>>) src(%dma_wait3A_858 : memref<64x128xf32, #tpu.memory_space<hbm>>) dst(%arg11 : memref<64x128xf32, #tpu.memory_space<vmem>>)
      %and3A_859 = arith.constant 127 : i32
      %and3A_860 = arith.andi %squeeze3A_852, %and3A_859 : i32
      %broadcast_in_dim3A_861 = vector.broadcast %and3A_860 : i32 to vector<16xi32>
      %mul3A_862 = arith.constant 16 : i32
      %mul3A_863 = arith.muli %add3A_162, %mul3A_862 : i32
      %add3A_864 = arith.constant 13 : i32
      %add3A_865 = arith.addi %mul3A_863, %add3A_864 : i32
      %broadcast_in_dim3A_866 = vector.broadcast %add3A_865 : i32 to vector<16xi32>
      %add3A_867 = arith.constant 0 : i32
      %add3A_868 = vector.broadcast %add3A_867 : i32 to vector<16xi32>
      %add3A_869 = arith.addi %iota3A, %add3A_868 : vector<16xi32>
      %gather3A_870 = tpu.vector_load_idx %arg11[%add3A_869, %broadcast_in_dim3A_861] : memref<64x128xf32, #tpu.memory_space<vmem>>[vector<16xi32>, vector<16xi32>], vector<16xf32>,
      %add3A_871 = arith.constant 0 : i32
      %add3A_872 = vector.broadcast %add3A_871 : i32 to vector<16xi32>
      %add3A_873 = arith.addi %iota3A, %add3A_872 : vector<16xi32>
      tpu.vector_store_idx %arg14[%add3A_873, %broadcast_in_dim3A_866], %gather3A_870 : memref<64x128xf32, #tpu.memory_space<vmem>>[vector<16xi32>, vector<16xi32>], vector<16xf32>,
      %add3A_874 = arith.constant 16 : i32
      %add3A_875 = vector.broadcast %add3A_874 : i32 to vector<16xi32>
      %add3A_876 = arith.addi %iota3A, %add3A_875 : vector<16xi32>
      %gather3A_877 = tpu.vector_load_idx %arg11[%add3A_876, %broadcast_in_dim3A_861] : memref<64x128xf32, #tpu.memory_space<vmem>>[vector<16xi32>, vector<16xi32>], vector<16xf32>,
      %add3A_878 = arith.constant 16 : i32
      %add3A_879 = vector.broadcast %add3A_878 : i32 to vector<16xi32>
      %add3A_880 = arith.addi %iota3A, %add3A_879 : vector<16xi32>
      tpu.vector_store_idx %arg14[%add3A_880, %broadcast_in_dim3A_866], %gather3A_877 : memref<64x128xf32, #tpu.memory_space<vmem>>[vector<16xi32>, vector<16xi32>], vector<16xf32>,
      %add3A_881 = arith.constant 32 : i32
      %add3A_882 = vector.broadcast %add3A_881 : i32 to vector<16xi32>
      %add3A_883 = arith.addi %iota3A, %add3A_882 : vector<16xi32>
      %gather3A_884 = tpu.vector_load_idx %arg11[%add3A_883, %broadcast_in_dim3A_861] : memref<64x128xf32, #tpu.memory_space<vmem>>[vector<16xi32>, vector<16xi32>], vector<16xf32>,
      %add3A_885 = arith.constant 32 : i32
      %add3A_886 = vector.broadcast %add3A_885 : i32 to vector<16xi32>
      %add3A_887 = arith.addi %iota3A, %add3A_886 : vector<16xi32>
      tpu.vector_store_idx %arg14[%add3A_887, %broadcast_in_dim3A_866], %gather3A_884 : memref<64x128xf32, #tpu.memory_space<vmem>>[vector<16xi32>, vector<16xi32>], vector<16xf32>,
      %add3A_888 = arith.constant 48 : i32
      %add3A_889 = vector.broadcast %add3A_888 : i32 to vector<16xi32>
      %add3A_890 = arith.addi %iota3A, %add3A_889 : vector<16xi32>
      %gather3A_891 = tpu.vector_load_idx %arg11[%add3A_890, %broadcast_in_dim3A_861] : memref<64x128xf32, #tpu.memory_space<vmem>>[vector<16xi32>, vector<16xi32>], vector<16xf32>,
      %add3A_892 = arith.constant 48 : i32
      %add3A_893 = vector.broadcast %add3A_892 : i32 to vector<16xi32>
      %add3A_894 = arith.addi %iota3A, %add3A_893 : vector<16xi32>
      tpu.vector_store_idx %arg14[%add3A_894, %broadcast_in_dim3A_866], %gather3A_891 : memref<64x128xf32, #tpu.memory_space<vmem>>[vector<16xi32>, vector<16xi32>], vector<16xf32>,
      %lt3A_895 = arith.constant 31 : i32
      %lt3A_896 = arith.cmpi slt, %add3A_164, %lt3A_895 : i32
      %convert_element_type3A_897 = arith.extui %lt3A_896 : i1 to i32
      %cond3A_898 = arith.constant 0 : i32
      %cond3A_899 = arith.cmpi ne, %convert_element_type3A_897, %cond3A_898 : i32
      scf.if %cond3A_899 {
        %slice3A_998 = vector.extract_strided_slice %get3A_171 {offsets = [5], sizes = [1], strides = [1]} : vector<16xi32> to vector<1xi32>
        %squeeze3A_999 = vector.extract %slice3A_998[0] : i32 from vector<1xi32>
        %shift_right_arithmetic3A_1000 = arith.constant 7 : i32
        %shift_right_arithmetic3A_1001 = arith.shrsi %squeeze3A_999, %shift_right_arithmetic3A_1000 : i32
        %mul3A_1002 = arith.constant 128 : i32
        %mul3A_1003 = arith.muli %shift_right_arithmetic3A_1001, %mul3A_1002 : i32
        %multiple_of3A_1004 = tpu.assume_multiple %mul3A_1003, 128 : i32
        %dma_start3A_1005 = arith.constant 0 : i32
        %dma_start3A_1006 = tpu.memref_slice %arg3[%dma_start3A_1005, %multiple_of3A_1004] : memref<64x1000000xf32, #tpu.memory_space<hbm>> -> memref<64x128xf32, #tpu.memory_space<hbm>>
        %dma_start3A_1007 = arith.constant 0 : i32
        %dma_start3A_1008 = tpu.memref_slice %arg3[%dma_start3A_1007, %multiple_of3A_1004] : memref<64x1000000xf32, #tpu.memory_space<hbm>> -> memref<64x128xf32, #tpu.memory_space<hbm>>
        tpu.enqueue_dma source(%dma_start3A_1008 : memref<64x128xf32, #tpu.memory_space<hbm>>) target(%arg11 : memref<64x128xf32, #tpu.memory_space<vmem>>) target_semaphore(%arg23 : memref<!tpu.dma_semaphore, #tpu.memory_space<semaphore_mem>>)
      } else {
      }
      %slice3A_900 = vector.extract_strided_slice %scan3A_158 {offsets = [14], sizes = [1], strides = [1]} : vector<16xi32> to vector<1xi32>
      %squeeze3A_901 = vector.extract %slice3A_900[0] : i32 from vector<1xi32>
      %dma_wait3A_902 = arith.constant 0 : i32
      %dma_wait3A_903 = arith.constant 0 : i32
      %dma_wait3A_904 = tpu.memref_slice %arg3[%dma_wait3A_902, %dma_wait3A_903] : memref<64x1000000xf32, #tpu.memory_space<hbm>> -> memref<64x128xf32, #tpu.memory_space<hbm>>
      %dma_wait3A_905 = arith.constant 0 : i32
      %dma_wait3A_906 = arith.constant 0 : i32
      %dma_wait3A_907 = tpu.memref_slice %arg3[%dma_wait3A_905, %dma_wait3A_906] : memref<64x1000000xf32, #tpu.memory_space<hbm>> -> memref<64x128xf32, #tpu.memory_space<hbm>>
      tpu.wait_dma2 semaphore(%arg24 : memref<!tpu.dma_semaphore, #tpu.memory_space<semaphore_mem>>) src(%dma_wait3A_907 : memref<64x128xf32, #tpu.memory_space<hbm>>) dst(%arg12 : memref<64x128xf32, #tpu.memory_space<vmem>>)
      %and3A_908 = arith.constant 127 : i32
      %and3A_909 = arith.andi %squeeze3A_901, %and3A_908 : i32
      %broadcast_in_dim3A_910 = vector.broadcast %and3A_909 : i32 to vector<16xi32>
      %mul3A_911 = arith.constant 16 : i32
      %mul3A_912 = arith.muli %add3A_162, %mul3A_911 : i32
      %add3A_913 = arith.constant 14 : i32
      %add3A_914 = arith.addi %mul3A_912, %add3A_913 : i32
      %broadcast_in_dim3A_915 = vector.broadcast %add3A_914 : i32 to vector<16xi32>
      %add3A_916 = arith.constant 0 : i32
      %add3A_917 = vector.broadcast %add3A_916 : i32 to vector<16xi32>
      %add3A_918 = arith.addi %iota3A, %add3A_917 : vector<16xi32>
      %gather3A_919 = tpu.vector_load_idx %arg12[%add3A_918, %broadcast_in_dim3A_910] : memref<64x128xf32, #tpu.memory_space<vmem>>[vector<16xi32>, vector<16xi32>], vector<16xf32>,
      %add3A_920 = arith.constant 0 : i32
      %add3A_921 = vector.broadcast %add3A_920 : i32 to vector<16xi32>
      %add3A_922 = arith.addi %iota3A, %add3A_921 : vector<16xi32>
      tpu.vector_store_idx %arg14[%add3A_922, %broadcast_in_dim3A_915], %gather3A_919 : memref<64x128xf32, #tpu.memory_space<vmem>>[vector<16xi32>, vector<16xi32>], vector<16xf32>,
      %add3A_923 = arith.constant 16 : i32
      %add3A_924 = vector.broadcast %add3A_923 : i32 to vector<16xi32>
      %add3A_925 = arith.addi %iota3A, %add3A_924 : vector<16xi32>
      %gather3A_926 = tpu.vector_load_idx %arg12[%add3A_925, %broadcast_in_dim3A_910] : memref<64x128xf32, #tpu.memory_space<vmem>>[vector<16xi32>, vector<16xi32>], vector<16xf32>,
      %add3A_927 = arith.constant 16 : i32
      %add3A_928 = vector.broadcast %add3A_927 : i32 to vector<16xi32>
      %add3A_929 = arith.addi %iota3A, %add3A_928 : vector<16xi32>
      tpu.vector_store_idx %arg14[%add3A_929, %broadcast_in_dim3A_915], %gather3A_926 : memref<64x128xf32, #tpu.memory_space<vmem>>[vector<16xi32>, vector<16xi32>], vector<16xf32>,
      %add3A_930 = arith.constant 32 : i32
      %add3A_931 = vector.broadcast %add3A_930 : i32 to vector<16xi32>
      %add3A_932 = arith.addi %iota3A, %add3A_931 : vector<16xi32>
      %gather3A_933 = tpu.vector_load_idx %arg12[%add3A_932, %broadcast_in_dim3A_910] : memref<64x128xf32, #tpu.memory_space<vmem>>[vector<16xi32>, vector<16xi32>], vector<16xf32>,
      %add3A_934 = arith.constant 32 : i32
      %add3A_935 = vector.broadcast %add3A_934 : i32 to vector<16xi32>
      %add3A_936 = arith.addi %iota3A, %add3A_935 : vector<16xi32>
      tpu.vector_store_idx %arg14[%add3A_936, %broadcast_in_dim3A_915], %gather3A_933 : memref<64x128xf32, #tpu.memory_space<vmem>>[vector<16xi32>, vector<16xi32>], vector<16xf32>,
      %add3A_937 = arith.constant 48 : i32
      %add3A_938 = vector.broadcast %add3A_937 : i32 to vector<16xi32>
      %add3A_939 = arith.addi %iota3A, %add3A_938 : vector<16xi32>
      %gather3A_940 = tpu.vector_load_idx %arg12[%add3A_939, %broadcast_in_dim3A_910] : memref<64x128xf32, #tpu.memory_space<vmem>>[vector<16xi32>, vector<16xi32>], vector<16xf32>,
      %add3A_941 = arith.constant 48 : i32
      %add3A_942 = vector.broadcast %add3A_941 : i32 to vector<16xi32>
      %add3A_943 = arith.addi %iota3A, %add3A_942 : vector<16xi32>
      tpu.vector_store_idx %arg14[%add3A_943, %broadcast_in_dim3A_915], %gather3A_940 : memref<64x128xf32, #tpu.memory_space<vmem>>[vector<16xi32>, vector<16xi32>], vector<16xf32>,
      %lt3A_944 = arith.constant 31 : i32
      %lt3A_945 = arith.cmpi slt, %add3A_164, %lt3A_944 : i32
      %convert_element_type3A_946 = arith.extui %lt3A_945 : i1 to i32
      %cond3A_947 = arith.constant 0 : i32
      %cond3A_948 = arith.cmpi ne, %convert_element_type3A_946, %cond3A_947 : i32
      scf.if %cond3A_948 {
        %slice3A_998 = vector.extract_strided_slice %get3A_171 {offsets = [6], sizes = [1], strides = [1]} : vector<16xi32> to vector<1xi32>
        %squeeze3A_999 = vector.extract %slice3A_998[0] : i32 from vector<1xi32>
        %shift_right_arithmetic3A_1000 = arith.constant 7 : i32
        %shift_right_arithmetic3A_1001 = arith.shrsi %squeeze3A_999, %shift_right_arithmetic3A_1000 : i32
        %mul3A_1002 = arith.constant 128 : i32
        %mul3A_1003 = arith.muli %shift_right_arithmetic3A_1001, %mul3A_1002 : i32
        %multiple_of3A_1004 = tpu.assume_multiple %mul3A_1003, 128 : i32
        %dma_start3A_1005 = arith.constant 0 : i32
        %dma_start3A_1006 = tpu.memref_slice %arg3[%dma_start3A_1005, %multiple_of3A_1004] : memref<64x1000000xf32, #tpu.memory_space<hbm>> -> memref<64x128xf32, #tpu.memory_space<hbm>>
        %dma_start3A_1007 = arith.constant 0 : i32
        %dma_start3A_1008 = tpu.memref_slice %arg3[%dma_start3A_1007, %multiple_of3A_1004] : memref<64x1000000xf32, #tpu.memory_space<hbm>> -> memref<64x128xf32, #tpu.memory_space<hbm>>
        tpu.enqueue_dma source(%dma_start3A_1008 : memref<64x128xf32, #tpu.memory_space<hbm>>) target(%arg12 : memref<64x128xf32, #tpu.memory_space<vmem>>) target_semaphore(%arg24 : memref<!tpu.dma_semaphore, #tpu.memory_space<semaphore_mem>>)
      } else {
      }
      %slice3A_949 = vector.extract_strided_slice %scan3A_158 {offsets = [15], sizes = [1], strides = [1]} : vector<16xi32> to vector<1xi32>
      %squeeze3A_950 = vector.extract %slice3A_949[0] : i32 from vector<1xi32>
      %dma_wait3A_951 = arith.constant 0 : i32
      %dma_wait3A_952 = arith.constant 0 : i32
      %dma_wait3A_953 = tpu.memref_slice %arg3[%dma_wait3A_951, %dma_wait3A_952] : memref<64x1000000xf32, #tpu.memory_space<hbm>> -> memref<64x128xf32, #tpu.memory_space<hbm>>
      %dma_wait3A_954 = arith.constant 0 : i32
      %dma_wait3A_955 = arith.constant 0 : i32
      %dma_wait3A_956 = tpu.memref_slice %arg3[%dma_wait3A_954, %dma_wait3A_955] : memref<64x1000000xf32, #tpu.memory_space<hbm>> -> memref<64x128xf32, #tpu.memory_space<hbm>>
      tpu.wait_dma2 semaphore(%arg25 : memref<!tpu.dma_semaphore, #tpu.memory_space<semaphore_mem>>) src(%dma_wait3A_956 : memref<64x128xf32, #tpu.memory_space<hbm>>) dst(%arg13 : memref<64x128xf32, #tpu.memory_space<vmem>>)
      %and3A_957 = arith.constant 127 : i32
      %and3A_958 = arith.andi %squeeze3A_950, %and3A_957 : i32
      %broadcast_in_dim3A_959 = vector.broadcast %and3A_958 : i32 to vector<16xi32>
      %mul3A_960 = arith.constant 16 : i32
      %mul3A_961 = arith.muli %add3A_162, %mul3A_960 : i32
      %add3A_962 = arith.constant 15 : i32
      %add3A_963 = arith.addi %mul3A_961, %add3A_962 : i32
      %broadcast_in_dim3A_964 = vector.broadcast %add3A_963 : i32 to vector<16xi32>
      %add3A_965 = arith.constant 0 : i32
      %add3A_966 = vector.broadcast %add3A_965 : i32 to vector<16xi32>
      %add3A_967 = arith.addi %iota3A, %add3A_966 : vector<16xi32>
      %gather3A_968 = tpu.vector_load_idx %arg13[%add3A_967, %broadcast_in_dim3A_959] : memref<64x128xf32, #tpu.memory_space<vmem>>[vector<16xi32>, vector<16xi32>], vector<16xf32>,
      %add3A_969 = arith.constant 0 : i32
      %add3A_970 = vector.broadcast %add3A_969 : i32 to vector<16xi32>
      %add3A_971 = arith.addi %iota3A, %add3A_970 : vector<16xi32>
      tpu.vector_store_idx %arg14[%add3A_971, %broadcast_in_dim3A_964], %gather3A_968 : memref<64x128xf32, #tpu.memory_space<vmem>>[vector<16xi32>, vector<16xi32>], vector<16xf32>,
      %add3A_972 = arith.constant 16 : i32
      %add3A_973 = vector.broadcast %add3A_972 : i32 to vector<16xi32>
      %add3A_974 = arith.addi %iota3A, %add3A_973 : vector<16xi32>
      %gather3A_975 = tpu.vector_load_idx %arg13[%add3A_974, %broadcast_in_dim3A_959] : memref<64x128xf32, #tpu.memory_space<vmem>>[vector<16xi32>, vector<16xi32>], vector<16xf32>,
      %add3A_976 = arith.constant 16 : i32
      %add3A_977 = vector.broadcast %add3A_976 : i32 to vector<16xi32>
      %add3A_978 = arith.addi %iota3A, %add3A_977 : vector<16xi32>
      tpu.vector_store_idx %arg14[%add3A_978, %broadcast_in_dim3A_964], %gather3A_975 : memref<64x128xf32, #tpu.memory_space<vmem>>[vector<16xi32>, vector<16xi32>], vector<16xf32>,
      %add3A_979 = arith.constant 32 : i32
      %add3A_980 = vector.broadcast %add3A_979 : i32 to vector<16xi32>
      %add3A_981 = arith.addi %iota3A, %add3A_980 : vector<16xi32>
      %gather3A_982 = tpu.vector_load_idx %arg13[%add3A_981, %broadcast_in_dim3A_959] : memref<64x128xf32, #tpu.memory_space<vmem>>[vector<16xi32>, vector<16xi32>], vector<16xf32>,
      %add3A_983 = arith.constant 32 : i32
      %add3A_984 = vector.broadcast %add3A_983 : i32 to vector<16xi32>
      %add3A_985 = arith.addi %iota3A, %add3A_984 : vector<16xi32>
      tpu.vector_store_idx %arg14[%add3A_985, %broadcast_in_dim3A_964], %gather3A_982 : memref<64x128xf32, #tpu.memory_space<vmem>>[vector<16xi32>, vector<16xi32>], vector<16xf32>,
      %add3A_986 = arith.constant 48 : i32
      %add3A_987 = vector.broadcast %add3A_986 : i32 to vector<16xi32>
      %add3A_988 = arith.addi %iota3A, %add3A_987 : vector<16xi32>
      %gather3A_989 = tpu.vector_load_idx %arg13[%add3A_988, %broadcast_in_dim3A_959] : memref<64x128xf32, #tpu.memory_space<vmem>>[vector<16xi32>, vector<16xi32>], vector<16xf32>,
      %add3A_990 = arith.constant 48 : i32
      %add3A_991 = vector.broadcast %add3A_990 : i32 to vector<16xi32>
      %add3A_992 = arith.addi %iota3A, %add3A_991 : vector<16xi32>
      tpu.vector_store_idx %arg14[%add3A_992, %broadcast_in_dim3A_964], %gather3A_989 : memref<64x128xf32, #tpu.memory_space<vmem>>[vector<16xi32>, vector<16xi32>], vector<16xf32>,
      %lt3A_993 = arith.constant 31 : i32
      %lt3A_994 = arith.cmpi slt, %add3A_164, %lt3A_993 : i32
      %convert_element_type3A_995 = arith.extui %lt3A_994 : i1 to i32
      %cond3A_996 = arith.constant 0 : i32
      %cond3A_997 = arith.cmpi ne, %convert_element_type3A_995, %cond3A_996 : i32
      scf.if %cond3A_997 {
        %slice3A_998 = vector.extract_strided_slice %get3A_171 {offsets = [7], sizes = [1], strides = [1]} : vector<16xi32> to vector<1xi32>
        %squeeze3A_999 = vector.extract %slice3A_998[0] : i32 from vector<1xi32>
        %shift_right_arithmetic3A_1000 = arith.constant 7 : i32
        %shift_right_arithmetic3A_1001 = arith.shrsi %squeeze3A_999, %shift_right_arithmetic3A_1000 : i32
        %mul3A_1002 = arith.constant 128 : i32
        %mul3A_1003 = arith.muli %shift_right_arithmetic3A_1001, %mul3A_1002 : i32
        %multiple_of3A_1004 = tpu.assume_multiple %mul3A_1003, 128 : i32
        %dma_start3A_1005 = arith.constant 0 : i32
        %dma_start3A_1006 = tpu.memref_slice %arg3[%dma_start3A_1005, %multiple_of3A_1004] : memref<64x1000000xf32, #tpu.memory_space<hbm>> -> memref<64x128xf32, #tpu.memory_space<hbm>>
        %dma_start3A_1007 = arith.constant 0 : i32
        %dma_start3A_1008 = tpu.memref_slice %arg3[%dma_start3A_1007, %multiple_of3A_1004] : memref<64x1000000xf32, #tpu.memory_space<hbm>> -> memref<64x128xf32, #tpu.memory_space<hbm>>
        tpu.enqueue_dma source(%dma_start3A_1008 : memref<64x128xf32, #tpu.memory_space<hbm>>) target(%arg13 : memref<64x128xf32, #tpu.memory_space<vmem>>) target_semaphore(%arg25 : memref<!tpu.dma_semaphore, #tpu.memory_space<semaphore_mem>>)
      } else {
      }
      scf.yield %get3A_171 : vector<16xi32>
    }
    %scan3A_91 = arith.constant 8 : i32
    %add3A_92 = arith.constant 0 : i32
    %add3A_93 = arith.addi %mul3A_2, %add3A_92 : i32
    %dma_start3A_94 = arith.constant 0 : i32
    %dma_start3A_95 = tpu.memref_slice %arg4[%dma_start3A_94, %add3A_93] : memref<64x16384xf32, #tpu.memory_space<hbm>> -> memref<64x128xf32, #tpu.memory_space<hbm>>
    %dma_start3A_96 = arith.constant 0 : i32
    %dma_start3A_97 = tpu.memref_slice %arg4[%dma_start3A_96, %add3A_93] : memref<64x16384xf32, #tpu.memory_space<hbm>> -> memref<64x128xf32, #tpu.memory_space<hbm>>
    tpu.enqueue_dma source(%arg14 : memref<64x128xf32, #tpu.memory_space<vmem>>) target(%dma_start3A_97 : memref<64x128xf32, #tpu.memory_space<hbm>>) target_semaphore(%arg26 : memref<!tpu.dma_semaphore, #tpu.memory_space<semaphore_mem>>)
    %scan3A_98 = arith.constant 0 : i32
    %scan3A_99 = arith.constant 8 : i32
    %scan3A_100 = arith.addi %scan3A_98, %scan3A_99 : i32
    %scan3A_101 = arith.constant 1 : i32
    %scan3A_102 = scf.for %scan3A_157 = %scan3A_98 to %scan3A_100 step %scan3A_101 iter_args(%scan3A_158 = %scan3A_90) -> (vector<16xi32>)  : i32 {
      %mul3A_159 = arith.constant 1 : i32
      %mul3A_160 = arith.muli %scan3A_157, %mul3A_159 : i32
      %add3A_161 = arith.constant 0 : i32
      %add3A_162 = arith.addi %add3A_161, %mul3A_160 : i32
      %add3A_163 = arith.constant 8 : i32
      %add3A_164 = arith.addi %add3A_163, %add3A_162 : i32
      %add3A_165 = arith.constant 1 : i32
      %add3A_166 = arith.addi %add3A_164, %add3A_165 : i32
      %mul3A_167 = arith.constant 16 : i32
      %mul3A_168 = arith.muli %add3A_166, %mul3A_167 : i32
      %min3A = arith.constant 496 : i32
      %min3A_169 = arith.minsi %mul3A_168, %min3A : i32
      %get3A_170 = arith.index_cast %min3A_169 : i32 to index
      %get3A_171 = tpu.vector_load %arg5[%get3A_170] {strides = array<i32>} : memref<512xi32, #tpu.memory_space<vmem>>, vector<16xi32>,
      %slice3A_172 = vector.extract_strided_slice %scan3A_158 {offsets = [0], sizes = [1], strides = [1]} : vector<16xi32> to vector<1xi32>
      %squeeze3A_173 = vector.extract %slice3A_172[0] : i32 from vector<1xi32>
      %dma_wait3A_174 = arith.constant 0 : i32
      %dma_wait3A_175 = arith.constant 0 : i32
      %dma_wait3A_176 = tpu.memref_slice %arg3[%dma_wait3A_174, %dma_wait3A_175] : memref<64x1000000xf32, #tpu.memory_space<hbm>> -> memref<64x128xf32, #tpu.memory_space<hbm>>
      %dma_wait3A_177 = arith.constant 0 : i32
      %dma_wait3A_178 = arith.constant 0 : i32
      %dma_wait3A_179 = tpu.memref_slice %arg3[%dma_wait3A_177, %dma_wait3A_178] : memref<64x1000000xf32, #tpu.memory_space<hbm>> -> memref<64x128xf32, #tpu.memory_space<hbm>>
      tpu.wait_dma2 semaphore(%arg18 : memref<!tpu.dma_semaphore, #tpu.memory_space<semaphore_mem>>) src(%dma_wait3A_179 : memref<64x128xf32, #tpu.memory_space<hbm>>) dst(%arg6 : memref<64x128xf32, #tpu.memory_space<vmem>>)
      %and3A = arith.constant 127 : i32
      %and3A_180 = arith.andi %squeeze3A_173, %and3A : i32
      %broadcast_in_dim3A = vector.broadcast %and3A_180 : i32 to vector<16xi32>
      %mul3A_181 = arith.constant 16 : i32
      %mul3A_182 = arith.muli %add3A_162, %mul3A_181 : i32
      %add3A_183 = arith.constant 0 : i32
      %add3A_184 = arith.addi %mul3A_182, %add3A_183 : i32
      %broadcast_in_dim3A_185 = vector.broadcast %add3A_184 : i32 to vector<16xi32>
      %add3A_186 = arith.constant 0 : i32
      %add3A_187 = vector.broadcast %add3A_186 : i32 to vector<16xi32>
      %add3A_188 = arith.addi %iota3A, %add3A_187 : vector<16xi32>
      %gather3A = tpu.vector_load_idx %arg6[%add3A_188, %broadcast_in_dim3A] : memref<64x128xf32, #tpu.memory_space<vmem>>[vector<16xi32>, vector<16xi32>], vector<16xf32>,
      %add3A_189 = arith.constant 0 : i32
      %add3A_190 = vector.broadcast %add3A_189 : i32 to vector<16xi32>
      %add3A_191 = arith.addi %iota3A, %add3A_190 : vector<16xi32>
      tpu.vector_store_idx %arg15[%add3A_191, %broadcast_in_dim3A_185], %gather3A : memref<64x128xf32, #tpu.memory_space<vmem>>[vector<16xi32>, vector<16xi32>], vector<16xf32>,
      %add3A_192 = arith.constant 16 : i32
      %add3A_193 = vector.broadcast %add3A_192 : i32 to vector<16xi32>
      %add3A_194 = arith.addi %iota3A, %add3A_193 : vector<16xi32>
      %gather3A_195 = tpu.vector_load_idx %arg6[%add3A_194, %broadcast_in_dim3A] : memref<64x128xf32, #tpu.memory_space<vmem>>[vector<16xi32>, vector<16xi32>], vector<16xf32>,
      %add3A_196 = arith.constant 16 : i32
      %add3A_197 = vector.broadcast %add3A_196 : i32 to vector<16xi32>
      %add3A_198 = arith.addi %iota3A, %add3A_197 : vector<16xi32>
      tpu.vector_store_idx %arg15[%add3A_198, %broadcast_in_dim3A_185], %gather3A_195 : memref<64x128xf32, #tpu.memory_space<vmem>>[vector<16xi32>, vector<16xi32>], vector<16xf32>,
      %add3A_199 = arith.constant 32 : i32
      %add3A_200 = vector.broadcast %add3A_199 : i32 to vector<16xi32>
      %add3A_201 = arith.addi %iota3A, %add3A_200 : vector<16xi32>
      %gather3A_202 = tpu.vector_load_idx %arg6[%add3A_201, %broadcast_in_dim3A] : memref<64x128xf32, #tpu.memory_space<vmem>>[vector<16xi32>, vector<16xi32>], vector<16xf32>,
      %add3A_203 = arith.constant 32 : i32
      %add3A_204 = vector.broadcast %add3A_203 : i32 to vector<16xi32>
      %add3A_205 = arith.addi %iota3A, %add3A_204 : vector<16xi32>
      tpu.vector_store_idx %arg15[%add3A_205, %broadcast_in_dim3A_185], %gather3A_202 : memref<64x128xf32, #tpu.memory_space<vmem>>[vector<16xi32>, vector<16xi32>], vector<16xf32>,
      %add3A_206 = arith.constant 48 : i32
      %add3A_207 = vector.broadcast %add3A_206 : i32 to vector<16xi32>
      %add3A_208 = arith.addi %iota3A, %add3A_207 : vector<16xi32>
      %gather3A_209 = tpu.vector_load_idx %arg6[%add3A_208, %broadcast_in_dim3A] : memref<64x128xf32, #tpu.memory_space<vmem>>[vector<16xi32>, vector<16xi32>], vector<16xf32>,
      %add3A_210 = arith.constant 48 : i32
      %add3A_211 = vector.broadcast %add3A_210 : i32 to vector<16xi32>
      %add3A_212 = arith.addi %iota3A, %add3A_211 : vector<16xi32>
      tpu.vector_store_idx %arg15[%add3A_212, %broadcast_in_dim3A_185], %gather3A_209 : memref<64x128xf32, #tpu.memory_space<vmem>>[vector<16xi32>, vector<16xi32>], vector<16xf32>,
      %slice3A_213 = vector.extract_strided_slice %scan3A_158 {offsets = [8], sizes = [1], strides = [1]} : vector<16xi32> to vector<1xi32>
      %squeeze3A_214 = vector.extract %slice3A_213[0] : i32 from vector<1xi32>
      %shift_right_arithmetic3A_215 = arith.constant 7 : i32
      %shift_right_arithmetic3A_216 = arith.shrsi %squeeze3A_214, %shift_right_arithmetic3A_215 : i32
      %mul3A_217 = arith.constant 128 : i32
      %mul3A_218 = arith.muli %shift_right_arithmetic3A_216, %mul3A_217 : i32
      %multiple_of3A_219 = tpu.assume_multiple %mul3A_218, 128 : i32
      %dma_start3A_220 = arith.constant 0 : i32
      %dma_start3A_221 = tpu.memref_slice %arg3[%dma_start3A_220, %multiple_of3A_219] : memref<64x1000000xf32, #tpu.memory_space<hbm>> -> memref<64x128xf32, #tpu.memory_space<hbm>>
      %dma_start3A_222 = arith.constant 0 : i32
      %dma_start3A_223 = tpu.memref_slice %arg3[%dma_start3A_222, %multiple_of3A_219] : memref<64x1000000xf32, #tpu.memory_space<hbm>> -> memref<64x128xf32, #tpu.memory_space<hbm>>
      tpu.enqueue_dma source(%dma_start3A_223 : memref<64x128xf32, #tpu.memory_space<hbm>>) target(%arg6 : memref<64x128xf32, #tpu.memory_space<vmem>>) target_semaphore(%arg18 : memref<!tpu.dma_semaphore, #tpu.memory_space<semaphore_mem>>)
      %slice3A_224 = vector.extract_strided_slice %scan3A_158 {offsets = [1], sizes = [1], strides = [1]} : vector<16xi32> to vector<1xi32>
      %squeeze3A_225 = vector.extract %slice3A_224[0] : i32 from vector<1xi32>
      %dma_wait3A_226 = arith.constant 0 : i32
      %dma_wait3A_227 = arith.constant 0 : i32
      %dma_wait3A_228 = tpu.memref_slice %arg3[%dma_wait3A_226, %dma_wait3A_227] : memref<64x1000000xf32, #tpu.memory_space<hbm>> -> memref<64x128xf32, #tpu.memory_space<hbm>>
      %dma_wait3A_229 = arith.constant 0 : i32
      %dma_wait3A_230 = arith.constant 0 : i32
      %dma_wait3A_231 = tpu.memref_slice %arg3[%dma_wait3A_229, %dma_wait3A_230] : memref<64x1000000xf32, #tpu.memory_space<hbm>> -> memref<64x128xf32, #tpu.memory_space<hbm>>
      tpu.wait_dma2 semaphore(%arg19 : memref<!tpu.dma_semaphore, #tpu.memory_space<semaphore_mem>>) src(%dma_wait3A_231 : memref<64x128xf32, #tpu.memory_space<hbm>>) dst(%arg7 : memref<64x128xf32, #tpu.memory_space<vmem>>)
      %and3A_232 = arith.constant 127 : i32
      %and3A_233 = arith.andi %squeeze3A_225, %and3A_232 : i32
      %broadcast_in_dim3A_234 = vector.broadcast %and3A_233 : i32 to vector<16xi32>
      %mul3A_235 = arith.constant 16 : i32
      %mul3A_236 = arith.muli %add3A_162, %mul3A_235 : i32
      %add3A_237 = arith.constant 1 : i32
      %add3A_238 = arith.addi %mul3A_236, %add3A_237 : i32
      %broadcast_in_dim3A_239 = vector.broadcast %add3A_238 : i32 to vector<16xi32>
      %add3A_240 = arith.constant 0 : i32
      %add3A_241 = vector.broadcast %add3A_240 : i32 to vector<16xi32>
      %add3A_242 = arith.addi %iota3A, %add3A_241 : vector<16xi32>
      %gather3A_243 = tpu.vector_load_idx %arg7[%add3A_242, %broadcast_in_dim3A_234] : memref<64x128xf32, #tpu.memory_space<vmem>>[vector<16xi32>, vector<16xi32>], vector<16xf32>,
      %add3A_244 = arith.constant 0 : i32
      %add3A_245 = vector.broadcast %add3A_244 : i32 to vector<16xi32>
      %add3A_246 = arith.addi %iota3A, %add3A_245 : vector<16xi32>
      tpu.vector_store_idx %arg15[%add3A_246, %broadcast_in_dim3A_239], %gather3A_243 : memref<64x128xf32, #tpu.memory_space<vmem>>[vector<16xi32>, vector<16xi32>], vector<16xf32>,
      %add3A_247 = arith.constant 16 : i32
      %add3A_248 = vector.broadcast %add3A_247 : i32 to vector<16xi32>
      %add3A_249 = arith.addi %iota3A, %add3A_248 : vector<16xi32>
      %gather3A_250 = tpu.vector_load_idx %arg7[%add3A_249, %broadcast_in_dim3A_234] : memref<64x128xf32, #tpu.memory_space<vmem>>[vector<16xi32>, vector<16xi32>], vector<16xf32>,
      %add3A_251 = arith.constant 16 : i32
      %add3A_252 = vector.broadcast %add3A_251 : i32 to vector<16xi32>
      %add3A_253 = arith.addi %iota3A, %add3A_252 : vector<16xi32>
      tpu.vector_store_idx %arg15[%add3A_253, %broadcast_in_dim3A_239], %gather3A_250 : memref<64x128xf32, #tpu.memory_space<vmem>>[vector<16xi32>, vector<16xi32>], vector<16xf32>,
      %add3A_254 = arith.constant 32 : i32
      %add3A_255 = vector.broadcast %add3A_254 : i32 to vector<16xi32>
      %add3A_256 = arith.addi %iota3A, %add3A_255 : vector<16xi32>
      %gather3A_257 = tpu.vector_load_idx %arg7[%add3A_256, %broadcast_in_dim3A_234] : memref<64x128xf32, #tpu.memory_space<vmem>>[vector<16xi32>, vector<16xi32>], vector<16xf32>,
      %add3A_258 = arith.constant 32 : i32
      %add3A_259 = vector.broadcast %add3A_258 : i32 to vector<16xi32>
      %add3A_260 = arith.addi %iota3A, %add3A_259 : vector<16xi32>
      tpu.vector_store_idx %arg15[%add3A_260, %broadcast_in_dim3A_239], %gather3A_257 : memref<64x128xf32, #tpu.memory_space<vmem>>[vector<16xi32>, vector<16xi32>], vector<16xf32>,
      %add3A_261 = arith.constant 48 : i32
      %add3A_262 = vector.broadcast %add3A_261 : i32 to vector<16xi32>
      %add3A_263 = arith.addi %iota3A, %add3A_262 : vector<16xi32>
      %gather3A_264 = tpu.vector_load_idx %arg7[%add3A_263, %broadcast_in_dim3A_234] : memref<64x128xf32, #tpu.memory_space<vmem>>[vector<16xi32>, vector<16xi32>], vector<16xf32>,
      %add3A_265 = arith.constant 48 : i32
      %add3A_266 = vector.broadcast %add3A_265 : i32 to vector<16xi32>
      %add3A_267 = arith.addi %iota3A, %add3A_266 : vector<16xi32>
      tpu.vector_store_idx %arg15[%add3A_267, %broadcast_in_dim3A_239], %gather3A_264 : memref<64x128xf32, #tpu.memory_space<vmem>>[vector<16xi32>, vector<16xi32>], vector<16xf32>,
      %slice3A_268 = vector.extract_strided_slice %scan3A_158 {offsets = [9], sizes = [1], strides = [1]} : vector<16xi32> to vector<1xi32>
      %squeeze3A_269 = vector.extract %slice3A_268[0] : i32 from vector<1xi32>
      %shift_right_arithmetic3A_270 = arith.constant 7 : i32
      %shift_right_arithmetic3A_271 = arith.shrsi %squeeze3A_269, %shift_right_arithmetic3A_270 : i32
      %mul3A_272 = arith.constant 128 : i32
      %mul3A_273 = arith.muli %shift_right_arithmetic3A_271, %mul3A_272 : i32
      %multiple_of3A_274 = tpu.assume_multiple %mul3A_273, 128 : i32
      %dma_start3A_275 = arith.constant 0 : i32
      %dma_start3A_276 = tpu.memref_slice %arg3[%dma_start3A_275, %multiple_of3A_274] : memref<64x1000000xf32, #tpu.memory_space<hbm>> -> memref<64x128xf32, #tpu.memory_space<hbm>>
      %dma_start3A_277 = arith.constant 0 : i32
      %dma_start3A_278 = tpu.memref_slice %arg3[%dma_start3A_277, %multiple_of3A_274] : memref<64x1000000xf32, #tpu.memory_space<hbm>> -> memref<64x128xf32, #tpu.memory_space<hbm>>
      tpu.enqueue_dma source(%dma_start3A_278 : memref<64x128xf32, #tpu.memory_space<hbm>>) target(%arg7 : memref<64x128xf32, #tpu.memory_space<vmem>>) target_semaphore(%arg19 : memref<!tpu.dma_semaphore, #tpu.memory_space<semaphore_mem>>)
      %slice3A_279 = vector.extract_strided_slice %scan3A_158 {offsets = [2], sizes = [1], strides = [1]} : vector<16xi32> to vector<1xi32>
      %squeeze3A_280 = vector.extract %slice3A_279[0] : i32 from vector<1xi32>
      %dma_wait3A_281 = arith.constant 0 : i32
      %dma_wait3A_282 = arith.constant 0 : i32
      %dma_wait3A_283 = tpu.memref_slice %arg3[%dma_wait3A_281, %dma_wait3A_282] : memref<64x1000000xf32, #tpu.memory_space<hbm>> -> memref<64x128xf32, #tpu.memory_space<hbm>>
      %dma_wait3A_284 = arith.constant 0 : i32
      %dma_wait3A_285 = arith.constant 0 : i32
      %dma_wait3A_286 = tpu.memref_slice %arg3[%dma_wait3A_284, %dma_wait3A_285] : memref<64x1000000xf32, #tpu.memory_space<hbm>> -> memref<64x128xf32, #tpu.memory_space<hbm>>
      tpu.wait_dma2 semaphore(%arg20 : memref<!tpu.dma_semaphore, #tpu.memory_space<semaphore_mem>>) src(%dma_wait3A_286 : memref<64x128xf32, #tpu.memory_space<hbm>>) dst(%arg8 : memref<64x128xf32, #tpu.memory_space<vmem>>)
      %and3A_287 = arith.constant 127 : i32
      %and3A_288 = arith.andi %squeeze3A_280, %and3A_287 : i32
      %broadcast_in_dim3A_289 = vector.broadcast %and3A_288 : i32 to vector<16xi32>
      %mul3A_290 = arith.constant 16 : i32
      %mul3A_291 = arith.muli %add3A_162, %mul3A_290 : i32
      %add3A_292 = arith.constant 2 : i32
      %add3A_293 = arith.addi %mul3A_291, %add3A_292 : i32
      %broadcast_in_dim3A_294 = vector.broadcast %add3A_293 : i32 to vector<16xi32>
      %add3A_295 = arith.constant 0 : i32
      %add3A_296 = vector.broadcast %add3A_295 : i32 to vector<16xi32>
      %add3A_297 = arith.addi %iota3A, %add3A_296 : vector<16xi32>
      %gather3A_298 = tpu.vector_load_idx %arg8[%add3A_297, %broadcast_in_dim3A_289] : memref<64x128xf32, #tpu.memory_space<vmem>>[vector<16xi32>, vector<16xi32>], vector<16xf32>,
      %add3A_299 = arith.constant 0 : i32
      %add3A_300 = vector.broadcast %add3A_299 : i32 to vector<16xi32>
      %add3A_301 = arith.addi %iota3A, %add3A_300 : vector<16xi32>
      tpu.vector_store_idx %arg15[%add3A_301, %broadcast_in_dim3A_294], %gather3A_298 : memref<64x128xf32, #tpu.memory_space<vmem>>[vector<16xi32>, vector<16xi32>], vector<16xf32>,
      %add3A_302 = arith.constant 16 : i32
      %add3A_303 = vector.broadcast %add3A_302 : i32 to vector<16xi32>
      %add3A_304 = arith.addi %iota3A, %add3A_303 : vector<16xi32>
      %gather3A_305 = tpu.vector_load_idx %arg8[%add3A_304, %broadcast_in_dim3A_289] : memref<64x128xf32, #tpu.memory_space<vmem>>[vector<16xi32>, vector<16xi32>], vector<16xf32>,
      %add3A_306 = arith.constant 16 : i32
      %add3A_307 = vector.broadcast %add3A_306 : i32 to vector<16xi32>
      %add3A_308 = arith.addi %iota3A, %add3A_307 : vector<16xi32>
      tpu.vector_store_idx %arg15[%add3A_308, %broadcast_in_dim3A_294], %gather3A_305 : memref<64x128xf32, #tpu.memory_space<vmem>>[vector<16xi32>, vector<16xi32>], vector<16xf32>,
      %add3A_309 = arith.constant 32 : i32
      %add3A_310 = vector.broadcast %add3A_309 : i32 to vector<16xi32>
      %add3A_311 = arith.addi %iota3A, %add3A_310 : vector<16xi32>
      %gather3A_312 = tpu.vector_load_idx %arg8[%add3A_311, %broadcast_in_dim3A_289] : memref<64x128xf32, #tpu.memory_space<vmem>>[vector<16xi32>, vector<16xi32>], vector<16xf32>,
      %add3A_313 = arith.constant 32 : i32
      %add3A_314 = vector.broadcast %add3A_313 : i32 to vector<16xi32>
      %add3A_315 = arith.addi %iota3A, %add3A_314 : vector<16xi32>
      tpu.vector_store_idx %arg15[%add3A_315, %broadcast_in_dim3A_294], %gather3A_312 : memref<64x128xf32, #tpu.memory_space<vmem>>[vector<16xi32>, vector<16xi32>], vector<16xf32>,
      %add3A_316 = arith.constant 48 : i32
      %add3A_317 = vector.broadcast %add3A_316 : i32 to vector<16xi32>
      %add3A_318 = arith.addi %iota3A, %add3A_317 : vector<16xi32>
      %gather3A_319 = tpu.vector_load_idx %arg8[%add3A_318, %broadcast_in_dim3A_289] : memref<64x128xf32, #tpu.memory_space<vmem>>[vector<16xi32>, vector<16xi32>], vector<16xf32>,
      %add3A_320 = arith.constant 48 : i32
      %add3A_321 = vector.broadcast %add3A_320 : i32 to vector<16xi32>
      %add3A_322 = arith.addi %iota3A, %add3A_321 : vector<16xi32>
      tpu.vector_store_idx %arg15[%add3A_322, %broadcast_in_dim3A_294], %gather3A_319 : memref<64x128xf32, #tpu.memory_space<vmem>>[vector<16xi32>, vector<16xi32>], vector<16xf32>,
      %slice3A_323 = vector.extract_strided_slice %scan3A_158 {offsets = [10], sizes = [1], strides = [1]} : vector<16xi32> to vector<1xi32>
      %squeeze3A_324 = vector.extract %slice3A_323[0] : i32 from vector<1xi32>
      %shift_right_arithmetic3A_325 = arith.constant 7 : i32
      %shift_right_arithmetic3A_326 = arith.shrsi %squeeze3A_324, %shift_right_arithmetic3A_325 : i32
      %mul3A_327 = arith.constant 128 : i32
      %mul3A_328 = arith.muli %shift_right_arithmetic3A_326, %mul3A_327 : i32
      %multiple_of3A_329 = tpu.assume_multiple %mul3A_328, 128 : i32
      %dma_start3A_330 = arith.constant 0 : i32
      %dma_start3A_331 = tpu.memref_slice %arg3[%dma_start3A_330, %multiple_of3A_329] : memref<64x1000000xf32, #tpu.memory_space<hbm>> -> memref<64x128xf32, #tpu.memory_space<hbm>>
      %dma_start3A_332 = arith.constant 0 : i32
      %dma_start3A_333 = tpu.memref_slice %arg3[%dma_start3A_332, %multiple_of3A_329] : memref<64x1000000xf32, #tpu.memory_space<hbm>> -> memref<64x128xf32, #tpu.memory_space<hbm>>
      tpu.enqueue_dma source(%dma_start3A_333 : memref<64x128xf32, #tpu.memory_space<hbm>>) target(%arg8 : memref<64x128xf32, #tpu.memory_space<vmem>>) target_semaphore(%arg20 : memref<!tpu.dma_semaphore, #tpu.memory_space<semaphore_mem>>)
      %slice3A_334 = vector.extract_strided_slice %scan3A_158 {offsets = [3], sizes = [1], strides = [1]} : vector<16xi32> to vector<1xi32>
      %squeeze3A_335 = vector.extract %slice3A_334[0] : i32 from vector<1xi32>
      %dma_wait3A_336 = arith.constant 0 : i32
      %dma_wait3A_337 = arith.constant 0 : i32
      %dma_wait3A_338 = tpu.memref_slice %arg3[%dma_wait3A_336, %dma_wait3A_337] : memref<64x1000000xf32, #tpu.memory_space<hbm>> -> memref<64x128xf32, #tpu.memory_space<hbm>>
      %dma_wait3A_339 = arith.constant 0 : i32
      %dma_wait3A_340 = arith.constant 0 : i32
      %dma_wait3A_341 = tpu.memref_slice %arg3[%dma_wait3A_339, %dma_wait3A_340] : memref<64x1000000xf32, #tpu.memory_space<hbm>> -> memref<64x128xf32, #tpu.memory_space<hbm>>
      tpu.wait_dma2 semaphore(%arg21 : memref<!tpu.dma_semaphore, #tpu.memory_space<semaphore_mem>>) src(%dma_wait3A_341 : memref<64x128xf32, #tpu.memory_space<hbm>>) dst(%arg9 : memref<64x128xf32, #tpu.memory_space<vmem>>)
      %and3A_342 = arith.constant 127 : i32
      %and3A_343 = arith.andi %squeeze3A_335, %and3A_342 : i32
      %broadcast_in_dim3A_344 = vector.broadcast %and3A_343 : i32 to vector<16xi32>
      %mul3A_345 = arith.constant 16 : i32
      %mul3A_346 = arith.muli %add3A_162, %mul3A_345 : i32
      %add3A_347 = arith.constant 3 : i32
      %add3A_348 = arith.addi %mul3A_346, %add3A_347 : i32
      %broadcast_in_dim3A_349 = vector.broadcast %add3A_348 : i32 to vector<16xi32>
      %add3A_350 = arith.constant 0 : i32
      %add3A_351 = vector.broadcast %add3A_350 : i32 to vector<16xi32>
      %add3A_352 = arith.addi %iota3A, %add3A_351 : vector<16xi32>
      %gather3A_353 = tpu.vector_load_idx %arg9[%add3A_352, %broadcast_in_dim3A_344] : memref<64x128xf32, #tpu.memory_space<vmem>>[vector<16xi32>, vector<16xi32>], vector<16xf32>,
      %add3A_354 = arith.constant 0 : i32
      %add3A_355 = vector.broadcast %add3A_354 : i32 to vector<16xi32>
      %add3A_356 = arith.addi %iota3A, %add3A_355 : vector<16xi32>
      tpu.vector_store_idx %arg15[%add3A_356, %broadcast_in_dim3A_349], %gather3A_353 : memref<64x128xf32, #tpu.memory_space<vmem>>[vector<16xi32>, vector<16xi32>], vector<16xf32>,
      %add3A_357 = arith.constant 16 : i32
      %add3A_358 = vector.broadcast %add3A_357 : i32 to vector<16xi32>
      %add3A_359 = arith.addi %iota3A, %add3A_358 : vector<16xi32>
      %gather3A_360 = tpu.vector_load_idx %arg9[%add3A_359, %broadcast_in_dim3A_344] : memref<64x128xf32, #tpu.memory_space<vmem>>[vector<16xi32>, vector<16xi32>], vector<16xf32>,
      %add3A_361 = arith.constant 16 : i32
      %add3A_362 = vector.broadcast %add3A_361 : i32 to vector<16xi32>
      %add3A_363 = arith.addi %iota3A, %add3A_362 : vector<16xi32>
      tpu.vector_store_idx %arg15[%add3A_363, %broadcast_in_dim3A_349], %gather3A_360 : memref<64x128xf32, #tpu.memory_space<vmem>>[vector<16xi32>, vector<16xi32>], vector<16xf32>,
      %add3A_364 = arith.constant 32 : i32
      %add3A_365 = vector.broadcast %add3A_364 : i32 to vector<16xi32>
      %add3A_366 = arith.addi %iota3A, %add3A_365 : vector<16xi32>
      %gather3A_367 = tpu.vector_load_idx %arg9[%add3A_366, %broadcast_in_dim3A_344] : memref<64x128xf32, #tpu.memory_space<vmem>>[vector<16xi32>, vector<16xi32>], vector<16xf32>,
      %add3A_368 = arith.constant 32 : i32
      %add3A_369 = vector.broadcast %add3A_368 : i32 to vector<16xi32>
      %add3A_370 = arith.addi %iota3A, %add3A_369 : vector<16xi32>
      tpu.vector_store_idx %arg15[%add3A_370, %broadcast_in_dim3A_349], %gather3A_367 : memref<64x128xf32, #tpu.memory_space<vmem>>[vector<16xi32>, vector<16xi32>], vector<16xf32>,
      %add3A_371 = arith.constant 48 : i32
      %add3A_372 = vector.broadcast %add3A_371 : i32 to vector<16xi32>
      %add3A_373 = arith.addi %iota3A, %add3A_372 : vector<16xi32>
      %gather3A_374 = tpu.vector_load_idx %arg9[%add3A_373, %broadcast_in_dim3A_344] : memref<64x128xf32, #tpu.memory_space<vmem>>[vector<16xi32>, vector<16xi32>], vector<16xf32>,
      %add3A_375 = arith.constant 48 : i32
      %add3A_376 = vector.broadcast %add3A_375 : i32 to vector<16xi32>
      %add3A_377 = arith.addi %iota3A, %add3A_376 : vector<16xi32>
      tpu.vector_store_idx %arg15[%add3A_377, %broadcast_in_dim3A_349], %gather3A_374 : memref<64x128xf32, #tpu.memory_space<vmem>>[vector<16xi32>, vector<16xi32>], vector<16xf32>,
      %slice3A_378 = vector.extract_strided_slice %scan3A_158 {offsets = [11], sizes = [1], strides = [1]} : vector<16xi32> to vector<1xi32>
      %squeeze3A_379 = vector.extract %slice3A_378[0] : i32 from vector<1xi32>
      %shift_right_arithmetic3A_380 = arith.constant 7 : i32
      %shift_right_arithmetic3A_381 = arith.shrsi %squeeze3A_379, %shift_right_arithmetic3A_380 : i32
      %mul3A_382 = arith.constant 128 : i32
      %mul3A_383 = arith.muli %shift_right_arithmetic3A_381, %mul3A_382 : i32
      %multiple_of3A_384 = tpu.assume_multiple %mul3A_383, 128 : i32
      %dma_start3A_385 = arith.constant 0 : i32
      %dma_start3A_386 = tpu.memref_slice %arg3[%dma_start3A_385, %multiple_of3A_384] : memref<64x1000000xf32, #tpu.memory_space<hbm>> -> memref<64x128xf32, #tpu.memory_space<hbm>>
      %dma_start3A_387 = arith.constant 0 : i32
      %dma_start3A_388 = tpu.memref_slice %arg3[%dma_start3A_387, %multiple_of3A_384] : memref<64x1000000xf32, #tpu.memory_space<hbm>> -> memref<64x128xf32, #tpu.memory_space<hbm>>
      tpu.enqueue_dma source(%dma_start3A_388 : memref<64x128xf32, #tpu.memory_space<hbm>>) target(%arg9 : memref<64x128xf32, #tpu.memory_space<vmem>>) target_semaphore(%arg21 : memref<!tpu.dma_semaphore, #tpu.memory_space<semaphore_mem>>)
      %slice3A_389 = vector.extract_strided_slice %scan3A_158 {offsets = [4], sizes = [1], strides = [1]} : vector<16xi32> to vector<1xi32>
      %squeeze3A_390 = vector.extract %slice3A_389[0] : i32 from vector<1xi32>
      %dma_wait3A_391 = arith.constant 0 : i32
      %dma_wait3A_392 = arith.constant 0 : i32
      %dma_wait3A_393 = tpu.memref_slice %arg3[%dma_wait3A_391, %dma_wait3A_392] : memref<64x1000000xf32, #tpu.memory_space<hbm>> -> memref<64x128xf32, #tpu.memory_space<hbm>>
      %dma_wait3A_394 = arith.constant 0 : i32
      %dma_wait3A_395 = arith.constant 0 : i32
      %dma_wait3A_396 = tpu.memref_slice %arg3[%dma_wait3A_394, %dma_wait3A_395] : memref<64x1000000xf32, #tpu.memory_space<hbm>> -> memref<64x128xf32, #tpu.memory_space<hbm>>
      tpu.wait_dma2 semaphore(%arg22 : memref<!tpu.dma_semaphore, #tpu.memory_space<semaphore_mem>>) src(%dma_wait3A_396 : memref<64x128xf32, #tpu.memory_space<hbm>>) dst(%arg10 : memref<64x128xf32, #tpu.memory_space<vmem>>)
      %and3A_397 = arith.constant 127 : i32
      %and3A_398 = arith.andi %squeeze3A_390, %and3A_397 : i32
      %broadcast_in_dim3A_399 = vector.broadcast %and3A_398 : i32 to vector<16xi32>
      %mul3A_400 = arith.constant 16 : i32
      %mul3A_401 = arith.muli %add3A_162, %mul3A_400 : i32
      %add3A_402 = arith.constant 4 : i32
      %add3A_403 = arith.addi %mul3A_401, %add3A_402 : i32
      %broadcast_in_dim3A_404 = vector.broadcast %add3A_403 : i32 to vector<16xi32>
      %add3A_405 = arith.constant 0 : i32
      %add3A_406 = vector.broadcast %add3A_405 : i32 to vector<16xi32>
      %add3A_407 = arith.addi %iota3A, %add3A_406 : vector<16xi32>
      %gather3A_408 = tpu.vector_load_idx %arg10[%add3A_407, %broadcast_in_dim3A_399] : memref<64x128xf32, #tpu.memory_space<vmem>>[vector<16xi32>, vector<16xi32>], vector<16xf32>,
      %add3A_409 = arith.constant 0 : i32
      %add3A_410 = vector.broadcast %add3A_409 : i32 to vector<16xi32>
      %add3A_411 = arith.addi %iota3A, %add3A_410 : vector<16xi32>
      tpu.vector_store_idx %arg15[%add3A_411, %broadcast_in_dim3A_404], %gather3A_408 : memref<64x128xf32, #tpu.memory_space<vmem>>[vector<16xi32>, vector<16xi32>], vector<16xf32>,
      %add3A_412 = arith.constant 16 : i32
      %add3A_413 = vector.broadcast %add3A_412 : i32 to vector<16xi32>
      %add3A_414 = arith.addi %iota3A, %add3A_413 : vector<16xi32>
      %gather3A_415 = tpu.vector_load_idx %arg10[%add3A_414, %broadcast_in_dim3A_399] : memref<64x128xf32, #tpu.memory_space<vmem>>[vector<16xi32>, vector<16xi32>], vector<16xf32>,
      %add3A_416 = arith.constant 16 : i32
      %add3A_417 = vector.broadcast %add3A_416 : i32 to vector<16xi32>
      %add3A_418 = arith.addi %iota3A, %add3A_417 : vector<16xi32>
      tpu.vector_store_idx %arg15[%add3A_418, %broadcast_in_dim3A_404], %gather3A_415 : memref<64x128xf32, #tpu.memory_space<vmem>>[vector<16xi32>, vector<16xi32>], vector<16xf32>,
      %add3A_419 = arith.constant 32 : i32
      %add3A_420 = vector.broadcast %add3A_419 : i32 to vector<16xi32>
      %add3A_421 = arith.addi %iota3A, %add3A_420 : vector<16xi32>
      %gather3A_422 = tpu.vector_load_idx %arg10[%add3A_421, %broadcast_in_dim3A_399] : memref<64x128xf32, #tpu.memory_space<vmem>>[vector<16xi32>, vector<16xi32>], vector<16xf32>,
      %add3A_423 = arith.constant 32 : i32
      %add3A_424 = vector.broadcast %add3A_423 : i32 to vector<16xi32>
      %add3A_425 = arith.addi %iota3A, %add3A_424 : vector<16xi32>
      tpu.vector_store_idx %arg15[%add3A_425, %broadcast_in_dim3A_404], %gather3A_422 : memref<64x128xf32, #tpu.memory_space<vmem>>[vector<16xi32>, vector<16xi32>], vector<16xf32>,
      %add3A_426 = arith.constant 48 : i32
      %add3A_427 = vector.broadcast %add3A_426 : i32 to vector<16xi32>
      %add3A_428 = arith.addi %iota3A, %add3A_427 : vector<16xi32>
      %gather3A_429 = tpu.vector_load_idx %arg10[%add3A_428, %broadcast_in_dim3A_399] : memref<64x128xf32, #tpu.memory_space<vmem>>[vector<16xi32>, vector<16xi32>], vector<16xf32>,
      %add3A_430 = arith.constant 48 : i32
      %add3A_431 = vector.broadcast %add3A_430 : i32 to vector<16xi32>
      %add3A_432 = arith.addi %iota3A, %add3A_431 : vector<16xi32>
      tpu.vector_store_idx %arg15[%add3A_432, %broadcast_in_dim3A_404], %gather3A_429 : memref<64x128xf32, #tpu.memory_space<vmem>>[vector<16xi32>, vector<16xi32>], vector<16xf32>,
      %slice3A_433 = vector.extract_strided_slice %scan3A_158 {offsets = [12], sizes = [1], strides = [1]} : vector<16xi32> to vector<1xi32>
      %squeeze3A_434 = vector.extract %slice3A_433[0] : i32 from vector<1xi32>
      %shift_right_arithmetic3A_435 = arith.constant 7 : i32
      %shift_right_arithmetic3A_436 = arith.shrsi %squeeze3A_434, %shift_right_arithmetic3A_435 : i32
      %mul3A_437 = arith.constant 128 : i32
      %mul3A_438 = arith.muli %shift_right_arithmetic3A_436, %mul3A_437 : i32
      %multiple_of3A_439 = tpu.assume_multiple %mul3A_438, 128 : i32
      %dma_start3A_440 = arith.constant 0 : i32
      %dma_start3A_441 = tpu.memref_slice %arg3[%dma_start3A_440, %multiple_of3A_439] : memref<64x1000000xf32, #tpu.memory_space<hbm>> -> memref<64x128xf32, #tpu.memory_space<hbm>>
      %dma_start3A_442 = arith.constant 0 : i32
      %dma_start3A_443 = tpu.memref_slice %arg3[%dma_start3A_442, %multiple_of3A_439] : memref<64x1000000xf32, #tpu.memory_space<hbm>> -> memref<64x128xf32, #tpu.memory_space<hbm>>
      tpu.enqueue_dma source(%dma_start3A_443 : memref<64x128xf32, #tpu.memory_space<hbm>>) target(%arg10 : memref<64x128xf32, #tpu.memory_space<vmem>>) target_semaphore(%arg22 : memref<!tpu.dma_semaphore, #tpu.memory_space<semaphore_mem>>)
      %slice3A_444 = vector.extract_strided_slice %scan3A_158 {offsets = [5], sizes = [1], strides = [1]} : vector<16xi32> to vector<1xi32>
      %squeeze3A_445 = vector.extract %slice3A_444[0] : i32 from vector<1xi32>
      %dma_wait3A_446 = arith.constant 0 : i32
      %dma_wait3A_447 = arith.constant 0 : i32
      %dma_wait3A_448 = tpu.memref_slice %arg3[%dma_wait3A_446, %dma_wait3A_447] : memref<64x1000000xf32, #tpu.memory_space<hbm>> -> memref<64x128xf32, #tpu.memory_space<hbm>>
      %dma_wait3A_449 = arith.constant 0 : i32
      %dma_wait3A_450 = arith.constant 0 : i32
      %dma_wait3A_451 = tpu.memref_slice %arg3[%dma_wait3A_449, %dma_wait3A_450] : memref<64x1000000xf32, #tpu.memory_space<hbm>> -> memref<64x128xf32, #tpu.memory_space<hbm>>
      tpu.wait_dma2 semaphore(%arg23 : memref<!tpu.dma_semaphore, #tpu.memory_space<semaphore_mem>>) src(%dma_wait3A_451 : memref<64x128xf32, #tpu.memory_space<hbm>>) dst(%arg11 : memref<64x128xf32, #tpu.memory_space<vmem>>)
      %and3A_452 = arith.constant 127 : i32
      %and3A_453 = arith.andi %squeeze3A_445, %and3A_452 : i32
      %broadcast_in_dim3A_454 = vector.broadcast %and3A_453 : i32 to vector<16xi32>
      %mul3A_455 = arith.constant 16 : i32
      %mul3A_456 = arith.muli %add3A_162, %mul3A_455 : i32
      %add3A_457 = arith.constant 5 : i32
      %add3A_458 = arith.addi %mul3A_456, %add3A_457 : i32
      %broadcast_in_dim3A_459 = vector.broadcast %add3A_458 : i32 to vector<16xi32>
      %add3A_460 = arith.constant 0 : i32
      %add3A_461 = vector.broadcast %add3A_460 : i32 to vector<16xi32>
      %add3A_462 = arith.addi %iota3A, %add3A_461 : vector<16xi32>
      %gather3A_463 = tpu.vector_load_idx %arg11[%add3A_462, %broadcast_in_dim3A_454] : memref<64x128xf32, #tpu.memory_space<vmem>>[vector<16xi32>, vector<16xi32>], vector<16xf32>,
      %add3A_464 = arith.constant 0 : i32
      %add3A_465 = vector.broadcast %add3A_464 : i32 to vector<16xi32>
      %add3A_466 = arith.addi %iota3A, %add3A_465 : vector<16xi32>
      tpu.vector_store_idx %arg15[%add3A_466, %broadcast_in_dim3A_459], %gather3A_463 : memref<64x128xf32, #tpu.memory_space<vmem>>[vector<16xi32>, vector<16xi32>], vector<16xf32>,
      %add3A_467 = arith.constant 16 : i32
      %add3A_468 = vector.broadcast %add3A_467 : i32 to vector<16xi32>
      %add3A_469 = arith.addi %iota3A, %add3A_468 : vector<16xi32>
      %gather3A_470 = tpu.vector_load_idx %arg11[%add3A_469, %broadcast_in_dim3A_454] : memref<64x128xf32, #tpu.memory_space<vmem>>[vector<16xi32>, vector<16xi32>], vector<16xf32>,
      %add3A_471 = arith.constant 16 : i32
      %add3A_472 = vector.broadcast %add3A_471 : i32 to vector<16xi32>
      %add3A_473 = arith.addi %iota3A, %add3A_472 : vector<16xi32>
      tpu.vector_store_idx %arg15[%add3A_473, %broadcast_in_dim3A_459], %gather3A_470 : memref<64x128xf32, #tpu.memory_space<vmem>>[vector<16xi32>, vector<16xi32>], vector<16xf32>,
      %add3A_474 = arith.constant 32 : i32
      %add3A_475 = vector.broadcast %add3A_474 : i32 to vector<16xi32>
      %add3A_476 = arith.addi %iota3A, %add3A_475 : vector<16xi32>
      %gather3A_477 = tpu.vector_load_idx %arg11[%add3A_476, %broadcast_in_dim3A_454] : memref<64x128xf32, #tpu.memory_space<vmem>>[vector<16xi32>, vector<16xi32>], vector<16xf32>,
      %add3A_478 = arith.constant 32 : i32
      %add3A_479 = vector.broadcast %add3A_478 : i32 to vector<16xi32>
      %add3A_480 = arith.addi %iota3A, %add3A_479 : vector<16xi32>
      tpu.vector_store_idx %arg15[%add3A_480, %broadcast_in_dim3A_459], %gather3A_477 : memref<64x128xf32, #tpu.memory_space<vmem>>[vector<16xi32>, vector<16xi32>], vector<16xf32>,
      %add3A_481 = arith.constant 48 : i32
      %add3A_482 = vector.broadcast %add3A_481 : i32 to vector<16xi32>
      %add3A_483 = arith.addi %iota3A, %add3A_482 : vector<16xi32>
      %gather3A_484 = tpu.vector_load_idx %arg11[%add3A_483, %broadcast_in_dim3A_454] : memref<64x128xf32, #tpu.memory_space<vmem>>[vector<16xi32>, vector<16xi32>], vector<16xf32>,
      %add3A_485 = arith.constant 48 : i32
      %add3A_486 = vector.broadcast %add3A_485 : i32 to vector<16xi32>
      %add3A_487 = arith.addi %iota3A, %add3A_486 : vector<16xi32>
      tpu.vector_store_idx %arg15[%add3A_487, %broadcast_in_dim3A_459], %gather3A_484 : memref<64x128xf32, #tpu.memory_space<vmem>>[vector<16xi32>, vector<16xi32>], vector<16xf32>,
      %slice3A_488 = vector.extract_strided_slice %scan3A_158 {offsets = [13], sizes = [1], strides = [1]} : vector<16xi32> to vector<1xi32>
      %squeeze3A_489 = vector.extract %slice3A_488[0] : i32 from vector<1xi32>
      %shift_right_arithmetic3A_490 = arith.constant 7 : i32
      %shift_right_arithmetic3A_491 = arith.shrsi %squeeze3A_489, %shift_right_arithmetic3A_490 : i32
      %mul3A_492 = arith.constant 128 : i32
      %mul3A_493 = arith.muli %shift_right_arithmetic3A_491, %mul3A_492 : i32
      %multiple_of3A_494 = tpu.assume_multiple %mul3A_493, 128 : i32
      %dma_start3A_495 = arith.constant 0 : i32
      %dma_start3A_496 = tpu.memref_slice %arg3[%dma_start3A_495, %multiple_of3A_494] : memref<64x1000000xf32, #tpu.memory_space<hbm>> -> memref<64x128xf32, #tpu.memory_space<hbm>>
      %dma_start3A_497 = arith.constant 0 : i32
      %dma_start3A_498 = tpu.memref_slice %arg3[%dma_start3A_497, %multiple_of3A_494] : memref<64x1000000xf32, #tpu.memory_space<hbm>> -> memref<64x128xf32, #tpu.memory_space<hbm>>
      tpu.enqueue_dma source(%dma_start3A_498 : memref<64x128xf32, #tpu.memory_space<hbm>>) target(%arg11 : memref<64x128xf32, #tpu.memory_space<vmem>>) target_semaphore(%arg23 : memref<!tpu.dma_semaphore, #tpu.memory_space<semaphore_mem>>)
      %slice3A_499 = vector.extract_strided_slice %scan3A_158 {offsets = [6], sizes = [1], strides = [1]} : vector<16xi32> to vector<1xi32>
      %squeeze3A_500 = vector.extract %slice3A_499[0] : i32 from vector<1xi32>
      %dma_wait3A_501 = arith.constant 0 : i32
      %dma_wait3A_502 = arith.constant 0 : i32
      %dma_wait3A_503 = tpu.memref_slice %arg3[%dma_wait3A_501, %dma_wait3A_502] : memref<64x1000000xf32, #tpu.memory_space<hbm>> -> memref<64x128xf32, #tpu.memory_space<hbm>>
      %dma_wait3A_504 = arith.constant 0 : i32
      %dma_wait3A_505 = arith.constant 0 : i32
      %dma_wait3A_506 = tpu.memref_slice %arg3[%dma_wait3A_504, %dma_wait3A_505] : memref<64x1000000xf32, #tpu.memory_space<hbm>> -> memref<64x128xf32, #tpu.memory_space<hbm>>
      tpu.wait_dma2 semaphore(%arg24 : memref<!tpu.dma_semaphore, #tpu.memory_space<semaphore_mem>>) src(%dma_wait3A_506 : memref<64x128xf32, #tpu.memory_space<hbm>>) dst(%arg12 : memref<64x128xf32, #tpu.memory_space<vmem>>)
      %and3A_507 = arith.constant 127 : i32
      %and3A_508 = arith.andi %squeeze3A_500, %and3A_507 : i32
      %broadcast_in_dim3A_509 = vector.broadcast %and3A_508 : i32 to vector<16xi32>
      %mul3A_510 = arith.constant 16 : i32
      %mul3A_511 = arith.muli %add3A_162, %mul3A_510 : i32
      %add3A_512 = arith.constant 6 : i32
      %add3A_513 = arith.addi %mul3A_511, %add3A_512 : i32
      %broadcast_in_dim3A_514 = vector.broadcast %add3A_513 : i32 to vector<16xi32>
      %add3A_515 = arith.constant 0 : i32
      %add3A_516 = vector.broadcast %add3A_515 : i32 to vector<16xi32>
      %add3A_517 = arith.addi %iota3A, %add3A_516 : vector<16xi32>
      %gather3A_518 = tpu.vector_load_idx %arg12[%add3A_517, %broadcast_in_dim3A_509] : memref<64x128xf32, #tpu.memory_space<vmem>>[vector<16xi32>, vector<16xi32>], vector<16xf32>,
      %add3A_519 = arith.constant 0 : i32
      %add3A_520 = vector.broadcast %add3A_519 : i32 to vector<16xi32>
      %add3A_521 = arith.addi %iota3A, %add3A_520 : vector<16xi32>
      tpu.vector_store_idx %arg15[%add3A_521, %broadcast_in_dim3A_514], %gather3A_518 : memref<64x128xf32, #tpu.memory_space<vmem>>[vector<16xi32>, vector<16xi32>], vector<16xf32>,
      %add3A_522 = arith.constant 16 : i32
      %add3A_523 = vector.broadcast %add3A_522 : i32 to vector<16xi32>
      %add3A_524 = arith.addi %iota3A, %add3A_523 : vector<16xi32>
      %gather3A_525 = tpu.vector_load_idx %arg12[%add3A_524, %broadcast_in_dim3A_509] : memref<64x128xf32, #tpu.memory_space<vmem>>[vector<16xi32>, vector<16xi32>], vector<16xf32>,
      %add3A_526 = arith.constant 16 : i32
      %add3A_527 = vector.broadcast %add3A_526 : i32 to vector<16xi32>
      %add3A_528 = arith.addi %iota3A, %add3A_527 : vector<16xi32>
      tpu.vector_store_idx %arg15[%add3A_528, %broadcast_in_dim3A_514], %gather3A_525 : memref<64x128xf32, #tpu.memory_space<vmem>>[vector<16xi32>, vector<16xi32>], vector<16xf32>,
      %add3A_529 = arith.constant 32 : i32
      %add3A_530 = vector.broadcast %add3A_529 : i32 to vector<16xi32>
      %add3A_531 = arith.addi %iota3A, %add3A_530 : vector<16xi32>
      %gather3A_532 = tpu.vector_load_idx %arg12[%add3A_531, %broadcast_in_dim3A_509] : memref<64x128xf32, #tpu.memory_space<vmem>>[vector<16xi32>, vector<16xi32>], vector<16xf32>,
      %add3A_533 = arith.constant 32 : i32
      %add3A_534 = vector.broadcast %add3A_533 : i32 to vector<16xi32>
      %add3A_535 = arith.addi %iota3A, %add3A_534 : vector<16xi32>
      tpu.vector_store_idx %arg15[%add3A_535, %broadcast_in_dim3A_514], %gather3A_532 : memref<64x128xf32, #tpu.memory_space<vmem>>[vector<16xi32>, vector<16xi32>], vector<16xf32>,
      %add3A_536 = arith.constant 48 : i32
      %add3A_537 = vector.broadcast %add3A_536 : i32 to vector<16xi32>
      %add3A_538 = arith.addi %iota3A, %add3A_537 : vector<16xi32>
      %gather3A_539 = tpu.vector_load_idx %arg12[%add3A_538, %broadcast_in_dim3A_509] : memref<64x128xf32, #tpu.memory_space<vmem>>[vector<16xi32>, vector<16xi32>], vector<16xf32>,
      %add3A_540 = arith.constant 48 : i32
      %add3A_541 = vector.broadcast %add3A_540 : i32 to vector<16xi32>
      %add3A_542 = arith.addi %iota3A, %add3A_541 : vector<16xi32>
      tpu.vector_store_idx %arg15[%add3A_542, %broadcast_in_dim3A_514], %gather3A_539 : memref<64x128xf32, #tpu.memory_space<vmem>>[vector<16xi32>, vector<16xi32>], vector<16xf32>,
      %slice3A_543 = vector.extract_strided_slice %scan3A_158 {offsets = [14], sizes = [1], strides = [1]} : vector<16xi32> to vector<1xi32>
      %squeeze3A_544 = vector.extract %slice3A_543[0] : i32 from vector<1xi32>
      %shift_right_arithmetic3A_545 = arith.constant 7 : i32
      %shift_right_arithmetic3A_546 = arith.shrsi %squeeze3A_544, %shift_right_arithmetic3A_545 : i32
      %mul3A_547 = arith.constant 128 : i32
      %mul3A_548 = arith.muli %shift_right_arithmetic3A_546, %mul3A_547 : i32
      %multiple_of3A_549 = tpu.assume_multiple %mul3A_548, 128 : i32
      %dma_start3A_550 = arith.constant 0 : i32
      %dma_start3A_551 = tpu.memref_slice %arg3[%dma_start3A_550, %multiple_of3A_549] : memref<64x1000000xf32, #tpu.memory_space<hbm>> -> memref<64x128xf32, #tpu.memory_space<hbm>>
      %dma_start3A_552 = arith.constant 0 : i32
      %dma_start3A_553 = tpu.memref_slice %arg3[%dma_start3A_552, %multiple_of3A_549] : memref<64x1000000xf32, #tpu.memory_space<hbm>> -> memref<64x128xf32, #tpu.memory_space<hbm>>
      tpu.enqueue_dma source(%dma_start3A_553 : memref<64x128xf32, #tpu.memory_space<hbm>>) target(%arg12 : memref<64x128xf32, #tpu.memory_space<vmem>>) target_semaphore(%arg24 : memref<!tpu.dma_semaphore, #tpu.memory_space<semaphore_mem>>)
      %slice3A_554 = vector.extract_strided_slice %scan3A_158 {offsets = [7], sizes = [1], strides = [1]} : vector<16xi32> to vector<1xi32>
      %squeeze3A_555 = vector.extract %slice3A_554[0] : i32 from vector<1xi32>
      %dma_wait3A_556 = arith.constant 0 : i32
      %dma_wait3A_557 = arith.constant 0 : i32
      %dma_wait3A_558 = tpu.memref_slice %arg3[%dma_wait3A_556, %dma_wait3A_557] : memref<64x1000000xf32, #tpu.memory_space<hbm>> -> memref<64x128xf32, #tpu.memory_space<hbm>>
      %dma_wait3A_559 = arith.constant 0 : i32
      %dma_wait3A_560 = arith.constant 0 : i32
      %dma_wait3A_561 = tpu.memref_slice %arg3[%dma_wait3A_559, %dma_wait3A_560] : memref<64x1000000xf32, #tpu.memory_space<hbm>> -> memref<64x128xf32, #tpu.memory_space<hbm>>
      tpu.wait_dma2 semaphore(%arg25 : memref<!tpu.dma_semaphore, #tpu.memory_space<semaphore_mem>>) src(%dma_wait3A_561 : memref<64x128xf32, #tpu.memory_space<hbm>>) dst(%arg13 : memref<64x128xf32, #tpu.memory_space<vmem>>)
      %and3A_562 = arith.constant 127 : i32
      %and3A_563 = arith.andi %squeeze3A_555, %and3A_562 : i32
      %broadcast_in_dim3A_564 = vector.broadcast %and3A_563 : i32 to vector<16xi32>
      %mul3A_565 = arith.constant 16 : i32
      %mul3A_566 = arith.muli %add3A_162, %mul3A_565 : i32
      %add3A_567 = arith.constant 7 : i32
      %add3A_568 = arith.addi %mul3A_566, %add3A_567 : i32
      %broadcast_in_dim3A_569 = vector.broadcast %add3A_568 : i32 to vector<16xi32>
      %add3A_570 = arith.constant 0 : i32
      %add3A_571 = vector.broadcast %add3A_570 : i32 to vector<16xi32>
      %add3A_572 = arith.addi %iota3A, %add3A_571 : vector<16xi32>
      %gather3A_573 = tpu.vector_load_idx %arg13[%add3A_572, %broadcast_in_dim3A_564] : memref<64x128xf32, #tpu.memory_space<vmem>>[vector<16xi32>, vector<16xi32>], vector<16xf32>,
      %add3A_574 = arith.constant 0 : i32
      %add3A_575 = vector.broadcast %add3A_574 : i32 to vector<16xi32>
      %add3A_576 = arith.addi %iota3A, %add3A_575 : vector<16xi32>
      tpu.vector_store_idx %arg15[%add3A_576, %broadcast_in_dim3A_569], %gather3A_573 : memref<64x128xf32, #tpu.memory_space<vmem>>[vector<16xi32>, vector<16xi32>], vector<16xf32>,
      %add3A_577 = arith.constant 16 : i32
      %add3A_578 = vector.broadcast %add3A_577 : i32 to vector<16xi32>
      %add3A_579 = arith.addi %iota3A, %add3A_578 : vector<16xi32>
      %gather3A_580 = tpu.vector_load_idx %arg13[%add3A_579, %broadcast_in_dim3A_564] : memref<64x128xf32, #tpu.memory_space<vmem>>[vector<16xi32>, vector<16xi32>], vector<16xf32>,
      %add3A_581 = arith.constant 16 : i32
      %add3A_582 = vector.broadcast %add3A_581 : i32 to vector<16xi32>
      %add3A_583 = arith.addi %iota3A, %add3A_582 : vector<16xi32>
      tpu.vector_store_idx %arg15[%add3A_583, %broadcast_in_dim3A_569], %gather3A_580 : memref<64x128xf32, #tpu.memory_space<vmem>>[vector<16xi32>, vector<16xi32>], vector<16xf32>,
      %add3A_584 = arith.constant 32 : i32
      %add3A_585 = vector.broadcast %add3A_584 : i32 to vector<16xi32>
      %add3A_586 = arith.addi %iota3A, %add3A_585 : vector<16xi32>
      %gather3A_587 = tpu.vector_load_idx %arg13[%add3A_586, %broadcast_in_dim3A_564] : memref<64x128xf32, #tpu.memory_space<vmem>>[vector<16xi32>, vector<16xi32>], vector<16xf32>,
      %add3A_588 = arith.constant 32 : i32
      %add3A_589 = vector.broadcast %add3A_588 : i32 to vector<16xi32>
      %add3A_590 = arith.addi %iota3A, %add3A_589 : vector<16xi32>
      tpu.vector_store_idx %arg15[%add3A_590, %broadcast_in_dim3A_569], %gather3A_587 : memref<64x128xf32, #tpu.memory_space<vmem>>[vector<16xi32>, vector<16xi32>], vector<16xf32>,
      %add3A_591 = arith.constant 48 : i32
      %add3A_592 = vector.broadcast %add3A_591 : i32 to vector<16xi32>
      %add3A_593 = arith.addi %iota3A, %add3A_592 : vector<16xi32>
      %gather3A_594 = tpu.vector_load_idx %arg13[%add3A_593, %broadcast_in_dim3A_564] : memref<64x128xf32, #tpu.memory_space<vmem>>[vector<16xi32>, vector<16xi32>], vector<16xf32>,
      %add3A_595 = arith.constant 48 : i32
      %add3A_596 = vector.broadcast %add3A_595 : i32 to vector<16xi32>
      %add3A_597 = arith.addi %iota3A, %add3A_596 : vector<16xi32>
      tpu.vector_store_idx %arg15[%add3A_597, %broadcast_in_dim3A_569], %gather3A_594 : memref<64x128xf32, #tpu.memory_space<vmem>>[vector<16xi32>, vector<16xi32>], vector<16xf32>,
      %slice3A_598 = vector.extract_strided_slice %scan3A_158 {offsets = [15], sizes = [1], strides = [1]} : vector<16xi32> to vector<1xi32>
      %squeeze3A_599 = vector.extract %slice3A_598[0] : i32 from vector<1xi32>
      %shift_right_arithmetic3A_600 = arith.constant 7 : i32
      %shift_right_arithmetic3A_601 = arith.shrsi %squeeze3A_599, %shift_right_arithmetic3A_600 : i32
      %mul3A_602 = arith.constant 128 : i32
      %mul3A_603 = arith.muli %shift_right_arithmetic3A_601, %mul3A_602 : i32
      %multiple_of3A_604 = tpu.assume_multiple %mul3A_603, 128 : i32
      %dma_start3A_605 = arith.constant 0 : i32
      %dma_start3A_606 = tpu.memref_slice %arg3[%dma_start3A_605, %multiple_of3A_604] : memref<64x1000000xf32, #tpu.memory_space<hbm>> -> memref<64x128xf32, #tpu.memory_space<hbm>>
      %dma_start3A_607 = arith.constant 0 : i32
      %dma_start3A_608 = tpu.memref_slice %arg3[%dma_start3A_607, %multiple_of3A_604] : memref<64x1000000xf32, #tpu.memory_space<hbm>> -> memref<64x128xf32, #tpu.memory_space<hbm>>
      tpu.enqueue_dma source(%dma_start3A_608 : memref<64x128xf32, #tpu.memory_space<hbm>>) target(%arg13 : memref<64x128xf32, #tpu.memory_space<vmem>>) target_semaphore(%arg25 : memref<!tpu.dma_semaphore, #tpu.memory_space<semaphore_mem>>)
      %slice3A_609 = vector.extract_strided_slice %scan3A_158 {offsets = [8], sizes = [1], strides = [1]} : vector<16xi32> to vector<1xi32>
      %squeeze3A_610 = vector.extract %slice3A_609[0] : i32 from vector<1xi32>
      %dma_wait3A_611 = arith.constant 0 : i32
      %dma_wait3A_612 = arith.constant 0 : i32
      %dma_wait3A_613 = tpu.memref_slice %arg3[%dma_wait3A_611, %dma_wait3A_612] : memref<64x1000000xf32, #tpu.memory_space<hbm>> -> memref<64x128xf32, #tpu.memory_space<hbm>>
      %dma_wait3A_614 = arith.constant 0 : i32
      %dma_wait3A_615 = arith.constant 0 : i32
      %dma_wait3A_616 = tpu.memref_slice %arg3[%dma_wait3A_614, %dma_wait3A_615] : memref<64x1000000xf32, #tpu.memory_space<hbm>> -> memref<64x128xf32, #tpu.memory_space<hbm>>
      tpu.wait_dma2 semaphore(%arg18 : memref<!tpu.dma_semaphore, #tpu.memory_space<semaphore_mem>>) src(%dma_wait3A_616 : memref<64x128xf32, #tpu.memory_space<hbm>>) dst(%arg6 : memref<64x128xf32, #tpu.memory_space<vmem>>)
      %and3A_617 = arith.constant 127 : i32
      %and3A_618 = arith.andi %squeeze3A_610, %and3A_617 : i32
      %broadcast_in_dim3A_619 = vector.broadcast %and3A_618 : i32 to vector<16xi32>
      %mul3A_620 = arith.constant 16 : i32
      %mul3A_621 = arith.muli %add3A_162, %mul3A_620 : i32
      %add3A_622 = arith.constant 8 : i32
      %add3A_623 = arith.addi %mul3A_621, %add3A_622 : i32
      %broadcast_in_dim3A_624 = vector.broadcast %add3A_623 : i32 to vector<16xi32>
      %add3A_625 = arith.constant 0 : i32
      %add3A_626 = vector.broadcast %add3A_625 : i32 to vector<16xi32>
      %add3A_627 = arith.addi %iota3A, %add3A_626 : vector<16xi32>
      %gather3A_628 = tpu.vector_load_idx %arg6[%add3A_627, %broadcast_in_dim3A_619] : memref<64x128xf32, #tpu.memory_space<vmem>>[vector<16xi32>, vector<16xi32>], vector<16xf32>,
      %add3A_629 = arith.constant 0 : i32
      %add3A_630 = vector.broadcast %add3A_629 : i32 to vector<16xi32>
      %add3A_631 = arith.addi %iota3A, %add3A_630 : vector<16xi32>
      tpu.vector_store_idx %arg15[%add3A_631, %broadcast_in_dim3A_624], %gather3A_628 : memref<64x128xf32, #tpu.memory_space<vmem>>[vector<16xi32>, vector<16xi32>], vector<16xf32>,
      %add3A_632 = arith.constant 16 : i32
      %add3A_633 = vector.broadcast %add3A_632 : i32 to vector<16xi32>
      %add3A_634 = arith.addi %iota3A, %add3A_633 : vector<16xi32>
      %gather3A_635 = tpu.vector_load_idx %arg6[%add3A_634, %broadcast_in_dim3A_619] : memref<64x128xf32, #tpu.memory_space<vmem>>[vector<16xi32>, vector<16xi32>], vector<16xf32>,
      %add3A_636 = arith.constant 16 : i32
      %add3A_637 = vector.broadcast %add3A_636 : i32 to vector<16xi32>
      %add3A_638 = arith.addi %iota3A, %add3A_637 : vector<16xi32>
      tpu.vector_store_idx %arg15[%add3A_638, %broadcast_in_dim3A_624], %gather3A_635 : memref<64x128xf32, #tpu.memory_space<vmem>>[vector<16xi32>, vector<16xi32>], vector<16xf32>,
      %add3A_639 = arith.constant 32 : i32
      %add3A_640 = vector.broadcast %add3A_639 : i32 to vector<16xi32>
      %add3A_641 = arith.addi %iota3A, %add3A_640 : vector<16xi32>
      %gather3A_642 = tpu.vector_load_idx %arg6[%add3A_641, %broadcast_in_dim3A_619] : memref<64x128xf32, #tpu.memory_space<vmem>>[vector<16xi32>, vector<16xi32>], vector<16xf32>,
      %add3A_643 = arith.constant 32 : i32
      %add3A_644 = vector.broadcast %add3A_643 : i32 to vector<16xi32>
      %add3A_645 = arith.addi %iota3A, %add3A_644 : vector<16xi32>
      tpu.vector_store_idx %arg15[%add3A_645, %broadcast_in_dim3A_624], %gather3A_642 : memref<64x128xf32, #tpu.memory_space<vmem>>[vector<16xi32>, vector<16xi32>], vector<16xf32>,
      %add3A_646 = arith.constant 48 : i32
      %add3A_647 = vector.broadcast %add3A_646 : i32 to vector<16xi32>
      %add3A_648 = arith.addi %iota3A, %add3A_647 : vector<16xi32>
      %gather3A_649 = tpu.vector_load_idx %arg6[%add3A_648, %broadcast_in_dim3A_619] : memref<64x128xf32, #tpu.memory_space<vmem>>[vector<16xi32>, vector<16xi32>], vector<16xf32>,
      %add3A_650 = arith.constant 48 : i32
      %add3A_651 = vector.broadcast %add3A_650 : i32 to vector<16xi32>
      %add3A_652 = arith.addi %iota3A, %add3A_651 : vector<16xi32>
      tpu.vector_store_idx %arg15[%add3A_652, %broadcast_in_dim3A_624], %gather3A_649 : memref<64x128xf32, #tpu.memory_space<vmem>>[vector<16xi32>, vector<16xi32>], vector<16xf32>,
      %lt3A = arith.constant 31 : i32
      %lt3A_653 = arith.cmpi slt, %add3A_164, %lt3A : i32
      %convert_element_type3A = arith.extui %lt3A_653 : i1 to i32
      %cond3A = arith.constant 0 : i32
      %cond3A_654 = arith.cmpi ne, %convert_element_type3A, %cond3A : i32
      scf.if %cond3A_654 {
        %slice3A_998 = vector.extract_strided_slice %get3A_171 {offsets = [0], sizes = [1], strides = [1]} : vector<16xi32> to vector<1xi32>
        %squeeze3A_999 = vector.extract %slice3A_998[0] : i32 from vector<1xi32>
        %shift_right_arithmetic3A_1000 = arith.constant 7 : i32
        %shift_right_arithmetic3A_1001 = arith.shrsi %squeeze3A_999, %shift_right_arithmetic3A_1000 : i32
        %mul3A_1002 = arith.constant 128 : i32
        %mul3A_1003 = arith.muli %shift_right_arithmetic3A_1001, %mul3A_1002 : i32
        %multiple_of3A_1004 = tpu.assume_multiple %mul3A_1003, 128 : i32
        %dma_start3A_1005 = arith.constant 0 : i32
        %dma_start3A_1006 = tpu.memref_slice %arg3[%dma_start3A_1005, %multiple_of3A_1004] : memref<64x1000000xf32, #tpu.memory_space<hbm>> -> memref<64x128xf32, #tpu.memory_space<hbm>>
        %dma_start3A_1007 = arith.constant 0 : i32
        %dma_start3A_1008 = tpu.memref_slice %arg3[%dma_start3A_1007, %multiple_of3A_1004] : memref<64x1000000xf32, #tpu.memory_space<hbm>> -> memref<64x128xf32, #tpu.memory_space<hbm>>
        tpu.enqueue_dma source(%dma_start3A_1008 : memref<64x128xf32, #tpu.memory_space<hbm>>) target(%arg6 : memref<64x128xf32, #tpu.memory_space<vmem>>) target_semaphore(%arg18 : memref<!tpu.dma_semaphore, #tpu.memory_space<semaphore_mem>>)
      } else {
      }
      %slice3A_655 = vector.extract_strided_slice %scan3A_158 {offsets = [9], sizes = [1], strides = [1]} : vector<16xi32> to vector<1xi32>
      %squeeze3A_656 = vector.extract %slice3A_655[0] : i32 from vector<1xi32>
      %dma_wait3A_657 = arith.constant 0 : i32
      %dma_wait3A_658 = arith.constant 0 : i32
      %dma_wait3A_659 = tpu.memref_slice %arg3[%dma_wait3A_657, %dma_wait3A_658] : memref<64x1000000xf32, #tpu.memory_space<hbm>> -> memref<64x128xf32, #tpu.memory_space<hbm>>
      %dma_wait3A_660 = arith.constant 0 : i32
      %dma_wait3A_661 = arith.constant 0 : i32
      %dma_wait3A_662 = tpu.memref_slice %arg3[%dma_wait3A_660, %dma_wait3A_661] : memref<64x1000000xf32, #tpu.memory_space<hbm>> -> memref<64x128xf32, #tpu.memory_space<hbm>>
      tpu.wait_dma2 semaphore(%arg19 : memref<!tpu.dma_semaphore, #tpu.memory_space<semaphore_mem>>) src(%dma_wait3A_662 : memref<64x128xf32, #tpu.memory_space<hbm>>) dst(%arg7 : memref<64x128xf32, #tpu.memory_space<vmem>>)
      %and3A_663 = arith.constant 127 : i32
      %and3A_664 = arith.andi %squeeze3A_656, %and3A_663 : i32
      %broadcast_in_dim3A_665 = vector.broadcast %and3A_664 : i32 to vector<16xi32>
      %mul3A_666 = arith.constant 16 : i32
      %mul3A_667 = arith.muli %add3A_162, %mul3A_666 : i32
      %add3A_668 = arith.constant 9 : i32
      %add3A_669 = arith.addi %mul3A_667, %add3A_668 : i32
      %broadcast_in_dim3A_670 = vector.broadcast %add3A_669 : i32 to vector<16xi32>
      %add3A_671 = arith.constant 0 : i32
      %add3A_672 = vector.broadcast %add3A_671 : i32 to vector<16xi32>
      %add3A_673 = arith.addi %iota3A, %add3A_672 : vector<16xi32>
      %gather3A_674 = tpu.vector_load_idx %arg7[%add3A_673, %broadcast_in_dim3A_665] : memref<64x128xf32, #tpu.memory_space<vmem>>[vector<16xi32>, vector<16xi32>], vector<16xf32>,
      %add3A_675 = arith.constant 0 : i32
      %add3A_676 = vector.broadcast %add3A_675 : i32 to vector<16xi32>
      %add3A_677 = arith.addi %iota3A, %add3A_676 : vector<16xi32>
      tpu.vector_store_idx %arg15[%add3A_677, %broadcast_in_dim3A_670], %gather3A_674 : memref<64x128xf32, #tpu.memory_space<vmem>>[vector<16xi32>, vector<16xi32>], vector<16xf32>,
      %add3A_678 = arith.constant 16 : i32
      %add3A_679 = vector.broadcast %add3A_678 : i32 to vector<16xi32>
      %add3A_680 = arith.addi %iota3A, %add3A_679 : vector<16xi32>
      %gather3A_681 = tpu.vector_load_idx %arg7[%add3A_680, %broadcast_in_dim3A_665] : memref<64x128xf32, #tpu.memory_space<vmem>>[vector<16xi32>, vector<16xi32>], vector<16xf32>,
      %add3A_682 = arith.constant 16 : i32
      %add3A_683 = vector.broadcast %add3A_682 : i32 to vector<16xi32>
      %add3A_684 = arith.addi %iota3A, %add3A_683 : vector<16xi32>
      tpu.vector_store_idx %arg15[%add3A_684, %broadcast_in_dim3A_670], %gather3A_681 : memref<64x128xf32, #tpu.memory_space<vmem>>[vector<16xi32>, vector<16xi32>], vector<16xf32>,
      %add3A_685 = arith.constant 32 : i32
      %add3A_686 = vector.broadcast %add3A_685 : i32 to vector<16xi32>
      %add3A_687 = arith.addi %iota3A, %add3A_686 : vector<16xi32>
      %gather3A_688 = tpu.vector_load_idx %arg7[%add3A_687, %broadcast_in_dim3A_665] : memref<64x128xf32, #tpu.memory_space<vmem>>[vector<16xi32>, vector<16xi32>], vector<16xf32>,
      %add3A_689 = arith.constant 32 : i32
      %add3A_690 = vector.broadcast %add3A_689 : i32 to vector<16xi32>
      %add3A_691 = arith.addi %iota3A, %add3A_690 : vector<16xi32>
      tpu.vector_store_idx %arg15[%add3A_691, %broadcast_in_dim3A_670], %gather3A_688 : memref<64x128xf32, #tpu.memory_space<vmem>>[vector<16xi32>, vector<16xi32>], vector<16xf32>,
      %add3A_692 = arith.constant 48 : i32
      %add3A_693 = vector.broadcast %add3A_692 : i32 to vector<16xi32>
      %add3A_694 = arith.addi %iota3A, %add3A_693 : vector<16xi32>
      %gather3A_695 = tpu.vector_load_idx %arg7[%add3A_694, %broadcast_in_dim3A_665] : memref<64x128xf32, #tpu.memory_space<vmem>>[vector<16xi32>, vector<16xi32>], vector<16xf32>,
      %add3A_696 = arith.constant 48 : i32
      %add3A_697 = vector.broadcast %add3A_696 : i32 to vector<16xi32>
      %add3A_698 = arith.addi %iota3A, %add3A_697 : vector<16xi32>
      tpu.vector_store_idx %arg15[%add3A_698, %broadcast_in_dim3A_670], %gather3A_695 : memref<64x128xf32, #tpu.memory_space<vmem>>[vector<16xi32>, vector<16xi32>], vector<16xf32>,
      %lt3A_699 = arith.constant 31 : i32
      %lt3A_700 = arith.cmpi slt, %add3A_164, %lt3A_699 : i32
      %convert_element_type3A_701 = arith.extui %lt3A_700 : i1 to i32
      %cond3A_702 = arith.constant 0 : i32
      %cond3A_703 = arith.cmpi ne, %convert_element_type3A_701, %cond3A_702 : i32
      scf.if %cond3A_703 {
        %slice3A_998 = vector.extract_strided_slice %get3A_171 {offsets = [1], sizes = [1], strides = [1]} : vector<16xi32> to vector<1xi32>
        %squeeze3A_999 = vector.extract %slice3A_998[0] : i32 from vector<1xi32>
        %shift_right_arithmetic3A_1000 = arith.constant 7 : i32
        %shift_right_arithmetic3A_1001 = arith.shrsi %squeeze3A_999, %shift_right_arithmetic3A_1000 : i32
        %mul3A_1002 = arith.constant 128 : i32
        %mul3A_1003 = arith.muli %shift_right_arithmetic3A_1001, %mul3A_1002 : i32
        %multiple_of3A_1004 = tpu.assume_multiple %mul3A_1003, 128 : i32
        %dma_start3A_1005 = arith.constant 0 : i32
        %dma_start3A_1006 = tpu.memref_slice %arg3[%dma_start3A_1005, %multiple_of3A_1004] : memref<64x1000000xf32, #tpu.memory_space<hbm>> -> memref<64x128xf32, #tpu.memory_space<hbm>>
        %dma_start3A_1007 = arith.constant 0 : i32
        %dma_start3A_1008 = tpu.memref_slice %arg3[%dma_start3A_1007, %multiple_of3A_1004] : memref<64x1000000xf32, #tpu.memory_space<hbm>> -> memref<64x128xf32, #tpu.memory_space<hbm>>
        tpu.enqueue_dma source(%dma_start3A_1008 : memref<64x128xf32, #tpu.memory_space<hbm>>) target(%arg7 : memref<64x128xf32, #tpu.memory_space<vmem>>) target_semaphore(%arg19 : memref<!tpu.dma_semaphore, #tpu.memory_space<semaphore_mem>>)
      } else {
      }
      %slice3A_704 = vector.extract_strided_slice %scan3A_158 {offsets = [10], sizes = [1], strides = [1]} : vector<16xi32> to vector<1xi32>
      %squeeze3A_705 = vector.extract %slice3A_704[0] : i32 from vector<1xi32>
      %dma_wait3A_706 = arith.constant 0 : i32
      %dma_wait3A_707 = arith.constant 0 : i32
      %dma_wait3A_708 = tpu.memref_slice %arg3[%dma_wait3A_706, %dma_wait3A_707] : memref<64x1000000xf32, #tpu.memory_space<hbm>> -> memref<64x128xf32, #tpu.memory_space<hbm>>
      %dma_wait3A_709 = arith.constant 0 : i32
      %dma_wait3A_710 = arith.constant 0 : i32
      %dma_wait3A_711 = tpu.memref_slice %arg3[%dma_wait3A_709, %dma_wait3A_710] : memref<64x1000000xf32, #tpu.memory_space<hbm>> -> memref<64x128xf32, #tpu.memory_space<hbm>>
      tpu.wait_dma2 semaphore(%arg20 : memref<!tpu.dma_semaphore, #tpu.memory_space<semaphore_mem>>) src(%dma_wait3A_711 : memref<64x128xf32, #tpu.memory_space<hbm>>) dst(%arg8 : memref<64x128xf32, #tpu.memory_space<vmem>>)
      %and3A_712 = arith.constant 127 : i32
      %and3A_713 = arith.andi %squeeze3A_705, %and3A_712 : i32
      %broadcast_in_dim3A_714 = vector.broadcast %and3A_713 : i32 to vector<16xi32>
      %mul3A_715 = arith.constant 16 : i32
      %mul3A_716 = arith.muli %add3A_162, %mul3A_715 : i32
      %add3A_717 = arith.constant 10 : i32
      %add3A_718 = arith.addi %mul3A_716, %add3A_717 : i32
      %broadcast_in_dim3A_719 = vector.broadcast %add3A_718 : i32 to vector<16xi32>
      %add3A_720 = arith.constant 0 : i32
      %add3A_721 = vector.broadcast %add3A_720 : i32 to vector<16xi32>
      %add3A_722 = arith.addi %iota3A, %add3A_721 : vector<16xi32>
      %gather3A_723 = tpu.vector_load_idx %arg8[%add3A_722, %broadcast_in_dim3A_714] : memref<64x128xf32, #tpu.memory_space<vmem>>[vector<16xi32>, vector<16xi32>], vector<16xf32>,
      %add3A_724 = arith.constant 0 : i32
      %add3A_725 = vector.broadcast %add3A_724 : i32 to vector<16xi32>
      %add3A_726 = arith.addi %iota3A, %add3A_725 : vector<16xi32>
      tpu.vector_store_idx %arg15[%add3A_726, %broadcast_in_dim3A_719], %gather3A_723 : memref<64x128xf32, #tpu.memory_space<vmem>>[vector<16xi32>, vector<16xi32>], vector<16xf32>,
      %add3A_727 = arith.constant 16 : i32
      %add3A_728 = vector.broadcast %add3A_727 : i32 to vector<16xi32>
      %add3A_729 = arith.addi %iota3A, %add3A_728 : vector<16xi32>
      %gather3A_730 = tpu.vector_load_idx %arg8[%add3A_729, %broadcast_in_dim3A_714] : memref<64x128xf32, #tpu.memory_space<vmem>>[vector<16xi32>, vector<16xi32>], vector<16xf32>,
      %add3A_731 = arith.constant 16 : i32
      %add3A_732 = vector.broadcast %add3A_731 : i32 to vector<16xi32>
      %add3A_733 = arith.addi %iota3A, %add3A_732 : vector<16xi32>
      tpu.vector_store_idx %arg15[%add3A_733, %broadcast_in_dim3A_719], %gather3A_730 : memref<64x128xf32, #tpu.memory_space<vmem>>[vector<16xi32>, vector<16xi32>], vector<16xf32>,
      %add3A_734 = arith.constant 32 : i32
      %add3A_735 = vector.broadcast %add3A_734 : i32 to vector<16xi32>
      %add3A_736 = arith.addi %iota3A, %add3A_735 : vector<16xi32>
      %gather3A_737 = tpu.vector_load_idx %arg8[%add3A_736, %broadcast_in_dim3A_714] : memref<64x128xf32, #tpu.memory_space<vmem>>[vector<16xi32>, vector<16xi32>], vector<16xf32>,
      %add3A_738 = arith.constant 32 : i32
      %add3A_739 = vector.broadcast %add3A_738 : i32 to vector<16xi32>
      %add3A_740 = arith.addi %iota3A, %add3A_739 : vector<16xi32>
      tpu.vector_store_idx %arg15[%add3A_740, %broadcast_in_dim3A_719], %gather3A_737 : memref<64x128xf32, #tpu.memory_space<vmem>>[vector<16xi32>, vector<16xi32>], vector<16xf32>,
      %add3A_741 = arith.constant 48 : i32
      %add3A_742 = vector.broadcast %add3A_741 : i32 to vector<16xi32>
      %add3A_743 = arith.addi %iota3A, %add3A_742 : vector<16xi32>
      %gather3A_744 = tpu.vector_load_idx %arg8[%add3A_743, %broadcast_in_dim3A_714] : memref<64x128xf32, #tpu.memory_space<vmem>>[vector<16xi32>, vector<16xi32>], vector<16xf32>,
      %add3A_745 = arith.constant 48 : i32
      %add3A_746 = vector.broadcast %add3A_745 : i32 to vector<16xi32>
      %add3A_747 = arith.addi %iota3A, %add3A_746 : vector<16xi32>
      tpu.vector_store_idx %arg15[%add3A_747, %broadcast_in_dim3A_719], %gather3A_744 : memref<64x128xf32, #tpu.memory_space<vmem>>[vector<16xi32>, vector<16xi32>], vector<16xf32>,
      %lt3A_748 = arith.constant 31 : i32
      %lt3A_749 = arith.cmpi slt, %add3A_164, %lt3A_748 : i32
      %convert_element_type3A_750 = arith.extui %lt3A_749 : i1 to i32
      %cond3A_751 = arith.constant 0 : i32
      %cond3A_752 = arith.cmpi ne, %convert_element_type3A_750, %cond3A_751 : i32
      scf.if %cond3A_752 {
        %slice3A_998 = vector.extract_strided_slice %get3A_171 {offsets = [2], sizes = [1], strides = [1]} : vector<16xi32> to vector<1xi32>
        %squeeze3A_999 = vector.extract %slice3A_998[0] : i32 from vector<1xi32>
        %shift_right_arithmetic3A_1000 = arith.constant 7 : i32
        %shift_right_arithmetic3A_1001 = arith.shrsi %squeeze3A_999, %shift_right_arithmetic3A_1000 : i32
        %mul3A_1002 = arith.constant 128 : i32
        %mul3A_1003 = arith.muli %shift_right_arithmetic3A_1001, %mul3A_1002 : i32
        %multiple_of3A_1004 = tpu.assume_multiple %mul3A_1003, 128 : i32
        %dma_start3A_1005 = arith.constant 0 : i32
        %dma_start3A_1006 = tpu.memref_slice %arg3[%dma_start3A_1005, %multiple_of3A_1004] : memref<64x1000000xf32, #tpu.memory_space<hbm>> -> memref<64x128xf32, #tpu.memory_space<hbm>>
        %dma_start3A_1007 = arith.constant 0 : i32
        %dma_start3A_1008 = tpu.memref_slice %arg3[%dma_start3A_1007, %multiple_of3A_1004] : memref<64x1000000xf32, #tpu.memory_space<hbm>> -> memref<64x128xf32, #tpu.memory_space<hbm>>
        tpu.enqueue_dma source(%dma_start3A_1008 : memref<64x128xf32, #tpu.memory_space<hbm>>) target(%arg8 : memref<64x128xf32, #tpu.memory_space<vmem>>) target_semaphore(%arg20 : memref<!tpu.dma_semaphore, #tpu.memory_space<semaphore_mem>>)
      } else {
      }
      %slice3A_753 = vector.extract_strided_slice %scan3A_158 {offsets = [11], sizes = [1], strides = [1]} : vector<16xi32> to vector<1xi32>
      %squeeze3A_754 = vector.extract %slice3A_753[0] : i32 from vector<1xi32>
      %dma_wait3A_755 = arith.constant 0 : i32
      %dma_wait3A_756 = arith.constant 0 : i32
      %dma_wait3A_757 = tpu.memref_slice %arg3[%dma_wait3A_755, %dma_wait3A_756] : memref<64x1000000xf32, #tpu.memory_space<hbm>> -> memref<64x128xf32, #tpu.memory_space<hbm>>
      %dma_wait3A_758 = arith.constant 0 : i32
      %dma_wait3A_759 = arith.constant 0 : i32
      %dma_wait3A_760 = tpu.memref_slice %arg3[%dma_wait3A_758, %dma_wait3A_759] : memref<64x1000000xf32, #tpu.memory_space<hbm>> -> memref<64x128xf32, #tpu.memory_space<hbm>>
      tpu.wait_dma2 semaphore(%arg21 : memref<!tpu.dma_semaphore, #tpu.memory_space<semaphore_mem>>) src(%dma_wait3A_760 : memref<64x128xf32, #tpu.memory_space<hbm>>) dst(%arg9 : memref<64x128xf32, #tpu.memory_space<vmem>>)
      %and3A_761 = arith.constant 127 : i32
      %and3A_762 = arith.andi %squeeze3A_754, %and3A_761 : i32
      %broadcast_in_dim3A_763 = vector.broadcast %and3A_762 : i32 to vector<16xi32>
      %mul3A_764 = arith.constant 16 : i32
      %mul3A_765 = arith.muli %add3A_162, %mul3A_764 : i32
      %add3A_766 = arith.constant 11 : i32
      %add3A_767 = arith.addi %mul3A_765, %add3A_766 : i32
      %broadcast_in_dim3A_768 = vector.broadcast %add3A_767 : i32 to vector<16xi32>
      %add3A_769 = arith.constant 0 : i32
      %add3A_770 = vector.broadcast %add3A_769 : i32 to vector<16xi32>
      %add3A_771 = arith.addi %iota3A, %add3A_770 : vector<16xi32>
      %gather3A_772 = tpu.vector_load_idx %arg9[%add3A_771, %broadcast_in_dim3A_763] : memref<64x128xf32, #tpu.memory_space<vmem>>[vector<16xi32>, vector<16xi32>], vector<16xf32>,
      %add3A_773 = arith.constant 0 : i32
      %add3A_774 = vector.broadcast %add3A_773 : i32 to vector<16xi32>
      %add3A_775 = arith.addi %iota3A, %add3A_774 : vector<16xi32>
      tpu.vector_store_idx %arg15[%add3A_775, %broadcast_in_dim3A_768], %gather3A_772 : memref<64x128xf32, #tpu.memory_space<vmem>>[vector<16xi32>, vector<16xi32>], vector<16xf32>,
      %add3A_776 = arith.constant 16 : i32
      %add3A_777 = vector.broadcast %add3A_776 : i32 to vector<16xi32>
      %add3A_778 = arith.addi %iota3A, %add3A_777 : vector<16xi32>
      %gather3A_779 = tpu.vector_load_idx %arg9[%add3A_778, %broadcast_in_dim3A_763] : memref<64x128xf32, #tpu.memory_space<vmem>>[vector<16xi32>, vector<16xi32>], vector<16xf32>,
      %add3A_780 = arith.constant 16 : i32
      %add3A_781 = vector.broadcast %add3A_780 : i32 to vector<16xi32>
      %add3A_782 = arith.addi %iota3A, %add3A_781 : vector<16xi32>
      tpu.vector_store_idx %arg15[%add3A_782, %broadcast_in_dim3A_768], %gather3A_779 : memref<64x128xf32, #tpu.memory_space<vmem>>[vector<16xi32>, vector<16xi32>], vector<16xf32>,
      %add3A_783 = arith.constant 32 : i32
      %add3A_784 = vector.broadcast %add3A_783 : i32 to vector<16xi32>
      %add3A_785 = arith.addi %iota3A, %add3A_784 : vector<16xi32>
      %gather3A_786 = tpu.vector_load_idx %arg9[%add3A_785, %broadcast_in_dim3A_763] : memref<64x128xf32, #tpu.memory_space<vmem>>[vector<16xi32>, vector<16xi32>], vector<16xf32>,
      %add3A_787 = arith.constant 32 : i32
      %add3A_788 = vector.broadcast %add3A_787 : i32 to vector<16xi32>
      %add3A_789 = arith.addi %iota3A, %add3A_788 : vector<16xi32>
      tpu.vector_store_idx %arg15[%add3A_789, %broadcast_in_dim3A_768], %gather3A_786 : memref<64x128xf32, #tpu.memory_space<vmem>>[vector<16xi32>, vector<16xi32>], vector<16xf32>,
      %add3A_790 = arith.constant 48 : i32
      %add3A_791 = vector.broadcast %add3A_790 : i32 to vector<16xi32>
      %add3A_792 = arith.addi %iota3A, %add3A_791 : vector<16xi32>
      %gather3A_793 = tpu.vector_load_idx %arg9[%add3A_792, %broadcast_in_dim3A_763] : memref<64x128xf32, #tpu.memory_space<vmem>>[vector<16xi32>, vector<16xi32>], vector<16xf32>,
      %add3A_794 = arith.constant 48 : i32
      %add3A_795 = vector.broadcast %add3A_794 : i32 to vector<16xi32>
      %add3A_796 = arith.addi %iota3A, %add3A_795 : vector<16xi32>
      tpu.vector_store_idx %arg15[%add3A_796, %broadcast_in_dim3A_768], %gather3A_793 : memref<64x128xf32, #tpu.memory_space<vmem>>[vector<16xi32>, vector<16xi32>], vector<16xf32>,
      %lt3A_797 = arith.constant 31 : i32
      %lt3A_798 = arith.cmpi slt, %add3A_164, %lt3A_797 : i32
      %convert_element_type3A_799 = arith.extui %lt3A_798 : i1 to i32
      %cond3A_800 = arith.constant 0 : i32
      %cond3A_801 = arith.cmpi ne, %convert_element_type3A_799, %cond3A_800 : i32
      scf.if %cond3A_801 {
        %slice3A_998 = vector.extract_strided_slice %get3A_171 {offsets = [3], sizes = [1], strides = [1]} : vector<16xi32> to vector<1xi32>
        %squeeze3A_999 = vector.extract %slice3A_998[0] : i32 from vector<1xi32>
        %shift_right_arithmetic3A_1000 = arith.constant 7 : i32
        %shift_right_arithmetic3A_1001 = arith.shrsi %squeeze3A_999, %shift_right_arithmetic3A_1000 : i32
        %mul3A_1002 = arith.constant 128 : i32
        %mul3A_1003 = arith.muli %shift_right_arithmetic3A_1001, %mul3A_1002 : i32
        %multiple_of3A_1004 = tpu.assume_multiple %mul3A_1003, 128 : i32
        %dma_start3A_1005 = arith.constant 0 : i32
        %dma_start3A_1006 = tpu.memref_slice %arg3[%dma_start3A_1005, %multiple_of3A_1004] : memref<64x1000000xf32, #tpu.memory_space<hbm>> -> memref<64x128xf32, #tpu.memory_space<hbm>>
        %dma_start3A_1007 = arith.constant 0 : i32
        %dma_start3A_1008 = tpu.memref_slice %arg3[%dma_start3A_1007, %multiple_of3A_1004] : memref<64x1000000xf32, #tpu.memory_space<hbm>> -> memref<64x128xf32, #tpu.memory_space<hbm>>
        tpu.enqueue_dma source(%dma_start3A_1008 : memref<64x128xf32, #tpu.memory_space<hbm>>) target(%arg9 : memref<64x128xf32, #tpu.memory_space<vmem>>) target_semaphore(%arg21 : memref<!tpu.dma_semaphore, #tpu.memory_space<semaphore_mem>>)
      } else {
      }
      %slice3A_802 = vector.extract_strided_slice %scan3A_158 {offsets = [12], sizes = [1], strides = [1]} : vector<16xi32> to vector<1xi32>
      %squeeze3A_803 = vector.extract %slice3A_802[0] : i32 from vector<1xi32>
      %dma_wait3A_804 = arith.constant 0 : i32
      %dma_wait3A_805 = arith.constant 0 : i32
      %dma_wait3A_806 = tpu.memref_slice %arg3[%dma_wait3A_804, %dma_wait3A_805] : memref<64x1000000xf32, #tpu.memory_space<hbm>> -> memref<64x128xf32, #tpu.memory_space<hbm>>
      %dma_wait3A_807 = arith.constant 0 : i32
      %dma_wait3A_808 = arith.constant 0 : i32
      %dma_wait3A_809 = tpu.memref_slice %arg3[%dma_wait3A_807, %dma_wait3A_808] : memref<64x1000000xf32, #tpu.memory_space<hbm>> -> memref<64x128xf32, #tpu.memory_space<hbm>>
      tpu.wait_dma2 semaphore(%arg22 : memref<!tpu.dma_semaphore, #tpu.memory_space<semaphore_mem>>) src(%dma_wait3A_809 : memref<64x128xf32, #tpu.memory_space<hbm>>) dst(%arg10 : memref<64x128xf32, #tpu.memory_space<vmem>>)
      %and3A_810 = arith.constant 127 : i32
      %and3A_811 = arith.andi %squeeze3A_803, %and3A_810 : i32
      %broadcast_in_dim3A_812 = vector.broadcast %and3A_811 : i32 to vector<16xi32>
      %mul3A_813 = arith.constant 16 : i32
      %mul3A_814 = arith.muli %add3A_162, %mul3A_813 : i32
      %add3A_815 = arith.constant 12 : i32
      %add3A_816 = arith.addi %mul3A_814, %add3A_815 : i32
      %broadcast_in_dim3A_817 = vector.broadcast %add3A_816 : i32 to vector<16xi32>
      %add3A_818 = arith.constant 0 : i32
      %add3A_819 = vector.broadcast %add3A_818 : i32 to vector<16xi32>
      %add3A_820 = arith.addi %iota3A, %add3A_819 : vector<16xi32>
      %gather3A_821 = tpu.vector_load_idx %arg10[%add3A_820, %broadcast_in_dim3A_812] : memref<64x128xf32, #tpu.memory_space<vmem>>[vector<16xi32>, vector<16xi32>], vector<16xf32>,
      %add3A_822 = arith.constant 0 : i32
      %add3A_823 = vector.broadcast %add3A_822 : i32 to vector<16xi32>
      %add3A_824 = arith.addi %iota3A, %add3A_823 : vector<16xi32>
      tpu.vector_store_idx %arg15[%add3A_824, %broadcast_in_dim3A_817], %gather3A_821 : memref<64x128xf32, #tpu.memory_space<vmem>>[vector<16xi32>, vector<16xi32>], vector<16xf32>,
      %add3A_825 = arith.constant 16 : i32
      %add3A_826 = vector.broadcast %add3A_825 : i32 to vector<16xi32>
      %add3A_827 = arith.addi %iota3A, %add3A_826 : vector<16xi32>
      %gather3A_828 = tpu.vector_load_idx %arg10[%add3A_827, %broadcast_in_dim3A_812] : memref<64x128xf32, #tpu.memory_space<vmem>>[vector<16xi32>, vector<16xi32>], vector<16xf32>,
      %add3A_829 = arith.constant 16 : i32
      %add3A_830 = vector.broadcast %add3A_829 : i32 to vector<16xi32>
      %add3A_831 = arith.addi %iota3A, %add3A_830 : vector<16xi32>
      tpu.vector_store_idx %arg15[%add3A_831, %broadcast_in_dim3A_817], %gather3A_828 : memref<64x128xf32, #tpu.memory_space<vmem>>[vector<16xi32>, vector<16xi32>], vector<16xf32>,
      %add3A_832 = arith.constant 32 : i32
      %add3A_833 = vector.broadcast %add3A_832 : i32 to vector<16xi32>
      %add3A_834 = arith.addi %iota3A, %add3A_833 : vector<16xi32>
      %gather3A_835 = tpu.vector_load_idx %arg10[%add3A_834, %broadcast_in_dim3A_812] : memref<64x128xf32, #tpu.memory_space<vmem>>[vector<16xi32>, vector<16xi32>], vector<16xf32>,
      %add3A_836 = arith.constant 32 : i32
      %add3A_837 = vector.broadcast %add3A_836 : i32 to vector<16xi32>
      %add3A_838 = arith.addi %iota3A, %add3A_837 : vector<16xi32>
      tpu.vector_store_idx %arg15[%add3A_838, %broadcast_in_dim3A_817], %gather3A_835 : memref<64x128xf32, #tpu.memory_space<vmem>>[vector<16xi32>, vector<16xi32>], vector<16xf32>,
      %add3A_839 = arith.constant 48 : i32
      %add3A_840 = vector.broadcast %add3A_839 : i32 to vector<16xi32>
      %add3A_841 = arith.addi %iota3A, %add3A_840 : vector<16xi32>
      %gather3A_842 = tpu.vector_load_idx %arg10[%add3A_841, %broadcast_in_dim3A_812] : memref<64x128xf32, #tpu.memory_space<vmem>>[vector<16xi32>, vector<16xi32>], vector<16xf32>,
      %add3A_843 = arith.constant 48 : i32
      %add3A_844 = vector.broadcast %add3A_843 : i32 to vector<16xi32>
      %add3A_845 = arith.addi %iota3A, %add3A_844 : vector<16xi32>
      tpu.vector_store_idx %arg15[%add3A_845, %broadcast_in_dim3A_817], %gather3A_842 : memref<64x128xf32, #tpu.memory_space<vmem>>[vector<16xi32>, vector<16xi32>], vector<16xf32>,
      %lt3A_846 = arith.constant 31 : i32
      %lt3A_847 = arith.cmpi slt, %add3A_164, %lt3A_846 : i32
      %convert_element_type3A_848 = arith.extui %lt3A_847 : i1 to i32
      %cond3A_849 = arith.constant 0 : i32
      %cond3A_850 = arith.cmpi ne, %convert_element_type3A_848, %cond3A_849 : i32
      scf.if %cond3A_850 {
        %slice3A_998 = vector.extract_strided_slice %get3A_171 {offsets = [4], sizes = [1], strides = [1]} : vector<16xi32> to vector<1xi32>
        %squeeze3A_999 = vector.extract %slice3A_998[0] : i32 from vector<1xi32>
        %shift_right_arithmetic3A_1000 = arith.constant 7 : i32
        %shift_right_arithmetic3A_1001 = arith.shrsi %squeeze3A_999, %shift_right_arithmetic3A_1000 : i32
        %mul3A_1002 = arith.constant 128 : i32
        %mul3A_1003 = arith.muli %shift_right_arithmetic3A_1001, %mul3A_1002 : i32
        %multiple_of3A_1004 = tpu.assume_multiple %mul3A_1003, 128 : i32
        %dma_start3A_1005 = arith.constant 0 : i32
        %dma_start3A_1006 = tpu.memref_slice %arg3[%dma_start3A_1005, %multiple_of3A_1004] : memref<64x1000000xf32, #tpu.memory_space<hbm>> -> memref<64x128xf32, #tpu.memory_space<hbm>>
        %dma_start3A_1007 = arith.constant 0 : i32
        %dma_start3A_1008 = tpu.memref_slice %arg3[%dma_start3A_1007, %multiple_of3A_1004] : memref<64x1000000xf32, #tpu.memory_space<hbm>> -> memref<64x128xf32, #tpu.memory_space<hbm>>
        tpu.enqueue_dma source(%dma_start3A_1008 : memref<64x128xf32, #tpu.memory_space<hbm>>) target(%arg10 : memref<64x128xf32, #tpu.memory_space<vmem>>) target_semaphore(%arg22 : memref<!tpu.dma_semaphore, #tpu.memory_space<semaphore_mem>>)
      } else {
      }
      %slice3A_851 = vector.extract_strided_slice %scan3A_158 {offsets = [13], sizes = [1], strides = [1]} : vector<16xi32> to vector<1xi32>
      %squeeze3A_852 = vector.extract %slice3A_851[0] : i32 from vector<1xi32>
      %dma_wait3A_853 = arith.constant 0 : i32
      %dma_wait3A_854 = arith.constant 0 : i32
      %dma_wait3A_855 = tpu.memref_slice %arg3[%dma_wait3A_853, %dma_wait3A_854] : memref<64x1000000xf32, #tpu.memory_space<hbm>> -> memref<64x128xf32, #tpu.memory_space<hbm>>
      %dma_wait3A_856 = arith.constant 0 : i32
      %dma_wait3A_857 = arith.constant 0 : i32
      %dma_wait3A_858 = tpu.memref_slice %arg3[%dma_wait3A_856, %dma_wait3A_857] : memref<64x1000000xf32, #tpu.memory_space<hbm>> -> memref<64x128xf32, #tpu.memory_space<hbm>>
      tpu.wait_dma2 semaphore(%arg23 : memref<!tpu.dma_semaphore, #tpu.memory_space<semaphore_mem>>) src(%dma_wait3A_858 : memref<64x128xf32, #tpu.memory_space<hbm>>) dst(%arg11 : memref<64x128xf32, #tpu.memory_space<vmem>>)
      %and3A_859 = arith.constant 127 : i32
      %and3A_860 = arith.andi %squeeze3A_852, %and3A_859 : i32
      %broadcast_in_dim3A_861 = vector.broadcast %and3A_860 : i32 to vector<16xi32>
      %mul3A_862 = arith.constant 16 : i32
      %mul3A_863 = arith.muli %add3A_162, %mul3A_862 : i32
      %add3A_864 = arith.constant 13 : i32
      %add3A_865 = arith.addi %mul3A_863, %add3A_864 : i32
      %broadcast_in_dim3A_866 = vector.broadcast %add3A_865 : i32 to vector<16xi32>
      %add3A_867 = arith.constant 0 : i32
      %add3A_868 = vector.broadcast %add3A_867 : i32 to vector<16xi32>
      %add3A_869 = arith.addi %iota3A, %add3A_868 : vector<16xi32>
      %gather3A_870 = tpu.vector_load_idx %arg11[%add3A_869, %broadcast_in_dim3A_861] : memref<64x128xf32, #tpu.memory_space<vmem>>[vector<16xi32>, vector<16xi32>], vector<16xf32>,
      %add3A_871 = arith.constant 0 : i32
      %add3A_872 = vector.broadcast %add3A_871 : i32 to vector<16xi32>
      %add3A_873 = arith.addi %iota3A, %add3A_872 : vector<16xi32>
      tpu.vector_store_idx %arg15[%add3A_873, %broadcast_in_dim3A_866], %gather3A_870 : memref<64x128xf32, #tpu.memory_space<vmem>>[vector<16xi32>, vector<16xi32>], vector<16xf32>,
      %add3A_874 = arith.constant 16 : i32
      %add3A_875 = vector.broadcast %add3A_874 : i32 to vector<16xi32>
      %add3A_876 = arith.addi %iota3A, %add3A_875 : vector<16xi32>
      %gather3A_877 = tpu.vector_load_idx %arg11[%add3A_876, %broadcast_in_dim3A_861] : memref<64x128xf32, #tpu.memory_space<vmem>>[vector<16xi32>, vector<16xi32>], vector<16xf32>,
      %add3A_878 = arith.constant 16 : i32
      %add3A_879 = vector.broadcast %add3A_878 : i32 to vector<16xi32>
      %add3A_880 = arith.addi %iota3A, %add3A_879 : vector<16xi32>
      tpu.vector_store_idx %arg15[%add3A_880, %broadcast_in_dim3A_866], %gather3A_877 : memref<64x128xf32, #tpu.memory_space<vmem>>[vector<16xi32>, vector<16xi32>], vector<16xf32>,
      %add3A_881 = arith.constant 32 : i32
      %add3A_882 = vector.broadcast %add3A_881 : i32 to vector<16xi32>
      %add3A_883 = arith.addi %iota3A, %add3A_882 : vector<16xi32>
      %gather3A_884 = tpu.vector_load_idx %arg11[%add3A_883, %broadcast_in_dim3A_861] : memref<64x128xf32, #tpu.memory_space<vmem>>[vector<16xi32>, vector<16xi32>], vector<16xf32>,
      %add3A_885 = arith.constant 32 : i32
      %add3A_886 = vector.broadcast %add3A_885 : i32 to vector<16xi32>
      %add3A_887 = arith.addi %iota3A, %add3A_886 : vector<16xi32>
      tpu.vector_store_idx %arg15[%add3A_887, %broadcast_in_dim3A_866], %gather3A_884 : memref<64x128xf32, #tpu.memory_space<vmem>>[vector<16xi32>, vector<16xi32>], vector<16xf32>,
      %add3A_888 = arith.constant 48 : i32
      %add3A_889 = vector.broadcast %add3A_888 : i32 to vector<16xi32>
      %add3A_890 = arith.addi %iota3A, %add3A_889 : vector<16xi32>
      %gather3A_891 = tpu.vector_load_idx %arg11[%add3A_890, %broadcast_in_dim3A_861] : memref<64x128xf32, #tpu.memory_space<vmem>>[vector<16xi32>, vector<16xi32>], vector<16xf32>,
      %add3A_892 = arith.constant 48 : i32
      %add3A_893 = vector.broadcast %add3A_892 : i32 to vector<16xi32>
      %add3A_894 = arith.addi %iota3A, %add3A_893 : vector<16xi32>
      tpu.vector_store_idx %arg15[%add3A_894, %broadcast_in_dim3A_866], %gather3A_891 : memref<64x128xf32, #tpu.memory_space<vmem>>[vector<16xi32>, vector<16xi32>], vector<16xf32>,
      %lt3A_895 = arith.constant 31 : i32
      %lt3A_896 = arith.cmpi slt, %add3A_164, %lt3A_895 : i32
      %convert_element_type3A_897 = arith.extui %lt3A_896 : i1 to i32
      %cond3A_898 = arith.constant 0 : i32
      %cond3A_899 = arith.cmpi ne, %convert_element_type3A_897, %cond3A_898 : i32
      scf.if %cond3A_899 {
        %slice3A_998 = vector.extract_strided_slice %get3A_171 {offsets = [5], sizes = [1], strides = [1]} : vector<16xi32> to vector<1xi32>
        %squeeze3A_999 = vector.extract %slice3A_998[0] : i32 from vector<1xi32>
        %shift_right_arithmetic3A_1000 = arith.constant 7 : i32
        %shift_right_arithmetic3A_1001 = arith.shrsi %squeeze3A_999, %shift_right_arithmetic3A_1000 : i32
        %mul3A_1002 = arith.constant 128 : i32
        %mul3A_1003 = arith.muli %shift_right_arithmetic3A_1001, %mul3A_1002 : i32
        %multiple_of3A_1004 = tpu.assume_multiple %mul3A_1003, 128 : i32
        %dma_start3A_1005 = arith.constant 0 : i32
        %dma_start3A_1006 = tpu.memref_slice %arg3[%dma_start3A_1005, %multiple_of3A_1004] : memref<64x1000000xf32, #tpu.memory_space<hbm>> -> memref<64x128xf32, #tpu.memory_space<hbm>>
        %dma_start3A_1007 = arith.constant 0 : i32
        %dma_start3A_1008 = tpu.memref_slice %arg3[%dma_start3A_1007, %multiple_of3A_1004] : memref<64x1000000xf32, #tpu.memory_space<hbm>> -> memref<64x128xf32, #tpu.memory_space<hbm>>
        tpu.enqueue_dma source(%dma_start3A_1008 : memref<64x128xf32, #tpu.memory_space<hbm>>) target(%arg11 : memref<64x128xf32, #tpu.memory_space<vmem>>) target_semaphore(%arg23 : memref<!tpu.dma_semaphore, #tpu.memory_space<semaphore_mem>>)
      } else {
      }
      %slice3A_900 = vector.extract_strided_slice %scan3A_158 {offsets = [14], sizes = [1], strides = [1]} : vector<16xi32> to vector<1xi32>
      %squeeze3A_901 = vector.extract %slice3A_900[0] : i32 from vector<1xi32>
      %dma_wait3A_902 = arith.constant 0 : i32
      %dma_wait3A_903 = arith.constant 0 : i32
      %dma_wait3A_904 = tpu.memref_slice %arg3[%dma_wait3A_902, %dma_wait3A_903] : memref<64x1000000xf32, #tpu.memory_space<hbm>> -> memref<64x128xf32, #tpu.memory_space<hbm>>
      %dma_wait3A_905 = arith.constant 0 : i32
      %dma_wait3A_906 = arith.constant 0 : i32
      %dma_wait3A_907 = tpu.memref_slice %arg3[%dma_wait3A_905, %dma_wait3A_906] : memref<64x1000000xf32, #tpu.memory_space<hbm>> -> memref<64x128xf32, #tpu.memory_space<hbm>>
      tpu.wait_dma2 semaphore(%arg24 : memref<!tpu.dma_semaphore, #tpu.memory_space<semaphore_mem>>) src(%dma_wait3A_907 : memref<64x128xf32, #tpu.memory_space<hbm>>) dst(%arg12 : memref<64x128xf32, #tpu.memory_space<vmem>>)
      %and3A_908 = arith.constant 127 : i32
      %and3A_909 = arith.andi %squeeze3A_901, %and3A_908 : i32
      %broadcast_in_dim3A_910 = vector.broadcast %and3A_909 : i32 to vector<16xi32>
      %mul3A_911 = arith.constant 16 : i32
      %mul3A_912 = arith.muli %add3A_162, %mul3A_911 : i32
      %add3A_913 = arith.constant 14 : i32
      %add3A_914 = arith.addi %mul3A_912, %add3A_913 : i32
      %broadcast_in_dim3A_915 = vector.broadcast %add3A_914 : i32 to vector<16xi32>
      %add3A_916 = arith.constant 0 : i32
      %add3A_917 = vector.broadcast %add3A_916 : i32 to vector<16xi32>
      %add3A_918 = arith.addi %iota3A, %add3A_917 : vector<16xi32>
      %gather3A_919 = tpu.vector_load_idx %arg12[%add3A_918, %broadcast_in_dim3A_910] : memref<64x128xf32, #tpu.memory_space<vmem>>[vector<16xi32>, vector<16xi32>], vector<16xf32>,
      %add3A_920 = arith.constant 0 : i32
      %add3A_921 = vector.broadcast %add3A_920 : i32 to vector<16xi32>
      %add3A_922 = arith.addi %iota3A, %add3A_921 : vector<16xi32>
      tpu.vector_store_idx %arg15[%add3A_922, %broadcast_in_dim3A_915], %gather3A_919 : memref<64x128xf32, #tpu.memory_space<vmem>>[vector<16xi32>, vector<16xi32>], vector<16xf32>,
      %add3A_923 = arith.constant 16 : i32
      %add3A_924 = vector.broadcast %add3A_923 : i32 to vector<16xi32>
      %add3A_925 = arith.addi %iota3A, %add3A_924 : vector<16xi32>
      %gather3A_926 = tpu.vector_load_idx %arg12[%add3A_925, %broadcast_in_dim3A_910] : memref<64x128xf32, #tpu.memory_space<vmem>>[vector<16xi32>, vector<16xi32>], vector<16xf32>,
      %add3A_927 = arith.constant 16 : i32
      %add3A_928 = vector.broadcast %add3A_927 : i32 to vector<16xi32>
      %add3A_929 = arith.addi %iota3A, %add3A_928 : vector<16xi32>
      tpu.vector_store_idx %arg15[%add3A_929, %broadcast_in_dim3A_915], %gather3A_926 : memref<64x128xf32, #tpu.memory_space<vmem>>[vector<16xi32>, vector<16xi32>], vector<16xf32>,
      %add3A_930 = arith.constant 32 : i32
      %add3A_931 = vector.broadcast %add3A_930 : i32 to vector<16xi32>
      %add3A_932 = arith.addi %iota3A, %add3A_931 : vector<16xi32>
      %gather3A_933 = tpu.vector_load_idx %arg12[%add3A_932, %broadcast_in_dim3A_910] : memref<64x128xf32, #tpu.memory_space<vmem>>[vector<16xi32>, vector<16xi32>], vector<16xf32>,
      %add3A_934 = arith.constant 32 : i32
      %add3A_935 = vector.broadcast %add3A_934 : i32 to vector<16xi32>
      %add3A_936 = arith.addi %iota3A, %add3A_935 : vector<16xi32>
      tpu.vector_store_idx %arg15[%add3A_936, %broadcast_in_dim3A_915], %gather3A_933 : memref<64x128xf32, #tpu.memory_space<vmem>>[vector<16xi32>, vector<16xi32>], vector<16xf32>,
      %add3A_937 = arith.constant 48 : i32
      %add3A_938 = vector.broadcast %add3A_937 : i32 to vector<16xi32>
      %add3A_939 = arith.addi %iota3A, %add3A_938 : vector<16xi32>
      %gather3A_940 = tpu.vector_load_idx %arg12[%add3A_939, %broadcast_in_dim3A_910] : memref<64x128xf32, #tpu.memory_space<vmem>>[vector<16xi32>, vector<16xi32>], vector<16xf32>,
      %add3A_941 = arith.constant 48 : i32
      %add3A_942 = vector.broadcast %add3A_941 : i32 to vector<16xi32>
      %add3A_943 = arith.addi %iota3A, %add3A_942 : vector<16xi32>
      tpu.vector_store_idx %arg15[%add3A_943, %broadcast_in_dim3A_915], %gather3A_940 : memref<64x128xf32, #tpu.memory_space<vmem>>[vector<16xi32>, vector<16xi32>], vector<16xf32>,
      %lt3A_944 = arith.constant 31 : i32
      %lt3A_945 = arith.cmpi slt, %add3A_164, %lt3A_944 : i32
      %convert_element_type3A_946 = arith.extui %lt3A_945 : i1 to i32
      %cond3A_947 = arith.constant 0 : i32
      %cond3A_948 = arith.cmpi ne, %convert_element_type3A_946, %cond3A_947 : i32
      scf.if %cond3A_948 {
        %slice3A_998 = vector.extract_strided_slice %get3A_171 {offsets = [6], sizes = [1], strides = [1]} : vector<16xi32> to vector<1xi32>
        %squeeze3A_999 = vector.extract %slice3A_998[0] : i32 from vector<1xi32>
        %shift_right_arithmetic3A_1000 = arith.constant 7 : i32
        %shift_right_arithmetic3A_1001 = arith.shrsi %squeeze3A_999, %shift_right_arithmetic3A_1000 : i32
        %mul3A_1002 = arith.constant 128 : i32
        %mul3A_1003 = arith.muli %shift_right_arithmetic3A_1001, %mul3A_1002 : i32
        %multiple_of3A_1004 = tpu.assume_multiple %mul3A_1003, 128 : i32
        %dma_start3A_1005 = arith.constant 0 : i32
        %dma_start3A_1006 = tpu.memref_slice %arg3[%dma_start3A_1005, %multiple_of3A_1004] : memref<64x1000000xf32, #tpu.memory_space<hbm>> -> memref<64x128xf32, #tpu.memory_space<hbm>>
        %dma_start3A_1007 = arith.constant 0 : i32
        %dma_start3A_1008 = tpu.memref_slice %arg3[%dma_start3A_1007, %multiple_of3A_1004] : memref<64x1000000xf32, #tpu.memory_space<hbm>> -> memref<64x128xf32, #tpu.memory_space<hbm>>
        tpu.enqueue_dma source(%dma_start3A_1008 : memref<64x128xf32, #tpu.memory_space<hbm>>) target(%arg12 : memref<64x128xf32, #tpu.memory_space<vmem>>) target_semaphore(%arg24 : memref<!tpu.dma_semaphore, #tpu.memory_space<semaphore_mem>>)
      } else {
      }
      %slice3A_949 = vector.extract_strided_slice %scan3A_158 {offsets = [15], sizes = [1], strides = [1]} : vector<16xi32> to vector<1xi32>
      %squeeze3A_950 = vector.extract %slice3A_949[0] : i32 from vector<1xi32>
      %dma_wait3A_951 = arith.constant 0 : i32
      %dma_wait3A_952 = arith.constant 0 : i32
      %dma_wait3A_953 = tpu.memref_slice %arg3[%dma_wait3A_951, %dma_wait3A_952] : memref<64x1000000xf32, #tpu.memory_space<hbm>> -> memref<64x128xf32, #tpu.memory_space<hbm>>
      %dma_wait3A_954 = arith.constant 0 : i32
      %dma_wait3A_955 = arith.constant 0 : i32
      %dma_wait3A_956 = tpu.memref_slice %arg3[%dma_wait3A_954, %dma_wait3A_955] : memref<64x1000000xf32, #tpu.memory_space<hbm>> -> memref<64x128xf32, #tpu.memory_space<hbm>>
      tpu.wait_dma2 semaphore(%arg25 : memref<!tpu.dma_semaphore, #tpu.memory_space<semaphore_mem>>) src(%dma_wait3A_956 : memref<64x128xf32, #tpu.memory_space<hbm>>) dst(%arg13 : memref<64x128xf32, #tpu.memory_space<vmem>>)
      %and3A_957 = arith.constant 127 : i32
      %and3A_958 = arith.andi %squeeze3A_950, %and3A_957 : i32
      %broadcast_in_dim3A_959 = vector.broadcast %and3A_958 : i32 to vector<16xi32>
      %mul3A_960 = arith.constant 16 : i32
      %mul3A_961 = arith.muli %add3A_162, %mul3A_960 : i32
      %add3A_962 = arith.constant 15 : i32
      %add3A_963 = arith.addi %mul3A_961, %add3A_962 : i32
      %broadcast_in_dim3A_964 = vector.broadcast %add3A_963 : i32 to vector<16xi32>
      %add3A_965 = arith.constant 0 : i32
      %add3A_966 = vector.broadcast %add3A_965 : i32 to vector<16xi32>
      %add3A_967 = arith.addi %iota3A, %add3A_966 : vector<16xi32>
      %gather3A_968 = tpu.vector_load_idx %arg13[%add3A_967, %broadcast_in_dim3A_959] : memref<64x128xf32, #tpu.memory_space<vmem>>[vector<16xi32>, vector<16xi32>], vector<16xf32>,
      %add3A_969 = arith.constant 0 : i32
      %add3A_970 = vector.broadcast %add3A_969 : i32 to vector<16xi32>
      %add3A_971 = arith.addi %iota3A, %add3A_970 : vector<16xi32>
      tpu.vector_store_idx %arg15[%add3A_971, %broadcast_in_dim3A_964], %gather3A_968 : memref<64x128xf32, #tpu.memory_space<vmem>>[vector<16xi32>, vector<16xi32>], vector<16xf32>,
      %add3A_972 = arith.constant 16 : i32
      %add3A_973 = vector.broadcast %add3A_972 : i32 to vector<16xi32>
      %add3A_974 = arith.addi %iota3A, %add3A_973 : vector<16xi32>
      %gather3A_975 = tpu.vector_load_idx %arg13[%add3A_974, %broadcast_in_dim3A_959] : memref<64x128xf32, #tpu.memory_space<vmem>>[vector<16xi32>, vector<16xi32>], vector<16xf32>,
      %add3A_976 = arith.constant 16 : i32
      %add3A_977 = vector.broadcast %add3A_976 : i32 to vector<16xi32>
      %add3A_978 = arith.addi %iota3A, %add3A_977 : vector<16xi32>
      tpu.vector_store_idx %arg15[%add3A_978, %broadcast_in_dim3A_964], %gather3A_975 : memref<64x128xf32, #tpu.memory_space<vmem>>[vector<16xi32>, vector<16xi32>], vector<16xf32>,
      %add3A_979 = arith.constant 32 : i32
      %add3A_980 = vector.broadcast %add3A_979 : i32 to vector<16xi32>
      %add3A_981 = arith.addi %iota3A, %add3A_980 : vector<16xi32>
      %gather3A_982 = tpu.vector_load_idx %arg13[%add3A_981, %broadcast_in_dim3A_959] : memref<64x128xf32, #tpu.memory_space<vmem>>[vector<16xi32>, vector<16xi32>], vector<16xf32>,
      %add3A_983 = arith.constant 32 : i32
      %add3A_984 = vector.broadcast %add3A_983 : i32 to vector<16xi32>
      %add3A_985 = arith.addi %iota3A, %add3A_984 : vector<16xi32>
      tpu.vector_store_idx %arg15[%add3A_985, %broadcast_in_dim3A_964], %gather3A_982 : memref<64x128xf32, #tpu.memory_space<vmem>>[vector<16xi32>, vector<16xi32>], vector<16xf32>,
      %add3A_986 = arith.constant 48 : i32
      %add3A_987 = vector.broadcast %add3A_986 : i32 to vector<16xi32>
      %add3A_988 = arith.addi %iota3A, %add3A_987 : vector<16xi32>
      %gather3A_989 = tpu.vector_load_idx %arg13[%add3A_988, %broadcast_in_dim3A_959] : memref<64x128xf32, #tpu.memory_space<vmem>>[vector<16xi32>, vector<16xi32>], vector<16xf32>,
      %add3A_990 = arith.constant 48 : i32
      %add3A_991 = vector.broadcast %add3A_990 : i32 to vector<16xi32>
      %add3A_992 = arith.addi %iota3A, %add3A_991 : vector<16xi32>
      tpu.vector_store_idx %arg15[%add3A_992, %broadcast_in_dim3A_964], %gather3A_989 : memref<64x128xf32, #tpu.memory_space<vmem>>[vector<16xi32>, vector<16xi32>], vector<16xf32>,
      %lt3A_993 = arith.constant 31 : i32
      %lt3A_994 = arith.cmpi slt, %add3A_164, %lt3A_993 : i32
      %convert_element_type3A_995 = arith.extui %lt3A_994 : i1 to i32
      %cond3A_996 = arith.constant 0 : i32
      %cond3A_997 = arith.cmpi ne, %convert_element_type3A_995, %cond3A_996 : i32
      scf.if %cond3A_997 {
        %slice3A_998 = vector.extract_strided_slice %get3A_171 {offsets = [7], sizes = [1], strides = [1]} : vector<16xi32> to vector<1xi32>
        %squeeze3A_999 = vector.extract %slice3A_998[0] : i32 from vector<1xi32>
        %shift_right_arithmetic3A_1000 = arith.constant 7 : i32
        %shift_right_arithmetic3A_1001 = arith.shrsi %squeeze3A_999, %shift_right_arithmetic3A_1000 : i32
        %mul3A_1002 = arith.constant 128 : i32
        %mul3A_1003 = arith.muli %shift_right_arithmetic3A_1001, %mul3A_1002 : i32
        %multiple_of3A_1004 = tpu.assume_multiple %mul3A_1003, 128 : i32
        %dma_start3A_1005 = arith.constant 0 : i32
        %dma_start3A_1006 = tpu.memref_slice %arg3[%dma_start3A_1005, %multiple_of3A_1004] : memref<64x1000000xf32, #tpu.memory_space<hbm>> -> memref<64x128xf32, #tpu.memory_space<hbm>>
        %dma_start3A_1007 = arith.constant 0 : i32
        %dma_start3A_1008 = tpu.memref_slice %arg3[%dma_start3A_1007, %multiple_of3A_1004] : memref<64x1000000xf32, #tpu.memory_space<hbm>> -> memref<64x128xf32, #tpu.memory_space<hbm>>
        tpu.enqueue_dma source(%dma_start3A_1008 : memref<64x128xf32, #tpu.memory_space<hbm>>) target(%arg13 : memref<64x128xf32, #tpu.memory_space<vmem>>) target_semaphore(%arg25 : memref<!tpu.dma_semaphore, #tpu.memory_space<semaphore_mem>>)
      } else {
      }
      scf.yield %get3A_171 : vector<16xi32>
    }
    %scan3A_103 = arith.constant 8 : i32
    %add3A_104 = arith.constant 128 : i32
    %add3A_105 = arith.addi %mul3A_2, %add3A_104 : i32
    %dma_start3A_106 = arith.constant 0 : i32
    %dma_start3A_107 = tpu.memref_slice %arg4[%dma_start3A_106, %add3A_105] : memref<64x16384xf32, #tpu.memory_space<hbm>> -> memref<64x128xf32, #tpu.memory_space<hbm>>
    %dma_start3A_108 = arith.constant 0 : i32
    %dma_start3A_109 = tpu.memref_slice %arg4[%dma_start3A_108, %add3A_105] : memref<64x16384xf32, #tpu.memory_space<hbm>> -> memref<64x128xf32, #tpu.memory_space<hbm>>
    tpu.enqueue_dma source(%arg15 : memref<64x128xf32, #tpu.memory_space<vmem>>) target(%dma_start3A_109 : memref<64x128xf32, #tpu.memory_space<hbm>>) target_semaphore(%arg26 : memref<!tpu.dma_semaphore, #tpu.memory_space<semaphore_mem>>)
    %scan3A_110 = arith.constant 0 : i32
    %scan3A_111 = arith.constant 8 : i32
    %scan3A_112 = arith.addi %scan3A_110, %scan3A_111 : i32
    %scan3A_113 = arith.constant 1 : i32
    %scan3A_114 = scf.for %scan3A_157 = %scan3A_110 to %scan3A_112 step %scan3A_113 iter_args(%scan3A_158 = %scan3A_102) -> (vector<16xi32>)  : i32 {
      %mul3A_159 = arith.constant 1 : i32
      %mul3A_160 = arith.muli %scan3A_157, %mul3A_159 : i32
      %add3A_161 = arith.constant 0 : i32
      %add3A_162 = arith.addi %add3A_161, %mul3A_160 : i32
      %add3A_163 = arith.constant 16 : i32
      %add3A_164 = arith.addi %add3A_163, %add3A_162 : i32
      %add3A_165 = arith.constant 1 : i32
      %add3A_166 = arith.addi %add3A_164, %add3A_165 : i32
      %mul3A_167 = arith.constant 16 : i32
      %mul3A_168 = arith.muli %add3A_166, %mul3A_167 : i32
      %min3A = arith.constant 496 : i32
      %min3A_169 = arith.minsi %mul3A_168, %min3A : i32
      %get3A_170 = arith.index_cast %min3A_169 : i32 to index
      %get3A_171 = tpu.vector_load %arg5[%get3A_170] {strides = array<i32>} : memref<512xi32, #tpu.memory_space<vmem>>, vector<16xi32>,
      %slice3A_172 = vector.extract_strided_slice %scan3A_158 {offsets = [0], sizes = [1], strides = [1]} : vector<16xi32> to vector<1xi32>
      %squeeze3A_173 = vector.extract %slice3A_172[0] : i32 from vector<1xi32>
      %dma_wait3A_174 = arith.constant 0 : i32
      %dma_wait3A_175 = arith.constant 0 : i32
      %dma_wait3A_176 = tpu.memref_slice %arg3[%dma_wait3A_174, %dma_wait3A_175] : memref<64x1000000xf32, #tpu.memory_space<hbm>> -> memref<64x128xf32, #tpu.memory_space<hbm>>
      %dma_wait3A_177 = arith.constant 0 : i32
      %dma_wait3A_178 = arith.constant 0 : i32
      %dma_wait3A_179 = tpu.memref_slice %arg3[%dma_wait3A_177, %dma_wait3A_178] : memref<64x1000000xf32, #tpu.memory_space<hbm>> -> memref<64x128xf32, #tpu.memory_space<hbm>>
      tpu.wait_dma2 semaphore(%arg18 : memref<!tpu.dma_semaphore, #tpu.memory_space<semaphore_mem>>) src(%dma_wait3A_179 : memref<64x128xf32, #tpu.memory_space<hbm>>) dst(%arg6 : memref<64x128xf32, #tpu.memory_space<vmem>>)
      %and3A = arith.constant 127 : i32
      %and3A_180 = arith.andi %squeeze3A_173, %and3A : i32
      %broadcast_in_dim3A = vector.broadcast %and3A_180 : i32 to vector<16xi32>
      %mul3A_181 = arith.constant 16 : i32
      %mul3A_182 = arith.muli %add3A_162, %mul3A_181 : i32
      %add3A_183 = arith.constant 0 : i32
      %add3A_184 = arith.addi %mul3A_182, %add3A_183 : i32
      %broadcast_in_dim3A_185 = vector.broadcast %add3A_184 : i32 to vector<16xi32>
      %add3A_186 = arith.constant 0 : i32
      %add3A_187 = vector.broadcast %add3A_186 : i32 to vector<16xi32>
      %add3A_188 = arith.addi %iota3A, %add3A_187 : vector<16xi32>
      %gather3A = tpu.vector_load_idx %arg6[%add3A_188, %broadcast_in_dim3A] : memref<64x128xf32, #tpu.memory_space<vmem>>[vector<16xi32>, vector<16xi32>], vector<16xf32>,
      %add3A_189 = arith.constant 0 : i32
      %add3A_190 = vector.broadcast %add3A_189 : i32 to vector<16xi32>
      %add3A_191 = arith.addi %iota3A, %add3A_190 : vector<16xi32>
      tpu.vector_store_idx %arg16[%add3A_191, %broadcast_in_dim3A_185], %gather3A : memref<64x128xf32, #tpu.memory_space<vmem>>[vector<16xi32>, vector<16xi32>], vector<16xf32>,
      %add3A_192 = arith.constant 16 : i32
      %add3A_193 = vector.broadcast %add3A_192 : i32 to vector<16xi32>
      %add3A_194 = arith.addi %iota3A, %add3A_193 : vector<16xi32>
      %gather3A_195 = tpu.vector_load_idx %arg6[%add3A_194, %broadcast_in_dim3A] : memref<64x128xf32, #tpu.memory_space<vmem>>[vector<16xi32>, vector<16xi32>], vector<16xf32>,
      %add3A_196 = arith.constant 16 : i32
      %add3A_197 = vector.broadcast %add3A_196 : i32 to vector<16xi32>
      %add3A_198 = arith.addi %iota3A, %add3A_197 : vector<16xi32>
      tpu.vector_store_idx %arg16[%add3A_198, %broadcast_in_dim3A_185], %gather3A_195 : memref<64x128xf32, #tpu.memory_space<vmem>>[vector<16xi32>, vector<16xi32>], vector<16xf32>,
      %add3A_199 = arith.constant 32 : i32
      %add3A_200 = vector.broadcast %add3A_199 : i32 to vector<16xi32>
      %add3A_201 = arith.addi %iota3A, %add3A_200 : vector<16xi32>
      %gather3A_202 = tpu.vector_load_idx %arg6[%add3A_201, %broadcast_in_dim3A] : memref<64x128xf32, #tpu.memory_space<vmem>>[vector<16xi32>, vector<16xi32>], vector<16xf32>,
      %add3A_203 = arith.constant 32 : i32
      %add3A_204 = vector.broadcast %add3A_203 : i32 to vector<16xi32>
      %add3A_205 = arith.addi %iota3A, %add3A_204 : vector<16xi32>
      tpu.vector_store_idx %arg16[%add3A_205, %broadcast_in_dim3A_185], %gather3A_202 : memref<64x128xf32, #tpu.memory_space<vmem>>[vector<16xi32>, vector<16xi32>], vector<16xf32>,
      %add3A_206 = arith.constant 48 : i32
      %add3A_207 = vector.broadcast %add3A_206 : i32 to vector<16xi32>
      %add3A_208 = arith.addi %iota3A, %add3A_207 : vector<16xi32>
      %gather3A_209 = tpu.vector_load_idx %arg6[%add3A_208, %broadcast_in_dim3A] : memref<64x128xf32, #tpu.memory_space<vmem>>[vector<16xi32>, vector<16xi32>], vector<16xf32>,
      %add3A_210 = arith.constant 48 : i32
      %add3A_211 = vector.broadcast %add3A_210 : i32 to vector<16xi32>
      %add3A_212 = arith.addi %iota3A, %add3A_211 : vector<16xi32>
      tpu.vector_store_idx %arg16[%add3A_212, %broadcast_in_dim3A_185], %gather3A_209 : memref<64x128xf32, #tpu.memory_space<vmem>>[vector<16xi32>, vector<16xi32>], vector<16xf32>,
      %slice3A_213 = vector.extract_strided_slice %scan3A_158 {offsets = [8], sizes = [1], strides = [1]} : vector<16xi32> to vector<1xi32>
      %squeeze3A_214 = vector.extract %slice3A_213[0] : i32 from vector<1xi32>
      %shift_right_arithmetic3A_215 = arith.constant 7 : i32
      %shift_right_arithmetic3A_216 = arith.shrsi %squeeze3A_214, %shift_right_arithmetic3A_215 : i32
      %mul3A_217 = arith.constant 128 : i32
      %mul3A_218 = arith.muli %shift_right_arithmetic3A_216, %mul3A_217 : i32
      %multiple_of3A_219 = tpu.assume_multiple %mul3A_218, 128 : i32
      %dma_start3A_220 = arith.constant 0 : i32
      %dma_start3A_221 = tpu.memref_slice %arg3[%dma_start3A_220, %multiple_of3A_219] : memref<64x1000000xf32, #tpu.memory_space<hbm>> -> memref<64x128xf32, #tpu.memory_space<hbm>>
      %dma_start3A_222 = arith.constant 0 : i32
      %dma_start3A_223 = tpu.memref_slice %arg3[%dma_start3A_222, %multiple_of3A_219] : memref<64x1000000xf32, #tpu.memory_space<hbm>> -> memref<64x128xf32, #tpu.memory_space<hbm>>
      tpu.enqueue_dma source(%dma_start3A_223 : memref<64x128xf32, #tpu.memory_space<hbm>>) target(%arg6 : memref<64x128xf32, #tpu.memory_space<vmem>>) target_semaphore(%arg18 : memref<!tpu.dma_semaphore, #tpu.memory_space<semaphore_mem>>)
      %slice3A_224 = vector.extract_strided_slice %scan3A_158 {offsets = [1], sizes = [1], strides = [1]} : vector<16xi32> to vector<1xi32>
      %squeeze3A_225 = vector.extract %slice3A_224[0] : i32 from vector<1xi32>
      %dma_wait3A_226 = arith.constant 0 : i32
      %dma_wait3A_227 = arith.constant 0 : i32
      %dma_wait3A_228 = tpu.memref_slice %arg3[%dma_wait3A_226, %dma_wait3A_227] : memref<64x1000000xf32, #tpu.memory_space<hbm>> -> memref<64x128xf32, #tpu.memory_space<hbm>>
      %dma_wait3A_229 = arith.constant 0 : i32
      %dma_wait3A_230 = arith.constant 0 : i32
      %dma_wait3A_231 = tpu.memref_slice %arg3[%dma_wait3A_229, %dma_wait3A_230] : memref<64x1000000xf32, #tpu.memory_space<hbm>> -> memref<64x128xf32, #tpu.memory_space<hbm>>
      tpu.wait_dma2 semaphore(%arg19 : memref<!tpu.dma_semaphore, #tpu.memory_space<semaphore_mem>>) src(%dma_wait3A_231 : memref<64x128xf32, #tpu.memory_space<hbm>>) dst(%arg7 : memref<64x128xf32, #tpu.memory_space<vmem>>)
      %and3A_232 = arith.constant 127 : i32
      %and3A_233 = arith.andi %squeeze3A_225, %and3A_232 : i32
      %broadcast_in_dim3A_234 = vector.broadcast %and3A_233 : i32 to vector<16xi32>
      %mul3A_235 = arith.constant 16 : i32
      %mul3A_236 = arith.muli %add3A_162, %mul3A_235 : i32
      %add3A_237 = arith.constant 1 : i32
      %add3A_238 = arith.addi %mul3A_236, %add3A_237 : i32
      %broadcast_in_dim3A_239 = vector.broadcast %add3A_238 : i32 to vector<16xi32>
      %add3A_240 = arith.constant 0 : i32
      %add3A_241 = vector.broadcast %add3A_240 : i32 to vector<16xi32>
      %add3A_242 = arith.addi %iota3A, %add3A_241 : vector<16xi32>
      %gather3A_243 = tpu.vector_load_idx %arg7[%add3A_242, %broadcast_in_dim3A_234] : memref<64x128xf32, #tpu.memory_space<vmem>>[vector<16xi32>, vector<16xi32>], vector<16xf32>,
      %add3A_244 = arith.constant 0 : i32
      %add3A_245 = vector.broadcast %add3A_244 : i32 to vector<16xi32>
      %add3A_246 = arith.addi %iota3A, %add3A_245 : vector<16xi32>
      tpu.vector_store_idx %arg16[%add3A_246, %broadcast_in_dim3A_239], %gather3A_243 : memref<64x128xf32, #tpu.memory_space<vmem>>[vector<16xi32>, vector<16xi32>], vector<16xf32>,
      %add3A_247 = arith.constant 16 : i32
      %add3A_248 = vector.broadcast %add3A_247 : i32 to vector<16xi32>
      %add3A_249 = arith.addi %iota3A, %add3A_248 : vector<16xi32>
      %gather3A_250 = tpu.vector_load_idx %arg7[%add3A_249, %broadcast_in_dim3A_234] : memref<64x128xf32, #tpu.memory_space<vmem>>[vector<16xi32>, vector<16xi32>], vector<16xf32>,
      %add3A_251 = arith.constant 16 : i32
      %add3A_252 = vector.broadcast %add3A_251 : i32 to vector<16xi32>
      %add3A_253 = arith.addi %iota3A, %add3A_252 : vector<16xi32>
      tpu.vector_store_idx %arg16[%add3A_253, %broadcast_in_dim3A_239], %gather3A_250 : memref<64x128xf32, #tpu.memory_space<vmem>>[vector<16xi32>, vector<16xi32>], vector<16xf32>,
      %add3A_254 = arith.constant 32 : i32
      %add3A_255 = vector.broadcast %add3A_254 : i32 to vector<16xi32>
      %add3A_256 = arith.addi %iota3A, %add3A_255 : vector<16xi32>
      %gather3A_257 = tpu.vector_load_idx %arg7[%add3A_256, %broadcast_in_dim3A_234] : memref<64x128xf32, #tpu.memory_space<vmem>>[vector<16xi32>, vector<16xi32>], vector<16xf32>,
      %add3A_258 = arith.constant 32 : i32
      %add3A_259 = vector.broadcast %add3A_258 : i32 to vector<16xi32>
      %add3A_260 = arith.addi %iota3A, %add3A_259 : vector<16xi32>
      tpu.vector_store_idx %arg16[%add3A_260, %broadcast_in_dim3A_239], %gather3A_257 : memref<64x128xf32, #tpu.memory_space<vmem>>[vector<16xi32>, vector<16xi32>], vector<16xf32>,
      %add3A_261 = arith.constant 48 : i32
      %add3A_262 = vector.broadcast %add3A_261 : i32 to vector<16xi32>
      %add3A_263 = arith.addi %iota3A, %add3A_262 : vector<16xi32>
      %gather3A_264 = tpu.vector_load_idx %arg7[%add3A_263, %broadcast_in_dim3A_234] : memref<64x128xf32, #tpu.memory_space<vmem>>[vector<16xi32>, vector<16xi32>], vector<16xf32>,
      %add3A_265 = arith.constant 48 : i32
      %add3A_266 = vector.broadcast %add3A_265 : i32 to vector<16xi32>
      %add3A_267 = arith.addi %iota3A, %add3A_266 : vector<16xi32>
      tpu.vector_store_idx %arg16[%add3A_267, %broadcast_in_dim3A_239], %gather3A_264 : memref<64x128xf32, #tpu.memory_space<vmem>>[vector<16xi32>, vector<16xi32>], vector<16xf32>,
      %slice3A_268 = vector.extract_strided_slice %scan3A_158 {offsets = [9], sizes = [1], strides = [1]} : vector<16xi32> to vector<1xi32>
      %squeeze3A_269 = vector.extract %slice3A_268[0] : i32 from vector<1xi32>
      %shift_right_arithmetic3A_270 = arith.constant 7 : i32
      %shift_right_arithmetic3A_271 = arith.shrsi %squeeze3A_269, %shift_right_arithmetic3A_270 : i32
      %mul3A_272 = arith.constant 128 : i32
      %mul3A_273 = arith.muli %shift_right_arithmetic3A_271, %mul3A_272 : i32
      %multiple_of3A_274 = tpu.assume_multiple %mul3A_273, 128 : i32
      %dma_start3A_275 = arith.constant 0 : i32
      %dma_start3A_276 = tpu.memref_slice %arg3[%dma_start3A_275, %multiple_of3A_274] : memref<64x1000000xf32, #tpu.memory_space<hbm>> -> memref<64x128xf32, #tpu.memory_space<hbm>>
      %dma_start3A_277 = arith.constant 0 : i32
      %dma_start3A_278 = tpu.memref_slice %arg3[%dma_start3A_277, %multiple_of3A_274] : memref<64x1000000xf32, #tpu.memory_space<hbm>> -> memref<64x128xf32, #tpu.memory_space<hbm>>
      tpu.enqueue_dma source(%dma_start3A_278 : memref<64x128xf32, #tpu.memory_space<hbm>>) target(%arg7 : memref<64x128xf32, #tpu.memory_space<vmem>>) target_semaphore(%arg19 : memref<!tpu.dma_semaphore, #tpu.memory_space<semaphore_mem>>)
      %slice3A_279 = vector.extract_strided_slice %scan3A_158 {offsets = [2], sizes = [1], strides = [1]} : vector<16xi32> to vector<1xi32>
      %squeeze3A_280 = vector.extract %slice3A_279[0] : i32 from vector<1xi32>
      %dma_wait3A_281 = arith.constant 0 : i32
      %dma_wait3A_282 = arith.constant 0 : i32
      %dma_wait3A_283 = tpu.memref_slice %arg3[%dma_wait3A_281, %dma_wait3A_282] : memref<64x1000000xf32, #tpu.memory_space<hbm>> -> memref<64x128xf32, #tpu.memory_space<hbm>>
      %dma_wait3A_284 = arith.constant 0 : i32
      %dma_wait3A_285 = arith.constant 0 : i32
      %dma_wait3A_286 = tpu.memref_slice %arg3[%dma_wait3A_284, %dma_wait3A_285] : memref<64x1000000xf32, #tpu.memory_space<hbm>> -> memref<64x128xf32, #tpu.memory_space<hbm>>
      tpu.wait_dma2 semaphore(%arg20 : memref<!tpu.dma_semaphore, #tpu.memory_space<semaphore_mem>>) src(%dma_wait3A_286 : memref<64x128xf32, #tpu.memory_space<hbm>>) dst(%arg8 : memref<64x128xf32, #tpu.memory_space<vmem>>)
      %and3A_287 = arith.constant 127 : i32
      %and3A_288 = arith.andi %squeeze3A_280, %and3A_287 : i32
      %broadcast_in_dim3A_289 = vector.broadcast %and3A_288 : i32 to vector<16xi32>
      %mul3A_290 = arith.constant 16 : i32
      %mul3A_291 = arith.muli %add3A_162, %mul3A_290 : i32
      %add3A_292 = arith.constant 2 : i32
      %add3A_293 = arith.addi %mul3A_291, %add3A_292 : i32
      %broadcast_in_dim3A_294 = vector.broadcast %add3A_293 : i32 to vector<16xi32>
      %add3A_295 = arith.constant 0 : i32
      %add3A_296 = vector.broadcast %add3A_295 : i32 to vector<16xi32>
      %add3A_297 = arith.addi %iota3A, %add3A_296 : vector<16xi32>
      %gather3A_298 = tpu.vector_load_idx %arg8[%add3A_297, %broadcast_in_dim3A_289] : memref<64x128xf32, #tpu.memory_space<vmem>>[vector<16xi32>, vector<16xi32>], vector<16xf32>,
      %add3A_299 = arith.constant 0 : i32
      %add3A_300 = vector.broadcast %add3A_299 : i32 to vector<16xi32>
      %add3A_301 = arith.addi %iota3A, %add3A_300 : vector<16xi32>
      tpu.vector_store_idx %arg16[%add3A_301, %broadcast_in_dim3A_294], %gather3A_298 : memref<64x128xf32, #tpu.memory_space<vmem>>[vector<16xi32>, vector<16xi32>], vector<16xf32>,
      %add3A_302 = arith.constant 16 : i32
      %add3A_303 = vector.broadcast %add3A_302 : i32 to vector<16xi32>
      %add3A_304 = arith.addi %iota3A, %add3A_303 : vector<16xi32>
      %gather3A_305 = tpu.vector_load_idx %arg8[%add3A_304, %broadcast_in_dim3A_289] : memref<64x128xf32, #tpu.memory_space<vmem>>[vector<16xi32>, vector<16xi32>], vector<16xf32>,
      %add3A_306 = arith.constant 16 : i32
      %add3A_307 = vector.broadcast %add3A_306 : i32 to vector<16xi32>
      %add3A_308 = arith.addi %iota3A, %add3A_307 : vector<16xi32>
      tpu.vector_store_idx %arg16[%add3A_308, %broadcast_in_dim3A_294], %gather3A_305 : memref<64x128xf32, #tpu.memory_space<vmem>>[vector<16xi32>, vector<16xi32>], vector<16xf32>,
      %add3A_309 = arith.constant 32 : i32
      %add3A_310 = vector.broadcast %add3A_309 : i32 to vector<16xi32>
      %add3A_311 = arith.addi %iota3A, %add3A_310 : vector<16xi32>
      %gather3A_312 = tpu.vector_load_idx %arg8[%add3A_311, %broadcast_in_dim3A_289] : memref<64x128xf32, #tpu.memory_space<vmem>>[vector<16xi32>, vector<16xi32>], vector<16xf32>,
      %add3A_313 = arith.constant 32 : i32
      %add3A_314 = vector.broadcast %add3A_313 : i32 to vector<16xi32>
      %add3A_315 = arith.addi %iota3A, %add3A_314 : vector<16xi32>
      tpu.vector_store_idx %arg16[%add3A_315, %broadcast_in_dim3A_294], %gather3A_312 : memref<64x128xf32, #tpu.memory_space<vmem>>[vector<16xi32>, vector<16xi32>], vector<16xf32>,
      %add3A_316 = arith.constant 48 : i32
      %add3A_317 = vector.broadcast %add3A_316 : i32 to vector<16xi32>
      %add3A_318 = arith.addi %iota3A, %add3A_317 : vector<16xi32>
      %gather3A_319 = tpu.vector_load_idx %arg8[%add3A_318, %broadcast_in_dim3A_289] : memref<64x128xf32, #tpu.memory_space<vmem>>[vector<16xi32>, vector<16xi32>], vector<16xf32>,
      %add3A_320 = arith.constant 48 : i32
      %add3A_321 = vector.broadcast %add3A_320 : i32 to vector<16xi32>
      %add3A_322 = arith.addi %iota3A, %add3A_321 : vector<16xi32>
      tpu.vector_store_idx %arg16[%add3A_322, %broadcast_in_dim3A_294], %gather3A_319 : memref<64x128xf32, #tpu.memory_space<vmem>>[vector<16xi32>, vector<16xi32>], vector<16xf32>,
      %slice3A_323 = vector.extract_strided_slice %scan3A_158 {offsets = [10], sizes = [1], strides = [1]} : vector<16xi32> to vector<1xi32>
      %squeeze3A_324 = vector.extract %slice3A_323[0] : i32 from vector<1xi32>
      %shift_right_arithmetic3A_325 = arith.constant 7 : i32
      %shift_right_arithmetic3A_326 = arith.shrsi %squeeze3A_324, %shift_right_arithmetic3A_325 : i32
      %mul3A_327 = arith.constant 128 : i32
      %mul3A_328 = arith.muli %shift_right_arithmetic3A_326, %mul3A_327 : i32
      %multiple_of3A_329 = tpu.assume_multiple %mul3A_328, 128 : i32
      %dma_start3A_330 = arith.constant 0 : i32
      %dma_start3A_331 = tpu.memref_slice %arg3[%dma_start3A_330, %multiple_of3A_329] : memref<64x1000000xf32, #tpu.memory_space<hbm>> -> memref<64x128xf32, #tpu.memory_space<hbm>>
      %dma_start3A_332 = arith.constant 0 : i32
      %dma_start3A_333 = tpu.memref_slice %arg3[%dma_start3A_332, %multiple_of3A_329] : memref<64x1000000xf32, #tpu.memory_space<hbm>> -> memref<64x128xf32, #tpu.memory_space<hbm>>
      tpu.enqueue_dma source(%dma_start3A_333 : memref<64x128xf32, #tpu.memory_space<hbm>>) target(%arg8 : memref<64x128xf32, #tpu.memory_space<vmem>>) target_semaphore(%arg20 : memref<!tpu.dma_semaphore, #tpu.memory_space<semaphore_mem>>)
      %slice3A_334 = vector.extract_strided_slice %scan3A_158 {offsets = [3], sizes = [1], strides = [1]} : vector<16xi32> to vector<1xi32>
      %squeeze3A_335 = vector.extract %slice3A_334[0] : i32 from vector<1xi32>
      %dma_wait3A_336 = arith.constant 0 : i32
      %dma_wait3A_337 = arith.constant 0 : i32
      %dma_wait3A_338 = tpu.memref_slice %arg3[%dma_wait3A_336, %dma_wait3A_337] : memref<64x1000000xf32, #tpu.memory_space<hbm>> -> memref<64x128xf32, #tpu.memory_space<hbm>>
      %dma_wait3A_339 = arith.constant 0 : i32
      %dma_wait3A_340 = arith.constant 0 : i32
      %dma_wait3A_341 = tpu.memref_slice %arg3[%dma_wait3A_339, %dma_wait3A_340] : memref<64x1000000xf32, #tpu.memory_space<hbm>> -> memref<64x128xf32, #tpu.memory_space<hbm>>
      tpu.wait_dma2 semaphore(%arg21 : memref<!tpu.dma_semaphore, #tpu.memory_space<semaphore_mem>>) src(%dma_wait3A_341 : memref<64x128xf32, #tpu.memory_space<hbm>>) dst(%arg9 : memref<64x128xf32, #tpu.memory_space<vmem>>)
      %and3A_342 = arith.constant 127 : i32
      %and3A_343 = arith.andi %squeeze3A_335, %and3A_342 : i32
      %broadcast_in_dim3A_344 = vector.broadcast %and3A_343 : i32 to vector<16xi32>
      %mul3A_345 = arith.constant 16 : i32
      %mul3A_346 = arith.muli %add3A_162, %mul3A_345 : i32
      %add3A_347 = arith.constant 3 : i32
      %add3A_348 = arith.addi %mul3A_346, %add3A_347 : i32
      %broadcast_in_dim3A_349 = vector.broadcast %add3A_348 : i32 to vector<16xi32>
      %add3A_350 = arith.constant 0 : i32
      %add3A_351 = vector.broadcast %add3A_350 : i32 to vector<16xi32>
      %add3A_352 = arith.addi %iota3A, %add3A_351 : vector<16xi32>
      %gather3A_353 = tpu.vector_load_idx %arg9[%add3A_352, %broadcast_in_dim3A_344] : memref<64x128xf32, #tpu.memory_space<vmem>>[vector<16xi32>, vector<16xi32>], vector<16xf32>,
      %add3A_354 = arith.constant 0 : i32
      %add3A_355 = vector.broadcast %add3A_354 : i32 to vector<16xi32>
      %add3A_356 = arith.addi %iota3A, %add3A_355 : vector<16xi32>
      tpu.vector_store_idx %arg16[%add3A_356, %broadcast_in_dim3A_349], %gather3A_353 : memref<64x128xf32, #tpu.memory_space<vmem>>[vector<16xi32>, vector<16xi32>], vector<16xf32>,
      %add3A_357 = arith.constant 16 : i32
      %add3A_358 = vector.broadcast %add3A_357 : i32 to vector<16xi32>
      %add3A_359 = arith.addi %iota3A, %add3A_358 : vector<16xi32>
      %gather3A_360 = tpu.vector_load_idx %arg9[%add3A_359, %broadcast_in_dim3A_344] : memref<64x128xf32, #tpu.memory_space<vmem>>[vector<16xi32>, vector<16xi32>], vector<16xf32>,
      %add3A_361 = arith.constant 16 : i32
      %add3A_362 = vector.broadcast %add3A_361 : i32 to vector<16xi32>
      %add3A_363 = arith.addi %iota3A, %add3A_362 : vector<16xi32>
      tpu.vector_store_idx %arg16[%add3A_363, %broadcast_in_dim3A_349], %gather3A_360 : memref<64x128xf32, #tpu.memory_space<vmem>>[vector<16xi32>, vector<16xi32>], vector<16xf32>,
      %add3A_364 = arith.constant 32 : i32
      %add3A_365 = vector.broadcast %add3A_364 : i32 to vector<16xi32>
      %add3A_366 = arith.addi %iota3A, %add3A_365 : vector<16xi32>
      %gather3A_367 = tpu.vector_load_idx %arg9[%add3A_366, %broadcast_in_dim3A_344] : memref<64x128xf32, #tpu.memory_space<vmem>>[vector<16xi32>, vector<16xi32>], vector<16xf32>,
      %add3A_368 = arith.constant 32 : i32
      %add3A_369 = vector.broadcast %add3A_368 : i32 to vector<16xi32>
      %add3A_370 = arith.addi %iota3A, %add3A_369 : vector<16xi32>
      tpu.vector_store_idx %arg16[%add3A_370, %broadcast_in_dim3A_349], %gather3A_367 : memref<64x128xf32, #tpu.memory_space<vmem>>[vector<16xi32>, vector<16xi32>], vector<16xf32>,
      %add3A_371 = arith.constant 48 : i32
      %add3A_372 = vector.broadcast %add3A_371 : i32 to vector<16xi32>
      %add3A_373 = arith.addi %iota3A, %add3A_372 : vector<16xi32>
      %gather3A_374 = tpu.vector_load_idx %arg9[%add3A_373, %broadcast_in_dim3A_344] : memref<64x128xf32, #tpu.memory_space<vmem>>[vector<16xi32>, vector<16xi32>], vector<16xf32>,
      %add3A_375 = arith.constant 48 : i32
      %add3A_376 = vector.broadcast %add3A_375 : i32 to vector<16xi32>
      %add3A_377 = arith.addi %iota3A, %add3A_376 : vector<16xi32>
      tpu.vector_store_idx %arg16[%add3A_377, %broadcast_in_dim3A_349], %gather3A_374 : memref<64x128xf32, #tpu.memory_space<vmem>>[vector<16xi32>, vector<16xi32>], vector<16xf32>,
      %slice3A_378 = vector.extract_strided_slice %scan3A_158 {offsets = [11], sizes = [1], strides = [1]} : vector<16xi32> to vector<1xi32>
      %squeeze3A_379 = vector.extract %slice3A_378[0] : i32 from vector<1xi32>
      %shift_right_arithmetic3A_380 = arith.constant 7 : i32
      %shift_right_arithmetic3A_381 = arith.shrsi %squeeze3A_379, %shift_right_arithmetic3A_380 : i32
      %mul3A_382 = arith.constant 128 : i32
      %mul3A_383 = arith.muli %shift_right_arithmetic3A_381, %mul3A_382 : i32
      %multiple_of3A_384 = tpu.assume_multiple %mul3A_383, 128 : i32
      %dma_start3A_385 = arith.constant 0 : i32
      %dma_start3A_386 = tpu.memref_slice %arg3[%dma_start3A_385, %multiple_of3A_384] : memref<64x1000000xf32, #tpu.memory_space<hbm>> -> memref<64x128xf32, #tpu.memory_space<hbm>>
      %dma_start3A_387 = arith.constant 0 : i32
      %dma_start3A_388 = tpu.memref_slice %arg3[%dma_start3A_387, %multiple_of3A_384] : memref<64x1000000xf32, #tpu.memory_space<hbm>> -> memref<64x128xf32, #tpu.memory_space<hbm>>
      tpu.enqueue_dma source(%dma_start3A_388 : memref<64x128xf32, #tpu.memory_space<hbm>>) target(%arg9 : memref<64x128xf32, #tpu.memory_space<vmem>>) target_semaphore(%arg21 : memref<!tpu.dma_semaphore, #tpu.memory_space<semaphore_mem>>)
      %slice3A_389 = vector.extract_strided_slice %scan3A_158 {offsets = [4], sizes = [1], strides = [1]} : vector<16xi32> to vector<1xi32>
      %squeeze3A_390 = vector.extract %slice3A_389[0] : i32 from vector<1xi32>
      %dma_wait3A_391 = arith.constant 0 : i32
      %dma_wait3A_392 = arith.constant 0 : i32
      %dma_wait3A_393 = tpu.memref_slice %arg3[%dma_wait3A_391, %dma_wait3A_392] : memref<64x1000000xf32, #tpu.memory_space<hbm>> -> memref<64x128xf32, #tpu.memory_space<hbm>>
      %dma_wait3A_394 = arith.constant 0 : i32
      %dma_wait3A_395 = arith.constant 0 : i32
      %dma_wait3A_396 = tpu.memref_slice %arg3[%dma_wait3A_394, %dma_wait3A_395] : memref<64x1000000xf32, #tpu.memory_space<hbm>> -> memref<64x128xf32, #tpu.memory_space<hbm>>
      tpu.wait_dma2 semaphore(%arg22 : memref<!tpu.dma_semaphore, #tpu.memory_space<semaphore_mem>>) src(%dma_wait3A_396 : memref<64x128xf32, #tpu.memory_space<hbm>>) dst(%arg10 : memref<64x128xf32, #tpu.memory_space<vmem>>)
      %and3A_397 = arith.constant 127 : i32
      %and3A_398 = arith.andi %squeeze3A_390, %and3A_397 : i32
      %broadcast_in_dim3A_399 = vector.broadcast %and3A_398 : i32 to vector<16xi32>
      %mul3A_400 = arith.constant 16 : i32
      %mul3A_401 = arith.muli %add3A_162, %mul3A_400 : i32
      %add3A_402 = arith.constant 4 : i32
      %add3A_403 = arith.addi %mul3A_401, %add3A_402 : i32
      %broadcast_in_dim3A_404 = vector.broadcast %add3A_403 : i32 to vector<16xi32>
      %add3A_405 = arith.constant 0 : i32
      %add3A_406 = vector.broadcast %add3A_405 : i32 to vector<16xi32>
      %add3A_407 = arith.addi %iota3A, %add3A_406 : vector<16xi32>
      %gather3A_408 = tpu.vector_load_idx %arg10[%add3A_407, %broadcast_in_dim3A_399] : memref<64x128xf32, #tpu.memory_space<vmem>>[vector<16xi32>, vector<16xi32>], vector<16xf32>,
      %add3A_409 = arith.constant 0 : i32
      %add3A_410 = vector.broadcast %add3A_409 : i32 to vector<16xi32>
      %add3A_411 = arith.addi %iota3A, %add3A_410 : vector<16xi32>
      tpu.vector_store_idx %arg16[%add3A_411, %broadcast_in_dim3A_404], %gather3A_408 : memref<64x128xf32, #tpu.memory_space<vmem>>[vector<16xi32>, vector<16xi32>], vector<16xf32>,
      %add3A_412 = arith.constant 16 : i32
      %add3A_413 = vector.broadcast %add3A_412 : i32 to vector<16xi32>
      %add3A_414 = arith.addi %iota3A, %add3A_413 : vector<16xi32>
      %gather3A_415 = tpu.vector_load_idx %arg10[%add3A_414, %broadcast_in_dim3A_399] : memref<64x128xf32, #tpu.memory_space<vmem>>[vector<16xi32>, vector<16xi32>], vector<16xf32>,
      %add3A_416 = arith.constant 16 : i32
      %add3A_417 = vector.broadcast %add3A_416 : i32 to vector<16xi32>
      %add3A_418 = arith.addi %iota3A, %add3A_417 : vector<16xi32>
      tpu.vector_store_idx %arg16[%add3A_418, %broadcast_in_dim3A_404], %gather3A_415 : memref<64x128xf32, #tpu.memory_space<vmem>>[vector<16xi32>, vector<16xi32>], vector<16xf32>,
      %add3A_419 = arith.constant 32 : i32
      %add3A_420 = vector.broadcast %add3A_419 : i32 to vector<16xi32>
      %add3A_421 = arith.addi %iota3A, %add3A_420 : vector<16xi32>
      %gather3A_422 = tpu.vector_load_idx %arg10[%add3A_421, %broadcast_in_dim3A_399] : memref<64x128xf32, #tpu.memory_space<vmem>>[vector<16xi32>, vector<16xi32>], vector<16xf32>,
      %add3A_423 = arith.constant 32 : i32
      %add3A_424 = vector.broadcast %add3A_423 : i32 to vector<16xi32>
      %add3A_425 = arith.addi %iota3A, %add3A_424 : vector<16xi32>
      tpu.vector_store_idx %arg16[%add3A_425, %broadcast_in_dim3A_404], %gather3A_422 : memref<64x128xf32, #tpu.memory_space<vmem>>[vector<16xi32>, vector<16xi32>], vector<16xf32>,
      %add3A_426 = arith.constant 48 : i32
      %add3A_427 = vector.broadcast %add3A_426 : i32 to vector<16xi32>
      %add3A_428 = arith.addi %iota3A, %add3A_427 : vector<16xi32>
      %gather3A_429 = tpu.vector_load_idx %arg10[%add3A_428, %broadcast_in_dim3A_399] : memref<64x128xf32, #tpu.memory_space<vmem>>[vector<16xi32>, vector<16xi32>], vector<16xf32>,
      %add3A_430 = arith.constant 48 : i32
      %add3A_431 = vector.broadcast %add3A_430 : i32 to vector<16xi32>
      %add3A_432 = arith.addi %iota3A, %add3A_431 : vector<16xi32>
      tpu.vector_store_idx %arg16[%add3A_432, %broadcast_in_dim3A_404], %gather3A_429 : memref<64x128xf32, #tpu.memory_space<vmem>>[vector<16xi32>, vector<16xi32>], vector<16xf32>,
      %slice3A_433 = vector.extract_strided_slice %scan3A_158 {offsets = [12], sizes = [1], strides = [1]} : vector<16xi32> to vector<1xi32>
      %squeeze3A_434 = vector.extract %slice3A_433[0] : i32 from vector<1xi32>
      %shift_right_arithmetic3A_435 = arith.constant 7 : i32
      %shift_right_arithmetic3A_436 = arith.shrsi %squeeze3A_434, %shift_right_arithmetic3A_435 : i32
      %mul3A_437 = arith.constant 128 : i32
      %mul3A_438 = arith.muli %shift_right_arithmetic3A_436, %mul3A_437 : i32
      %multiple_of3A_439 = tpu.assume_multiple %mul3A_438, 128 : i32
      %dma_start3A_440 = arith.constant 0 : i32
      %dma_start3A_441 = tpu.memref_slice %arg3[%dma_start3A_440, %multiple_of3A_439] : memref<64x1000000xf32, #tpu.memory_space<hbm>> -> memref<64x128xf32, #tpu.memory_space<hbm>>
      %dma_start3A_442 = arith.constant 0 : i32
      %dma_start3A_443 = tpu.memref_slice %arg3[%dma_start3A_442, %multiple_of3A_439] : memref<64x1000000xf32, #tpu.memory_space<hbm>> -> memref<64x128xf32, #tpu.memory_space<hbm>>
      tpu.enqueue_dma source(%dma_start3A_443 : memref<64x128xf32, #tpu.memory_space<hbm>>) target(%arg10 : memref<64x128xf32, #tpu.memory_space<vmem>>) target_semaphore(%arg22 : memref<!tpu.dma_semaphore, #tpu.memory_space<semaphore_mem>>)
      %slice3A_444 = vector.extract_strided_slice %scan3A_158 {offsets = [5], sizes = [1], strides = [1]} : vector<16xi32> to vector<1xi32>
      %squeeze3A_445 = vector.extract %slice3A_444[0] : i32 from vector<1xi32>
      %dma_wait3A_446 = arith.constant 0 : i32
      %dma_wait3A_447 = arith.constant 0 : i32
      %dma_wait3A_448 = tpu.memref_slice %arg3[%dma_wait3A_446, %dma_wait3A_447] : memref<64x1000000xf32, #tpu.memory_space<hbm>> -> memref<64x128xf32, #tpu.memory_space<hbm>>
      %dma_wait3A_449 = arith.constant 0 : i32
      %dma_wait3A_450 = arith.constant 0 : i32
      %dma_wait3A_451 = tpu.memref_slice %arg3[%dma_wait3A_449, %dma_wait3A_450] : memref<64x1000000xf32, #tpu.memory_space<hbm>> -> memref<64x128xf32, #tpu.memory_space<hbm>>
      tpu.wait_dma2 semaphore(%arg23 : memref<!tpu.dma_semaphore, #tpu.memory_space<semaphore_mem>>) src(%dma_wait3A_451 : memref<64x128xf32, #tpu.memory_space<hbm>>) dst(%arg11 : memref<64x128xf32, #tpu.memory_space<vmem>>)
      %and3A_452 = arith.constant 127 : i32
      %and3A_453 = arith.andi %squeeze3A_445, %and3A_452 : i32
      %broadcast_in_dim3A_454 = vector.broadcast %and3A_453 : i32 to vector<16xi32>
      %mul3A_455 = arith.constant 16 : i32
      %mul3A_456 = arith.muli %add3A_162, %mul3A_455 : i32
      %add3A_457 = arith.constant 5 : i32
      %add3A_458 = arith.addi %mul3A_456, %add3A_457 : i32
      %broadcast_in_dim3A_459 = vector.broadcast %add3A_458 : i32 to vector<16xi32>
      %add3A_460 = arith.constant 0 : i32
      %add3A_461 = vector.broadcast %add3A_460 : i32 to vector<16xi32>
      %add3A_462 = arith.addi %iota3A, %add3A_461 : vector<16xi32>
      %gather3A_463 = tpu.vector_load_idx %arg11[%add3A_462, %broadcast_in_dim3A_454] : memref<64x128xf32, #tpu.memory_space<vmem>>[vector<16xi32>, vector<16xi32>], vector<16xf32>,
      %add3A_464 = arith.constant 0 : i32
      %add3A_465 = vector.broadcast %add3A_464 : i32 to vector<16xi32>
      %add3A_466 = arith.addi %iota3A, %add3A_465 : vector<16xi32>
      tpu.vector_store_idx %arg16[%add3A_466, %broadcast_in_dim3A_459], %gather3A_463 : memref<64x128xf32, #tpu.memory_space<vmem>>[vector<16xi32>, vector<16xi32>], vector<16xf32>,
      %add3A_467 = arith.constant 16 : i32
      %add3A_468 = vector.broadcast %add3A_467 : i32 to vector<16xi32>
      %add3A_469 = arith.addi %iota3A, %add3A_468 : vector<16xi32>
      %gather3A_470 = tpu.vector_load_idx %arg11[%add3A_469, %broadcast_in_dim3A_454] : memref<64x128xf32, #tpu.memory_space<vmem>>[vector<16xi32>, vector<16xi32>], vector<16xf32>,
      %add3A_471 = arith.constant 16 : i32
      %add3A_472 = vector.broadcast %add3A_471 : i32 to vector<16xi32>
      %add3A_473 = arith.addi %iota3A, %add3A_472 : vector<16xi32>
      tpu.vector_store_idx %arg16[%add3A_473, %broadcast_in_dim3A_459], %gather3A_470 : memref<64x128xf32, #tpu.memory_space<vmem>>[vector<16xi32>, vector<16xi32>], vector<16xf32>,
      %add3A_474 = arith.constant 32 : i32
      %add3A_475 = vector.broadcast %add3A_474 : i32 to vector<16xi32>
      %add3A_476 = arith.addi %iota3A, %add3A_475 : vector<16xi32>
      %gather3A_477 = tpu.vector_load_idx %arg11[%add3A_476, %broadcast_in_dim3A_454] : memref<64x128xf32, #tpu.memory_space<vmem>>[vector<16xi32>, vector<16xi32>], vector<16xf32>,
      %add3A_478 = arith.constant 32 : i32
      %add3A_479 = vector.broadcast %add3A_478 : i32 to vector<16xi32>
      %add3A_480 = arith.addi %iota3A, %add3A_479 : vector<16xi32>
      tpu.vector_store_idx %arg16[%add3A_480, %broadcast_in_dim3A_459], %gather3A_477 : memref<64x128xf32, #tpu.memory_space<vmem>>[vector<16xi32>, vector<16xi32>], vector<16xf32>,
      %add3A_481 = arith.constant 48 : i32
      %add3A_482 = vector.broadcast %add3A_481 : i32 to vector<16xi32>
      %add3A_483 = arith.addi %iota3A, %add3A_482 : vector<16xi32>
      %gather3A_484 = tpu.vector_load_idx %arg11[%add3A_483, %broadcast_in_dim3A_454] : memref<64x128xf32, #tpu.memory_space<vmem>>[vector<16xi32>, vector<16xi32>], vector<16xf32>,
      %add3A_485 = arith.constant 48 : i32
      %add3A_486 = vector.broadcast %add3A_485 : i32 to vector<16xi32>
      %add3A_487 = arith.addi %iota3A, %add3A_486 : vector<16xi32>
      tpu.vector_store_idx %arg16[%add3A_487, %broadcast_in_dim3A_459], %gather3A_484 : memref<64x128xf32, #tpu.memory_space<vmem>>[vector<16xi32>, vector<16xi32>], vector<16xf32>,
      %slice3A_488 = vector.extract_strided_slice %scan3A_158 {offsets = [13], sizes = [1], strides = [1]} : vector<16xi32> to vector<1xi32>
      %squeeze3A_489 = vector.extract %slice3A_488[0] : i32 from vector<1xi32>
      %shift_right_arithmetic3A_490 = arith.constant 7 : i32
      %shift_right_arithmetic3A_491 = arith.shrsi %squeeze3A_489, %shift_right_arithmetic3A_490 : i32
      %mul3A_492 = arith.constant 128 : i32
      %mul3A_493 = arith.muli %shift_right_arithmetic3A_491, %mul3A_492 : i32
      %multiple_of3A_494 = tpu.assume_multiple %mul3A_493, 128 : i32
      %dma_start3A_495 = arith.constant 0 : i32
      %dma_start3A_496 = tpu.memref_slice %arg3[%dma_start3A_495, %multiple_of3A_494] : memref<64x1000000xf32, #tpu.memory_space<hbm>> -> memref<64x128xf32, #tpu.memory_space<hbm>>
      %dma_start3A_497 = arith.constant 0 : i32
      %dma_start3A_498 = tpu.memref_slice %arg3[%dma_start3A_497, %multiple_of3A_494] : memref<64x1000000xf32, #tpu.memory_space<hbm>> -> memref<64x128xf32, #tpu.memory_space<hbm>>
      tpu.enqueue_dma source(%dma_start3A_498 : memref<64x128xf32, #tpu.memory_space<hbm>>) target(%arg11 : memref<64x128xf32, #tpu.memory_space<vmem>>) target_semaphore(%arg23 : memref<!tpu.dma_semaphore, #tpu.memory_space<semaphore_mem>>)
      %slice3A_499 = vector.extract_strided_slice %scan3A_158 {offsets = [6], sizes = [1], strides = [1]} : vector<16xi32> to vector<1xi32>
      %squeeze3A_500 = vector.extract %slice3A_499[0] : i32 from vector<1xi32>
      %dma_wait3A_501 = arith.constant 0 : i32
      %dma_wait3A_502 = arith.constant 0 : i32
      %dma_wait3A_503 = tpu.memref_slice %arg3[%dma_wait3A_501, %dma_wait3A_502] : memref<64x1000000xf32, #tpu.memory_space<hbm>> -> memref<64x128xf32, #tpu.memory_space<hbm>>
      %dma_wait3A_504 = arith.constant 0 : i32
      %dma_wait3A_505 = arith.constant 0 : i32
      %dma_wait3A_506 = tpu.memref_slice %arg3[%dma_wait3A_504, %dma_wait3A_505] : memref<64x1000000xf32, #tpu.memory_space<hbm>> -> memref<64x128xf32, #tpu.memory_space<hbm>>
      tpu.wait_dma2 semaphore(%arg24 : memref<!tpu.dma_semaphore, #tpu.memory_space<semaphore_mem>>) src(%dma_wait3A_506 : memref<64x128xf32, #tpu.memory_space<hbm>>) dst(%arg12 : memref<64x128xf32, #tpu.memory_space<vmem>>)
      %and3A_507 = arith.constant 127 : i32
      %and3A_508 = arith.andi %squeeze3A_500, %and3A_507 : i32
      %broadcast_in_dim3A_509 = vector.broadcast %and3A_508 : i32 to vector<16xi32>
      %mul3A_510 = arith.constant 16 : i32
      %mul3A_511 = arith.muli %add3A_162, %mul3A_510 : i32
      %add3A_512 = arith.constant 6 : i32
      %add3A_513 = arith.addi %mul3A_511, %add3A_512 : i32
      %broadcast_in_dim3A_514 = vector.broadcast %add3A_513 : i32 to vector<16xi32>
      %add3A_515 = arith.constant 0 : i32
      %add3A_516 = vector.broadcast %add3A_515 : i32 to vector<16xi32>
      %add3A_517 = arith.addi %iota3A, %add3A_516 : vector<16xi32>
      %gather3A_518 = tpu.vector_load_idx %arg12[%add3A_517, %broadcast_in_dim3A_509] : memref<64x128xf32, #tpu.memory_space<vmem>>[vector<16xi32>, vector<16xi32>], vector<16xf32>,
      %add3A_519 = arith.constant 0 : i32
      %add3A_520 = vector.broadcast %add3A_519 : i32 to vector<16xi32>
      %add3A_521 = arith.addi %iota3A, %add3A_520 : vector<16xi32>
      tpu.vector_store_idx %arg16[%add3A_521, %broadcast_in_dim3A_514], %gather3A_518 : memref<64x128xf32, #tpu.memory_space<vmem>>[vector<16xi32>, vector<16xi32>], vector<16xf32>,
      %add3A_522 = arith.constant 16 : i32
      %add3A_523 = vector.broadcast %add3A_522 : i32 to vector<16xi32>
      %add3A_524 = arith.addi %iota3A, %add3A_523 : vector<16xi32>
      %gather3A_525 = tpu.vector_load_idx %arg12[%add3A_524, %broadcast_in_dim3A_509] : memref<64x128xf32, #tpu.memory_space<vmem>>[vector<16xi32>, vector<16xi32>], vector<16xf32>,
      %add3A_526 = arith.constant 16 : i32
      %add3A_527 = vector.broadcast %add3A_526 : i32 to vector<16xi32>
      %add3A_528 = arith.addi %iota3A, %add3A_527 : vector<16xi32>
      tpu.vector_store_idx %arg16[%add3A_528, %broadcast_in_dim3A_514], %gather3A_525 : memref<64x128xf32, #tpu.memory_space<vmem>>[vector<16xi32>, vector<16xi32>], vector<16xf32>,
      %add3A_529 = arith.constant 32 : i32
      %add3A_530 = vector.broadcast %add3A_529 : i32 to vector<16xi32>
      %add3A_531 = arith.addi %iota3A, %add3A_530 : vector<16xi32>
      %gather3A_532 = tpu.vector_load_idx %arg12[%add3A_531, %broadcast_in_dim3A_509] : memref<64x128xf32, #tpu.memory_space<vmem>>[vector<16xi32>, vector<16xi32>], vector<16xf32>,
      %add3A_533 = arith.constant 32 : i32
      %add3A_534 = vector.broadcast %add3A_533 : i32 to vector<16xi32>
      %add3A_535 = arith.addi %iota3A, %add3A_534 : vector<16xi32>
      tpu.vector_store_idx %arg16[%add3A_535, %broadcast_in_dim3A_514], %gather3A_532 : memref<64x128xf32, #tpu.memory_space<vmem>>[vector<16xi32>, vector<16xi32>], vector<16xf32>,
      %add3A_536 = arith.constant 48 : i32
      %add3A_537 = vector.broadcast %add3A_536 : i32 to vector<16xi32>
      %add3A_538 = arith.addi %iota3A, %add3A_537 : vector<16xi32>
      %gather3A_539 = tpu.vector_load_idx %arg12[%add3A_538, %broadcast_in_dim3A_509] : memref<64x128xf32, #tpu.memory_space<vmem>>[vector<16xi32>, vector<16xi32>], vector<16xf32>,
      %add3A_540 = arith.constant 48 : i32
      %add3A_541 = vector.broadcast %add3A_540 : i32 to vector<16xi32>
      %add3A_542 = arith.addi %iota3A, %add3A_541 : vector<16xi32>
      tpu.vector_store_idx %arg16[%add3A_542, %broadcast_in_dim3A_514], %gather3A_539 : memref<64x128xf32, #tpu.memory_space<vmem>>[vector<16xi32>, vector<16xi32>], vector<16xf32>,
      %slice3A_543 = vector.extract_strided_slice %scan3A_158 {offsets = [14], sizes = [1], strides = [1]} : vector<16xi32> to vector<1xi32>
      %squeeze3A_544 = vector.extract %slice3A_543[0] : i32 from vector<1xi32>
      %shift_right_arithmetic3A_545 = arith.constant 7 : i32
      %shift_right_arithmetic3A_546 = arith.shrsi %squeeze3A_544, %shift_right_arithmetic3A_545 : i32
      %mul3A_547 = arith.constant 128 : i32
      %mul3A_548 = arith.muli %shift_right_arithmetic3A_546, %mul3A_547 : i32
      %multiple_of3A_549 = tpu.assume_multiple %mul3A_548, 128 : i32
      %dma_start3A_550 = arith.constant 0 : i32
      %dma_start3A_551 = tpu.memref_slice %arg3[%dma_start3A_550, %multiple_of3A_549] : memref<64x1000000xf32, #tpu.memory_space<hbm>> -> memref<64x128xf32, #tpu.memory_space<hbm>>
      %dma_start3A_552 = arith.constant 0 : i32
      %dma_start3A_553 = tpu.memref_slice %arg3[%dma_start3A_552, %multiple_of3A_549] : memref<64x1000000xf32, #tpu.memory_space<hbm>> -> memref<64x128xf32, #tpu.memory_space<hbm>>
      tpu.enqueue_dma source(%dma_start3A_553 : memref<64x128xf32, #tpu.memory_space<hbm>>) target(%arg12 : memref<64x128xf32, #tpu.memory_space<vmem>>) target_semaphore(%arg24 : memref<!tpu.dma_semaphore, #tpu.memory_space<semaphore_mem>>)
      %slice3A_554 = vector.extract_strided_slice %scan3A_158 {offsets = [7], sizes = [1], strides = [1]} : vector<16xi32> to vector<1xi32>
      %squeeze3A_555 = vector.extract %slice3A_554[0] : i32 from vector<1xi32>
      %dma_wait3A_556 = arith.constant 0 : i32
      %dma_wait3A_557 = arith.constant 0 : i32
      %dma_wait3A_558 = tpu.memref_slice %arg3[%dma_wait3A_556, %dma_wait3A_557] : memref<64x1000000xf32, #tpu.memory_space<hbm>> -> memref<64x128xf32, #tpu.memory_space<hbm>>
      %dma_wait3A_559 = arith.constant 0 : i32
      %dma_wait3A_560 = arith.constant 0 : i32
      %dma_wait3A_561 = tpu.memref_slice %arg3[%dma_wait3A_559, %dma_wait3A_560] : memref<64x1000000xf32, #tpu.memory_space<hbm>> -> memref<64x128xf32, #tpu.memory_space<hbm>>
      tpu.wait_dma2 semaphore(%arg25 : memref<!tpu.dma_semaphore, #tpu.memory_space<semaphore_mem>>) src(%dma_wait3A_561 : memref<64x128xf32, #tpu.memory_space<hbm>>) dst(%arg13 : memref<64x128xf32, #tpu.memory_space<vmem>>)
      %and3A_562 = arith.constant 127 : i32
      %and3A_563 = arith.andi %squeeze3A_555, %and3A_562 : i32
      %broadcast_in_dim3A_564 = vector.broadcast %and3A_563 : i32 to vector<16xi32>
      %mul3A_565 = arith.constant 16 : i32
      %mul3A_566 = arith.muli %add3A_162, %mul3A_565 : i32
      %add3A_567 = arith.constant 7 : i32
      %add3A_568 = arith.addi %mul3A_566, %add3A_567 : i32
      %broadcast_in_dim3A_569 = vector.broadcast %add3A_568 : i32 to vector<16xi32>
      %add3A_570 = arith.constant 0 : i32
      %add3A_571 = vector.broadcast %add3A_570 : i32 to vector<16xi32>
      %add3A_572 = arith.addi %iota3A, %add3A_571 : vector<16xi32>
      %gather3A_573 = tpu.vector_load_idx %arg13[%add3A_572, %broadcast_in_dim3A_564] : memref<64x128xf32, #tpu.memory_space<vmem>>[vector<16xi32>, vector<16xi32>], vector<16xf32>,
      %add3A_574 = arith.constant 0 : i32
      %add3A_575 = vector.broadcast %add3A_574 : i32 to vector<16xi32>
      %add3A_576 = arith.addi %iota3A, %add3A_575 : vector<16xi32>
      tpu.vector_store_idx %arg16[%add3A_576, %broadcast_in_dim3A_569], %gather3A_573 : memref<64x128xf32, #tpu.memory_space<vmem>>[vector<16xi32>, vector<16xi32>], vector<16xf32>,
      %add3A_577 = arith.constant 16 : i32
      %add3A_578 = vector.broadcast %add3A_577 : i32 to vector<16xi32>
      %add3A_579 = arith.addi %iota3A, %add3A_578 : vector<16xi32>
      %gather3A_580 = tpu.vector_load_idx %arg13[%add3A_579, %broadcast_in_dim3A_564] : memref<64x128xf32, #tpu.memory_space<vmem>>[vector<16xi32>, vector<16xi32>], vector<16xf32>,
      %add3A_581 = arith.constant 16 : i32
      %add3A_582 = vector.broadcast %add3A_581 : i32 to vector<16xi32>
      %add3A_583 = arith.addi %iota3A, %add3A_582 : vector<16xi32>
      tpu.vector_store_idx %arg16[%add3A_583, %broadcast_in_dim3A_569], %gather3A_580 : memref<64x128xf32, #tpu.memory_space<vmem>>[vector<16xi32>, vector<16xi32>], vector<16xf32>,
      %add3A_584 = arith.constant 32 : i32
      %add3A_585 = vector.broadcast %add3A_584 : i32 to vector<16xi32>
      %add3A_586 = arith.addi %iota3A, %add3A_585 : vector<16xi32>
      %gather3A_587 = tpu.vector_load_idx %arg13[%add3A_586, %broadcast_in_dim3A_564] : memref<64x128xf32, #tpu.memory_space<vmem>>[vector<16xi32>, vector<16xi32>], vector<16xf32>,
      %add3A_588 = arith.constant 32 : i32
      %add3A_589 = vector.broadcast %add3A_588 : i32 to vector<16xi32>
      %add3A_590 = arith.addi %iota3A, %add3A_589 : vector<16xi32>
      tpu.vector_store_idx %arg16[%add3A_590, %broadcast_in_dim3A_569], %gather3A_587 : memref<64x128xf32, #tpu.memory_space<vmem>>[vector<16xi32>, vector<16xi32>], vector<16xf32>,
      %add3A_591 = arith.constant 48 : i32
      %add3A_592 = vector.broadcast %add3A_591 : i32 to vector<16xi32>
      %add3A_593 = arith.addi %iota3A, %add3A_592 : vector<16xi32>
      %gather3A_594 = tpu.vector_load_idx %arg13[%add3A_593, %broadcast_in_dim3A_564] : memref<64x128xf32, #tpu.memory_space<vmem>>[vector<16xi32>, vector<16xi32>], vector<16xf32>,
      %add3A_595 = arith.constant 48 : i32
      %add3A_596 = vector.broadcast %add3A_595 : i32 to vector<16xi32>
      %add3A_597 = arith.addi %iota3A, %add3A_596 : vector<16xi32>
      tpu.vector_store_idx %arg16[%add3A_597, %broadcast_in_dim3A_569], %gather3A_594 : memref<64x128xf32, #tpu.memory_space<vmem>>[vector<16xi32>, vector<16xi32>], vector<16xf32>,
      %slice3A_598 = vector.extract_strided_slice %scan3A_158 {offsets = [15], sizes = [1], strides = [1]} : vector<16xi32> to vector<1xi32>
      %squeeze3A_599 = vector.extract %slice3A_598[0] : i32 from vector<1xi32>
      %shift_right_arithmetic3A_600 = arith.constant 7 : i32
      %shift_right_arithmetic3A_601 = arith.shrsi %squeeze3A_599, %shift_right_arithmetic3A_600 : i32
      %mul3A_602 = arith.constant 128 : i32
      %mul3A_603 = arith.muli %shift_right_arithmetic3A_601, %mul3A_602 : i32
      %multiple_of3A_604 = tpu.assume_multiple %mul3A_603, 128 : i32
      %dma_start3A_605 = arith.constant 0 : i32
      %dma_start3A_606 = tpu.memref_slice %arg3[%dma_start3A_605, %multiple_of3A_604] : memref<64x1000000xf32, #tpu.memory_space<hbm>> -> memref<64x128xf32, #tpu.memory_space<hbm>>
      %dma_start3A_607 = arith.constant 0 : i32
      %dma_start3A_608 = tpu.memref_slice %arg3[%dma_start3A_607, %multiple_of3A_604] : memref<64x1000000xf32, #tpu.memory_space<hbm>> -> memref<64x128xf32, #tpu.memory_space<hbm>>
      tpu.enqueue_dma source(%dma_start3A_608 : memref<64x128xf32, #tpu.memory_space<hbm>>) target(%arg13 : memref<64x128xf32, #tpu.memory_space<vmem>>) target_semaphore(%arg25 : memref<!tpu.dma_semaphore, #tpu.memory_space<semaphore_mem>>)
      %slice3A_609 = vector.extract_strided_slice %scan3A_158 {offsets = [8], sizes = [1], strides = [1]} : vector<16xi32> to vector<1xi32>
      %squeeze3A_610 = vector.extract %slice3A_609[0] : i32 from vector<1xi32>
      %dma_wait3A_611 = arith.constant 0 : i32
      %dma_wait3A_612 = arith.constant 0 : i32
      %dma_wait3A_613 = tpu.memref_slice %arg3[%dma_wait3A_611, %dma_wait3A_612] : memref<64x1000000xf32, #tpu.memory_space<hbm>> -> memref<64x128xf32, #tpu.memory_space<hbm>>
      %dma_wait3A_614 = arith.constant 0 : i32
      %dma_wait3A_615 = arith.constant 0 : i32
      %dma_wait3A_616 = tpu.memref_slice %arg3[%dma_wait3A_614, %dma_wait3A_615] : memref<64x1000000xf32, #tpu.memory_space<hbm>> -> memref<64x128xf32, #tpu.memory_space<hbm>>
      tpu.wait_dma2 semaphore(%arg18 : memref<!tpu.dma_semaphore, #tpu.memory_space<semaphore_mem>>) src(%dma_wait3A_616 : memref<64x128xf32, #tpu.memory_space<hbm>>) dst(%arg6 : memref<64x128xf32, #tpu.memory_space<vmem>>)
      %and3A_617 = arith.constant 127 : i32
      %and3A_618 = arith.andi %squeeze3A_610, %and3A_617 : i32
      %broadcast_in_dim3A_619 = vector.broadcast %and3A_618 : i32 to vector<16xi32>
      %mul3A_620 = arith.constant 16 : i32
      %mul3A_621 = arith.muli %add3A_162, %mul3A_620 : i32
      %add3A_622 = arith.constant 8 : i32
      %add3A_623 = arith.addi %mul3A_621, %add3A_622 : i32
      %broadcast_in_dim3A_624 = vector.broadcast %add3A_623 : i32 to vector<16xi32>
      %add3A_625 = arith.constant 0 : i32
      %add3A_626 = vector.broadcast %add3A_625 : i32 to vector<16xi32>
      %add3A_627 = arith.addi %iota3A, %add3A_626 : vector<16xi32>
      %gather3A_628 = tpu.vector_load_idx %arg6[%add3A_627, %broadcast_in_dim3A_619] : memref<64x128xf32, #tpu.memory_space<vmem>>[vector<16xi32>, vector<16xi32>], vector<16xf32>,
      %add3A_629 = arith.constant 0 : i32
      %add3A_630 = vector.broadcast %add3A_629 : i32 to vector<16xi32>
      %add3A_631 = arith.addi %iota3A, %add3A_630 : vector<16xi32>
      tpu.vector_store_idx %arg16[%add3A_631, %broadcast_in_dim3A_624], %gather3A_628 : memref<64x128xf32, #tpu.memory_space<vmem>>[vector<16xi32>, vector<16xi32>], vector<16xf32>,
      %add3A_632 = arith.constant 16 : i32
      %add3A_633 = vector.broadcast %add3A_632 : i32 to vector<16xi32>
      %add3A_634 = arith.addi %iota3A, %add3A_633 : vector<16xi32>
      %gather3A_635 = tpu.vector_load_idx %arg6[%add3A_634, %broadcast_in_dim3A_619] : memref<64x128xf32, #tpu.memory_space<vmem>>[vector<16xi32>, vector<16xi32>], vector<16xf32>,
      %add3A_636 = arith.constant 16 : i32
      %add3A_637 = vector.broadcast %add3A_636 : i32 to vector<16xi32>
      %add3A_638 = arith.addi %iota3A, %add3A_637 : vector<16xi32>
      tpu.vector_store_idx %arg16[%add3A_638, %broadcast_in_dim3A_624], %gather3A_635 : memref<64x128xf32, #tpu.memory_space<vmem>>[vector<16xi32>, vector<16xi32>], vector<16xf32>,
      %add3A_639 = arith.constant 32 : i32
      %add3A_640 = vector.broadcast %add3A_639 : i32 to vector<16xi32>
      %add3A_641 = arith.addi %iota3A, %add3A_640 : vector<16xi32>
      %gather3A_642 = tpu.vector_load_idx %arg6[%add3A_641, %broadcast_in_dim3A_619] : memref<64x128xf32, #tpu.memory_space<vmem>>[vector<16xi32>, vector<16xi32>], vector<16xf32>,
      %add3A_643 = arith.constant 32 : i32
      %add3A_644 = vector.broadcast %add3A_643 : i32 to vector<16xi32>
      %add3A_645 = arith.addi %iota3A, %add3A_644 : vector<16xi32>
      tpu.vector_store_idx %arg16[%add3A_645, %broadcast_in_dim3A_624], %gather3A_642 : memref<64x128xf32, #tpu.memory_space<vmem>>[vector<16xi32>, vector<16xi32>], vector<16xf32>,
      %add3A_646 = arith.constant 48 : i32
      %add3A_647 = vector.broadcast %add3A_646 : i32 to vector<16xi32>
      %add3A_648 = arith.addi %iota3A, %add3A_647 : vector<16xi32>
      %gather3A_649 = tpu.vector_load_idx %arg6[%add3A_648, %broadcast_in_dim3A_619] : memref<64x128xf32, #tpu.memory_space<vmem>>[vector<16xi32>, vector<16xi32>], vector<16xf32>,
      %add3A_650 = arith.constant 48 : i32
      %add3A_651 = vector.broadcast %add3A_650 : i32 to vector<16xi32>
      %add3A_652 = arith.addi %iota3A, %add3A_651 : vector<16xi32>
      tpu.vector_store_idx %arg16[%add3A_652, %broadcast_in_dim3A_624], %gather3A_649 : memref<64x128xf32, #tpu.memory_space<vmem>>[vector<16xi32>, vector<16xi32>], vector<16xf32>,
      %lt3A = arith.constant 31 : i32
      %lt3A_653 = arith.cmpi slt, %add3A_164, %lt3A : i32
      %convert_element_type3A = arith.extui %lt3A_653 : i1 to i32
      %cond3A = arith.constant 0 : i32
      %cond3A_654 = arith.cmpi ne, %convert_element_type3A, %cond3A : i32
      scf.if %cond3A_654 {
        %slice3A_998 = vector.extract_strided_slice %get3A_171 {offsets = [0], sizes = [1], strides = [1]} : vector<16xi32> to vector<1xi32>
        %squeeze3A_999 = vector.extract %slice3A_998[0] : i32 from vector<1xi32>
        %shift_right_arithmetic3A_1000 = arith.constant 7 : i32
        %shift_right_arithmetic3A_1001 = arith.shrsi %squeeze3A_999, %shift_right_arithmetic3A_1000 : i32
        %mul3A_1002 = arith.constant 128 : i32
        %mul3A_1003 = arith.muli %shift_right_arithmetic3A_1001, %mul3A_1002 : i32
        %multiple_of3A_1004 = tpu.assume_multiple %mul3A_1003, 128 : i32
        %dma_start3A_1005 = arith.constant 0 : i32
        %dma_start3A_1006 = tpu.memref_slice %arg3[%dma_start3A_1005, %multiple_of3A_1004] : memref<64x1000000xf32, #tpu.memory_space<hbm>> -> memref<64x128xf32, #tpu.memory_space<hbm>>
        %dma_start3A_1007 = arith.constant 0 : i32
        %dma_start3A_1008 = tpu.memref_slice %arg3[%dma_start3A_1007, %multiple_of3A_1004] : memref<64x1000000xf32, #tpu.memory_space<hbm>> -> memref<64x128xf32, #tpu.memory_space<hbm>>
        tpu.enqueue_dma source(%dma_start3A_1008 : memref<64x128xf32, #tpu.memory_space<hbm>>) target(%arg6 : memref<64x128xf32, #tpu.memory_space<vmem>>) target_semaphore(%arg18 : memref<!tpu.dma_semaphore, #tpu.memory_space<semaphore_mem>>)
      } else {
      }
      %slice3A_655 = vector.extract_strided_slice %scan3A_158 {offsets = [9], sizes = [1], strides = [1]} : vector<16xi32> to vector<1xi32>
      %squeeze3A_656 = vector.extract %slice3A_655[0] : i32 from vector<1xi32>
      %dma_wait3A_657 = arith.constant 0 : i32
      %dma_wait3A_658 = arith.constant 0 : i32
      %dma_wait3A_659 = tpu.memref_slice %arg3[%dma_wait3A_657, %dma_wait3A_658] : memref<64x1000000xf32, #tpu.memory_space<hbm>> -> memref<64x128xf32, #tpu.memory_space<hbm>>
      %dma_wait3A_660 = arith.constant 0 : i32
      %dma_wait3A_661 = arith.constant 0 : i32
      %dma_wait3A_662 = tpu.memref_slice %arg3[%dma_wait3A_660, %dma_wait3A_661] : memref<64x1000000xf32, #tpu.memory_space<hbm>> -> memref<64x128xf32, #tpu.memory_space<hbm>>
      tpu.wait_dma2 semaphore(%arg19 : memref<!tpu.dma_semaphore, #tpu.memory_space<semaphore_mem>>) src(%dma_wait3A_662 : memref<64x128xf32, #tpu.memory_space<hbm>>) dst(%arg7 : memref<64x128xf32, #tpu.memory_space<vmem>>)
      %and3A_663 = arith.constant 127 : i32
      %and3A_664 = arith.andi %squeeze3A_656, %and3A_663 : i32
      %broadcast_in_dim3A_665 = vector.broadcast %and3A_664 : i32 to vector<16xi32>
      %mul3A_666 = arith.constant 16 : i32
      %mul3A_667 = arith.muli %add3A_162, %mul3A_666 : i32
      %add3A_668 = arith.constant 9 : i32
      %add3A_669 = arith.addi %mul3A_667, %add3A_668 : i32
      %broadcast_in_dim3A_670 = vector.broadcast %add3A_669 : i32 to vector<16xi32>
      %add3A_671 = arith.constant 0 : i32
      %add3A_672 = vector.broadcast %add3A_671 : i32 to vector<16xi32>
      %add3A_673 = arith.addi %iota3A, %add3A_672 : vector<16xi32>
      %gather3A_674 = tpu.vector_load_idx %arg7[%add3A_673, %broadcast_in_dim3A_665] : memref<64x128xf32, #tpu.memory_space<vmem>>[vector<16xi32>, vector<16xi32>], vector<16xf32>,
      %add3A_675 = arith.constant 0 : i32
      %add3A_676 = vector.broadcast %add3A_675 : i32 to vector<16xi32>
      %add3A_677 = arith.addi %iota3A, %add3A_676 : vector<16xi32>
      tpu.vector_store_idx %arg16[%add3A_677, %broadcast_in_dim3A_670], %gather3A_674 : memref<64x128xf32, #tpu.memory_space<vmem>>[vector<16xi32>, vector<16xi32>], vector<16xf32>,
      %add3A_678 = arith.constant 16 : i32
      %add3A_679 = vector.broadcast %add3A_678 : i32 to vector<16xi32>
      %add3A_680 = arith.addi %iota3A, %add3A_679 : vector<16xi32>
      %gather3A_681 = tpu.vector_load_idx %arg7[%add3A_680, %broadcast_in_dim3A_665] : memref<64x128xf32, #tpu.memory_space<vmem>>[vector<16xi32>, vector<16xi32>], vector<16xf32>,
      %add3A_682 = arith.constant 16 : i32
      %add3A_683 = vector.broadcast %add3A_682 : i32 to vector<16xi32>
      %add3A_684 = arith.addi %iota3A, %add3A_683 : vector<16xi32>
      tpu.vector_store_idx %arg16[%add3A_684, %broadcast_in_dim3A_670], %gather3A_681 : memref<64x128xf32, #tpu.memory_space<vmem>>[vector<16xi32>, vector<16xi32>], vector<16xf32>,
      %add3A_685 = arith.constant 32 : i32
      %add3A_686 = vector.broadcast %add3A_685 : i32 to vector<16xi32>
      %add3A_687 = arith.addi %iota3A, %add3A_686 : vector<16xi32>
      %gather3A_688 = tpu.vector_load_idx %arg7[%add3A_687, %broadcast_in_dim3A_665] : memref<64x128xf32, #tpu.memory_space<vmem>>[vector<16xi32>, vector<16xi32>], vector<16xf32>,
      %add3A_689 = arith.constant 32 : i32
      %add3A_690 = vector.broadcast %add3A_689 : i32 to vector<16xi32>
      %add3A_691 = arith.addi %iota3A, %add3A_690 : vector<16xi32>
      tpu.vector_store_idx %arg16[%add3A_691, %broadcast_in_dim3A_670], %gather3A_688 : memref<64x128xf32, #tpu.memory_space<vmem>>[vector<16xi32>, vector<16xi32>], vector<16xf32>,
      %add3A_692 = arith.constant 48 : i32
      %add3A_693 = vector.broadcast %add3A_692 : i32 to vector<16xi32>
      %add3A_694 = arith.addi %iota3A, %add3A_693 : vector<16xi32>
      %gather3A_695 = tpu.vector_load_idx %arg7[%add3A_694, %broadcast_in_dim3A_665] : memref<64x128xf32, #tpu.memory_space<vmem>>[vector<16xi32>, vector<16xi32>], vector<16xf32>,
      %add3A_696 = arith.constant 48 : i32
      %add3A_697 = vector.broadcast %add3A_696 : i32 to vector<16xi32>
      %add3A_698 = arith.addi %iota3A, %add3A_697 : vector<16xi32>
      tpu.vector_store_idx %arg16[%add3A_698, %broadcast_in_dim3A_670], %gather3A_695 : memref<64x128xf32, #tpu.memory_space<vmem>>[vector<16xi32>, vector<16xi32>], vector<16xf32>,
      %lt3A_699 = arith.constant 31 : i32
      %lt3A_700 = arith.cmpi slt, %add3A_164, %lt3A_699 : i32
      %convert_element_type3A_701 = arith.extui %lt3A_700 : i1 to i32
      %cond3A_702 = arith.constant 0 : i32
      %cond3A_703 = arith.cmpi ne, %convert_element_type3A_701, %cond3A_702 : i32
      scf.if %cond3A_703 {
        %slice3A_998 = vector.extract_strided_slice %get3A_171 {offsets = [1], sizes = [1], strides = [1]} : vector<16xi32> to vector<1xi32>
        %squeeze3A_999 = vector.extract %slice3A_998[0] : i32 from vector<1xi32>
        %shift_right_arithmetic3A_1000 = arith.constant 7 : i32
        %shift_right_arithmetic3A_1001 = arith.shrsi %squeeze3A_999, %shift_right_arithmetic3A_1000 : i32
        %mul3A_1002 = arith.constant 128 : i32
        %mul3A_1003 = arith.muli %shift_right_arithmetic3A_1001, %mul3A_1002 : i32
        %multiple_of3A_1004 = tpu.assume_multiple %mul3A_1003, 128 : i32
        %dma_start3A_1005 = arith.constant 0 : i32
        %dma_start3A_1006 = tpu.memref_slice %arg3[%dma_start3A_1005, %multiple_of3A_1004] : memref<64x1000000xf32, #tpu.memory_space<hbm>> -> memref<64x128xf32, #tpu.memory_space<hbm>>
        %dma_start3A_1007 = arith.constant 0 : i32
        %dma_start3A_1008 = tpu.memref_slice %arg3[%dma_start3A_1007, %multiple_of3A_1004] : memref<64x1000000xf32, #tpu.memory_space<hbm>> -> memref<64x128xf32, #tpu.memory_space<hbm>>
        tpu.enqueue_dma source(%dma_start3A_1008 : memref<64x128xf32, #tpu.memory_space<hbm>>) target(%arg7 : memref<64x128xf32, #tpu.memory_space<vmem>>) target_semaphore(%arg19 : memref<!tpu.dma_semaphore, #tpu.memory_space<semaphore_mem>>)
      } else {
      }
      %slice3A_704 = vector.extract_strided_slice %scan3A_158 {offsets = [10], sizes = [1], strides = [1]} : vector<16xi32> to vector<1xi32>
      %squeeze3A_705 = vector.extract %slice3A_704[0] : i32 from vector<1xi32>
      %dma_wait3A_706 = arith.constant 0 : i32
      %dma_wait3A_707 = arith.constant 0 : i32
      %dma_wait3A_708 = tpu.memref_slice %arg3[%dma_wait3A_706, %dma_wait3A_707] : memref<64x1000000xf32, #tpu.memory_space<hbm>> -> memref<64x128xf32, #tpu.memory_space<hbm>>
      %dma_wait3A_709 = arith.constant 0 : i32
      %dma_wait3A_710 = arith.constant 0 : i32
      %dma_wait3A_711 = tpu.memref_slice %arg3[%dma_wait3A_709, %dma_wait3A_710] : memref<64x1000000xf32, #tpu.memory_space<hbm>> -> memref<64x128xf32, #tpu.memory_space<hbm>>
      tpu.wait_dma2 semaphore(%arg20 : memref<!tpu.dma_semaphore, #tpu.memory_space<semaphore_mem>>) src(%dma_wait3A_711 : memref<64x128xf32, #tpu.memory_space<hbm>>) dst(%arg8 : memref<64x128xf32, #tpu.memory_space<vmem>>)
      %and3A_712 = arith.constant 127 : i32
      %and3A_713 = arith.andi %squeeze3A_705, %and3A_712 : i32
      %broadcast_in_dim3A_714 = vector.broadcast %and3A_713 : i32 to vector<16xi32>
      %mul3A_715 = arith.constant 16 : i32
      %mul3A_716 = arith.muli %add3A_162, %mul3A_715 : i32
      %add3A_717 = arith.constant 10 : i32
      %add3A_718 = arith.addi %mul3A_716, %add3A_717 : i32
      %broadcast_in_dim3A_719 = vector.broadcast %add3A_718 : i32 to vector<16xi32>
      %add3A_720 = arith.constant 0 : i32
      %add3A_721 = vector.broadcast %add3A_720 : i32 to vector<16xi32>
      %add3A_722 = arith.addi %iota3A, %add3A_721 : vector<16xi32>
      %gather3A_723 = tpu.vector_load_idx %arg8[%add3A_722, %broadcast_in_dim3A_714] : memref<64x128xf32, #tpu.memory_space<vmem>>[vector<16xi32>, vector<16xi32>], vector<16xf32>,
      %add3A_724 = arith.constant 0 : i32
      %add3A_725 = vector.broadcast %add3A_724 : i32 to vector<16xi32>
      %add3A_726 = arith.addi %iota3A, %add3A_725 : vector<16xi32>
      tpu.vector_store_idx %arg16[%add3A_726, %broadcast_in_dim3A_719], %gather3A_723 : memref<64x128xf32, #tpu.memory_space<vmem>>[vector<16xi32>, vector<16xi32>], vector<16xf32>,
      %add3A_727 = arith.constant 16 : i32
      %add3A_728 = vector.broadcast %add3A_727 : i32 to vector<16xi32>
      %add3A_729 = arith.addi %iota3A, %add3A_728 : vector<16xi32>
      %gather3A_730 = tpu.vector_load_idx %arg8[%add3A_729, %broadcast_in_dim3A_714] : memref<64x128xf32, #tpu.memory_space<vmem>>[vector<16xi32>, vector<16xi32>], vector<16xf32>,
      %add3A_731 = arith.constant 16 : i32
      %add3A_732 = vector.broadcast %add3A_731 : i32 to vector<16xi32>
      %add3A_733 = arith.addi %iota3A, %add3A_732 : vector<16xi32>
      tpu.vector_store_idx %arg16[%add3A_733, %broadcast_in_dim3A_719], %gather3A_730 : memref<64x128xf32, #tpu.memory_space<vmem>>[vector<16xi32>, vector<16xi32>], vector<16xf32>,
      %add3A_734 = arith.constant 32 : i32
      %add3A_735 = vector.broadcast %add3A_734 : i32 to vector<16xi32>
      %add3A_736 = arith.addi %iota3A, %add3A_735 : vector<16xi32>
      %gather3A_737 = tpu.vector_load_idx %arg8[%add3A_736, %broadcast_in_dim3A_714] : memref<64x128xf32, #tpu.memory_space<vmem>>[vector<16xi32>, vector<16xi32>], vector<16xf32>,
      %add3A_738 = arith.constant 32 : i32
      %add3A_739 = vector.broadcast %add3A_738 : i32 to vector<16xi32>
      %add3A_740 = arith.addi %iota3A, %add3A_739 : vector<16xi32>
      tpu.vector_store_idx %arg16[%add3A_740, %broadcast_in_dim3A_719], %gather3A_737 : memref<64x128xf32, #tpu.memory_space<vmem>>[vector<16xi32>, vector<16xi32>], vector<16xf32>,
      %add3A_741 = arith.constant 48 : i32
      %add3A_742 = vector.broadcast %add3A_741 : i32 to vector<16xi32>
      %add3A_743 = arith.addi %iota3A, %add3A_742 : vector<16xi32>
      %gather3A_744 = tpu.vector_load_idx %arg8[%add3A_743, %broadcast_in_dim3A_714] : memref<64x128xf32, #tpu.memory_space<vmem>>[vector<16xi32>, vector<16xi32>], vector<16xf32>,
      %add3A_745 = arith.constant 48 : i32
      %add3A_746 = vector.broadcast %add3A_745 : i32 to vector<16xi32>
      %add3A_747 = arith.addi %iota3A, %add3A_746 : vector<16xi32>
      tpu.vector_store_idx %arg16[%add3A_747, %broadcast_in_dim3A_719], %gather3A_744 : memref<64x128xf32, #tpu.memory_space<vmem>>[vector<16xi32>, vector<16xi32>], vector<16xf32>,
      %lt3A_748 = arith.constant 31 : i32
      %lt3A_749 = arith.cmpi slt, %add3A_164, %lt3A_748 : i32
      %convert_element_type3A_750 = arith.extui %lt3A_749 : i1 to i32
      %cond3A_751 = arith.constant 0 : i32
      %cond3A_752 = arith.cmpi ne, %convert_element_type3A_750, %cond3A_751 : i32
      scf.if %cond3A_752 {
        %slice3A_998 = vector.extract_strided_slice %get3A_171 {offsets = [2], sizes = [1], strides = [1]} : vector<16xi32> to vector<1xi32>
        %squeeze3A_999 = vector.extract %slice3A_998[0] : i32 from vector<1xi32>
        %shift_right_arithmetic3A_1000 = arith.constant 7 : i32
        %shift_right_arithmetic3A_1001 = arith.shrsi %squeeze3A_999, %shift_right_arithmetic3A_1000 : i32
        %mul3A_1002 = arith.constant 128 : i32
        %mul3A_1003 = arith.muli %shift_right_arithmetic3A_1001, %mul3A_1002 : i32
        %multiple_of3A_1004 = tpu.assume_multiple %mul3A_1003, 128 : i32
        %dma_start3A_1005 = arith.constant 0 : i32
        %dma_start3A_1006 = tpu.memref_slice %arg3[%dma_start3A_1005, %multiple_of3A_1004] : memref<64x1000000xf32, #tpu.memory_space<hbm>> -> memref<64x128xf32, #tpu.memory_space<hbm>>
        %dma_start3A_1007 = arith.constant 0 : i32
        %dma_start3A_1008 = tpu.memref_slice %arg3[%dma_start3A_1007, %multiple_of3A_1004] : memref<64x1000000xf32, #tpu.memory_space<hbm>> -> memref<64x128xf32, #tpu.memory_space<hbm>>
        tpu.enqueue_dma source(%dma_start3A_1008 : memref<64x128xf32, #tpu.memory_space<hbm>>) target(%arg8 : memref<64x128xf32, #tpu.memory_space<vmem>>) target_semaphore(%arg20 : memref<!tpu.dma_semaphore, #tpu.memory_space<semaphore_mem>>)
      } else {
      }
      %slice3A_753 = vector.extract_strided_slice %scan3A_158 {offsets = [11], sizes = [1], strides = [1]} : vector<16xi32> to vector<1xi32>
      %squeeze3A_754 = vector.extract %slice3A_753[0] : i32 from vector<1xi32>
      %dma_wait3A_755 = arith.constant 0 : i32
      %dma_wait3A_756 = arith.constant 0 : i32
      %dma_wait3A_757 = tpu.memref_slice %arg3[%dma_wait3A_755, %dma_wait3A_756] : memref<64x1000000xf32, #tpu.memory_space<hbm>> -> memref<64x128xf32, #tpu.memory_space<hbm>>
      %dma_wait3A_758 = arith.constant 0 : i32
      %dma_wait3A_759 = arith.constant 0 : i32
      %dma_wait3A_760 = tpu.memref_slice %arg3[%dma_wait3A_758, %dma_wait3A_759] : memref<64x1000000xf32, #tpu.memory_space<hbm>> -> memref<64x128xf32, #tpu.memory_space<hbm>>
      tpu.wait_dma2 semaphore(%arg21 : memref<!tpu.dma_semaphore, #tpu.memory_space<semaphore_mem>>) src(%dma_wait3A_760 : memref<64x128xf32, #tpu.memory_space<hbm>>) dst(%arg9 : memref<64x128xf32, #tpu.memory_space<vmem>>)
      %and3A_761 = arith.constant 127 : i32
      %and3A_762 = arith.andi %squeeze3A_754, %and3A_761 : i32
      %broadcast_in_dim3A_763 = vector.broadcast %and3A_762 : i32 to vector<16xi32>
      %mul3A_764 = arith.constant 16 : i32
      %mul3A_765 = arith.muli %add3A_162, %mul3A_764 : i32
      %add3A_766 = arith.constant 11 : i32
      %add3A_767 = arith.addi %mul3A_765, %add3A_766 : i32
      %broadcast_in_dim3A_768 = vector.broadcast %add3A_767 : i32 to vector<16xi32>
      %add3A_769 = arith.constant 0 : i32
      %add3A_770 = vector.broadcast %add3A_769 : i32 to vector<16xi32>
      %add3A_771 = arith.addi %iota3A, %add3A_770 : vector<16xi32>
      %gather3A_772 = tpu.vector_load_idx %arg9[%add3A_771, %broadcast_in_dim3A_763] : memref<64x128xf32, #tpu.memory_space<vmem>>[vector<16xi32>, vector<16xi32>], vector<16xf32>,
      %add3A_773 = arith.constant 0 : i32
      %add3A_774 = vector.broadcast %add3A_773 : i32 to vector<16xi32>
      %add3A_775 = arith.addi %iota3A, %add3A_774 : vector<16xi32>
      tpu.vector_store_idx %arg16[%add3A_775, %broadcast_in_dim3A_768], %gather3A_772 : memref<64x128xf32, #tpu.memory_space<vmem>>[vector<16xi32>, vector<16xi32>], vector<16xf32>,
      %add3A_776 = arith.constant 16 : i32
      %add3A_777 = vector.broadcast %add3A_776 : i32 to vector<16xi32>
      %add3A_778 = arith.addi %iota3A, %add3A_777 : vector<16xi32>
      %gather3A_779 = tpu.vector_load_idx %arg9[%add3A_778, %broadcast_in_dim3A_763] : memref<64x128xf32, #tpu.memory_space<vmem>>[vector<16xi32>, vector<16xi32>], vector<16xf32>,
      %add3A_780 = arith.constant 16 : i32
      %add3A_781 = vector.broadcast %add3A_780 : i32 to vector<16xi32>
      %add3A_782 = arith.addi %iota3A, %add3A_781 : vector<16xi32>
      tpu.vector_store_idx %arg16[%add3A_782, %broadcast_in_dim3A_768], %gather3A_779 : memref<64x128xf32, #tpu.memory_space<vmem>>[vector<16xi32>, vector<16xi32>], vector<16xf32>,
      %add3A_783 = arith.constant 32 : i32
      %add3A_784 = vector.broadcast %add3A_783 : i32 to vector<16xi32>
      %add3A_785 = arith.addi %iota3A, %add3A_784 : vector<16xi32>
      %gather3A_786 = tpu.vector_load_idx %arg9[%add3A_785, %broadcast_in_dim3A_763] : memref<64x128xf32, #tpu.memory_space<vmem>>[vector<16xi32>, vector<16xi32>], vector<16xf32>,
      %add3A_787 = arith.constant 32 : i32
      %add3A_788 = vector.broadcast %add3A_787 : i32 to vector<16xi32>
      %add3A_789 = arith.addi %iota3A, %add3A_788 : vector<16xi32>
      tpu.vector_store_idx %arg16[%add3A_789, %broadcast_in_dim3A_768], %gather3A_786 : memref<64x128xf32, #tpu.memory_space<vmem>>[vector<16xi32>, vector<16xi32>], vector<16xf32>,
      %add3A_790 = arith.constant 48 : i32
      %add3A_791 = vector.broadcast %add3A_790 : i32 to vector<16xi32>
      %add3A_792 = arith.addi %iota3A, %add3A_791 : vector<16xi32>
      %gather3A_793 = tpu.vector_load_idx %arg9[%add3A_792, %broadcast_in_dim3A_763] : memref<64x128xf32, #tpu.memory_space<vmem>>[vector<16xi32>, vector<16xi32>], vector<16xf32>,
      %add3A_794 = arith.constant 48 : i32
      %add3A_795 = vector.broadcast %add3A_794 : i32 to vector<16xi32>
      %add3A_796 = arith.addi %iota3A, %add3A_795 : vector<16xi32>
      tpu.vector_store_idx %arg16[%add3A_796, %broadcast_in_dim3A_768], %gather3A_793 : memref<64x128xf32, #tpu.memory_space<vmem>>[vector<16xi32>, vector<16xi32>], vector<16xf32>,
      %lt3A_797 = arith.constant 31 : i32
      %lt3A_798 = arith.cmpi slt, %add3A_164, %lt3A_797 : i32
      %convert_element_type3A_799 = arith.extui %lt3A_798 : i1 to i32
      %cond3A_800 = arith.constant 0 : i32
      %cond3A_801 = arith.cmpi ne, %convert_element_type3A_799, %cond3A_800 : i32
      scf.if %cond3A_801 {
        %slice3A_998 = vector.extract_strided_slice %get3A_171 {offsets = [3], sizes = [1], strides = [1]} : vector<16xi32> to vector<1xi32>
        %squeeze3A_999 = vector.extract %slice3A_998[0] : i32 from vector<1xi32>
        %shift_right_arithmetic3A_1000 = arith.constant 7 : i32
        %shift_right_arithmetic3A_1001 = arith.shrsi %squeeze3A_999, %shift_right_arithmetic3A_1000 : i32
        %mul3A_1002 = arith.constant 128 : i32
        %mul3A_1003 = arith.muli %shift_right_arithmetic3A_1001, %mul3A_1002 : i32
        %multiple_of3A_1004 = tpu.assume_multiple %mul3A_1003, 128 : i32
        %dma_start3A_1005 = arith.constant 0 : i32
        %dma_start3A_1006 = tpu.memref_slice %arg3[%dma_start3A_1005, %multiple_of3A_1004] : memref<64x1000000xf32, #tpu.memory_space<hbm>> -> memref<64x128xf32, #tpu.memory_space<hbm>>
        %dma_start3A_1007 = arith.constant 0 : i32
        %dma_start3A_1008 = tpu.memref_slice %arg3[%dma_start3A_1007, %multiple_of3A_1004] : memref<64x1000000xf32, #tpu.memory_space<hbm>> -> memref<64x128xf32, #tpu.memory_space<hbm>>
        tpu.enqueue_dma source(%dma_start3A_1008 : memref<64x128xf32, #tpu.memory_space<hbm>>) target(%arg9 : memref<64x128xf32, #tpu.memory_space<vmem>>) target_semaphore(%arg21 : memref<!tpu.dma_semaphore, #tpu.memory_space<semaphore_mem>>)
      } else {
      }
      %slice3A_802 = vector.extract_strided_slice %scan3A_158 {offsets = [12], sizes = [1], strides = [1]} : vector<16xi32> to vector<1xi32>
      %squeeze3A_803 = vector.extract %slice3A_802[0] : i32 from vector<1xi32>
      %dma_wait3A_804 = arith.constant 0 : i32
      %dma_wait3A_805 = arith.constant 0 : i32
      %dma_wait3A_806 = tpu.memref_slice %arg3[%dma_wait3A_804, %dma_wait3A_805] : memref<64x1000000xf32, #tpu.memory_space<hbm>> -> memref<64x128xf32, #tpu.memory_space<hbm>>
      %dma_wait3A_807 = arith.constant 0 : i32
      %dma_wait3A_808 = arith.constant 0 : i32
      %dma_wait3A_809 = tpu.memref_slice %arg3[%dma_wait3A_807, %dma_wait3A_808] : memref<64x1000000xf32, #tpu.memory_space<hbm>> -> memref<64x128xf32, #tpu.memory_space<hbm>>
      tpu.wait_dma2 semaphore(%arg22 : memref<!tpu.dma_semaphore, #tpu.memory_space<semaphore_mem>>) src(%dma_wait3A_809 : memref<64x128xf32, #tpu.memory_space<hbm>>) dst(%arg10 : memref<64x128xf32, #tpu.memory_space<vmem>>)
      %and3A_810 = arith.constant 127 : i32
      %and3A_811 = arith.andi %squeeze3A_803, %and3A_810 : i32
      %broadcast_in_dim3A_812 = vector.broadcast %and3A_811 : i32 to vector<16xi32>
      %mul3A_813 = arith.constant 16 : i32
      %mul3A_814 = arith.muli %add3A_162, %mul3A_813 : i32
      %add3A_815 = arith.constant 12 : i32
      %add3A_816 = arith.addi %mul3A_814, %add3A_815 : i32
      %broadcast_in_dim3A_817 = vector.broadcast %add3A_816 : i32 to vector<16xi32>
      %add3A_818 = arith.constant 0 : i32
      %add3A_819 = vector.broadcast %add3A_818 : i32 to vector<16xi32>
      %add3A_820 = arith.addi %iota3A, %add3A_819 : vector<16xi32>
      %gather3A_821 = tpu.vector_load_idx %arg10[%add3A_820, %broadcast_in_dim3A_812] : memref<64x128xf32, #tpu.memory_space<vmem>>[vector<16xi32>, vector<16xi32>], vector<16xf32>,
      %add3A_822 = arith.constant 0 : i32
      %add3A_823 = vector.broadcast %add3A_822 : i32 to vector<16xi32>
      %add3A_824 = arith.addi %iota3A, %add3A_823 : vector<16xi32>
      tpu.vector_store_idx %arg16[%add3A_824, %broadcast_in_dim3A_817], %gather3A_821 : memref<64x128xf32, #tpu.memory_space<vmem>>[vector<16xi32>, vector<16xi32>], vector<16xf32>,
      %add3A_825 = arith.constant 16 : i32
      %add3A_826 = vector.broadcast %add3A_825 : i32 to vector<16xi32>
      %add3A_827 = arith.addi %iota3A, %add3A_826 : vector<16xi32>
      %gather3A_828 = tpu.vector_load_idx %arg10[%add3A_827, %broadcast_in_dim3A_812] : memref<64x128xf32, #tpu.memory_space<vmem>>[vector<16xi32>, vector<16xi32>], vector<16xf32>,
      %add3A_829 = arith.constant 16 : i32
      %add3A_830 = vector.broadcast %add3A_829 : i32 to vector<16xi32>
      %add3A_831 = arith.addi %iota3A, %add3A_830 : vector<16xi32>
      tpu.vector_store_idx %arg16[%add3A_831, %broadcast_in_dim3A_817], %gather3A_828 : memref<64x128xf32, #tpu.memory_space<vmem>>[vector<16xi32>, vector<16xi32>], vector<16xf32>,
      %add3A_832 = arith.constant 32 : i32
      %add3A_833 = vector.broadcast %add3A_832 : i32 to vector<16xi32>
      %add3A_834 = arith.addi %iota3A, %add3A_833 : vector<16xi32>
      %gather3A_835 = tpu.vector_load_idx %arg10[%add3A_834, %broadcast_in_dim3A_812] : memref<64x128xf32, #tpu.memory_space<vmem>>[vector<16xi32>, vector<16xi32>], vector<16xf32>,
      %add3A_836 = arith.constant 32 : i32
      %add3A_837 = vector.broadcast %add3A_836 : i32 to vector<16xi32>
      %add3A_838 = arith.addi %iota3A, %add3A_837 : vector<16xi32>
      tpu.vector_store_idx %arg16[%add3A_838, %broadcast_in_dim3A_817], %gather3A_835 : memref<64x128xf32, #tpu.memory_space<vmem>>[vector<16xi32>, vector<16xi32>], vector<16xf32>,
      %add3A_839 = arith.constant 48 : i32
      %add3A_840 = vector.broadcast %add3A_839 : i32 to vector<16xi32>
      %add3A_841 = arith.addi %iota3A, %add3A_840 : vector<16xi32>
      %gather3A_842 = tpu.vector_load_idx %arg10[%add3A_841, %broadcast_in_dim3A_812] : memref<64x128xf32, #tpu.memory_space<vmem>>[vector<16xi32>, vector<16xi32>], vector<16xf32>,
      %add3A_843 = arith.constant 48 : i32
      %add3A_844 = vector.broadcast %add3A_843 : i32 to vector<16xi32>
      %add3A_845 = arith.addi %iota3A, %add3A_844 : vector<16xi32>
      tpu.vector_store_idx %arg16[%add3A_845, %broadcast_in_dim3A_817], %gather3A_842 : memref<64x128xf32, #tpu.memory_space<vmem>>[vector<16xi32>, vector<16xi32>], vector<16xf32>,
      %lt3A_846 = arith.constant 31 : i32
      %lt3A_847 = arith.cmpi slt, %add3A_164, %lt3A_846 : i32
      %convert_element_type3A_848 = arith.extui %lt3A_847 : i1 to i32
      %cond3A_849 = arith.constant 0 : i32
      %cond3A_850 = arith.cmpi ne, %convert_element_type3A_848, %cond3A_849 : i32
      scf.if %cond3A_850 {
        %slice3A_998 = vector.extract_strided_slice %get3A_171 {offsets = [4], sizes = [1], strides = [1]} : vector<16xi32> to vector<1xi32>
        %squeeze3A_999 = vector.extract %slice3A_998[0] : i32 from vector<1xi32>
        %shift_right_arithmetic3A_1000 = arith.constant 7 : i32
        %shift_right_arithmetic3A_1001 = arith.shrsi %squeeze3A_999, %shift_right_arithmetic3A_1000 : i32
        %mul3A_1002 = arith.constant 128 : i32
        %mul3A_1003 = arith.muli %shift_right_arithmetic3A_1001, %mul3A_1002 : i32
        %multiple_of3A_1004 = tpu.assume_multiple %mul3A_1003, 128 : i32
        %dma_start3A_1005 = arith.constant 0 : i32
        %dma_start3A_1006 = tpu.memref_slice %arg3[%dma_start3A_1005, %multiple_of3A_1004] : memref<64x1000000xf32, #tpu.memory_space<hbm>> -> memref<64x128xf32, #tpu.memory_space<hbm>>
        %dma_start3A_1007 = arith.constant 0 : i32
        %dma_start3A_1008 = tpu.memref_slice %arg3[%dma_start3A_1007, %multiple_of3A_1004] : memref<64x1000000xf32, #tpu.memory_space<hbm>> -> memref<64x128xf32, #tpu.memory_space<hbm>>
        tpu.enqueue_dma source(%dma_start3A_1008 : memref<64x128xf32, #tpu.memory_space<hbm>>) target(%arg10 : memref<64x128xf32, #tpu.memory_space<vmem>>) target_semaphore(%arg22 : memref<!tpu.dma_semaphore, #tpu.memory_space<semaphore_mem>>)
      } else {
      }
      %slice3A_851 = vector.extract_strided_slice %scan3A_158 {offsets = [13], sizes = [1], strides = [1]} : vector<16xi32> to vector<1xi32>
      %squeeze3A_852 = vector.extract %slice3A_851[0] : i32 from vector<1xi32>
      %dma_wait3A_853 = arith.constant 0 : i32
      %dma_wait3A_854 = arith.constant 0 : i32
      %dma_wait3A_855 = tpu.memref_slice %arg3[%dma_wait3A_853, %dma_wait3A_854] : memref<64x1000000xf32, #tpu.memory_space<hbm>> -> memref<64x128xf32, #tpu.memory_space<hbm>>
      %dma_wait3A_856 = arith.constant 0 : i32
      %dma_wait3A_857 = arith.constant 0 : i32
      %dma_wait3A_858 = tpu.memref_slice %arg3[%dma_wait3A_856, %dma_wait3A_857] : memref<64x1000000xf32, #tpu.memory_space<hbm>> -> memref<64x128xf32, #tpu.memory_space<hbm>>
      tpu.wait_dma2 semaphore(%arg23 : memref<!tpu.dma_semaphore, #tpu.memory_space<semaphore_mem>>) src(%dma_wait3A_858 : memref<64x128xf32, #tpu.memory_space<hbm>>) dst(%arg11 : memref<64x128xf32, #tpu.memory_space<vmem>>)
      %and3A_859 = arith.constant 127 : i32
      %and3A_860 = arith.andi %squeeze3A_852, %and3A_859 : i32
      %broadcast_in_dim3A_861 = vector.broadcast %and3A_860 : i32 to vector<16xi32>
      %mul3A_862 = arith.constant 16 : i32
      %mul3A_863 = arith.muli %add3A_162, %mul3A_862 : i32
      %add3A_864 = arith.constant 13 : i32
      %add3A_865 = arith.addi %mul3A_863, %add3A_864 : i32
      %broadcast_in_dim3A_866 = vector.broadcast %add3A_865 : i32 to vector<16xi32>
      %add3A_867 = arith.constant 0 : i32
      %add3A_868 = vector.broadcast %add3A_867 : i32 to vector<16xi32>
      %add3A_869 = arith.addi %iota3A, %add3A_868 : vector<16xi32>
      %gather3A_870 = tpu.vector_load_idx %arg11[%add3A_869, %broadcast_in_dim3A_861] : memref<64x128xf32, #tpu.memory_space<vmem>>[vector<16xi32>, vector<16xi32>], vector<16xf32>,
      %add3A_871 = arith.constant 0 : i32
      %add3A_872 = vector.broadcast %add3A_871 : i32 to vector<16xi32>
      %add3A_873 = arith.addi %iota3A, %add3A_872 : vector<16xi32>
      tpu.vector_store_idx %arg16[%add3A_873, %broadcast_in_dim3A_866], %gather3A_870 : memref<64x128xf32, #tpu.memory_space<vmem>>[vector<16xi32>, vector<16xi32>], vector<16xf32>,
      %add3A_874 = arith.constant 16 : i32
      %add3A_875 = vector.broadcast %add3A_874 : i32 to vector<16xi32>
      %add3A_876 = arith.addi %iota3A, %add3A_875 : vector<16xi32>
      %gather3A_877 = tpu.vector_load_idx %arg11[%add3A_876, %broadcast_in_dim3A_861] : memref<64x128xf32, #tpu.memory_space<vmem>>[vector<16xi32>, vector<16xi32>], vector<16xf32>,
      %add3A_878 = arith.constant 16 : i32
      %add3A_879 = vector.broadcast %add3A_878 : i32 to vector<16xi32>
      %add3A_880 = arith.addi %iota3A, %add3A_879 : vector<16xi32>
      tpu.vector_store_idx %arg16[%add3A_880, %broadcast_in_dim3A_866], %gather3A_877 : memref<64x128xf32, #tpu.memory_space<vmem>>[vector<16xi32>, vector<16xi32>], vector<16xf32>,
      %add3A_881 = arith.constant 32 : i32
      %add3A_882 = vector.broadcast %add3A_881 : i32 to vector<16xi32>
      %add3A_883 = arith.addi %iota3A, %add3A_882 : vector<16xi32>
      %gather3A_884 = tpu.vector_load_idx %arg11[%add3A_883, %broadcast_in_dim3A_861] : memref<64x128xf32, #tpu.memory_space<vmem>>[vector<16xi32>, vector<16xi32>], vector<16xf32>,
      %add3A_885 = arith.constant 32 : i32
      %add3A_886 = vector.broadcast %add3A_885 : i32 to vector<16xi32>
      %add3A_887 = arith.addi %iota3A, %add3A_886 : vector<16xi32>
      tpu.vector_store_idx %arg16[%add3A_887, %broadcast_in_dim3A_866], %gather3A_884 : memref<64x128xf32, #tpu.memory_space<vmem>>[vector<16xi32>, vector<16xi32>], vector<16xf32>,
      %add3A_888 = arith.constant 48 : i32
      %add3A_889 = vector.broadcast %add3A_888 : i32 to vector<16xi32>
      %add3A_890 = arith.addi %iota3A, %add3A_889 : vector<16xi32>
      %gather3A_891 = tpu.vector_load_idx %arg11[%add3A_890, %broadcast_in_dim3A_861] : memref<64x128xf32, #tpu.memory_space<vmem>>[vector<16xi32>, vector<16xi32>], vector<16xf32>,
      %add3A_892 = arith.constant 48 : i32
      %add3A_893 = vector.broadcast %add3A_892 : i32 to vector<16xi32>
      %add3A_894 = arith.addi %iota3A, %add3A_893 : vector<16xi32>
      tpu.vector_store_idx %arg16[%add3A_894, %broadcast_in_dim3A_866], %gather3A_891 : memref<64x128xf32, #tpu.memory_space<vmem>>[vector<16xi32>, vector<16xi32>], vector<16xf32>,
      %lt3A_895 = arith.constant 31 : i32
      %lt3A_896 = arith.cmpi slt, %add3A_164, %lt3A_895 : i32
      %convert_element_type3A_897 = arith.extui %lt3A_896 : i1 to i32
      %cond3A_898 = arith.constant 0 : i32
      %cond3A_899 = arith.cmpi ne, %convert_element_type3A_897, %cond3A_898 : i32
      scf.if %cond3A_899 {
        %slice3A_998 = vector.extract_strided_slice %get3A_171 {offsets = [5], sizes = [1], strides = [1]} : vector<16xi32> to vector<1xi32>
        %squeeze3A_999 = vector.extract %slice3A_998[0] : i32 from vector<1xi32>
        %shift_right_arithmetic3A_1000 = arith.constant 7 : i32
        %shift_right_arithmetic3A_1001 = arith.shrsi %squeeze3A_999, %shift_right_arithmetic3A_1000 : i32
        %mul3A_1002 = arith.constant 128 : i32
        %mul3A_1003 = arith.muli %shift_right_arithmetic3A_1001, %mul3A_1002 : i32
        %multiple_of3A_1004 = tpu.assume_multiple %mul3A_1003, 128 : i32
        %dma_start3A_1005 = arith.constant 0 : i32
        %dma_start3A_1006 = tpu.memref_slice %arg3[%dma_start3A_1005, %multiple_of3A_1004] : memref<64x1000000xf32, #tpu.memory_space<hbm>> -> memref<64x128xf32, #tpu.memory_space<hbm>>
        %dma_start3A_1007 = arith.constant 0 : i32
        %dma_start3A_1008 = tpu.memref_slice %arg3[%dma_start3A_1007, %multiple_of3A_1004] : memref<64x1000000xf32, #tpu.memory_space<hbm>> -> memref<64x128xf32, #tpu.memory_space<hbm>>
        tpu.enqueue_dma source(%dma_start3A_1008 : memref<64x128xf32, #tpu.memory_space<hbm>>) target(%arg11 : memref<64x128xf32, #tpu.memory_space<vmem>>) target_semaphore(%arg23 : memref<!tpu.dma_semaphore, #tpu.memory_space<semaphore_mem>>)
      } else {
      }
      %slice3A_900 = vector.extract_strided_slice %scan3A_158 {offsets = [14], sizes = [1], strides = [1]} : vector<16xi32> to vector<1xi32>
      %squeeze3A_901 = vector.extract %slice3A_900[0] : i32 from vector<1xi32>
      %dma_wait3A_902 = arith.constant 0 : i32
      %dma_wait3A_903 = arith.constant 0 : i32
      %dma_wait3A_904 = tpu.memref_slice %arg3[%dma_wait3A_902, %dma_wait3A_903] : memref<64x1000000xf32, #tpu.memory_space<hbm>> -> memref<64x128xf32, #tpu.memory_space<hbm>>
      %dma_wait3A_905 = arith.constant 0 : i32
      %dma_wait3A_906 = arith.constant 0 : i32
      %dma_wait3A_907 = tpu.memref_slice %arg3[%dma_wait3A_905, %dma_wait3A_906] : memref<64x1000000xf32, #tpu.memory_space<hbm>> -> memref<64x128xf32, #tpu.memory_space<hbm>>
      tpu.wait_dma2 semaphore(%arg24 : memref<!tpu.dma_semaphore, #tpu.memory_space<semaphore_mem>>) src(%dma_wait3A_907 : memref<64x128xf32, #tpu.memory_space<hbm>>) dst(%arg12 : memref<64x128xf32, #tpu.memory_space<vmem>>)
      %and3A_908 = arith.constant 127 : i32
      %and3A_909 = arith.andi %squeeze3A_901, %and3A_908 : i32
      %broadcast_in_dim3A_910 = vector.broadcast %and3A_909 : i32 to vector<16xi32>
      %mul3A_911 = arith.constant 16 : i32
      %mul3A_912 = arith.muli %add3A_162, %mul3A_911 : i32
      %add3A_913 = arith.constant 14 : i32
      %add3A_914 = arith.addi %mul3A_912, %add3A_913 : i32
      %broadcast_in_dim3A_915 = vector.broadcast %add3A_914 : i32 to vector<16xi32>
      %add3A_916 = arith.constant 0 : i32
      %add3A_917 = vector.broadcast %add3A_916 : i32 to vector<16xi32>
      %add3A_918 = arith.addi %iota3A, %add3A_917 : vector<16xi32>
      %gather3A_919 = tpu.vector_load_idx %arg12[%add3A_918, %broadcast_in_dim3A_910] : memref<64x128xf32, #tpu.memory_space<vmem>>[vector<16xi32>, vector<16xi32>], vector<16xf32>,
      %add3A_920 = arith.constant 0 : i32
      %add3A_921 = vector.broadcast %add3A_920 : i32 to vector<16xi32>
      %add3A_922 = arith.addi %iota3A, %add3A_921 : vector<16xi32>
      tpu.vector_store_idx %arg16[%add3A_922, %broadcast_in_dim3A_915], %gather3A_919 : memref<64x128xf32, #tpu.memory_space<vmem>>[vector<16xi32>, vector<16xi32>], vector<16xf32>,
      %add3A_923 = arith.constant 16 : i32
      %add3A_924 = vector.broadcast %add3A_923 : i32 to vector<16xi32>
      %add3A_925 = arith.addi %iota3A, %add3A_924 : vector<16xi32>
      %gather3A_926 = tpu.vector_load_idx %arg12[%add3A_925, %broadcast_in_dim3A_910] : memref<64x128xf32, #tpu.memory_space<vmem>>[vector<16xi32>, vector<16xi32>], vector<16xf32>,
      %add3A_927 = arith.constant 16 : i32
      %add3A_928 = vector.broadcast %add3A_927 : i32 to vector<16xi32>
      %add3A_929 = arith.addi %iota3A, %add3A_928 : vector<16xi32>
      tpu.vector_store_idx %arg16[%add3A_929, %broadcast_in_dim3A_915], %gather3A_926 : memref<64x128xf32, #tpu.memory_space<vmem>>[vector<16xi32>, vector<16xi32>], vector<16xf32>,
      %add3A_930 = arith.constant 32 : i32
      %add3A_931 = vector.broadcast %add3A_930 : i32 to vector<16xi32>
      %add3A_932 = arith.addi %iota3A, %add3A_931 : vector<16xi32>
      %gather3A_933 = tpu.vector_load_idx %arg12[%add3A_932, %broadcast_in_dim3A_910] : memref<64x128xf32, #tpu.memory_space<vmem>>[vector<16xi32>, vector<16xi32>], vector<16xf32>,
      %add3A_934 = arith.constant 32 : i32
      %add3A_935 = vector.broadcast %add3A_934 : i32 to vector<16xi32>
      %add3A_936 = arith.addi %iota3A, %add3A_935 : vector<16xi32>
      tpu.vector_store_idx %arg16[%add3A_936, %broadcast_in_dim3A_915], %gather3A_933 : memref<64x128xf32, #tpu.memory_space<vmem>>[vector<16xi32>, vector<16xi32>], vector<16xf32>,
      %add3A_937 = arith.constant 48 : i32
      %add3A_938 = vector.broadcast %add3A_937 : i32 to vector<16xi32>
      %add3A_939 = arith.addi %iota3A, %add3A_938 : vector<16xi32>
      %gather3A_940 = tpu.vector_load_idx %arg12[%add3A_939, %broadcast_in_dim3A_910] : memref<64x128xf32, #tpu.memory_space<vmem>>[vector<16xi32>, vector<16xi32>], vector<16xf32>,
      %add3A_941 = arith.constant 48 : i32
      %add3A_942 = vector.broadcast %add3A_941 : i32 to vector<16xi32>
      %add3A_943 = arith.addi %iota3A, %add3A_942 : vector<16xi32>
      tpu.vector_store_idx %arg16[%add3A_943, %broadcast_in_dim3A_915], %gather3A_940 : memref<64x128xf32, #tpu.memory_space<vmem>>[vector<16xi32>, vector<16xi32>], vector<16xf32>,
      %lt3A_944 = arith.constant 31 : i32
      %lt3A_945 = arith.cmpi slt, %add3A_164, %lt3A_944 : i32
      %convert_element_type3A_946 = arith.extui %lt3A_945 : i1 to i32
      %cond3A_947 = arith.constant 0 : i32
      %cond3A_948 = arith.cmpi ne, %convert_element_type3A_946, %cond3A_947 : i32
      scf.if %cond3A_948 {
        %slice3A_998 = vector.extract_strided_slice %get3A_171 {offsets = [6], sizes = [1], strides = [1]} : vector<16xi32> to vector<1xi32>
        %squeeze3A_999 = vector.extract %slice3A_998[0] : i32 from vector<1xi32>
        %shift_right_arithmetic3A_1000 = arith.constant 7 : i32
        %shift_right_arithmetic3A_1001 = arith.shrsi %squeeze3A_999, %shift_right_arithmetic3A_1000 : i32
        %mul3A_1002 = arith.constant 128 : i32
        %mul3A_1003 = arith.muli %shift_right_arithmetic3A_1001, %mul3A_1002 : i32
        %multiple_of3A_1004 = tpu.assume_multiple %mul3A_1003, 128 : i32
        %dma_start3A_1005 = arith.constant 0 : i32
        %dma_start3A_1006 = tpu.memref_slice %arg3[%dma_start3A_1005, %multiple_of3A_1004] : memref<64x1000000xf32, #tpu.memory_space<hbm>> -> memref<64x128xf32, #tpu.memory_space<hbm>>
        %dma_start3A_1007 = arith.constant 0 : i32
        %dma_start3A_1008 = tpu.memref_slice %arg3[%dma_start3A_1007, %multiple_of3A_1004] : memref<64x1000000xf32, #tpu.memory_space<hbm>> -> memref<64x128xf32, #tpu.memory_space<hbm>>
        tpu.enqueue_dma source(%dma_start3A_1008 : memref<64x128xf32, #tpu.memory_space<hbm>>) target(%arg12 : memref<64x128xf32, #tpu.memory_space<vmem>>) target_semaphore(%arg24 : memref<!tpu.dma_semaphore, #tpu.memory_space<semaphore_mem>>)
      } else {
      }
      %slice3A_949 = vector.extract_strided_slice %scan3A_158 {offsets = [15], sizes = [1], strides = [1]} : vector<16xi32> to vector<1xi32>
      %squeeze3A_950 = vector.extract %slice3A_949[0] : i32 from vector<1xi32>
      %dma_wait3A_951 = arith.constant 0 : i32
      %dma_wait3A_952 = arith.constant 0 : i32
      %dma_wait3A_953 = tpu.memref_slice %arg3[%dma_wait3A_951, %dma_wait3A_952] : memref<64x1000000xf32, #tpu.memory_space<hbm>> -> memref<64x128xf32, #tpu.memory_space<hbm>>
      %dma_wait3A_954 = arith.constant 0 : i32
      %dma_wait3A_955 = arith.constant 0 : i32
      %dma_wait3A_956 = tpu.memref_slice %arg3[%dma_wait3A_954, %dma_wait3A_955] : memref<64x1000000xf32, #tpu.memory_space<hbm>> -> memref<64x128xf32, #tpu.memory_space<hbm>>
      tpu.wait_dma2 semaphore(%arg25 : memref<!tpu.dma_semaphore, #tpu.memory_space<semaphore_mem>>) src(%dma_wait3A_956 : memref<64x128xf32, #tpu.memory_space<hbm>>) dst(%arg13 : memref<64x128xf32, #tpu.memory_space<vmem>>)
      %and3A_957 = arith.constant 127 : i32
      %and3A_958 = arith.andi %squeeze3A_950, %and3A_957 : i32
      %broadcast_in_dim3A_959 = vector.broadcast %and3A_958 : i32 to vector<16xi32>
      %mul3A_960 = arith.constant 16 : i32
      %mul3A_961 = arith.muli %add3A_162, %mul3A_960 : i32
      %add3A_962 = arith.constant 15 : i32
      %add3A_963 = arith.addi %mul3A_961, %add3A_962 : i32
      %broadcast_in_dim3A_964 = vector.broadcast %add3A_963 : i32 to vector<16xi32>
      %add3A_965 = arith.constant 0 : i32
      %add3A_966 = vector.broadcast %add3A_965 : i32 to vector<16xi32>
      %add3A_967 = arith.addi %iota3A, %add3A_966 : vector<16xi32>
      %gather3A_968 = tpu.vector_load_idx %arg13[%add3A_967, %broadcast_in_dim3A_959] : memref<64x128xf32, #tpu.memory_space<vmem>>[vector<16xi32>, vector<16xi32>], vector<16xf32>,
      %add3A_969 = arith.constant 0 : i32
      %add3A_970 = vector.broadcast %add3A_969 : i32 to vector<16xi32>
      %add3A_971 = arith.addi %iota3A, %add3A_970 : vector<16xi32>
      tpu.vector_store_idx %arg16[%add3A_971, %broadcast_in_dim3A_964], %gather3A_968 : memref<64x128xf32, #tpu.memory_space<vmem>>[vector<16xi32>, vector<16xi32>], vector<16xf32>,
      %add3A_972 = arith.constant 16 : i32
      %add3A_973 = vector.broadcast %add3A_972 : i32 to vector<16xi32>
      %add3A_974 = arith.addi %iota3A, %add3A_973 : vector<16xi32>
      %gather3A_975 = tpu.vector_load_idx %arg13[%add3A_974, %broadcast_in_dim3A_959] : memref<64x128xf32, #tpu.memory_space<vmem>>[vector<16xi32>, vector<16xi32>], vector<16xf32>,
      %add3A_976 = arith.constant 16 : i32
      %add3A_977 = vector.broadcast %add3A_976 : i32 to vector<16xi32>
      %add3A_978 = arith.addi %iota3A, %add3A_977 : vector<16xi32>
      tpu.vector_store_idx %arg16[%add3A_978, %broadcast_in_dim3A_964], %gather3A_975 : memref<64x128xf32, #tpu.memory_space<vmem>>[vector<16xi32>, vector<16xi32>], vector<16xf32>,
      %add3A_979 = arith.constant 32 : i32
      %add3A_980 = vector.broadcast %add3A_979 : i32 to vector<16xi32>
      %add3A_981 = arith.addi %iota3A, %add3A_980 : vector<16xi32>
      %gather3A_982 = tpu.vector_load_idx %arg13[%add3A_981, %broadcast_in_dim3A_959] : memref<64x128xf32, #tpu.memory_space<vmem>>[vector<16xi32>, vector<16xi32>], vector<16xf32>,
      %add3A_983 = arith.constant 32 : i32
      %add3A_984 = vector.broadcast %add3A_983 : i32 to vector<16xi32>
      %add3A_985 = arith.addi %iota3A, %add3A_984 : vector<16xi32>
      tpu.vector_store_idx %arg16[%add3A_985, %broadcast_in_dim3A_964], %gather3A_982 : memref<64x128xf32, #tpu.memory_space<vmem>>[vector<16xi32>, vector<16xi32>], vector<16xf32>,
      %add3A_986 = arith.constant 48 : i32
      %add3A_987 = vector.broadcast %add3A_986 : i32 to vector<16xi32>
      %add3A_988 = arith.addi %iota3A, %add3A_987 : vector<16xi32>
      %gather3A_989 = tpu.vector_load_idx %arg13[%add3A_988, %broadcast_in_dim3A_959] : memref<64x128xf32, #tpu.memory_space<vmem>>[vector<16xi32>, vector<16xi32>], vector<16xf32>,
      %add3A_990 = arith.constant 48 : i32
      %add3A_991 = vector.broadcast %add3A_990 : i32 to vector<16xi32>
      %add3A_992 = arith.addi %iota3A, %add3A_991 : vector<16xi32>
      tpu.vector_store_idx %arg16[%add3A_992, %broadcast_in_dim3A_964], %gather3A_989 : memref<64x128xf32, #tpu.memory_space<vmem>>[vector<16xi32>, vector<16xi32>], vector<16xf32>,
      %lt3A_993 = arith.constant 31 : i32
      %lt3A_994 = arith.cmpi slt, %add3A_164, %lt3A_993 : i32
      %convert_element_type3A_995 = arith.extui %lt3A_994 : i1 to i32
      %cond3A_996 = arith.constant 0 : i32
      %cond3A_997 = arith.cmpi ne, %convert_element_type3A_995, %cond3A_996 : i32
      scf.if %cond3A_997 {
        %slice3A_998 = vector.extract_strided_slice %get3A_171 {offsets = [7], sizes = [1], strides = [1]} : vector<16xi32> to vector<1xi32>
        %squeeze3A_999 = vector.extract %slice3A_998[0] : i32 from vector<1xi32>
        %shift_right_arithmetic3A_1000 = arith.constant 7 : i32
        %shift_right_arithmetic3A_1001 = arith.shrsi %squeeze3A_999, %shift_right_arithmetic3A_1000 : i32
        %mul3A_1002 = arith.constant 128 : i32
        %mul3A_1003 = arith.muli %shift_right_arithmetic3A_1001, %mul3A_1002 : i32
        %multiple_of3A_1004 = tpu.assume_multiple %mul3A_1003, 128 : i32
        %dma_start3A_1005 = arith.constant 0 : i32
        %dma_start3A_1006 = tpu.memref_slice %arg3[%dma_start3A_1005, %multiple_of3A_1004] : memref<64x1000000xf32, #tpu.memory_space<hbm>> -> memref<64x128xf32, #tpu.memory_space<hbm>>
        %dma_start3A_1007 = arith.constant 0 : i32
        %dma_start3A_1008 = tpu.memref_slice %arg3[%dma_start3A_1007, %multiple_of3A_1004] : memref<64x1000000xf32, #tpu.memory_space<hbm>> -> memref<64x128xf32, #tpu.memory_space<hbm>>
        tpu.enqueue_dma source(%dma_start3A_1008 : memref<64x128xf32, #tpu.memory_space<hbm>>) target(%arg13 : memref<64x128xf32, #tpu.memory_space<vmem>>) target_semaphore(%arg25 : memref<!tpu.dma_semaphore, #tpu.memory_space<semaphore_mem>>)
      } else {
      }
      scf.yield %get3A_171 : vector<16xi32>
    }
    %scan3A_115 = arith.constant 8 : i32
    %add3A_116 = arith.constant 256 : i32
    %add3A_117 = arith.addi %mul3A_2, %add3A_116 : i32
    %dma_start3A_118 = arith.constant 0 : i32
    %dma_start3A_119 = tpu.memref_slice %arg4[%dma_start3A_118, %add3A_117] : memref<64x16384xf32, #tpu.memory_space<hbm>> -> memref<64x128xf32, #tpu.memory_space<hbm>>
    %dma_start3A_120 = arith.constant 0 : i32
    %dma_start3A_121 = tpu.memref_slice %arg4[%dma_start3A_120, %add3A_117] : memref<64x16384xf32, #tpu.memory_space<hbm>> -> memref<64x128xf32, #tpu.memory_space<hbm>>
    tpu.enqueue_dma source(%arg16 : memref<64x128xf32, #tpu.memory_space<vmem>>) target(%dma_start3A_121 : memref<64x128xf32, #tpu.memory_space<hbm>>) target_semaphore(%arg26 : memref<!tpu.dma_semaphore, #tpu.memory_space<semaphore_mem>>)
    %scan3A_122 = arith.constant 0 : i32
    %scan3A_123 = arith.constant 8 : i32
    %scan3A_124 = arith.addi %scan3A_122, %scan3A_123 : i32
    %scan3A_125 = arith.constant 1 : i32
    %scan3A_126 = scf.for %scan3A_157 = %scan3A_122 to %scan3A_124 step %scan3A_125 iter_args(%scan3A_158 = %scan3A_114) -> (vector<16xi32>)  : i32 {
      %mul3A_159 = arith.constant 1 : i32
      %mul3A_160 = arith.muli %scan3A_157, %mul3A_159 : i32
      %add3A_161 = arith.constant 0 : i32
      %add3A_162 = arith.addi %add3A_161, %mul3A_160 : i32
      %add3A_163 = arith.constant 24 : i32
      %add3A_164 = arith.addi %add3A_163, %add3A_162 : i32
      %add3A_165 = arith.constant 1 : i32
      %add3A_166 = arith.addi %add3A_164, %add3A_165 : i32
      %mul3A_167 = arith.constant 16 : i32
      %mul3A_168 = arith.muli %add3A_166, %mul3A_167 : i32
      %min3A = arith.constant 496 : i32
      %min3A_169 = arith.minsi %mul3A_168, %min3A : i32
      %get3A_170 = arith.index_cast %min3A_169 : i32 to index
      %get3A_171 = tpu.vector_load %arg5[%get3A_170] {strides = array<i32>} : memref<512xi32, #tpu.memory_space<vmem>>, vector<16xi32>,
      %slice3A_172 = vector.extract_strided_slice %scan3A_158 {offsets = [0], sizes = [1], strides = [1]} : vector<16xi32> to vector<1xi32>
      %squeeze3A_173 = vector.extract %slice3A_172[0] : i32 from vector<1xi32>
      %dma_wait3A_174 = arith.constant 0 : i32
      %dma_wait3A_175 = arith.constant 0 : i32
      %dma_wait3A_176 = tpu.memref_slice %arg3[%dma_wait3A_174, %dma_wait3A_175] : memref<64x1000000xf32, #tpu.memory_space<hbm>> -> memref<64x128xf32, #tpu.memory_space<hbm>>
      %dma_wait3A_177 = arith.constant 0 : i32
      %dma_wait3A_178 = arith.constant 0 : i32
      %dma_wait3A_179 = tpu.memref_slice %arg3[%dma_wait3A_177, %dma_wait3A_178] : memref<64x1000000xf32, #tpu.memory_space<hbm>> -> memref<64x128xf32, #tpu.memory_space<hbm>>
      tpu.wait_dma2 semaphore(%arg18 : memref<!tpu.dma_semaphore, #tpu.memory_space<semaphore_mem>>) src(%dma_wait3A_179 : memref<64x128xf32, #tpu.memory_space<hbm>>) dst(%arg6 : memref<64x128xf32, #tpu.memory_space<vmem>>)
      %and3A = arith.constant 127 : i32
      %and3A_180 = arith.andi %squeeze3A_173, %and3A : i32
      %broadcast_in_dim3A = vector.broadcast %and3A_180 : i32 to vector<16xi32>
      %mul3A_181 = arith.constant 16 : i32
      %mul3A_182 = arith.muli %add3A_162, %mul3A_181 : i32
      %add3A_183 = arith.constant 0 : i32
      %add3A_184 = arith.addi %mul3A_182, %add3A_183 : i32
      %broadcast_in_dim3A_185 = vector.broadcast %add3A_184 : i32 to vector<16xi32>
      %add3A_186 = arith.constant 0 : i32
      %add3A_187 = vector.broadcast %add3A_186 : i32 to vector<16xi32>
      %add3A_188 = arith.addi %iota3A, %add3A_187 : vector<16xi32>
      %gather3A = tpu.vector_load_idx %arg6[%add3A_188, %broadcast_in_dim3A] : memref<64x128xf32, #tpu.memory_space<vmem>>[vector<16xi32>, vector<16xi32>], vector<16xf32>,
      %add3A_189 = arith.constant 0 : i32
      %add3A_190 = vector.broadcast %add3A_189 : i32 to vector<16xi32>
      %add3A_191 = arith.addi %iota3A, %add3A_190 : vector<16xi32>
      tpu.vector_store_idx %arg17[%add3A_191, %broadcast_in_dim3A_185], %gather3A : memref<64x128xf32, #tpu.memory_space<vmem>>[vector<16xi32>, vector<16xi32>], vector<16xf32>,
      %add3A_192 = arith.constant 16 : i32
      %add3A_193 = vector.broadcast %add3A_192 : i32 to vector<16xi32>
      %add3A_194 = arith.addi %iota3A, %add3A_193 : vector<16xi32>
      %gather3A_195 = tpu.vector_load_idx %arg6[%add3A_194, %broadcast_in_dim3A] : memref<64x128xf32, #tpu.memory_space<vmem>>[vector<16xi32>, vector<16xi32>], vector<16xf32>,
      %add3A_196 = arith.constant 16 : i32
      %add3A_197 = vector.broadcast %add3A_196 : i32 to vector<16xi32>
      %add3A_198 = arith.addi %iota3A, %add3A_197 : vector<16xi32>
      tpu.vector_store_idx %arg17[%add3A_198, %broadcast_in_dim3A_185], %gather3A_195 : memref<64x128xf32, #tpu.memory_space<vmem>>[vector<16xi32>, vector<16xi32>], vector<16xf32>,
      %add3A_199 = arith.constant 32 : i32
      %add3A_200 = vector.broadcast %add3A_199 : i32 to vector<16xi32>
      %add3A_201 = arith.addi %iota3A, %add3A_200 : vector<16xi32>
      %gather3A_202 = tpu.vector_load_idx %arg6[%add3A_201, %broadcast_in_dim3A] : memref<64x128xf32, #tpu.memory_space<vmem>>[vector<16xi32>, vector<16xi32>], vector<16xf32>,
      %add3A_203 = arith.constant 32 : i32
      %add3A_204 = vector.broadcast %add3A_203 : i32 to vector<16xi32>
      %add3A_205 = arith.addi %iota3A, %add3A_204 : vector<16xi32>
      tpu.vector_store_idx %arg17[%add3A_205, %broadcast_in_dim3A_185], %gather3A_202 : memref<64x128xf32, #tpu.memory_space<vmem>>[vector<16xi32>, vector<16xi32>], vector<16xf32>,
      %add3A_206 = arith.constant 48 : i32
      %add3A_207 = vector.broadcast %add3A_206 : i32 to vector<16xi32>
      %add3A_208 = arith.addi %iota3A, %add3A_207 : vector<16xi32>
      %gather3A_209 = tpu.vector_load_idx %arg6[%add3A_208, %broadcast_in_dim3A] : memref<64x128xf32, #tpu.memory_space<vmem>>[vector<16xi32>, vector<16xi32>], vector<16xf32>,
      %add3A_210 = arith.constant 48 : i32
      %add3A_211 = vector.broadcast %add3A_210 : i32 to vector<16xi32>
      %add3A_212 = arith.addi %iota3A, %add3A_211 : vector<16xi32>
      tpu.vector_store_idx %arg17[%add3A_212, %broadcast_in_dim3A_185], %gather3A_209 : memref<64x128xf32, #tpu.memory_space<vmem>>[vector<16xi32>, vector<16xi32>], vector<16xf32>,
      %slice3A_213 = vector.extract_strided_slice %scan3A_158 {offsets = [8], sizes = [1], strides = [1]} : vector<16xi32> to vector<1xi32>
      %squeeze3A_214 = vector.extract %slice3A_213[0] : i32 from vector<1xi32>
      %shift_right_arithmetic3A_215 = arith.constant 7 : i32
      %shift_right_arithmetic3A_216 = arith.shrsi %squeeze3A_214, %shift_right_arithmetic3A_215 : i32
      %mul3A_217 = arith.constant 128 : i32
      %mul3A_218 = arith.muli %shift_right_arithmetic3A_216, %mul3A_217 : i32
      %multiple_of3A_219 = tpu.assume_multiple %mul3A_218, 128 : i32
      %dma_start3A_220 = arith.constant 0 : i32
      %dma_start3A_221 = tpu.memref_slice %arg3[%dma_start3A_220, %multiple_of3A_219] : memref<64x1000000xf32, #tpu.memory_space<hbm>> -> memref<64x128xf32, #tpu.memory_space<hbm>>
      %dma_start3A_222 = arith.constant 0 : i32
      %dma_start3A_223 = tpu.memref_slice %arg3[%dma_start3A_222, %multiple_of3A_219] : memref<64x1000000xf32, #tpu.memory_space<hbm>> -> memref<64x128xf32, #tpu.memory_space<hbm>>
      tpu.enqueue_dma source(%dma_start3A_223 : memref<64x128xf32, #tpu.memory_space<hbm>>) target(%arg6 : memref<64x128xf32, #tpu.memory_space<vmem>>) target_semaphore(%arg18 : memref<!tpu.dma_semaphore, #tpu.memory_space<semaphore_mem>>)
      %slice3A_224 = vector.extract_strided_slice %scan3A_158 {offsets = [1], sizes = [1], strides = [1]} : vector<16xi32> to vector<1xi32>
      %squeeze3A_225 = vector.extract %slice3A_224[0] : i32 from vector<1xi32>
      %dma_wait3A_226 = arith.constant 0 : i32
      %dma_wait3A_227 = arith.constant 0 : i32
      %dma_wait3A_228 = tpu.memref_slice %arg3[%dma_wait3A_226, %dma_wait3A_227] : memref<64x1000000xf32, #tpu.memory_space<hbm>> -> memref<64x128xf32, #tpu.memory_space<hbm>>
      %dma_wait3A_229 = arith.constant 0 : i32
      %dma_wait3A_230 = arith.constant 0 : i32
      %dma_wait3A_231 = tpu.memref_slice %arg3[%dma_wait3A_229, %dma_wait3A_230] : memref<64x1000000xf32, #tpu.memory_space<hbm>> -> memref<64x128xf32, #tpu.memory_space<hbm>>
      tpu.wait_dma2 semaphore(%arg19 : memref<!tpu.dma_semaphore, #tpu.memory_space<semaphore_mem>>) src(%dma_wait3A_231 : memref<64x128xf32, #tpu.memory_space<hbm>>) dst(%arg7 : memref<64x128xf32, #tpu.memory_space<vmem>>)
      %and3A_232 = arith.constant 127 : i32
      %and3A_233 = arith.andi %squeeze3A_225, %and3A_232 : i32
      %broadcast_in_dim3A_234 = vector.broadcast %and3A_233 : i32 to vector<16xi32>
      %mul3A_235 = arith.constant 16 : i32
      %mul3A_236 = arith.muli %add3A_162, %mul3A_235 : i32
      %add3A_237 = arith.constant 1 : i32
      %add3A_238 = arith.addi %mul3A_236, %add3A_237 : i32
      %broadcast_in_dim3A_239 = vector.broadcast %add3A_238 : i32 to vector<16xi32>
      %add3A_240 = arith.constant 0 : i32
      %add3A_241 = vector.broadcast %add3A_240 : i32 to vector<16xi32>
      %add3A_242 = arith.addi %iota3A, %add3A_241 : vector<16xi32>
      %gather3A_243 = tpu.vector_load_idx %arg7[%add3A_242, %broadcast_in_dim3A_234] : memref<64x128xf32, #tpu.memory_space<vmem>>[vector<16xi32>, vector<16xi32>], vector<16xf32>,
      %add3A_244 = arith.constant 0 : i32
      %add3A_245 = vector.broadcast %add3A_244 : i32 to vector<16xi32>
      %add3A_246 = arith.addi %iota3A, %add3A_245 : vector<16xi32>
      tpu.vector_store_idx %arg17[%add3A_246, %broadcast_in_dim3A_239], %gather3A_243 : memref<64x128xf32, #tpu.memory_space<vmem>>[vector<16xi32>, vector<16xi32>], vector<16xf32>,
      %add3A_247 = arith.constant 16 : i32
      %add3A_248 = vector.broadcast %add3A_247 : i32 to vector<16xi32>
      %add3A_249 = arith.addi %iota3A, %add3A_248 : vector<16xi32>
      %gather3A_250 = tpu.vector_load_idx %arg7[%add3A_249, %broadcast_in_dim3A_234] : memref<64x128xf32, #tpu.memory_space<vmem>>[vector<16xi32>, vector<16xi32>], vector<16xf32>,
      %add3A_251 = arith.constant 16 : i32
      %add3A_252 = vector.broadcast %add3A_251 : i32 to vector<16xi32>
      %add3A_253 = arith.addi %iota3A, %add3A_252 : vector<16xi32>
      tpu.vector_store_idx %arg17[%add3A_253, %broadcast_in_dim3A_239], %gather3A_250 : memref<64x128xf32, #tpu.memory_space<vmem>>[vector<16xi32>, vector<16xi32>], vector<16xf32>,
      %add3A_254 = arith.constant 32 : i32
      %add3A_255 = vector.broadcast %add3A_254 : i32 to vector<16xi32>
      %add3A_256 = arith.addi %iota3A, %add3A_255 : vector<16xi32>
      %gather3A_257 = tpu.vector_load_idx %arg7[%add3A_256, %broadcast_in_dim3A_234] : memref<64x128xf32, #tpu.memory_space<vmem>>[vector<16xi32>, vector<16xi32>], vector<16xf32>,
      %add3A_258 = arith.constant 32 : i32
      %add3A_259 = vector.broadcast %add3A_258 : i32 to vector<16xi32>
      %add3A_260 = arith.addi %iota3A, %add3A_259 : vector<16xi32>
      tpu.vector_store_idx %arg17[%add3A_260, %broadcast_in_dim3A_239], %gather3A_257 : memref<64x128xf32, #tpu.memory_space<vmem>>[vector<16xi32>, vector<16xi32>], vector<16xf32>,
      %add3A_261 = arith.constant 48 : i32
      %add3A_262 = vector.broadcast %add3A_261 : i32 to vector<16xi32>
      %add3A_263 = arith.addi %iota3A, %add3A_262 : vector<16xi32>
      %gather3A_264 = tpu.vector_load_idx %arg7[%add3A_263, %broadcast_in_dim3A_234] : memref<64x128xf32, #tpu.memory_space<vmem>>[vector<16xi32>, vector<16xi32>], vector<16xf32>,
      %add3A_265 = arith.constant 48 : i32
      %add3A_266 = vector.broadcast %add3A_265 : i32 to vector<16xi32>
      %add3A_267 = arith.addi %iota3A, %add3A_266 : vector<16xi32>
      tpu.vector_store_idx %arg17[%add3A_267, %broadcast_in_dim3A_239], %gather3A_264 : memref<64x128xf32, #tpu.memory_space<vmem>>[vector<16xi32>, vector<16xi32>], vector<16xf32>,
      %slice3A_268 = vector.extract_strided_slice %scan3A_158 {offsets = [9], sizes = [1], strides = [1]} : vector<16xi32> to vector<1xi32>
      %squeeze3A_269 = vector.extract %slice3A_268[0] : i32 from vector<1xi32>
      %shift_right_arithmetic3A_270 = arith.constant 7 : i32
      %shift_right_arithmetic3A_271 = arith.shrsi %squeeze3A_269, %shift_right_arithmetic3A_270 : i32
      %mul3A_272 = arith.constant 128 : i32
      %mul3A_273 = arith.muli %shift_right_arithmetic3A_271, %mul3A_272 : i32
      %multiple_of3A_274 = tpu.assume_multiple %mul3A_273, 128 : i32
      %dma_start3A_275 = arith.constant 0 : i32
      %dma_start3A_276 = tpu.memref_slice %arg3[%dma_start3A_275, %multiple_of3A_274] : memref<64x1000000xf32, #tpu.memory_space<hbm>> -> memref<64x128xf32, #tpu.memory_space<hbm>>
      %dma_start3A_277 = arith.constant 0 : i32
      %dma_start3A_278 = tpu.memref_slice %arg3[%dma_start3A_277, %multiple_of3A_274] : memref<64x1000000xf32, #tpu.memory_space<hbm>> -> memref<64x128xf32, #tpu.memory_space<hbm>>
      tpu.enqueue_dma source(%dma_start3A_278 : memref<64x128xf32, #tpu.memory_space<hbm>>) target(%arg7 : memref<64x128xf32, #tpu.memory_space<vmem>>) target_semaphore(%arg19 : memref<!tpu.dma_semaphore, #tpu.memory_space<semaphore_mem>>)
      %slice3A_279 = vector.extract_strided_slice %scan3A_158 {offsets = [2], sizes = [1], strides = [1]} : vector<16xi32> to vector<1xi32>
      %squeeze3A_280 = vector.extract %slice3A_279[0] : i32 from vector<1xi32>
      %dma_wait3A_281 = arith.constant 0 : i32
      %dma_wait3A_282 = arith.constant 0 : i32
      %dma_wait3A_283 = tpu.memref_slice %arg3[%dma_wait3A_281, %dma_wait3A_282] : memref<64x1000000xf32, #tpu.memory_space<hbm>> -> memref<64x128xf32, #tpu.memory_space<hbm>>
      %dma_wait3A_284 = arith.constant 0 : i32
      %dma_wait3A_285 = arith.constant 0 : i32
      %dma_wait3A_286 = tpu.memref_slice %arg3[%dma_wait3A_284, %dma_wait3A_285] : memref<64x1000000xf32, #tpu.memory_space<hbm>> -> memref<64x128xf32, #tpu.memory_space<hbm>>
      tpu.wait_dma2 semaphore(%arg20 : memref<!tpu.dma_semaphore, #tpu.memory_space<semaphore_mem>>) src(%dma_wait3A_286 : memref<64x128xf32, #tpu.memory_space<hbm>>) dst(%arg8 : memref<64x128xf32, #tpu.memory_space<vmem>>)
      %and3A_287 = arith.constant 127 : i32
      %and3A_288 = arith.andi %squeeze3A_280, %and3A_287 : i32
      %broadcast_in_dim3A_289 = vector.broadcast %and3A_288 : i32 to vector<16xi32>
      %mul3A_290 = arith.constant 16 : i32
      %mul3A_291 = arith.muli %add3A_162, %mul3A_290 : i32
      %add3A_292 = arith.constant 2 : i32
      %add3A_293 = arith.addi %mul3A_291, %add3A_292 : i32
      %broadcast_in_dim3A_294 = vector.broadcast %add3A_293 : i32 to vector<16xi32>
      %add3A_295 = arith.constant 0 : i32
      %add3A_296 = vector.broadcast %add3A_295 : i32 to vector<16xi32>
      %add3A_297 = arith.addi %iota3A, %add3A_296 : vector<16xi32>
      %gather3A_298 = tpu.vector_load_idx %arg8[%add3A_297, %broadcast_in_dim3A_289] : memref<64x128xf32, #tpu.memory_space<vmem>>[vector<16xi32>, vector<16xi32>], vector<16xf32>,
      %add3A_299 = arith.constant 0 : i32
      %add3A_300 = vector.broadcast %add3A_299 : i32 to vector<16xi32>
      %add3A_301 = arith.addi %iota3A, %add3A_300 : vector<16xi32>
      tpu.vector_store_idx %arg17[%add3A_301, %broadcast_in_dim3A_294], %gather3A_298 : memref<64x128xf32, #tpu.memory_space<vmem>>[vector<16xi32>, vector<16xi32>], vector<16xf32>,
      %add3A_302 = arith.constant 16 : i32
      %add3A_303 = vector.broadcast %add3A_302 : i32 to vector<16xi32>
      %add3A_304 = arith.addi %iota3A, %add3A_303 : vector<16xi32>
      %gather3A_305 = tpu.vector_load_idx %arg8[%add3A_304, %broadcast_in_dim3A_289] : memref<64x128xf32, #tpu.memory_space<vmem>>[vector<16xi32>, vector<16xi32>], vector<16xf32>,
      %add3A_306 = arith.constant 16 : i32
      %add3A_307 = vector.broadcast %add3A_306 : i32 to vector<16xi32>
      %add3A_308 = arith.addi %iota3A, %add3A_307 : vector<16xi32>
      tpu.vector_store_idx %arg17[%add3A_308, %broadcast_in_dim3A_294], %gather3A_305 : memref<64x128xf32, #tpu.memory_space<vmem>>[vector<16xi32>, vector<16xi32>], vector<16xf32>,
      %add3A_309 = arith.constant 32 : i32
      %add3A_310 = vector.broadcast %add3A_309 : i32 to vector<16xi32>
      %add3A_311 = arith.addi %iota3A, %add3A_310 : vector<16xi32>
      %gather3A_312 = tpu.vector_load_idx %arg8[%add3A_311, %broadcast_in_dim3A_289] : memref<64x128xf32, #tpu.memory_space<vmem>>[vector<16xi32>, vector<16xi32>], vector<16xf32>,
      %add3A_313 = arith.constant 32 : i32
      %add3A_314 = vector.broadcast %add3A_313 : i32 to vector<16xi32>
      %add3A_315 = arith.addi %iota3A, %add3A_314 : vector<16xi32>
      tpu.vector_store_idx %arg17[%add3A_315, %broadcast_in_dim3A_294], %gather3A_312 : memref<64x128xf32, #tpu.memory_space<vmem>>[vector<16xi32>, vector<16xi32>], vector<16xf32>,
      %add3A_316 = arith.constant 48 : i32
      %add3A_317 = vector.broadcast %add3A_316 : i32 to vector<16xi32>
      %add3A_318 = arith.addi %iota3A, %add3A_317 : vector<16xi32>
      %gather3A_319 = tpu.vector_load_idx %arg8[%add3A_318, %broadcast_in_dim3A_289] : memref<64x128xf32, #tpu.memory_space<vmem>>[vector<16xi32>, vector<16xi32>], vector<16xf32>,
      %add3A_320 = arith.constant 48 : i32
      %add3A_321 = vector.broadcast %add3A_320 : i32 to vector<16xi32>
      %add3A_322 = arith.addi %iota3A, %add3A_321 : vector<16xi32>
      tpu.vector_store_idx %arg17[%add3A_322, %broadcast_in_dim3A_294], %gather3A_319 : memref<64x128xf32, #tpu.memory_space<vmem>>[vector<16xi32>, vector<16xi32>], vector<16xf32>,
      %slice3A_323 = vector.extract_strided_slice %scan3A_158 {offsets = [10], sizes = [1], strides = [1]} : vector<16xi32> to vector<1xi32>
      %squeeze3A_324 = vector.extract %slice3A_323[0] : i32 from vector<1xi32>
      %shift_right_arithmetic3A_325 = arith.constant 7 : i32
      %shift_right_arithmetic3A_326 = arith.shrsi %squeeze3A_324, %shift_right_arithmetic3A_325 : i32
      %mul3A_327 = arith.constant 128 : i32
      %mul3A_328 = arith.muli %shift_right_arithmetic3A_326, %mul3A_327 : i32
      %multiple_of3A_329 = tpu.assume_multiple %mul3A_328, 128 : i32
      %dma_start3A_330 = arith.constant 0 : i32
      %dma_start3A_331 = tpu.memref_slice %arg3[%dma_start3A_330, %multiple_of3A_329] : memref<64x1000000xf32, #tpu.memory_space<hbm>> -> memref<64x128xf32, #tpu.memory_space<hbm>>
      %dma_start3A_332 = arith.constant 0 : i32
      %dma_start3A_333 = tpu.memref_slice %arg3[%dma_start3A_332, %multiple_of3A_329] : memref<64x1000000xf32, #tpu.memory_space<hbm>> -> memref<64x128xf32, #tpu.memory_space<hbm>>
      tpu.enqueue_dma source(%dma_start3A_333 : memref<64x128xf32, #tpu.memory_space<hbm>>) target(%arg8 : memref<64x128xf32, #tpu.memory_space<vmem>>) target_semaphore(%arg20 : memref<!tpu.dma_semaphore, #tpu.memory_space<semaphore_mem>>)
      %slice3A_334 = vector.extract_strided_slice %scan3A_158 {offsets = [3], sizes = [1], strides = [1]} : vector<16xi32> to vector<1xi32>
      %squeeze3A_335 = vector.extract %slice3A_334[0] : i32 from vector<1xi32>
      %dma_wait3A_336 = arith.constant 0 : i32
      %dma_wait3A_337 = arith.constant 0 : i32
      %dma_wait3A_338 = tpu.memref_slice %arg3[%dma_wait3A_336, %dma_wait3A_337] : memref<64x1000000xf32, #tpu.memory_space<hbm>> -> memref<64x128xf32, #tpu.memory_space<hbm>>
      %dma_wait3A_339 = arith.constant 0 : i32
      %dma_wait3A_340 = arith.constant 0 : i32
      %dma_wait3A_341 = tpu.memref_slice %arg3[%dma_wait3A_339, %dma_wait3A_340] : memref<64x1000000xf32, #tpu.memory_space<hbm>> -> memref<64x128xf32, #tpu.memory_space<hbm>>
      tpu.wait_dma2 semaphore(%arg21 : memref<!tpu.dma_semaphore, #tpu.memory_space<semaphore_mem>>) src(%dma_wait3A_341 : memref<64x128xf32, #tpu.memory_space<hbm>>) dst(%arg9 : memref<64x128xf32, #tpu.memory_space<vmem>>)
      %and3A_342 = arith.constant 127 : i32
      %and3A_343 = arith.andi %squeeze3A_335, %and3A_342 : i32
      %broadcast_in_dim3A_344 = vector.broadcast %and3A_343 : i32 to vector<16xi32>
      %mul3A_345 = arith.constant 16 : i32
      %mul3A_346 = arith.muli %add3A_162, %mul3A_345 : i32
      %add3A_347 = arith.constant 3 : i32
      %add3A_348 = arith.addi %mul3A_346, %add3A_347 : i32
      %broadcast_in_dim3A_349 = vector.broadcast %add3A_348 : i32 to vector<16xi32>
      %add3A_350 = arith.constant 0 : i32
      %add3A_351 = vector.broadcast %add3A_350 : i32 to vector<16xi32>
      %add3A_352 = arith.addi %iota3A, %add3A_351 : vector<16xi32>
      %gather3A_353 = tpu.vector_load_idx %arg9[%add3A_352, %broadcast_in_dim3A_344] : memref<64x128xf32, #tpu.memory_space<vmem>>[vector<16xi32>, vector<16xi32>], vector<16xf32>,
      %add3A_354 = arith.constant 0 : i32
      %add3A_355 = vector.broadcast %add3A_354 : i32 to vector<16xi32>
      %add3A_356 = arith.addi %iota3A, %add3A_355 : vector<16xi32>
      tpu.vector_store_idx %arg17[%add3A_356, %broadcast_in_dim3A_349], %gather3A_353 : memref<64x128xf32, #tpu.memory_space<vmem>>[vector<16xi32>, vector<16xi32>], vector<16xf32>,
      %add3A_357 = arith.constant 16 : i32
      %add3A_358 = vector.broadcast %add3A_357 : i32 to vector<16xi32>
      %add3A_359 = arith.addi %iota3A, %add3A_358 : vector<16xi32>
      %gather3A_360 = tpu.vector_load_idx %arg9[%add3A_359, %broadcast_in_dim3A_344] : memref<64x128xf32, #tpu.memory_space<vmem>>[vector<16xi32>, vector<16xi32>], vector<16xf32>,
      %add3A_361 = arith.constant 16 : i32
      %add3A_362 = vector.broadcast %add3A_361 : i32 to vector<16xi32>
      %add3A_363 = arith.addi %iota3A, %add3A_362 : vector<16xi32>
      tpu.vector_store_idx %arg17[%add3A_363, %broadcast_in_dim3A_349], %gather3A_360 : memref<64x128xf32, #tpu.memory_space<vmem>>[vector<16xi32>, vector<16xi32>], vector<16xf32>,
      %add3A_364 = arith.constant 32 : i32
      %add3A_365 = vector.broadcast %add3A_364 : i32 to vector<16xi32>
      %add3A_366 = arith.addi %iota3A, %add3A_365 : vector<16xi32>
      %gather3A_367 = tpu.vector_load_idx %arg9[%add3A_366, %broadcast_in_dim3A_344] : memref<64x128xf32, #tpu.memory_space<vmem>>[vector<16xi32>, vector<16xi32>], vector<16xf32>,
      %add3A_368 = arith.constant 32 : i32
      %add3A_369 = vector.broadcast %add3A_368 : i32 to vector<16xi32>
      %add3A_370 = arith.addi %iota3A, %add3A_369 : vector<16xi32>
      tpu.vector_store_idx %arg17[%add3A_370, %broadcast_in_dim3A_349], %gather3A_367 : memref<64x128xf32, #tpu.memory_space<vmem>>[vector<16xi32>, vector<16xi32>], vector<16xf32>,
      %add3A_371 = arith.constant 48 : i32
      %add3A_372 = vector.broadcast %add3A_371 : i32 to vector<16xi32>
      %add3A_373 = arith.addi %iota3A, %add3A_372 : vector<16xi32>
      %gather3A_374 = tpu.vector_load_idx %arg9[%add3A_373, %broadcast_in_dim3A_344] : memref<64x128xf32, #tpu.memory_space<vmem>>[vector<16xi32>, vector<16xi32>], vector<16xf32>,
      %add3A_375 = arith.constant 48 : i32
      %add3A_376 = vector.broadcast %add3A_375 : i32 to vector<16xi32>
      %add3A_377 = arith.addi %iota3A, %add3A_376 : vector<16xi32>
      tpu.vector_store_idx %arg17[%add3A_377, %broadcast_in_dim3A_349], %gather3A_374 : memref<64x128xf32, #tpu.memory_space<vmem>>[vector<16xi32>, vector<16xi32>], vector<16xf32>,
      %slice3A_378 = vector.extract_strided_slice %scan3A_158 {offsets = [11], sizes = [1], strides = [1]} : vector<16xi32> to vector<1xi32>
      %squeeze3A_379 = vector.extract %slice3A_378[0] : i32 from vector<1xi32>
      %shift_right_arithmetic3A_380 = arith.constant 7 : i32
      %shift_right_arithmetic3A_381 = arith.shrsi %squeeze3A_379, %shift_right_arithmetic3A_380 : i32
      %mul3A_382 = arith.constant 128 : i32
      %mul3A_383 = arith.muli %shift_right_arithmetic3A_381, %mul3A_382 : i32
      %multiple_of3A_384 = tpu.assume_multiple %mul3A_383, 128 : i32
      %dma_start3A_385 = arith.constant 0 : i32
      %dma_start3A_386 = tpu.memref_slice %arg3[%dma_start3A_385, %multiple_of3A_384] : memref<64x1000000xf32, #tpu.memory_space<hbm>> -> memref<64x128xf32, #tpu.memory_space<hbm>>
      %dma_start3A_387 = arith.constant 0 : i32
      %dma_start3A_388 = tpu.memref_slice %arg3[%dma_start3A_387, %multiple_of3A_384] : memref<64x1000000xf32, #tpu.memory_space<hbm>> -> memref<64x128xf32, #tpu.memory_space<hbm>>
      tpu.enqueue_dma source(%dma_start3A_388 : memref<64x128xf32, #tpu.memory_space<hbm>>) target(%arg9 : memref<64x128xf32, #tpu.memory_space<vmem>>) target_semaphore(%arg21 : memref<!tpu.dma_semaphore, #tpu.memory_space<semaphore_mem>>)
      %slice3A_389 = vector.extract_strided_slice %scan3A_158 {offsets = [4], sizes = [1], strides = [1]} : vector<16xi32> to vector<1xi32>
      %squeeze3A_390 = vector.extract %slice3A_389[0] : i32 from vector<1xi32>
      %dma_wait3A_391 = arith.constant 0 : i32
      %dma_wait3A_392 = arith.constant 0 : i32
      %dma_wait3A_393 = tpu.memref_slice %arg3[%dma_wait3A_391, %dma_wait3A_392] : memref<64x1000000xf32, #tpu.memory_space<hbm>> -> memref<64x128xf32, #tpu.memory_space<hbm>>
      %dma_wait3A_394 = arith.constant 0 : i32
      %dma_wait3A_395 = arith.constant 0 : i32
      %dma_wait3A_396 = tpu.memref_slice %arg3[%dma_wait3A_394, %dma_wait3A_395] : memref<64x1000000xf32, #tpu.memory_space<hbm>> -> memref<64x128xf32, #tpu.memory_space<hbm>>
      tpu.wait_dma2 semaphore(%arg22 : memref<!tpu.dma_semaphore, #tpu.memory_space<semaphore_mem>>) src(%dma_wait3A_396 : memref<64x128xf32, #tpu.memory_space<hbm>>) dst(%arg10 : memref<64x128xf32, #tpu.memory_space<vmem>>)
      %and3A_397 = arith.constant 127 : i32
      %and3A_398 = arith.andi %squeeze3A_390, %and3A_397 : i32
      %broadcast_in_dim3A_399 = vector.broadcast %and3A_398 : i32 to vector<16xi32>
      %mul3A_400 = arith.constant 16 : i32
      %mul3A_401 = arith.muli %add3A_162, %mul3A_400 : i32
      %add3A_402 = arith.constant 4 : i32
      %add3A_403 = arith.addi %mul3A_401, %add3A_402 : i32
      %broadcast_in_dim3A_404 = vector.broadcast %add3A_403 : i32 to vector<16xi32>
      %add3A_405 = arith.constant 0 : i32
      %add3A_406 = vector.broadcast %add3A_405 : i32 to vector<16xi32>
      %add3A_407 = arith.addi %iota3A, %add3A_406 : vector<16xi32>
      %gather3A_408 = tpu.vector_load_idx %arg10[%add3A_407, %broadcast_in_dim3A_399] : memref<64x128xf32, #tpu.memory_space<vmem>>[vector<16xi32>, vector<16xi32>], vector<16xf32>,
      %add3A_409 = arith.constant 0 : i32
      %add3A_410 = vector.broadcast %add3A_409 : i32 to vector<16xi32>
      %add3A_411 = arith.addi %iota3A, %add3A_410 : vector<16xi32>
      tpu.vector_store_idx %arg17[%add3A_411, %broadcast_in_dim3A_404], %gather3A_408 : memref<64x128xf32, #tpu.memory_space<vmem>>[vector<16xi32>, vector<16xi32>], vector<16xf32>,
      %add3A_412 = arith.constant 16 : i32
      %add3A_413 = vector.broadcast %add3A_412 : i32 to vector<16xi32>
      %add3A_414 = arith.addi %iota3A, %add3A_413 : vector<16xi32>
      %gather3A_415 = tpu.vector_load_idx %arg10[%add3A_414, %broadcast_in_dim3A_399] : memref<64x128xf32, #tpu.memory_space<vmem>>[vector<16xi32>, vector<16xi32>], vector<16xf32>,
      %add3A_416 = arith.constant 16 : i32
      %add3A_417 = vector.broadcast %add3A_416 : i32 to vector<16xi32>
      %add3A_418 = arith.addi %iota3A, %add3A_417 : vector<16xi32>
      tpu.vector_store_idx %arg17[%add3A_418, %broadcast_in_dim3A_404], %gather3A_415 : memref<64x128xf32, #tpu.memory_space<vmem>>[vector<16xi32>, vector<16xi32>], vector<16xf32>,
      %add3A_419 = arith.constant 32 : i32
      %add3A_420 = vector.broadcast %add3A_419 : i32 to vector<16xi32>
      %add3A_421 = arith.addi %iota3A, %add3A_420 : vector<16xi32>
      %gather3A_422 = tpu.vector_load_idx %arg10[%add3A_421, %broadcast_in_dim3A_399] : memref<64x128xf32, #tpu.memory_space<vmem>>[vector<16xi32>, vector<16xi32>], vector<16xf32>,
      %add3A_423 = arith.constant 32 : i32
      %add3A_424 = vector.broadcast %add3A_423 : i32 to vector<16xi32>
      %add3A_425 = arith.addi %iota3A, %add3A_424 : vector<16xi32>
      tpu.vector_store_idx %arg17[%add3A_425, %broadcast_in_dim3A_404], %gather3A_422 : memref<64x128xf32, #tpu.memory_space<vmem>>[vector<16xi32>, vector<16xi32>], vector<16xf32>,
      %add3A_426 = arith.constant 48 : i32
      %add3A_427 = vector.broadcast %add3A_426 : i32 to vector<16xi32>
      %add3A_428 = arith.addi %iota3A, %add3A_427 : vector<16xi32>
      %gather3A_429 = tpu.vector_load_idx %arg10[%add3A_428, %broadcast_in_dim3A_399] : memref<64x128xf32, #tpu.memory_space<vmem>>[vector<16xi32>, vector<16xi32>], vector<16xf32>,
      %add3A_430 = arith.constant 48 : i32
      %add3A_431 = vector.broadcast %add3A_430 : i32 to vector<16xi32>
      %add3A_432 = arith.addi %iota3A, %add3A_431 : vector<16xi32>
      tpu.vector_store_idx %arg17[%add3A_432, %broadcast_in_dim3A_404], %gather3A_429 : memref<64x128xf32, #tpu.memory_space<vmem>>[vector<16xi32>, vector<16xi32>], vector<16xf32>,
      %slice3A_433 = vector.extract_strided_slice %scan3A_158 {offsets = [12], sizes = [1], strides = [1]} : vector<16xi32> to vector<1xi32>
      %squeeze3A_434 = vector.extract %slice3A_433[0] : i32 from vector<1xi32>
      %shift_right_arithmetic3A_435 = arith.constant 7 : i32
      %shift_right_arithmetic3A_436 = arith.shrsi %squeeze3A_434, %shift_right_arithmetic3A_435 : i32
      %mul3A_437 = arith.constant 128 : i32
      %mul3A_438 = arith.muli %shift_right_arithmetic3A_436, %mul3A_437 : i32
      %multiple_of3A_439 = tpu.assume_multiple %mul3A_438, 128 : i32
      %dma_start3A_440 = arith.constant 0 : i32
      %dma_start3A_441 = tpu.memref_slice %arg3[%dma_start3A_440, %multiple_of3A_439] : memref<64x1000000xf32, #tpu.memory_space<hbm>> -> memref<64x128xf32, #tpu.memory_space<hbm>>
      %dma_start3A_442 = arith.constant 0 : i32
      %dma_start3A_443 = tpu.memref_slice %arg3[%dma_start3A_442, %multiple_of3A_439] : memref<64x1000000xf32, #tpu.memory_space<hbm>> -> memref<64x128xf32, #tpu.memory_space<hbm>>
      tpu.enqueue_dma source(%dma_start3A_443 : memref<64x128xf32, #tpu.memory_space<hbm>>) target(%arg10 : memref<64x128xf32, #tpu.memory_space<vmem>>) target_semaphore(%arg22 : memref<!tpu.dma_semaphore, #tpu.memory_space<semaphore_mem>>)
      %slice3A_444 = vector.extract_strided_slice %scan3A_158 {offsets = [5], sizes = [1], strides = [1]} : vector<16xi32> to vector<1xi32>
      %squeeze3A_445 = vector.extract %slice3A_444[0] : i32 from vector<1xi32>
      %dma_wait3A_446 = arith.constant 0 : i32
      %dma_wait3A_447 = arith.constant 0 : i32
      %dma_wait3A_448 = tpu.memref_slice %arg3[%dma_wait3A_446, %dma_wait3A_447] : memref<64x1000000xf32, #tpu.memory_space<hbm>> -> memref<64x128xf32, #tpu.memory_space<hbm>>
      %dma_wait3A_449 = arith.constant 0 : i32
      %dma_wait3A_450 = arith.constant 0 : i32
      %dma_wait3A_451 = tpu.memref_slice %arg3[%dma_wait3A_449, %dma_wait3A_450] : memref<64x1000000xf32, #tpu.memory_space<hbm>> -> memref<64x128xf32, #tpu.memory_space<hbm>>
      tpu.wait_dma2 semaphore(%arg23 : memref<!tpu.dma_semaphore, #tpu.memory_space<semaphore_mem>>) src(%dma_wait3A_451 : memref<64x128xf32, #tpu.memory_space<hbm>>) dst(%arg11 : memref<64x128xf32, #tpu.memory_space<vmem>>)
      %and3A_452 = arith.constant 127 : i32
      %and3A_453 = arith.andi %squeeze3A_445, %and3A_452 : i32
      %broadcast_in_dim3A_454 = vector.broadcast %and3A_453 : i32 to vector<16xi32>
      %mul3A_455 = arith.constant 16 : i32
      %mul3A_456 = arith.muli %add3A_162, %mul3A_455 : i32
      %add3A_457 = arith.constant 5 : i32
      %add3A_458 = arith.addi %mul3A_456, %add3A_457 : i32
      %broadcast_in_dim3A_459 = vector.broadcast %add3A_458 : i32 to vector<16xi32>
      %add3A_460 = arith.constant 0 : i32
      %add3A_461 = vector.broadcast %add3A_460 : i32 to vector<16xi32>
      %add3A_462 = arith.addi %iota3A, %add3A_461 : vector<16xi32>
      %gather3A_463 = tpu.vector_load_idx %arg11[%add3A_462, %broadcast_in_dim3A_454] : memref<64x128xf32, #tpu.memory_space<vmem>>[vector<16xi32>, vector<16xi32>], vector<16xf32>,
      %add3A_464 = arith.constant 0 : i32
      %add3A_465 = vector.broadcast %add3A_464 : i32 to vector<16xi32>
      %add3A_466 = arith.addi %iota3A, %add3A_465 : vector<16xi32>
      tpu.vector_store_idx %arg17[%add3A_466, %broadcast_in_dim3A_459], %gather3A_463 : memref<64x128xf32, #tpu.memory_space<vmem>>[vector<16xi32>, vector<16xi32>], vector<16xf32>,
      %add3A_467 = arith.constant 16 : i32
      %add3A_468 = vector.broadcast %add3A_467 : i32 to vector<16xi32>
      %add3A_469 = arith.addi %iota3A, %add3A_468 : vector<16xi32>
      %gather3A_470 = tpu.vector_load_idx %arg11[%add3A_469, %broadcast_in_dim3A_454] : memref<64x128xf32, #tpu.memory_space<vmem>>[vector<16xi32>, vector<16xi32>], vector<16xf32>,
      %add3A_471 = arith.constant 16 : i32
      %add3A_472 = vector.broadcast %add3A_471 : i32 to vector<16xi32>
      %add3A_473 = arith.addi %iota3A, %add3A_472 : vector<16xi32>
      tpu.vector_store_idx %arg17[%add3A_473, %broadcast_in_dim3A_459], %gather3A_470 : memref<64x128xf32, #tpu.memory_space<vmem>>[vector<16xi32>, vector<16xi32>], vector<16xf32>,
      %add3A_474 = arith.constant 32 : i32
      %add3A_475 = vector.broadcast %add3A_474 : i32 to vector<16xi32>
      %add3A_476 = arith.addi %iota3A, %add3A_475 : vector<16xi32>
      %gather3A_477 = tpu.vector_load_idx %arg11[%add3A_476, %broadcast_in_dim3A_454] : memref<64x128xf32, #tpu.memory_space<vmem>>[vector<16xi32>, vector<16xi32>], vector<16xf32>,
      %add3A_478 = arith.constant 32 : i32
      %add3A_479 = vector.broadcast %add3A_478 : i32 to vector<16xi32>
      %add3A_480 = arith.addi %iota3A, %add3A_479 : vector<16xi32>
      tpu.vector_store_idx %arg17[%add3A_480, %broadcast_in_dim3A_459], %gather3A_477 : memref<64x128xf32, #tpu.memory_space<vmem>>[vector<16xi32>, vector<16xi32>], vector<16xf32>,
      %add3A_481 = arith.constant 48 : i32
      %add3A_482 = vector.broadcast %add3A_481 : i32 to vector<16xi32>
      %add3A_483 = arith.addi %iota3A, %add3A_482 : vector<16xi32>
      %gather3A_484 = tpu.vector_load_idx %arg11[%add3A_483, %broadcast_in_dim3A_454] : memref<64x128xf32, #tpu.memory_space<vmem>>[vector<16xi32>, vector<16xi32>], vector<16xf32>,
      %add3A_485 = arith.constant 48 : i32
      %add3A_486 = vector.broadcast %add3A_485 : i32 to vector<16xi32>
      %add3A_487 = arith.addi %iota3A, %add3A_486 : vector<16xi32>
      tpu.vector_store_idx %arg17[%add3A_487, %broadcast_in_dim3A_459], %gather3A_484 : memref<64x128xf32, #tpu.memory_space<vmem>>[vector<16xi32>, vector<16xi32>], vector<16xf32>,
      %slice3A_488 = vector.extract_strided_slice %scan3A_158 {offsets = [13], sizes = [1], strides = [1]} : vector<16xi32> to vector<1xi32>
      %squeeze3A_489 = vector.extract %slice3A_488[0] : i32 from vector<1xi32>
      %shift_right_arithmetic3A_490 = arith.constant 7 : i32
      %shift_right_arithmetic3A_491 = arith.shrsi %squeeze3A_489, %shift_right_arithmetic3A_490 : i32
      %mul3A_492 = arith.constant 128 : i32
      %mul3A_493 = arith.muli %shift_right_arithmetic3A_491, %mul3A_492 : i32
      %multiple_of3A_494 = tpu.assume_multiple %mul3A_493, 128 : i32
      %dma_start3A_495 = arith.constant 0 : i32
      %dma_start3A_496 = tpu.memref_slice %arg3[%dma_start3A_495, %multiple_of3A_494] : memref<64x1000000xf32, #tpu.memory_space<hbm>> -> memref<64x128xf32, #tpu.memory_space<hbm>>
      %dma_start3A_497 = arith.constant 0 : i32
      %dma_start3A_498 = tpu.memref_slice %arg3[%dma_start3A_497, %multiple_of3A_494] : memref<64x1000000xf32, #tpu.memory_space<hbm>> -> memref<64x128xf32, #tpu.memory_space<hbm>>
      tpu.enqueue_dma source(%dma_start3A_498 : memref<64x128xf32, #tpu.memory_space<hbm>>) target(%arg11 : memref<64x128xf32, #tpu.memory_space<vmem>>) target_semaphore(%arg23 : memref<!tpu.dma_semaphore, #tpu.memory_space<semaphore_mem>>)
      %slice3A_499 = vector.extract_strided_slice %scan3A_158 {offsets = [6], sizes = [1], strides = [1]} : vector<16xi32> to vector<1xi32>
      %squeeze3A_500 = vector.extract %slice3A_499[0] : i32 from vector<1xi32>
      %dma_wait3A_501 = arith.constant 0 : i32
      %dma_wait3A_502 = arith.constant 0 : i32
      %dma_wait3A_503 = tpu.memref_slice %arg3[%dma_wait3A_501, %dma_wait3A_502] : memref<64x1000000xf32, #tpu.memory_space<hbm>> -> memref<64x128xf32, #tpu.memory_space<hbm>>
      %dma_wait3A_504 = arith.constant 0 : i32
      %dma_wait3A_505 = arith.constant 0 : i32
      %dma_wait3A_506 = tpu.memref_slice %arg3[%dma_wait3A_504, %dma_wait3A_505] : memref<64x1000000xf32, #tpu.memory_space<hbm>> -> memref<64x128xf32, #tpu.memory_space<hbm>>
      tpu.wait_dma2 semaphore(%arg24 : memref<!tpu.dma_semaphore, #tpu.memory_space<semaphore_mem>>) src(%dma_wait3A_506 : memref<64x128xf32, #tpu.memory_space<hbm>>) dst(%arg12 : memref<64x128xf32, #tpu.memory_space<vmem>>)
      %and3A_507 = arith.constant 127 : i32
      %and3A_508 = arith.andi %squeeze3A_500, %and3A_507 : i32
      %broadcast_in_dim3A_509 = vector.broadcast %and3A_508 : i32 to vector<16xi32>
      %mul3A_510 = arith.constant 16 : i32
      %mul3A_511 = arith.muli %add3A_162, %mul3A_510 : i32
      %add3A_512 = arith.constant 6 : i32
      %add3A_513 = arith.addi %mul3A_511, %add3A_512 : i32
      %broadcast_in_dim3A_514 = vector.broadcast %add3A_513 : i32 to vector<16xi32>
      %add3A_515 = arith.constant 0 : i32
      %add3A_516 = vector.broadcast %add3A_515 : i32 to vector<16xi32>
      %add3A_517 = arith.addi %iota3A, %add3A_516 : vector<16xi32>
      %gather3A_518 = tpu.vector_load_idx %arg12[%add3A_517, %broadcast_in_dim3A_509] : memref<64x128xf32, #tpu.memory_space<vmem>>[vector<16xi32>, vector<16xi32>], vector<16xf32>,
      %add3A_519 = arith.constant 0 : i32
      %add3A_520 = vector.broadcast %add3A_519 : i32 to vector<16xi32>
      %add3A_521 = arith.addi %iota3A, %add3A_520 : vector<16xi32>
      tpu.vector_store_idx %arg17[%add3A_521, %broadcast_in_dim3A_514], %gather3A_518 : memref<64x128xf32, #tpu.memory_space<vmem>>[vector<16xi32>, vector<16xi32>], vector<16xf32>,
      %add3A_522 = arith.constant 16 : i32
      %add3A_523 = vector.broadcast %add3A_522 : i32 to vector<16xi32>
      %add3A_524 = arith.addi %iota3A, %add3A_523 : vector<16xi32>
      %gather3A_525 = tpu.vector_load_idx %arg12[%add3A_524, %broadcast_in_dim3A_509] : memref<64x128xf32, #tpu.memory_space<vmem>>[vector<16xi32>, vector<16xi32>], vector<16xf32>,
      %add3A_526 = arith.constant 16 : i32
      %add3A_527 = vector.broadcast %add3A_526 : i32 to vector<16xi32>
      %add3A_528 = arith.addi %iota3A, %add3A_527 : vector<16xi32>
      tpu.vector_store_idx %arg17[%add3A_528, %broadcast_in_dim3A_514], %gather3A_525 : memref<64x128xf32, #tpu.memory_space<vmem>>[vector<16xi32>, vector<16xi32>], vector<16xf32>,
      %add3A_529 = arith.constant 32 : i32
      %add3A_530 = vector.broadcast %add3A_529 : i32 to vector<16xi32>
      %add3A_531 = arith.addi %iota3A, %add3A_530 : vector<16xi32>
      %gather3A_532 = tpu.vector_load_idx %arg12[%add3A_531, %broadcast_in_dim3A_509] : memref<64x128xf32, #tpu.memory_space<vmem>>[vector<16xi32>, vector<16xi32>], vector<16xf32>,
      %add3A_533 = arith.constant 32 : i32
      %add3A_534 = vector.broadcast %add3A_533 : i32 to vector<16xi32>
      %add3A_535 = arith.addi %iota3A, %add3A_534 : vector<16xi32>
      tpu.vector_store_idx %arg17[%add3A_535, %broadcast_in_dim3A_514], %gather3A_532 : memref<64x128xf32, #tpu.memory_space<vmem>>[vector<16xi32>, vector<16xi32>], vector<16xf32>,
      %add3A_536 = arith.constant 48 : i32
      %add3A_537 = vector.broadcast %add3A_536 : i32 to vector<16xi32>
      %add3A_538 = arith.addi %iota3A, %add3A_537 : vector<16xi32>
      %gather3A_539 = tpu.vector_load_idx %arg12[%add3A_538, %broadcast_in_dim3A_509] : memref<64x128xf32, #tpu.memory_space<vmem>>[vector<16xi32>, vector<16xi32>], vector<16xf32>,
      %add3A_540 = arith.constant 48 : i32
      %add3A_541 = vector.broadcast %add3A_540 : i32 to vector<16xi32>
      %add3A_542 = arith.addi %iota3A, %add3A_541 : vector<16xi32>
      tpu.vector_store_idx %arg17[%add3A_542, %broadcast_in_dim3A_514], %gather3A_539 : memref<64x128xf32, #tpu.memory_space<vmem>>[vector<16xi32>, vector<16xi32>], vector<16xf32>,
      %slice3A_543 = vector.extract_strided_slice %scan3A_158 {offsets = [14], sizes = [1], strides = [1]} : vector<16xi32> to vector<1xi32>
      %squeeze3A_544 = vector.extract %slice3A_543[0] : i32 from vector<1xi32>
      %shift_right_arithmetic3A_545 = arith.constant 7 : i32
      %shift_right_arithmetic3A_546 = arith.shrsi %squeeze3A_544, %shift_right_arithmetic3A_545 : i32
      %mul3A_547 = arith.constant 128 : i32
      %mul3A_548 = arith.muli %shift_right_arithmetic3A_546, %mul3A_547 : i32
      %multiple_of3A_549 = tpu.assume_multiple %mul3A_548, 128 : i32
      %dma_start3A_550 = arith.constant 0 : i32
      %dma_start3A_551 = tpu.memref_slice %arg3[%dma_start3A_550, %multiple_of3A_549] : memref<64x1000000xf32, #tpu.memory_space<hbm>> -> memref<64x128xf32, #tpu.memory_space<hbm>>
      %dma_start3A_552 = arith.constant 0 : i32
      %dma_start3A_553 = tpu.memref_slice %arg3[%dma_start3A_552, %multiple_of3A_549] : memref<64x1000000xf32, #tpu.memory_space<hbm>> -> memref<64x128xf32, #tpu.memory_space<hbm>>
      tpu.enqueue_dma source(%dma_start3A_553 : memref<64x128xf32, #tpu.memory_space<hbm>>) target(%arg12 : memref<64x128xf32, #tpu.memory_space<vmem>>) target_semaphore(%arg24 : memref<!tpu.dma_semaphore, #tpu.memory_space<semaphore_mem>>)
      %slice3A_554 = vector.extract_strided_slice %scan3A_158 {offsets = [7], sizes = [1], strides = [1]} : vector<16xi32> to vector<1xi32>
      %squeeze3A_555 = vector.extract %slice3A_554[0] : i32 from vector<1xi32>
      %dma_wait3A_556 = arith.constant 0 : i32
      %dma_wait3A_557 = arith.constant 0 : i32
      %dma_wait3A_558 = tpu.memref_slice %arg3[%dma_wait3A_556, %dma_wait3A_557] : memref<64x1000000xf32, #tpu.memory_space<hbm>> -> memref<64x128xf32, #tpu.memory_space<hbm>>
      %dma_wait3A_559 = arith.constant 0 : i32
      %dma_wait3A_560 = arith.constant 0 : i32
      %dma_wait3A_561 = tpu.memref_slice %arg3[%dma_wait3A_559, %dma_wait3A_560] : memref<64x1000000xf32, #tpu.memory_space<hbm>> -> memref<64x128xf32, #tpu.memory_space<hbm>>
      tpu.wait_dma2 semaphore(%arg25 : memref<!tpu.dma_semaphore, #tpu.memory_space<semaphore_mem>>) src(%dma_wait3A_561 : memref<64x128xf32, #tpu.memory_space<hbm>>) dst(%arg13 : memref<64x128xf32, #tpu.memory_space<vmem>>)
      %and3A_562 = arith.constant 127 : i32
      %and3A_563 = arith.andi %squeeze3A_555, %and3A_562 : i32
      %broadcast_in_dim3A_564 = vector.broadcast %and3A_563 : i32 to vector<16xi32>
      %mul3A_565 = arith.constant 16 : i32
      %mul3A_566 = arith.muli %add3A_162, %mul3A_565 : i32
      %add3A_567 = arith.constant 7 : i32
      %add3A_568 = arith.addi %mul3A_566, %add3A_567 : i32
      %broadcast_in_dim3A_569 = vector.broadcast %add3A_568 : i32 to vector<16xi32>
      %add3A_570 = arith.constant 0 : i32
      %add3A_571 = vector.broadcast %add3A_570 : i32 to vector<16xi32>
      %add3A_572 = arith.addi %iota3A, %add3A_571 : vector<16xi32>
      %gather3A_573 = tpu.vector_load_idx %arg13[%add3A_572, %broadcast_in_dim3A_564] : memref<64x128xf32, #tpu.memory_space<vmem>>[vector<16xi32>, vector<16xi32>], vector<16xf32>,
      %add3A_574 = arith.constant 0 : i32
      %add3A_575 = vector.broadcast %add3A_574 : i32 to vector<16xi32>
      %add3A_576 = arith.addi %iota3A, %add3A_575 : vector<16xi32>
      tpu.vector_store_idx %arg17[%add3A_576, %broadcast_in_dim3A_569], %gather3A_573 : memref<64x128xf32, #tpu.memory_space<vmem>>[vector<16xi32>, vector<16xi32>], vector<16xf32>,
      %add3A_577 = arith.constant 16 : i32
      %add3A_578 = vector.broadcast %add3A_577 : i32 to vector<16xi32>
      %add3A_579 = arith.addi %iota3A, %add3A_578 : vector<16xi32>
      %gather3A_580 = tpu.vector_load_idx %arg13[%add3A_579, %broadcast_in_dim3A_564] : memref<64x128xf32, #tpu.memory_space<vmem>>[vector<16xi32>, vector<16xi32>], vector<16xf32>,
      %add3A_581 = arith.constant 16 : i32
      %add3A_582 = vector.broadcast %add3A_581 : i32 to vector<16xi32>
      %add3A_583 = arith.addi %iota3A, %add3A_582 : vector<16xi32>
      tpu.vector_store_idx %arg17[%add3A_583, %broadcast_in_dim3A_569], %gather3A_580 : memref<64x128xf32, #tpu.memory_space<vmem>>[vector<16xi32>, vector<16xi32>], vector<16xf32>,
      %add3A_584 = arith.constant 32 : i32
      %add3A_585 = vector.broadcast %add3A_584 : i32 to vector<16xi32>
      %add3A_586 = arith.addi %iota3A, %add3A_585 : vector<16xi32>
      %gather3A_587 = tpu.vector_load_idx %arg13[%add3A_586, %broadcast_in_dim3A_564] : memref<64x128xf32, #tpu.memory_space<vmem>>[vector<16xi32>, vector<16xi32>], vector<16xf32>,
      %add3A_588 = arith.constant 32 : i32
      %add3A_589 = vector.broadcast %add3A_588 : i32 to vector<16xi32>
      %add3A_590 = arith.addi %iota3A, %add3A_589 : vector<16xi32>
      tpu.vector_store_idx %arg17[%add3A_590, %broadcast_in_dim3A_569], %gather3A_587 : memref<64x128xf32, #tpu.memory_space<vmem>>[vector<16xi32>, vector<16xi32>], vector<16xf32>,
      %add3A_591 = arith.constant 48 : i32
      %add3A_592 = vector.broadcast %add3A_591 : i32 to vector<16xi32>
      %add3A_593 = arith.addi %iota3A, %add3A_592 : vector<16xi32>
      %gather3A_594 = tpu.vector_load_idx %arg13[%add3A_593, %broadcast_in_dim3A_564] : memref<64x128xf32, #tpu.memory_space<vmem>>[vector<16xi32>, vector<16xi32>], vector<16xf32>,
      %add3A_595 = arith.constant 48 : i32
      %add3A_596 = vector.broadcast %add3A_595 : i32 to vector<16xi32>
      %add3A_597 = arith.addi %iota3A, %add3A_596 : vector<16xi32>
      tpu.vector_store_idx %arg17[%add3A_597, %broadcast_in_dim3A_569], %gather3A_594 : memref<64x128xf32, #tpu.memory_space<vmem>>[vector<16xi32>, vector<16xi32>], vector<16xf32>,
      %slice3A_598 = vector.extract_strided_slice %scan3A_158 {offsets = [15], sizes = [1], strides = [1]} : vector<16xi32> to vector<1xi32>
      %squeeze3A_599 = vector.extract %slice3A_598[0] : i32 from vector<1xi32>
      %shift_right_arithmetic3A_600 = arith.constant 7 : i32
      %shift_right_arithmetic3A_601 = arith.shrsi %squeeze3A_599, %shift_right_arithmetic3A_600 : i32
      %mul3A_602 = arith.constant 128 : i32
      %mul3A_603 = arith.muli %shift_right_arithmetic3A_601, %mul3A_602 : i32
      %multiple_of3A_604 = tpu.assume_multiple %mul3A_603, 128 : i32
      %dma_start3A_605 = arith.constant 0 : i32
      %dma_start3A_606 = tpu.memref_slice %arg3[%dma_start3A_605, %multiple_of3A_604] : memref<64x1000000xf32, #tpu.memory_space<hbm>> -> memref<64x128xf32, #tpu.memory_space<hbm>>
      %dma_start3A_607 = arith.constant 0 : i32
      %dma_start3A_608 = tpu.memref_slice %arg3[%dma_start3A_607, %multiple_of3A_604] : memref<64x1000000xf32, #tpu.memory_space<hbm>> -> memref<64x128xf32, #tpu.memory_space<hbm>>
      tpu.enqueue_dma source(%dma_start3A_608 : memref<64x128xf32, #tpu.memory_space<hbm>>) target(%arg13 : memref<64x128xf32, #tpu.memory_space<vmem>>) target_semaphore(%arg25 : memref<!tpu.dma_semaphore, #tpu.memory_space<semaphore_mem>>)
      %slice3A_609 = vector.extract_strided_slice %scan3A_158 {offsets = [8], sizes = [1], strides = [1]} : vector<16xi32> to vector<1xi32>
      %squeeze3A_610 = vector.extract %slice3A_609[0] : i32 from vector<1xi32>
      %dma_wait3A_611 = arith.constant 0 : i32
      %dma_wait3A_612 = arith.constant 0 : i32
      %dma_wait3A_613 = tpu.memref_slice %arg3[%dma_wait3A_611, %dma_wait3A_612] : memref<64x1000000xf32, #tpu.memory_space<hbm>> -> memref<64x128xf32, #tpu.memory_space<hbm>>
      %dma_wait3A_614 = arith.constant 0 : i32
      %dma_wait3A_615 = arith.constant 0 : i32
      %dma_wait3A_616 = tpu.memref_slice %arg3[%dma_wait3A_614, %dma_wait3A_615] : memref<64x1000000xf32, #tpu.memory_space<hbm>> -> memref<64x128xf32, #tpu.memory_space<hbm>>
      tpu.wait_dma2 semaphore(%arg18 : memref<!tpu.dma_semaphore, #tpu.memory_space<semaphore_mem>>) src(%dma_wait3A_616 : memref<64x128xf32, #tpu.memory_space<hbm>>) dst(%arg6 : memref<64x128xf32, #tpu.memory_space<vmem>>)
      %and3A_617 = arith.constant 127 : i32
      %and3A_618 = arith.andi %squeeze3A_610, %and3A_617 : i32
      %broadcast_in_dim3A_619 = vector.broadcast %and3A_618 : i32 to vector<16xi32>
      %mul3A_620 = arith.constant 16 : i32
      %mul3A_621 = arith.muli %add3A_162, %mul3A_620 : i32
      %add3A_622 = arith.constant 8 : i32
      %add3A_623 = arith.addi %mul3A_621, %add3A_622 : i32
      %broadcast_in_dim3A_624 = vector.broadcast %add3A_623 : i32 to vector<16xi32>
      %add3A_625 = arith.constant 0 : i32
      %add3A_626 = vector.broadcast %add3A_625 : i32 to vector<16xi32>
      %add3A_627 = arith.addi %iota3A, %add3A_626 : vector<16xi32>
      %gather3A_628 = tpu.vector_load_idx %arg6[%add3A_627, %broadcast_in_dim3A_619] : memref<64x128xf32, #tpu.memory_space<vmem>>[vector<16xi32>, vector<16xi32>], vector<16xf32>,
      %add3A_629 = arith.constant 0 : i32
      %add3A_630 = vector.broadcast %add3A_629 : i32 to vector<16xi32>
      %add3A_631 = arith.addi %iota3A, %add3A_630 : vector<16xi32>
      tpu.vector_store_idx %arg17[%add3A_631, %broadcast_in_dim3A_624], %gather3A_628 : memref<64x128xf32, #tpu.memory_space<vmem>>[vector<16xi32>, vector<16xi32>], vector<16xf32>,
      %add3A_632 = arith.constant 16 : i32
      %add3A_633 = vector.broadcast %add3A_632 : i32 to vector<16xi32>
      %add3A_634 = arith.addi %iota3A, %add3A_633 : vector<16xi32>
      %gather3A_635 = tpu.vector_load_idx %arg6[%add3A_634, %broadcast_in_dim3A_619] : memref<64x128xf32, #tpu.memory_space<vmem>>[vector<16xi32>, vector<16xi32>], vector<16xf32>,
      %add3A_636 = arith.constant 16 : i32
      %add3A_637 = vector.broadcast %add3A_636 : i32 to vector<16xi32>
      %add3A_638 = arith.addi %iota3A, %add3A_637 : vector<16xi32>
      tpu.vector_store_idx %arg17[%add3A_638, %broadcast_in_dim3A_624], %gather3A_635 : memref<64x128xf32, #tpu.memory_space<vmem>>[vector<16xi32>, vector<16xi32>], vector<16xf32>,
      %add3A_639 = arith.constant 32 : i32
      %add3A_640 = vector.broadcast %add3A_639 : i32 to vector<16xi32>
      %add3A_641 = arith.addi %iota3A, %add3A_640 : vector<16xi32>
      %gather3A_642 = tpu.vector_load_idx %arg6[%add3A_641, %broadcast_in_dim3A_619] : memref<64x128xf32, #tpu.memory_space<vmem>>[vector<16xi32>, vector<16xi32>], vector<16xf32>,
      %add3A_643 = arith.constant 32 : i32
      %add3A_644 = vector.broadcast %add3A_643 : i32 to vector<16xi32>
      %add3A_645 = arith.addi %iota3A, %add3A_644 : vector<16xi32>
      tpu.vector_store_idx %arg17[%add3A_645, %broadcast_in_dim3A_624], %gather3A_642 : memref<64x128xf32, #tpu.memory_space<vmem>>[vector<16xi32>, vector<16xi32>], vector<16xf32>,
      %add3A_646 = arith.constant 48 : i32
      %add3A_647 = vector.broadcast %add3A_646 : i32 to vector<16xi32>
      %add3A_648 = arith.addi %iota3A, %add3A_647 : vector<16xi32>
      %gather3A_649 = tpu.vector_load_idx %arg6[%add3A_648, %broadcast_in_dim3A_619] : memref<64x128xf32, #tpu.memory_space<vmem>>[vector<16xi32>, vector<16xi32>], vector<16xf32>,
      %add3A_650 = arith.constant 48 : i32
      %add3A_651 = vector.broadcast %add3A_650 : i32 to vector<16xi32>
      %add3A_652 = arith.addi %iota3A, %add3A_651 : vector<16xi32>
      tpu.vector_store_idx %arg17[%add3A_652, %broadcast_in_dim3A_624], %gather3A_649 : memref<64x128xf32, #tpu.memory_space<vmem>>[vector<16xi32>, vector<16xi32>], vector<16xf32>,
      %lt3A = arith.constant 31 : i32
      %lt3A_653 = arith.cmpi slt, %add3A_164, %lt3A : i32
      %convert_element_type3A = arith.extui %lt3A_653 : i1 to i32
      %cond3A = arith.constant 0 : i32
      %cond3A_654 = arith.cmpi ne, %convert_element_type3A, %cond3A : i32
      scf.if %cond3A_654 {
        %slice3A_998 = vector.extract_strided_slice %get3A_171 {offsets = [0], sizes = [1], strides = [1]} : vector<16xi32> to vector<1xi32>
        %squeeze3A_999 = vector.extract %slice3A_998[0] : i32 from vector<1xi32>
        %shift_right_arithmetic3A_1000 = arith.constant 7 : i32
        %shift_right_arithmetic3A_1001 = arith.shrsi %squeeze3A_999, %shift_right_arithmetic3A_1000 : i32
        %mul3A_1002 = arith.constant 128 : i32
        %mul3A_1003 = arith.muli %shift_right_arithmetic3A_1001, %mul3A_1002 : i32
        %multiple_of3A_1004 = tpu.assume_multiple %mul3A_1003, 128 : i32
        %dma_start3A_1005 = arith.constant 0 : i32
        %dma_start3A_1006 = tpu.memref_slice %arg3[%dma_start3A_1005, %multiple_of3A_1004] : memref<64x1000000xf32, #tpu.memory_space<hbm>> -> memref<64x128xf32, #tpu.memory_space<hbm>>
        %dma_start3A_1007 = arith.constant 0 : i32
        %dma_start3A_1008 = tpu.memref_slice %arg3[%dma_start3A_1007, %multiple_of3A_1004] : memref<64x1000000xf32, #tpu.memory_space<hbm>> -> memref<64x128xf32, #tpu.memory_space<hbm>>
        tpu.enqueue_dma source(%dma_start3A_1008 : memref<64x128xf32, #tpu.memory_space<hbm>>) target(%arg6 : memref<64x128xf32, #tpu.memory_space<vmem>>) target_semaphore(%arg18 : memref<!tpu.dma_semaphore, #tpu.memory_space<semaphore_mem>>)
      } else {
      }
      %slice3A_655 = vector.extract_strided_slice %scan3A_158 {offsets = [9], sizes = [1], strides = [1]} : vector<16xi32> to vector<1xi32>
      %squeeze3A_656 = vector.extract %slice3A_655[0] : i32 from vector<1xi32>
      %dma_wait3A_657 = arith.constant 0 : i32
      %dma_wait3A_658 = arith.constant 0 : i32
      %dma_wait3A_659 = tpu.memref_slice %arg3[%dma_wait3A_657, %dma_wait3A_658] : memref<64x1000000xf32, #tpu.memory_space<hbm>> -> memref<64x128xf32, #tpu.memory_space<hbm>>
      %dma_wait3A_660 = arith.constant 0 : i32
      %dma_wait3A_661 = arith.constant 0 : i32
      %dma_wait3A_662 = tpu.memref_slice %arg3[%dma_wait3A_660, %dma_wait3A_661] : memref<64x1000000xf32, #tpu.memory_space<hbm>> -> memref<64x128xf32, #tpu.memory_space<hbm>>
      tpu.wait_dma2 semaphore(%arg19 : memref<!tpu.dma_semaphore, #tpu.memory_space<semaphore_mem>>) src(%dma_wait3A_662 : memref<64x128xf32, #tpu.memory_space<hbm>>) dst(%arg7 : memref<64x128xf32, #tpu.memory_space<vmem>>)
      %and3A_663 = arith.constant 127 : i32
      %and3A_664 = arith.andi %squeeze3A_656, %and3A_663 : i32
      %broadcast_in_dim3A_665 = vector.broadcast %and3A_664 : i32 to vector<16xi32>
      %mul3A_666 = arith.constant 16 : i32
      %mul3A_667 = arith.muli %add3A_162, %mul3A_666 : i32
      %add3A_668 = arith.constant 9 : i32
      %add3A_669 = arith.addi %mul3A_667, %add3A_668 : i32
      %broadcast_in_dim3A_670 = vector.broadcast %add3A_669 : i32 to vector<16xi32>
      %add3A_671 = arith.constant 0 : i32
      %add3A_672 = vector.broadcast %add3A_671 : i32 to vector<16xi32>
      %add3A_673 = arith.addi %iota3A, %add3A_672 : vector<16xi32>
      %gather3A_674 = tpu.vector_load_idx %arg7[%add3A_673, %broadcast_in_dim3A_665] : memref<64x128xf32, #tpu.memory_space<vmem>>[vector<16xi32>, vector<16xi32>], vector<16xf32>,
      %add3A_675 = arith.constant 0 : i32
      %add3A_676 = vector.broadcast %add3A_675 : i32 to vector<16xi32>
      %add3A_677 = arith.addi %iota3A, %add3A_676 : vector<16xi32>
      tpu.vector_store_idx %arg17[%add3A_677, %broadcast_in_dim3A_670], %gather3A_674 : memref<64x128xf32, #tpu.memory_space<vmem>>[vector<16xi32>, vector<16xi32>], vector<16xf32>,
      %add3A_678 = arith.constant 16 : i32
      %add3A_679 = vector.broadcast %add3A_678 : i32 to vector<16xi32>
      %add3A_680 = arith.addi %iota3A, %add3A_679 : vector<16xi32>
      %gather3A_681 = tpu.vector_load_idx %arg7[%add3A_680, %broadcast_in_dim3A_665] : memref<64x128xf32, #tpu.memory_space<vmem>>[vector<16xi32>, vector<16xi32>], vector<16xf32>,
      %add3A_682 = arith.constant 16 : i32
      %add3A_683 = vector.broadcast %add3A_682 : i32 to vector<16xi32>
      %add3A_684 = arith.addi %iota3A, %add3A_683 : vector<16xi32>
      tpu.vector_store_idx %arg17[%add3A_684, %broadcast_in_dim3A_670], %gather3A_681 : memref<64x128xf32, #tpu.memory_space<vmem>>[vector<16xi32>, vector<16xi32>], vector<16xf32>,
      %add3A_685 = arith.constant 32 : i32
      %add3A_686 = vector.broadcast %add3A_685 : i32 to vector<16xi32>
      %add3A_687 = arith.addi %iota3A, %add3A_686 : vector<16xi32>
      %gather3A_688 = tpu.vector_load_idx %arg7[%add3A_687, %broadcast_in_dim3A_665] : memref<64x128xf32, #tpu.memory_space<vmem>>[vector<16xi32>, vector<16xi32>], vector<16xf32>,
      %add3A_689 = arith.constant 32 : i32
      %add3A_690 = vector.broadcast %add3A_689 : i32 to vector<16xi32>
      %add3A_691 = arith.addi %iota3A, %add3A_690 : vector<16xi32>
      tpu.vector_store_idx %arg17[%add3A_691, %broadcast_in_dim3A_670], %gather3A_688 : memref<64x128xf32, #tpu.memory_space<vmem>>[vector<16xi32>, vector<16xi32>], vector<16xf32>,
      %add3A_692 = arith.constant 48 : i32
      %add3A_693 = vector.broadcast %add3A_692 : i32 to vector<16xi32>
      %add3A_694 = arith.addi %iota3A, %add3A_693 : vector<16xi32>
      %gather3A_695 = tpu.vector_load_idx %arg7[%add3A_694, %broadcast_in_dim3A_665] : memref<64x128xf32, #tpu.memory_space<vmem>>[vector<16xi32>, vector<16xi32>], vector<16xf32>,
      %add3A_696 = arith.constant 48 : i32
      %add3A_697 = vector.broadcast %add3A_696 : i32 to vector<16xi32>
      %add3A_698 = arith.addi %iota3A, %add3A_697 : vector<16xi32>
      tpu.vector_store_idx %arg17[%add3A_698, %broadcast_in_dim3A_670], %gather3A_695 : memref<64x128xf32, #tpu.memory_space<vmem>>[vector<16xi32>, vector<16xi32>], vector<16xf32>,
      %lt3A_699 = arith.constant 31 : i32
      %lt3A_700 = arith.cmpi slt, %add3A_164, %lt3A_699 : i32
      %convert_element_type3A_701 = arith.extui %lt3A_700 : i1 to i32
      %cond3A_702 = arith.constant 0 : i32
      %cond3A_703 = arith.cmpi ne, %convert_element_type3A_701, %cond3A_702 : i32
      scf.if %cond3A_703 {
        %slice3A_998 = vector.extract_strided_slice %get3A_171 {offsets = [1], sizes = [1], strides = [1]} : vector<16xi32> to vector<1xi32>
        %squeeze3A_999 = vector.extract %slice3A_998[0] : i32 from vector<1xi32>
        %shift_right_arithmetic3A_1000 = arith.constant 7 : i32
        %shift_right_arithmetic3A_1001 = arith.shrsi %squeeze3A_999, %shift_right_arithmetic3A_1000 : i32
        %mul3A_1002 = arith.constant 128 : i32
        %mul3A_1003 = arith.muli %shift_right_arithmetic3A_1001, %mul3A_1002 : i32
        %multiple_of3A_1004 = tpu.assume_multiple %mul3A_1003, 128 : i32
        %dma_start3A_1005 = arith.constant 0 : i32
        %dma_start3A_1006 = tpu.memref_slice %arg3[%dma_start3A_1005, %multiple_of3A_1004] : memref<64x1000000xf32, #tpu.memory_space<hbm>> -> memref<64x128xf32, #tpu.memory_space<hbm>>
        %dma_start3A_1007 = arith.constant 0 : i32
        %dma_start3A_1008 = tpu.memref_slice %arg3[%dma_start3A_1007, %multiple_of3A_1004] : memref<64x1000000xf32, #tpu.memory_space<hbm>> -> memref<64x128xf32, #tpu.memory_space<hbm>>
        tpu.enqueue_dma source(%dma_start3A_1008 : memref<64x128xf32, #tpu.memory_space<hbm>>) target(%arg7 : memref<64x128xf32, #tpu.memory_space<vmem>>) target_semaphore(%arg19 : memref<!tpu.dma_semaphore, #tpu.memory_space<semaphore_mem>>)
      } else {
      }
      %slice3A_704 = vector.extract_strided_slice %scan3A_158 {offsets = [10], sizes = [1], strides = [1]} : vector<16xi32> to vector<1xi32>
      %squeeze3A_705 = vector.extract %slice3A_704[0] : i32 from vector<1xi32>
      %dma_wait3A_706 = arith.constant 0 : i32
      %dma_wait3A_707 = arith.constant 0 : i32
      %dma_wait3A_708 = tpu.memref_slice %arg3[%dma_wait3A_706, %dma_wait3A_707] : memref<64x1000000xf32, #tpu.memory_space<hbm>> -> memref<64x128xf32, #tpu.memory_space<hbm>>
      %dma_wait3A_709 = arith.constant 0 : i32
      %dma_wait3A_710 = arith.constant 0 : i32
      %dma_wait3A_711 = tpu.memref_slice %arg3[%dma_wait3A_709, %dma_wait3A_710] : memref<64x1000000xf32, #tpu.memory_space<hbm>> -> memref<64x128xf32, #tpu.memory_space<hbm>>
      tpu.wait_dma2 semaphore(%arg20 : memref<!tpu.dma_semaphore, #tpu.memory_space<semaphore_mem>>) src(%dma_wait3A_711 : memref<64x128xf32, #tpu.memory_space<hbm>>) dst(%arg8 : memref<64x128xf32, #tpu.memory_space<vmem>>)
      %and3A_712 = arith.constant 127 : i32
      %and3A_713 = arith.andi %squeeze3A_705, %and3A_712 : i32
      %broadcast_in_dim3A_714 = vector.broadcast %and3A_713 : i32 to vector<16xi32>
      %mul3A_715 = arith.constant 16 : i32
      %mul3A_716 = arith.muli %add3A_162, %mul3A_715 : i32
      %add3A_717 = arith.constant 10 : i32
      %add3A_718 = arith.addi %mul3A_716, %add3A_717 : i32
      %broadcast_in_dim3A_719 = vector.broadcast %add3A_718 : i32 to vector<16xi32>
      %add3A_720 = arith.constant 0 : i32
      %add3A_721 = vector.broadcast %add3A_720 : i32 to vector<16xi32>
      %add3A_722 = arith.addi %iota3A, %add3A_721 : vector<16xi32>
      %gather3A_723 = tpu.vector_load_idx %arg8[%add3A_722, %broadcast_in_dim3A_714] : memref<64x128xf32, #tpu.memory_space<vmem>>[vector<16xi32>, vector<16xi32>], vector<16xf32>,
      %add3A_724 = arith.constant 0 : i32
      %add3A_725 = vector.broadcast %add3A_724 : i32 to vector<16xi32>
      %add3A_726 = arith.addi %iota3A, %add3A_725 : vector<16xi32>
      tpu.vector_store_idx %arg17[%add3A_726, %broadcast_in_dim3A_719], %gather3A_723 : memref<64x128xf32, #tpu.memory_space<vmem>>[vector<16xi32>, vector<16xi32>], vector<16xf32>,
      %add3A_727 = arith.constant 16 : i32
      %add3A_728 = vector.broadcast %add3A_727 : i32 to vector<16xi32>
      %add3A_729 = arith.addi %iota3A, %add3A_728 : vector<16xi32>
      %gather3A_730 = tpu.vector_load_idx %arg8[%add3A_729, %broadcast_in_dim3A_714] : memref<64x128xf32, #tpu.memory_space<vmem>>[vector<16xi32>, vector<16xi32>], vector<16xf32>,
      %add3A_731 = arith.constant 16 : i32
      %add3A_732 = vector.broadcast %add3A_731 : i32 to vector<16xi32>
      %add3A_733 = arith.addi %iota3A, %add3A_732 : vector<16xi32>
      tpu.vector_store_idx %arg17[%add3A_733, %broadcast_in_dim3A_719], %gather3A_730 : memref<64x128xf32, #tpu.memory_space<vmem>>[vector<16xi32>, vector<16xi32>], vector<16xf32>,
      %add3A_734 = arith.constant 32 : i32
      %add3A_735 = vector.broadcast %add3A_734 : i32 to vector<16xi32>
      %add3A_736 = arith.addi %iota3A, %add3A_735 : vector<16xi32>
      %gather3A_737 = tpu.vector_load_idx %arg8[%add3A_736, %broadcast_in_dim3A_714] : memref<64x128xf32, #tpu.memory_space<vmem>>[vector<16xi32>, vector<16xi32>], vector<16xf32>,
      %add3A_738 = arith.constant 32 : i32
      %add3A_739 = vector.broadcast %add3A_738 : i32 to vector<16xi32>
      %add3A_740 = arith.addi %iota3A, %add3A_739 : vector<16xi32>
      tpu.vector_store_idx %arg17[%add3A_740, %broadcast_in_dim3A_719], %gather3A_737 : memref<64x128xf32, #tpu.memory_space<vmem>>[vector<16xi32>, vector<16xi32>], vector<16xf32>,
      %add3A_741 = arith.constant 48 : i32
      %add3A_742 = vector.broadcast %add3A_741 : i32 to vector<16xi32>
      %add3A_743 = arith.addi %iota3A, %add3A_742 : vector<16xi32>
      %gather3A_744 = tpu.vector_load_idx %arg8[%add3A_743, %broadcast_in_dim3A_714] : memref<64x128xf32, #tpu.memory_space<vmem>>[vector<16xi32>, vector<16xi32>], vector<16xf32>,
      %add3A_745 = arith.constant 48 : i32
      %add3A_746 = vector.broadcast %add3A_745 : i32 to vector<16xi32>
      %add3A_747 = arith.addi %iota3A, %add3A_746 : vector<16xi32>
      tpu.vector_store_idx %arg17[%add3A_747, %broadcast_in_dim3A_719], %gather3A_744 : memref<64x128xf32, #tpu.memory_space<vmem>>[vector<16xi32>, vector<16xi32>], vector<16xf32>,
      %lt3A_748 = arith.constant 31 : i32
      %lt3A_749 = arith.cmpi slt, %add3A_164, %lt3A_748 : i32
      %convert_element_type3A_750 = arith.extui %lt3A_749 : i1 to i32
      %cond3A_751 = arith.constant 0 : i32
      %cond3A_752 = arith.cmpi ne, %convert_element_type3A_750, %cond3A_751 : i32
      scf.if %cond3A_752 {
        %slice3A_998 = vector.extract_strided_slice %get3A_171 {offsets = [2], sizes = [1], strides = [1]} : vector<16xi32> to vector<1xi32>
        %squeeze3A_999 = vector.extract %slice3A_998[0] : i32 from vector<1xi32>
        %shift_right_arithmetic3A_1000 = arith.constant 7 : i32
        %shift_right_arithmetic3A_1001 = arith.shrsi %squeeze3A_999, %shift_right_arithmetic3A_1000 : i32
        %mul3A_1002 = arith.constant 128 : i32
        %mul3A_1003 = arith.muli %shift_right_arithmetic3A_1001, %mul3A_1002 : i32
        %multiple_of3A_1004 = tpu.assume_multiple %mul3A_1003, 128 : i32
        %dma_start3A_1005 = arith.constant 0 : i32
        %dma_start3A_1006 = tpu.memref_slice %arg3[%dma_start3A_1005, %multiple_of3A_1004] : memref<64x1000000xf32, #tpu.memory_space<hbm>> -> memref<64x128xf32, #tpu.memory_space<hbm>>
        %dma_start3A_1007 = arith.constant 0 : i32
        %dma_start3A_1008 = tpu.memref_slice %arg3[%dma_start3A_1007, %multiple_of3A_1004] : memref<64x1000000xf32, #tpu.memory_space<hbm>> -> memref<64x128xf32, #tpu.memory_space<hbm>>
        tpu.enqueue_dma source(%dma_start3A_1008 : memref<64x128xf32, #tpu.memory_space<hbm>>) target(%arg8 : memref<64x128xf32, #tpu.memory_space<vmem>>) target_semaphore(%arg20 : memref<!tpu.dma_semaphore, #tpu.memory_space<semaphore_mem>>)
      } else {
      }
      %slice3A_753 = vector.extract_strided_slice %scan3A_158 {offsets = [11], sizes = [1], strides = [1]} : vector<16xi32> to vector<1xi32>
      %squeeze3A_754 = vector.extract %slice3A_753[0] : i32 from vector<1xi32>
      %dma_wait3A_755 = arith.constant 0 : i32
      %dma_wait3A_756 = arith.constant 0 : i32
      %dma_wait3A_757 = tpu.memref_slice %arg3[%dma_wait3A_755, %dma_wait3A_756] : memref<64x1000000xf32, #tpu.memory_space<hbm>> -> memref<64x128xf32, #tpu.memory_space<hbm>>
      %dma_wait3A_758 = arith.constant 0 : i32
      %dma_wait3A_759 = arith.constant 0 : i32
      %dma_wait3A_760 = tpu.memref_slice %arg3[%dma_wait3A_758, %dma_wait3A_759] : memref<64x1000000xf32, #tpu.memory_space<hbm>> -> memref<64x128xf32, #tpu.memory_space<hbm>>
      tpu.wait_dma2 semaphore(%arg21 : memref<!tpu.dma_semaphore, #tpu.memory_space<semaphore_mem>>) src(%dma_wait3A_760 : memref<64x128xf32, #tpu.memory_space<hbm>>) dst(%arg9 : memref<64x128xf32, #tpu.memory_space<vmem>>)
      %and3A_761 = arith.constant 127 : i32
      %and3A_762 = arith.andi %squeeze3A_754, %and3A_761 : i32
      %broadcast_in_dim3A_763 = vector.broadcast %and3A_762 : i32 to vector<16xi32>
      %mul3A_764 = arith.constant 16 : i32
      %mul3A_765 = arith.muli %add3A_162, %mul3A_764 : i32
      %add3A_766 = arith.constant 11 : i32
      %add3A_767 = arith.addi %mul3A_765, %add3A_766 : i32
      %broadcast_in_dim3A_768 = vector.broadcast %add3A_767 : i32 to vector<16xi32>
      %add3A_769 = arith.constant 0 : i32
      %add3A_770 = vector.broadcast %add3A_769 : i32 to vector<16xi32>
      %add3A_771 = arith.addi %iota3A, %add3A_770 : vector<16xi32>
      %gather3A_772 = tpu.vector_load_idx %arg9[%add3A_771, %broadcast_in_dim3A_763] : memref<64x128xf32, #tpu.memory_space<vmem>>[vector<16xi32>, vector<16xi32>], vector<16xf32>,
      %add3A_773 = arith.constant 0 : i32
      %add3A_774 = vector.broadcast %add3A_773 : i32 to vector<16xi32>
      %add3A_775 = arith.addi %iota3A, %add3A_774 : vector<16xi32>
      tpu.vector_store_idx %arg17[%add3A_775, %broadcast_in_dim3A_768], %gather3A_772 : memref<64x128xf32, #tpu.memory_space<vmem>>[vector<16xi32>, vector<16xi32>], vector<16xf32>,
      %add3A_776 = arith.constant 16 : i32
      %add3A_777 = vector.broadcast %add3A_776 : i32 to vector<16xi32>
      %add3A_778 = arith.addi %iota3A, %add3A_777 : vector<16xi32>
      %gather3A_779 = tpu.vector_load_idx %arg9[%add3A_778, %broadcast_in_dim3A_763] : memref<64x128xf32, #tpu.memory_space<vmem>>[vector<16xi32>, vector<16xi32>], vector<16xf32>,
      %add3A_780 = arith.constant 16 : i32
      %add3A_781 = vector.broadcast %add3A_780 : i32 to vector<16xi32>
      %add3A_782 = arith.addi %iota3A, %add3A_781 : vector<16xi32>
      tpu.vector_store_idx %arg17[%add3A_782, %broadcast_in_dim3A_768], %gather3A_779 : memref<64x128xf32, #tpu.memory_space<vmem>>[vector<16xi32>, vector<16xi32>], vector<16xf32>,
      %add3A_783 = arith.constant 32 : i32
      %add3A_784 = vector.broadcast %add3A_783 : i32 to vector<16xi32>
      %add3A_785 = arith.addi %iota3A, %add3A_784 : vector<16xi32>
      %gather3A_786 = tpu.vector_load_idx %arg9[%add3A_785, %broadcast_in_dim3A_763] : memref<64x128xf32, #tpu.memory_space<vmem>>[vector<16xi32>, vector<16xi32>], vector<16xf32>,
      %add3A_787 = arith.constant 32 : i32
      %add3A_788 = vector.broadcast %add3A_787 : i32 to vector<16xi32>
      %add3A_789 = arith.addi %iota3A, %add3A_788 : vector<16xi32>
      tpu.vector_store_idx %arg17[%add3A_789, %broadcast_in_dim3A_768], %gather3A_786 : memref<64x128xf32, #tpu.memory_space<vmem>>[vector<16xi32>, vector<16xi32>], vector<16xf32>,
      %add3A_790 = arith.constant 48 : i32
      %add3A_791 = vector.broadcast %add3A_790 : i32 to vector<16xi32>
      %add3A_792 = arith.addi %iota3A, %add3A_791 : vector<16xi32>
      %gather3A_793 = tpu.vector_load_idx %arg9[%add3A_792, %broadcast_in_dim3A_763] : memref<64x128xf32, #tpu.memory_space<vmem>>[vector<16xi32>, vector<16xi32>], vector<16xf32>,
      %add3A_794 = arith.constant 48 : i32
      %add3A_795 = vector.broadcast %add3A_794 : i32 to vector<16xi32>
      %add3A_796 = arith.addi %iota3A, %add3A_795 : vector<16xi32>
      tpu.vector_store_idx %arg17[%add3A_796, %broadcast_in_dim3A_768], %gather3A_793 : memref<64x128xf32, #tpu.memory_space<vmem>>[vector<16xi32>, vector<16xi32>], vector<16xf32>,
      %lt3A_797 = arith.constant 31 : i32
      %lt3A_798 = arith.cmpi slt, %add3A_164, %lt3A_797 : i32
      %convert_element_type3A_799 = arith.extui %lt3A_798 : i1 to i32
      %cond3A_800 = arith.constant 0 : i32
      %cond3A_801 = arith.cmpi ne, %convert_element_type3A_799, %cond3A_800 : i32
      scf.if %cond3A_801 {
        %slice3A_998 = vector.extract_strided_slice %get3A_171 {offsets = [3], sizes = [1], strides = [1]} : vector<16xi32> to vector<1xi32>
        %squeeze3A_999 = vector.extract %slice3A_998[0] : i32 from vector<1xi32>
        %shift_right_arithmetic3A_1000 = arith.constant 7 : i32
        %shift_right_arithmetic3A_1001 = arith.shrsi %squeeze3A_999, %shift_right_arithmetic3A_1000 : i32
        %mul3A_1002 = arith.constant 128 : i32
        %mul3A_1003 = arith.muli %shift_right_arithmetic3A_1001, %mul3A_1002 : i32
        %multiple_of3A_1004 = tpu.assume_multiple %mul3A_1003, 128 : i32
        %dma_start3A_1005 = arith.constant 0 : i32
        %dma_start3A_1006 = tpu.memref_slice %arg3[%dma_start3A_1005, %multiple_of3A_1004] : memref<64x1000000xf32, #tpu.memory_space<hbm>> -> memref<64x128xf32, #tpu.memory_space<hbm>>
        %dma_start3A_1007 = arith.constant 0 : i32
        %dma_start3A_1008 = tpu.memref_slice %arg3[%dma_start3A_1007, %multiple_of3A_1004] : memref<64x1000000xf32, #tpu.memory_space<hbm>> -> memref<64x128xf32, #tpu.memory_space<hbm>>
        tpu.enqueue_dma source(%dma_start3A_1008 : memref<64x128xf32, #tpu.memory_space<hbm>>) target(%arg9 : memref<64x128xf32, #tpu.memory_space<vmem>>) target_semaphore(%arg21 : memref<!tpu.dma_semaphore, #tpu.memory_space<semaphore_mem>>)
      } else {
      }
      %slice3A_802 = vector.extract_strided_slice %scan3A_158 {offsets = [12], sizes = [1], strides = [1]} : vector<16xi32> to vector<1xi32>
      %squeeze3A_803 = vector.extract %slice3A_802[0] : i32 from vector<1xi32>
      %dma_wait3A_804 = arith.constant 0 : i32
      %dma_wait3A_805 = arith.constant 0 : i32
      %dma_wait3A_806 = tpu.memref_slice %arg3[%dma_wait3A_804, %dma_wait3A_805] : memref<64x1000000xf32, #tpu.memory_space<hbm>> -> memref<64x128xf32, #tpu.memory_space<hbm>>
      %dma_wait3A_807 = arith.constant 0 : i32
      %dma_wait3A_808 = arith.constant 0 : i32
      %dma_wait3A_809 = tpu.memref_slice %arg3[%dma_wait3A_807, %dma_wait3A_808] : memref<64x1000000xf32, #tpu.memory_space<hbm>> -> memref<64x128xf32, #tpu.memory_space<hbm>>
      tpu.wait_dma2 semaphore(%arg22 : memref<!tpu.dma_semaphore, #tpu.memory_space<semaphore_mem>>) src(%dma_wait3A_809 : memref<64x128xf32, #tpu.memory_space<hbm>>) dst(%arg10 : memref<64x128xf32, #tpu.memory_space<vmem>>)
      %and3A_810 = arith.constant 127 : i32
      %and3A_811 = arith.andi %squeeze3A_803, %and3A_810 : i32
      %broadcast_in_dim3A_812 = vector.broadcast %and3A_811 : i32 to vector<16xi32>
      %mul3A_813 = arith.constant 16 : i32
      %mul3A_814 = arith.muli %add3A_162, %mul3A_813 : i32
      %add3A_815 = arith.constant 12 : i32
      %add3A_816 = arith.addi %mul3A_814, %add3A_815 : i32
      %broadcast_in_dim3A_817 = vector.broadcast %add3A_816 : i32 to vector<16xi32>
      %add3A_818 = arith.constant 0 : i32
      %add3A_819 = vector.broadcast %add3A_818 : i32 to vector<16xi32>
      %add3A_820 = arith.addi %iota3A, %add3A_819 : vector<16xi32>
      %gather3A_821 = tpu.vector_load_idx %arg10[%add3A_820, %broadcast_in_dim3A_812] : memref<64x128xf32, #tpu.memory_space<vmem>>[vector<16xi32>, vector<16xi32>], vector<16xf32>,
      %add3A_822 = arith.constant 0 : i32
      %add3A_823 = vector.broadcast %add3A_822 : i32 to vector<16xi32>
      %add3A_824 = arith.addi %iota3A, %add3A_823 : vector<16xi32>
      tpu.vector_store_idx %arg17[%add3A_824, %broadcast_in_dim3A_817], %gather3A_821 : memref<64x128xf32, #tpu.memory_space<vmem>>[vector<16xi32>, vector<16xi32>], vector<16xf32>,
      %add3A_825 = arith.constant 16 : i32
      %add3A_826 = vector.broadcast %add3A_825 : i32 to vector<16xi32>
      %add3A_827 = arith.addi %iota3A, %add3A_826 : vector<16xi32>
      %gather3A_828 = tpu.vector_load_idx %arg10[%add3A_827, %broadcast_in_dim3A_812] : memref<64x128xf32, #tpu.memory_space<vmem>>[vector<16xi32>, vector<16xi32>], vector<16xf32>,
      %add3A_829 = arith.constant 16 : i32
      %add3A_830 = vector.broadcast %add3A_829 : i32 to vector<16xi32>
      %add3A_831 = arith.addi %iota3A, %add3A_830 : vector<16xi32>
      tpu.vector_store_idx %arg17[%add3A_831, %broadcast_in_dim3A_817], %gather3A_828 : memref<64x128xf32, #tpu.memory_space<vmem>>[vector<16xi32>, vector<16xi32>], vector<16xf32>,
      %add3A_832 = arith.constant 32 : i32
      %add3A_833 = vector.broadcast %add3A_832 : i32 to vector<16xi32>
      %add3A_834 = arith.addi %iota3A, %add3A_833 : vector<16xi32>
      %gather3A_835 = tpu.vector_load_idx %arg10[%add3A_834, %broadcast_in_dim3A_812] : memref<64x128xf32, #tpu.memory_space<vmem>>[vector<16xi32>, vector<16xi32>], vector<16xf32>,
      %add3A_836 = arith.constant 32 : i32
      %add3A_837 = vector.broadcast %add3A_836 : i32 to vector<16xi32>
      %add3A_838 = arith.addi %iota3A, %add3A_837 : vector<16xi32>
      tpu.vector_store_idx %arg17[%add3A_838, %broadcast_in_dim3A_817], %gather3A_835 : memref<64x128xf32, #tpu.memory_space<vmem>>[vector<16xi32>, vector<16xi32>], vector<16xf32>,
      %add3A_839 = arith.constant 48 : i32
      %add3A_840 = vector.broadcast %add3A_839 : i32 to vector<16xi32>
      %add3A_841 = arith.addi %iota3A, %add3A_840 : vector<16xi32>
      %gather3A_842 = tpu.vector_load_idx %arg10[%add3A_841, %broadcast_in_dim3A_812] : memref<64x128xf32, #tpu.memory_space<vmem>>[vector<16xi32>, vector<16xi32>], vector<16xf32>,
      %add3A_843 = arith.constant 48 : i32
      %add3A_844 = vector.broadcast %add3A_843 : i32 to vector<16xi32>
      %add3A_845 = arith.addi %iota3A, %add3A_844 : vector<16xi32>
      tpu.vector_store_idx %arg17[%add3A_845, %broadcast_in_dim3A_817], %gather3A_842 : memref<64x128xf32, #tpu.memory_space<vmem>>[vector<16xi32>, vector<16xi32>], vector<16xf32>,
      %lt3A_846 = arith.constant 31 : i32
      %lt3A_847 = arith.cmpi slt, %add3A_164, %lt3A_846 : i32
      %convert_element_type3A_848 = arith.extui %lt3A_847 : i1 to i32
      %cond3A_849 = arith.constant 0 : i32
      %cond3A_850 = arith.cmpi ne, %convert_element_type3A_848, %cond3A_849 : i32
      scf.if %cond3A_850 {
        %slice3A_998 = vector.extract_strided_slice %get3A_171 {offsets = [4], sizes = [1], strides = [1]} : vector<16xi32> to vector<1xi32>
        %squeeze3A_999 = vector.extract %slice3A_998[0] : i32 from vector<1xi32>
        %shift_right_arithmetic3A_1000 = arith.constant 7 : i32
        %shift_right_arithmetic3A_1001 = arith.shrsi %squeeze3A_999, %shift_right_arithmetic3A_1000 : i32
        %mul3A_1002 = arith.constant 128 : i32
        %mul3A_1003 = arith.muli %shift_right_arithmetic3A_1001, %mul3A_1002 : i32
        %multiple_of3A_1004 = tpu.assume_multiple %mul3A_1003, 128 : i32
        %dma_start3A_1005 = arith.constant 0 : i32
        %dma_start3A_1006 = tpu.memref_slice %arg3[%dma_start3A_1005, %multiple_of3A_1004] : memref<64x1000000xf32, #tpu.memory_space<hbm>> -> memref<64x128xf32, #tpu.memory_space<hbm>>
        %dma_start3A_1007 = arith.constant 0 : i32
        %dma_start3A_1008 = tpu.memref_slice %arg3[%dma_start3A_1007, %multiple_of3A_1004] : memref<64x1000000xf32, #tpu.memory_space<hbm>> -> memref<64x128xf32, #tpu.memory_space<hbm>>
        tpu.enqueue_dma source(%dma_start3A_1008 : memref<64x128xf32, #tpu.memory_space<hbm>>) target(%arg10 : memref<64x128xf32, #tpu.memory_space<vmem>>) target_semaphore(%arg22 : memref<!tpu.dma_semaphore, #tpu.memory_space<semaphore_mem>>)
      } else {
      }
      %slice3A_851 = vector.extract_strided_slice %scan3A_158 {offsets = [13], sizes = [1], strides = [1]} : vector<16xi32> to vector<1xi32>
      %squeeze3A_852 = vector.extract %slice3A_851[0] : i32 from vector<1xi32>
      %dma_wait3A_853 = arith.constant 0 : i32
      %dma_wait3A_854 = arith.constant 0 : i32
      %dma_wait3A_855 = tpu.memref_slice %arg3[%dma_wait3A_853, %dma_wait3A_854] : memref<64x1000000xf32, #tpu.memory_space<hbm>> -> memref<64x128xf32, #tpu.memory_space<hbm>>
      %dma_wait3A_856 = arith.constant 0 : i32
      %dma_wait3A_857 = arith.constant 0 : i32
      %dma_wait3A_858 = tpu.memref_slice %arg3[%dma_wait3A_856, %dma_wait3A_857] : memref<64x1000000xf32, #tpu.memory_space<hbm>> -> memref<64x128xf32, #tpu.memory_space<hbm>>
      tpu.wait_dma2 semaphore(%arg23 : memref<!tpu.dma_semaphore, #tpu.memory_space<semaphore_mem>>) src(%dma_wait3A_858 : memref<64x128xf32, #tpu.memory_space<hbm>>) dst(%arg11 : memref<64x128xf32, #tpu.memory_space<vmem>>)
      %and3A_859 = arith.constant 127 : i32
      %and3A_860 = arith.andi %squeeze3A_852, %and3A_859 : i32
      %broadcast_in_dim3A_861 = vector.broadcast %and3A_860 : i32 to vector<16xi32>
      %mul3A_862 = arith.constant 16 : i32
      %mul3A_863 = arith.muli %add3A_162, %mul3A_862 : i32
      %add3A_864 = arith.constant 13 : i32
      %add3A_865 = arith.addi %mul3A_863, %add3A_864 : i32
      %broadcast_in_dim3A_866 = vector.broadcast %add3A_865 : i32 to vector<16xi32>
      %add3A_867 = arith.constant 0 : i32
      %add3A_868 = vector.broadcast %add3A_867 : i32 to vector<16xi32>
      %add3A_869 = arith.addi %iota3A, %add3A_868 : vector<16xi32>
      %gather3A_870 = tpu.vector_load_idx %arg11[%add3A_869, %broadcast_in_dim3A_861] : memref<64x128xf32, #tpu.memory_space<vmem>>[vector<16xi32>, vector<16xi32>], vector<16xf32>,
      %add3A_871 = arith.constant 0 : i32
      %add3A_872 = vector.broadcast %add3A_871 : i32 to vector<16xi32>
      %add3A_873 = arith.addi %iota3A, %add3A_872 : vector<16xi32>
      tpu.vector_store_idx %arg17[%add3A_873, %broadcast_in_dim3A_866], %gather3A_870 : memref<64x128xf32, #tpu.memory_space<vmem>>[vector<16xi32>, vector<16xi32>], vector<16xf32>,
      %add3A_874 = arith.constant 16 : i32
      %add3A_875 = vector.broadcast %add3A_874 : i32 to vector<16xi32>
      %add3A_876 = arith.addi %iota3A, %add3A_875 : vector<16xi32>
      %gather3A_877 = tpu.vector_load_idx %arg11[%add3A_876, %broadcast_in_dim3A_861] : memref<64x128xf32, #tpu.memory_space<vmem>>[vector<16xi32>, vector<16xi32>], vector<16xf32>,
      %add3A_878 = arith.constant 16 : i32
      %add3A_879 = vector.broadcast %add3A_878 : i32 to vector<16xi32>
      %add3A_880 = arith.addi %iota3A, %add3A_879 : vector<16xi32>
      tpu.vector_store_idx %arg17[%add3A_880, %broadcast_in_dim3A_866], %gather3A_877 : memref<64x128xf32, #tpu.memory_space<vmem>>[vector<16xi32>, vector<16xi32>], vector<16xf32>,
      %add3A_881 = arith.constant 32 : i32
      %add3A_882 = vector.broadcast %add3A_881 : i32 to vector<16xi32>
      %add3A_883 = arith.addi %iota3A, %add3A_882 : vector<16xi32>
      %gather3A_884 = tpu.vector_load_idx %arg11[%add3A_883, %broadcast_in_dim3A_861] : memref<64x128xf32, #tpu.memory_space<vmem>>[vector<16xi32>, vector<16xi32>], vector<16xf32>,
      %add3A_885 = arith.constant 32 : i32
      %add3A_886 = vector.broadcast %add3A_885 : i32 to vector<16xi32>
      %add3A_887 = arith.addi %iota3A, %add3A_886 : vector<16xi32>
      tpu.vector_store_idx %arg17[%add3A_887, %broadcast_in_dim3A_866], %gather3A_884 : memref<64x128xf32, #tpu.memory_space<vmem>>[vector<16xi32>, vector<16xi32>], vector<16xf32>,
      %add3A_888 = arith.constant 48 : i32
      %add3A_889 = vector.broadcast %add3A_888 : i32 to vector<16xi32>
      %add3A_890 = arith.addi %iota3A, %add3A_889 : vector<16xi32>
      %gather3A_891 = tpu.vector_load_idx %arg11[%add3A_890, %broadcast_in_dim3A_861] : memref<64x128xf32, #tpu.memory_space<vmem>>[vector<16xi32>, vector<16xi32>], vector<16xf32>,
      %add3A_892 = arith.constant 48 : i32
      %add3A_893 = vector.broadcast %add3A_892 : i32 to vector<16xi32>
      %add3A_894 = arith.addi %iota3A, %add3A_893 : vector<16xi32>
      tpu.vector_store_idx %arg17[%add3A_894, %broadcast_in_dim3A_866], %gather3A_891 : memref<64x128xf32, #tpu.memory_space<vmem>>[vector<16xi32>, vector<16xi32>], vector<16xf32>,
      %lt3A_895 = arith.constant 31 : i32
      %lt3A_896 = arith.cmpi slt, %add3A_164, %lt3A_895 : i32
      %convert_element_type3A_897 = arith.extui %lt3A_896 : i1 to i32
      %cond3A_898 = arith.constant 0 : i32
      %cond3A_899 = arith.cmpi ne, %convert_element_type3A_897, %cond3A_898 : i32
      scf.if %cond3A_899 {
        %slice3A_998 = vector.extract_strided_slice %get3A_171 {offsets = [5], sizes = [1], strides = [1]} : vector<16xi32> to vector<1xi32>
        %squeeze3A_999 = vector.extract %slice3A_998[0] : i32 from vector<1xi32>
        %shift_right_arithmetic3A_1000 = arith.constant 7 : i32
        %shift_right_arithmetic3A_1001 = arith.shrsi %squeeze3A_999, %shift_right_arithmetic3A_1000 : i32
        %mul3A_1002 = arith.constant 128 : i32
        %mul3A_1003 = arith.muli %shift_right_arithmetic3A_1001, %mul3A_1002 : i32
        %multiple_of3A_1004 = tpu.assume_multiple %mul3A_1003, 128 : i32
        %dma_start3A_1005 = arith.constant 0 : i32
        %dma_start3A_1006 = tpu.memref_slice %arg3[%dma_start3A_1005, %multiple_of3A_1004] : memref<64x1000000xf32, #tpu.memory_space<hbm>> -> memref<64x128xf32, #tpu.memory_space<hbm>>
        %dma_start3A_1007 = arith.constant 0 : i32
        %dma_start3A_1008 = tpu.memref_slice %arg3[%dma_start3A_1007, %multiple_of3A_1004] : memref<64x1000000xf32, #tpu.memory_space<hbm>> -> memref<64x128xf32, #tpu.memory_space<hbm>>
        tpu.enqueue_dma source(%dma_start3A_1008 : memref<64x128xf32, #tpu.memory_space<hbm>>) target(%arg11 : memref<64x128xf32, #tpu.memory_space<vmem>>) target_semaphore(%arg23 : memref<!tpu.dma_semaphore, #tpu.memory_space<semaphore_mem>>)
      } else {
      }
      %slice3A_900 = vector.extract_strided_slice %scan3A_158 {offsets = [14], sizes = [1], strides = [1]} : vector<16xi32> to vector<1xi32>
      %squeeze3A_901 = vector.extract %slice3A_900[0] : i32 from vector<1xi32>
      %dma_wait3A_902 = arith.constant 0 : i32
      %dma_wait3A_903 = arith.constant 0 : i32
      %dma_wait3A_904 = tpu.memref_slice %arg3[%dma_wait3A_902, %dma_wait3A_903] : memref<64x1000000xf32, #tpu.memory_space<hbm>> -> memref<64x128xf32, #tpu.memory_space<hbm>>
      %dma_wait3A_905 = arith.constant 0 : i32
      %dma_wait3A_906 = arith.constant 0 : i32
      %dma_wait3A_907 = tpu.memref_slice %arg3[%dma_wait3A_905, %dma_wait3A_906] : memref<64x1000000xf32, #tpu.memory_space<hbm>> -> memref<64x128xf32, #tpu.memory_space<hbm>>
      tpu.wait_dma2 semaphore(%arg24 : memref<!tpu.dma_semaphore, #tpu.memory_space<semaphore_mem>>) src(%dma_wait3A_907 : memref<64x128xf32, #tpu.memory_space<hbm>>) dst(%arg12 : memref<64x128xf32, #tpu.memory_space<vmem>>)
      %and3A_908 = arith.constant 127 : i32
      %and3A_909 = arith.andi %squeeze3A_901, %and3A_908 : i32
      %broadcast_in_dim3A_910 = vector.broadcast %and3A_909 : i32 to vector<16xi32>
      %mul3A_911 = arith.constant 16 : i32
      %mul3A_912 = arith.muli %add3A_162, %mul3A_911 : i32
      %add3A_913 = arith.constant 14 : i32
      %add3A_914 = arith.addi %mul3A_912, %add3A_913 : i32
      %broadcast_in_dim3A_915 = vector.broadcast %add3A_914 : i32 to vector<16xi32>
      %add3A_916 = arith.constant 0 : i32
      %add3A_917 = vector.broadcast %add3A_916 : i32 to vector<16xi32>
      %add3A_918 = arith.addi %iota3A, %add3A_917 : vector<16xi32>
      %gather3A_919 = tpu.vector_load_idx %arg12[%add3A_918, %broadcast_in_dim3A_910] : memref<64x128xf32, #tpu.memory_space<vmem>>[vector<16xi32>, vector<16xi32>], vector<16xf32>,
      %add3A_920 = arith.constant 0 : i32
      %add3A_921 = vector.broadcast %add3A_920 : i32 to vector<16xi32>
      %add3A_922 = arith.addi %iota3A, %add3A_921 : vector<16xi32>
      tpu.vector_store_idx %arg17[%add3A_922, %broadcast_in_dim3A_915], %gather3A_919 : memref<64x128xf32, #tpu.memory_space<vmem>>[vector<16xi32>, vector<16xi32>], vector<16xf32>,
      %add3A_923 = arith.constant 16 : i32
      %add3A_924 = vector.broadcast %add3A_923 : i32 to vector<16xi32>
      %add3A_925 = arith.addi %iota3A, %add3A_924 : vector<16xi32>
      %gather3A_926 = tpu.vector_load_idx %arg12[%add3A_925, %broadcast_in_dim3A_910] : memref<64x128xf32, #tpu.memory_space<vmem>>[vector<16xi32>, vector<16xi32>], vector<16xf32>,
      %add3A_927 = arith.constant 16 : i32
      %add3A_928 = vector.broadcast %add3A_927 : i32 to vector<16xi32>
      %add3A_929 = arith.addi %iota3A, %add3A_928 : vector<16xi32>
      tpu.vector_store_idx %arg17[%add3A_929, %broadcast_in_dim3A_915], %gather3A_926 : memref<64x128xf32, #tpu.memory_space<vmem>>[vector<16xi32>, vector<16xi32>], vector<16xf32>,
      %add3A_930 = arith.constant 32 : i32
      %add3A_931 = vector.broadcast %add3A_930 : i32 to vector<16xi32>
      %add3A_932 = arith.addi %iota3A, %add3A_931 : vector<16xi32>
      %gather3A_933 = tpu.vector_load_idx %arg12[%add3A_932, %broadcast_in_dim3A_910] : memref<64x128xf32, #tpu.memory_space<vmem>>[vector<16xi32>, vector<16xi32>], vector<16xf32>,
      %add3A_934 = arith.constant 32 : i32
      %add3A_935 = vector.broadcast %add3A_934 : i32 to vector<16xi32>
      %add3A_936 = arith.addi %iota3A, %add3A_935 : vector<16xi32>
      tpu.vector_store_idx %arg17[%add3A_936, %broadcast_in_dim3A_915], %gather3A_933 : memref<64x128xf32, #tpu.memory_space<vmem>>[vector<16xi32>, vector<16xi32>], vector<16xf32>,
      %add3A_937 = arith.constant 48 : i32
      %add3A_938 = vector.broadcast %add3A_937 : i32 to vector<16xi32>
      %add3A_939 = arith.addi %iota3A, %add3A_938 : vector<16xi32>
      %gather3A_940 = tpu.vector_load_idx %arg12[%add3A_939, %broadcast_in_dim3A_910] : memref<64x128xf32, #tpu.memory_space<vmem>>[vector<16xi32>, vector<16xi32>], vector<16xf32>,
      %add3A_941 = arith.constant 48 : i32
      %add3A_942 = vector.broadcast %add3A_941 : i32 to vector<16xi32>
      %add3A_943 = arith.addi %iota3A, %add3A_942 : vector<16xi32>
      tpu.vector_store_idx %arg17[%add3A_943, %broadcast_in_dim3A_915], %gather3A_940 : memref<64x128xf32, #tpu.memory_space<vmem>>[vector<16xi32>, vector<16xi32>], vector<16xf32>,
      %lt3A_944 = arith.constant 31 : i32
      %lt3A_945 = arith.cmpi slt, %add3A_164, %lt3A_944 : i32
      %convert_element_type3A_946 = arith.extui %lt3A_945 : i1 to i32
      %cond3A_947 = arith.constant 0 : i32
      %cond3A_948 = arith.cmpi ne, %convert_element_type3A_946, %cond3A_947 : i32
      scf.if %cond3A_948 {
        %slice3A_998 = vector.extract_strided_slice %get3A_171 {offsets = [6], sizes = [1], strides = [1]} : vector<16xi32> to vector<1xi32>
        %squeeze3A_999 = vector.extract %slice3A_998[0] : i32 from vector<1xi32>
        %shift_right_arithmetic3A_1000 = arith.constant 7 : i32
        %shift_right_arithmetic3A_1001 = arith.shrsi %squeeze3A_999, %shift_right_arithmetic3A_1000 : i32
        %mul3A_1002 = arith.constant 128 : i32
        %mul3A_1003 = arith.muli %shift_right_arithmetic3A_1001, %mul3A_1002 : i32
        %multiple_of3A_1004 = tpu.assume_multiple %mul3A_1003, 128 : i32
        %dma_start3A_1005 = arith.constant 0 : i32
        %dma_start3A_1006 = tpu.memref_slice %arg3[%dma_start3A_1005, %multiple_of3A_1004] : memref<64x1000000xf32, #tpu.memory_space<hbm>> -> memref<64x128xf32, #tpu.memory_space<hbm>>
        %dma_start3A_1007 = arith.constant 0 : i32
        %dma_start3A_1008 = tpu.memref_slice %arg3[%dma_start3A_1007, %multiple_of3A_1004] : memref<64x1000000xf32, #tpu.memory_space<hbm>> -> memref<64x128xf32, #tpu.memory_space<hbm>>
        tpu.enqueue_dma source(%dma_start3A_1008 : memref<64x128xf32, #tpu.memory_space<hbm>>) target(%arg12 : memref<64x128xf32, #tpu.memory_space<vmem>>) target_semaphore(%arg24 : memref<!tpu.dma_semaphore, #tpu.memory_space<semaphore_mem>>)
      } else {
      }
      %slice3A_949 = vector.extract_strided_slice %scan3A_158 {offsets = [15], sizes = [1], strides = [1]} : vector<16xi32> to vector<1xi32>
      %squeeze3A_950 = vector.extract %slice3A_949[0] : i32 from vector<1xi32>
      %dma_wait3A_951 = arith.constant 0 : i32
      %dma_wait3A_952 = arith.constant 0 : i32
      %dma_wait3A_953 = tpu.memref_slice %arg3[%dma_wait3A_951, %dma_wait3A_952] : memref<64x1000000xf32, #tpu.memory_space<hbm>> -> memref<64x128xf32, #tpu.memory_space<hbm>>
      %dma_wait3A_954 = arith.constant 0 : i32
      %dma_wait3A_955 = arith.constant 0 : i32
      %dma_wait3A_956 = tpu.memref_slice %arg3[%dma_wait3A_954, %dma_wait3A_955] : memref<64x1000000xf32, #tpu.memory_space<hbm>> -> memref<64x128xf32, #tpu.memory_space<hbm>>
      tpu.wait_dma2 semaphore(%arg25 : memref<!tpu.dma_semaphore, #tpu.memory_space<semaphore_mem>>) src(%dma_wait3A_956 : memref<64x128xf32, #tpu.memory_space<hbm>>) dst(%arg13 : memref<64x128xf32, #tpu.memory_space<vmem>>)
      %and3A_957 = arith.constant 127 : i32
      %and3A_958 = arith.andi %squeeze3A_950, %and3A_957 : i32
      %broadcast_in_dim3A_959 = vector.broadcast %and3A_958 : i32 to vector<16xi32>
      %mul3A_960 = arith.constant 16 : i32
      %mul3A_961 = arith.muli %add3A_162, %mul3A_960 : i32
      %add3A_962 = arith.constant 15 : i32
      %add3A_963 = arith.addi %mul3A_961, %add3A_962 : i32
      %broadcast_in_dim3A_964 = vector.broadcast %add3A_963 : i32 to vector<16xi32>
      %add3A_965 = arith.constant 0 : i32
      %add3A_966 = vector.broadcast %add3A_965 : i32 to vector<16xi32>
      %add3A_967 = arith.addi %iota3A, %add3A_966 : vector<16xi32>
      %gather3A_968 = tpu.vector_load_idx %arg13[%add3A_967, %broadcast_in_dim3A_959] : memref<64x128xf32, #tpu.memory_space<vmem>>[vector<16xi32>, vector<16xi32>], vector<16xf32>,
      %add3A_969 = arith.constant 0 : i32
      %add3A_970 = vector.broadcast %add3A_969 : i32 to vector<16xi32>
      %add3A_971 = arith.addi %iota3A, %add3A_970 : vector<16xi32>
      tpu.vector_store_idx %arg17[%add3A_971, %broadcast_in_dim3A_964], %gather3A_968 : memref<64x128xf32, #tpu.memory_space<vmem>>[vector<16xi32>, vector<16xi32>], vector<16xf32>,
      %add3A_972 = arith.constant 16 : i32
      %add3A_973 = vector.broadcast %add3A_972 : i32 to vector<16xi32>
      %add3A_974 = arith.addi %iota3A, %add3A_973 : vector<16xi32>
      %gather3A_975 = tpu.vector_load_idx %arg13[%add3A_974, %broadcast_in_dim3A_959] : memref<64x128xf32, #tpu.memory_space<vmem>>[vector<16xi32>, vector<16xi32>], vector<16xf32>,
      %add3A_976 = arith.constant 16 : i32
      %add3A_977 = vector.broadcast %add3A_976 : i32 to vector<16xi32>
      %add3A_978 = arith.addi %iota3A, %add3A_977 : vector<16xi32>
      tpu.vector_store_idx %arg17[%add3A_978, %broadcast_in_dim3A_964], %gather3A_975 : memref<64x128xf32, #tpu.memory_space<vmem>>[vector<16xi32>, vector<16xi32>], vector<16xf32>,
      %add3A_979 = arith.constant 32 : i32
      %add3A_980 = vector.broadcast %add3A_979 : i32 to vector<16xi32>
      %add3A_981 = arith.addi %iota3A, %add3A_980 : vector<16xi32>
      %gather3A_982 = tpu.vector_load_idx %arg13[%add3A_981, %broadcast_in_dim3A_959] : memref<64x128xf32, #tpu.memory_space<vmem>>[vector<16xi32>, vector<16xi32>], vector<16xf32>,
      %add3A_983 = arith.constant 32 : i32
      %add3A_984 = vector.broadcast %add3A_983 : i32 to vector<16xi32>
      %add3A_985 = arith.addi %iota3A, %add3A_984 : vector<16xi32>
      tpu.vector_store_idx %arg17[%add3A_985, %broadcast_in_dim3A_964], %gather3A_982 : memref<64x128xf32, #tpu.memory_space<vmem>>[vector<16xi32>, vector<16xi32>], vector<16xf32>,
      %add3A_986 = arith.constant 48 : i32
      %add3A_987 = vector.broadcast %add3A_986 : i32 to vector<16xi32>
      %add3A_988 = arith.addi %iota3A, %add3A_987 : vector<16xi32>
      %gather3A_989 = tpu.vector_load_idx %arg13[%add3A_988, %broadcast_in_dim3A_959] : memref<64x128xf32, #tpu.memory_space<vmem>>[vector<16xi32>, vector<16xi32>], vector<16xf32>,
      %add3A_990 = arith.constant 48 : i32
      %add3A_991 = vector.broadcast %add3A_990 : i32 to vector<16xi32>
      %add3A_992 = arith.addi %iota3A, %add3A_991 : vector<16xi32>
      tpu.vector_store_idx %arg17[%add3A_992, %broadcast_in_dim3A_964], %gather3A_989 : memref<64x128xf32, #tpu.memory_space<vmem>>[vector<16xi32>, vector<16xi32>], vector<16xf32>,
      %lt3A_993 = arith.constant 31 : i32
      %lt3A_994 = arith.cmpi slt, %add3A_164, %lt3A_993 : i32
      %convert_element_type3A_995 = arith.extui %lt3A_994 : i1 to i32
      %cond3A_996 = arith.constant 0 : i32
      %cond3A_997 = arith.cmpi ne, %convert_element_type3A_995, %cond3A_996 : i32
      scf.if %cond3A_997 {
        %slice3A_998 = vector.extract_strided_slice %get3A_171 {offsets = [7], sizes = [1], strides = [1]} : vector<16xi32> to vector<1xi32>
        %squeeze3A_999 = vector.extract %slice3A_998[0] : i32 from vector<1xi32>
        %shift_right_arithmetic3A_1000 = arith.constant 7 : i32
        %shift_right_arithmetic3A_1001 = arith.shrsi %squeeze3A_999, %shift_right_arithmetic3A_1000 : i32
        %mul3A_1002 = arith.constant 128 : i32
        %mul3A_1003 = arith.muli %shift_right_arithmetic3A_1001, %mul3A_1002 : i32
        %multiple_of3A_1004 = tpu.assume_multiple %mul3A_1003, 128 : i32
        %dma_start3A_1005 = arith.constant 0 : i32
        %dma_start3A_1006 = tpu.memref_slice %arg3[%dma_start3A_1005, %multiple_of3A_1004] : memref<64x1000000xf32, #tpu.memory_space<hbm>> -> memref<64x128xf32, #tpu.memory_space<hbm>>
        %dma_start3A_1007 = arith.constant 0 : i32
        %dma_start3A_1008 = tpu.memref_slice %arg3[%dma_start3A_1007, %multiple_of3A_1004] : memref<64x1000000xf32, #tpu.memory_space<hbm>> -> memref<64x128xf32, #tpu.memory_space<hbm>>
        tpu.enqueue_dma source(%dma_start3A_1008 : memref<64x128xf32, #tpu.memory_space<hbm>>) target(%arg13 : memref<64x128xf32, #tpu.memory_space<vmem>>) target_semaphore(%arg25 : memref<!tpu.dma_semaphore, #tpu.memory_space<semaphore_mem>>)
      } else {
      }
      scf.yield %get3A_171 : vector<16xi32>
    }
    %scan3A_127 = arith.constant 8 : i32
    %add3A_128 = arith.constant 384 : i32
    %add3A_129 = arith.addi %mul3A_2, %add3A_128 : i32
    %dma_start3A_130 = arith.constant 0 : i32
    %dma_start3A_131 = tpu.memref_slice %arg4[%dma_start3A_130, %add3A_129] : memref<64x16384xf32, #tpu.memory_space<hbm>> -> memref<64x128xf32, #tpu.memory_space<hbm>>
    %dma_start3A_132 = arith.constant 0 : i32
    %dma_start3A_133 = tpu.memref_slice %arg4[%dma_start3A_132, %add3A_129] : memref<64x16384xf32, #tpu.memory_space<hbm>> -> memref<64x128xf32, #tpu.memory_space<hbm>>
    tpu.enqueue_dma source(%arg17 : memref<64x128xf32, #tpu.memory_space<vmem>>) target(%dma_start3A_133 : memref<64x128xf32, #tpu.memory_space<hbm>>) target_semaphore(%arg26 : memref<!tpu.dma_semaphore, #tpu.memory_space<semaphore_mem>>)
    %add3A_134 = arith.constant 0 : i32
    %add3A_135 = arith.addi %mul3A_2, %add3A_134 : i32
    %dma_wait3A = arith.constant 0 : i32
    %dma_wait3A_136 = tpu.memref_slice %arg4[%dma_wait3A, %add3A_135] : memref<64x16384xf32, #tpu.memory_space<hbm>> -> memref<64x128xf32, #tpu.memory_space<hbm>>
    %dma_wait3A_137 = arith.constant 0 : i32
    %dma_wait3A_138 = tpu.memref_slice %arg4[%dma_wait3A_137, %add3A_135] : memref<64x16384xf32, #tpu.memory_space<hbm>> -> memref<64x128xf32, #tpu.memory_space<hbm>>
    tpu.wait_dma2 semaphore(%arg26 : memref<!tpu.dma_semaphore, #tpu.memory_space<semaphore_mem>>) src(%arg14 : memref<64x128xf32, #tpu.memory_space<vmem>>) dst(%dma_wait3A_138 : memref<64x128xf32, #tpu.memory_space<hbm>>)
    %add3A_139 = arith.constant 128 : i32
    %add3A_140 = arith.addi %mul3A_2, %add3A_139 : i32
    %dma_wait3A_141 = arith.constant 0 : i32
    %dma_wait3A_142 = tpu.memref_slice %arg4[%dma_wait3A_141, %add3A_140] : memref<64x16384xf32, #tpu.memory_space<hbm>> -> memref<64x128xf32, #tpu.memory_space<hbm>>
    %dma_wait3A_143 = arith.constant 0 : i32
    %dma_wait3A_144 = tpu.memref_slice %arg4[%dma_wait3A_143, %add3A_140] : memref<64x16384xf32, #tpu.memory_space<hbm>> -> memref<64x128xf32, #tpu.memory_space<hbm>>
    tpu.wait_dma2 semaphore(%arg26 : memref<!tpu.dma_semaphore, #tpu.memory_space<semaphore_mem>>) src(%arg15 : memref<64x128xf32, #tpu.memory_space<vmem>>) dst(%dma_wait3A_144 : memref<64x128xf32, #tpu.memory_space<hbm>>)
    %add3A_145 = arith.constant 256 : i32
    %add3A_146 = arith.addi %mul3A_2, %add3A_145 : i32
    %dma_wait3A_147 = arith.constant 0 : i32
    %dma_wait3A_148 = tpu.memref_slice %arg4[%dma_wait3A_147, %add3A_146] : memref<64x16384xf32, #tpu.memory_space<hbm>> -> memref<64x128xf32, #tpu.memory_space<hbm>>
    %dma_wait3A_149 = arith.constant 0 : i32
    %dma_wait3A_150 = tpu.memref_slice %arg4[%dma_wait3A_149, %add3A_146] : memref<64x16384xf32, #tpu.memory_space<hbm>> -> memref<64x128xf32, #tpu.memory_space<hbm>>
    tpu.wait_dma2 semaphore(%arg26 : memref<!tpu.dma_semaphore, #tpu.memory_space<semaphore_mem>>) src(%arg16 : memref<64x128xf32, #tpu.memory_space<vmem>>) dst(%dma_wait3A_150 : memref<64x128xf32, #tpu.memory_space<hbm>>)
    %add3A_151 = arith.constant 384 : i32
    %add3A_152 = arith.addi %mul3A_2, %add3A_151 : i32
    %dma_wait3A_153 = arith.constant 0 : i32
    %dma_wait3A_154 = tpu.memref_slice %arg4[%dma_wait3A_153, %add3A_152] : memref<64x16384xf32, #tpu.memory_space<hbm>> -> memref<64x128xf32, #tpu.memory_space<hbm>>
    %dma_wait3A_155 = arith.constant 0 : i32
    %dma_wait3A_156 = tpu.memref_slice %arg4[%dma_wait3A_155, %add3A_152] : memref<64x16384xf32, #tpu.memory_space<hbm>> -> memref<64x128xf32, #tpu.memory_space<hbm>>
    tpu.wait_dma2 semaphore(%arg26 : memref<!tpu.dma_semaphore, #tpu.memory_space<semaphore_mem>>) src(%arg17 : memref<64x128xf32, #tpu.memory_space<vmem>>) dst(%dma_wait3A_156 : memref<64x128xf32, #tpu.memory_space<hbm>>)
    return
  }
}

</mosaic_0001>

<sc_bundles>
// kernel: kernel.3.cloned.1.call-start
scs
__scs_entry_jumppad:
0x0: {  	(pc) =	sbr.rel $0x88, $3  }
0x1: {  	(tag) =	ssettag $0x0;
	lr =	simm.s32 $0x1  }
0x2: {  	[smem:$0x3F9F] =	sst lr;
	_ =	strace $0xD0000000  }
0x3: {  	_ = 	snop  }
0x4: {  	_ = 	snop  }
0x5: {  	_ = 	snop  }
0x6: {  	_ = 	snop  }
0x7: {  	_ = 	snop  }
__scs_overlays_trampoline_lowered:
0x8: {  	[smem:$0x3FAE] =	sst s0  }
0x9: {  	[smem:$0x3FAF] =	sst s1  }
0xa: {  	[smem:$0x3FB0] =	sst s2  }
0xb: {  	[smem:$0x3FB1] =	sst s3  }
0xc: {  	[smem:$0x3FB2] =	sst s4  }
0xd: {  	[smem:$0x3FB3] =	sst s5  }
0xe: {  	[smem:$0x3FB4] =	sst s6  }
0xf: {  	[smem:$0x3FB5] =	sst s7  }
0x10: {  	[smem:$0x3FB6] =	sst s8  }
0x11: {  	[smem:$0x3FB7] =	sst s9;
	s0 =	simm.s32 @!p0 $0x0  }
0x12: {  	s1 =	sld [smem:$0x3F9D];
	s0 =	simm.s32 @p0 $0x1  }
0x13: {  	[smem:$0x3FB8] =	sst s0;
	s0 =	simm.s32 @!p1 $0x0  }
0x14: {  	s2 =	sld [smem:$0x3F9C];
	s0 =	simm.s32 @p1 $0x1  }
0x15: {  	[smem:$0x3FB9] =	sst s0;
	s0 =	simm.s32 @!p2 $0x0  }
0x16: {  	s3 =	sld [smem:$0x3FDB];
	s0 =	simm.s32 @p2 $0x1  }
0x17: {  	s4 =	simm.s32 $0x1BF5;
	[smem:$0x3FBB] =	sst s0  }
0x18: {  	s0 =	sld [smem:$0x3F9E];
	_ =	swait.ge [sflag:s4], $0x0  }
0x19: {  	s7 =	sld [smem:$0x3F9F]  }
0x1a: {  	s8 =	sadd.s32 $0xFFFFE003, lr  }
0x1b: {  	s9 =	sadd.s32 $0xFFFFFEF7, lr;
	s5 =	simm.s32 $0xFFFFFFFF;
	p2 =	slt.u32 s8, $0xFFFFF086  }
0x1c: {  	p1 =	slt.u32 s9, $0xF7A;
	s5 =	simm.s32 @!p2 $0x0  }
0x1d: {  	s5 =	simm.s32 @p1 $0x1;
	p0 =	seq.s32 s7, s2  }
0x1e: {  	s7 =	smul.u32 @!p0 $0xF7A, s2;
	p2 =	seq.s32 @!p0 s5, $0x0  }
0x1f: {  	s9 =	smul.u32 $0xF7A, s1;
	s8 =	simm.s32 @!p0 $0x1BF5;
	p2 =	por !p2, p0  }
0x20: {  	[sflag:s8] =	ssyncset.s32 @!p0 $0xFFFFF086;
	s6 =	sadd.s32 @!p0 s3, s7;
	s7 =	simm.s32 @!p0 $0x108  }
0x21: {  	s3 =	sadd.s32 s3, s9;
	s6 =	sadd.s32 @!p0 $0x88, s6;
	s7 =	simm.s32 @p2 $0x1082  }
0x22: {  	[simem:s7], [sflag:s8] =	dma.local @!p0 [hbm:s6], $0xF7A  }
0x23: {  	s9 =	sor.u32 $0xD0000000, s2;
	s6 =	simm.s32 $0x108;
	_ =	swait.ge @!p0 [sflag:s8], $0x0  }
0x24: {  	s3 =	sadd.s32 $0x88, s3;
	s6 =	simm.s32 @!p1 $0x1082;
	[sflag:s4] =	ssyncset.s32 $0xFFFFF086  }
0x25: {  	[simem:s6], [sflag:s4] =	dma.local [hbm:s3], $0xF7A  }
0x26: {  	[smem:$0x3F9F] =	sst s1;
	(tag) =	ssettag s2;
	_ =	strace s9  }
0x27: {  	s1 =	sld [smem:$0x3FAF]  }
0x28: {  	s2 =	sld [smem:$0x3FB0]  }
0x29: {  	s4 =	sld [smem:$0x3FB2]  }
0x2a: {  	p0 =	seq.s32 s5, $0x0;
	s5 =	sld [smem:$0x3FB3]  }
0x2b: {  	s6 =	sld [smem:$0x3FB4]  }
0x2c: {  	s7 =	sld [smem:$0x3FB5]  }
0x2d: {  	s3 =	simm.s32 $0x108;
	s8 =	sld [smem:$0x3FB6]  }
0x2e: {  	s3 =	simm.s32 @!p0 $0x1082;
	s9 =	sld [smem:$0x3FB7]  }
0x2f: {  	lr =	sadd.s32 s0, s3;
	s0 =	sld [smem:$0x3FAE]  }
0x30: {  	s3 =	sld [smem:$0x3FB1]  }
0x31: {  	[smem:$0x3FBA] =	sst s10  }
0x32: {  	s10 =	sld [smem:$0x3FB8];
	_ =	sdelay $0x3  }
0x33: {  	p0 =	seq.s32 s10, $0x1;
	s10 =	sld [smem:$0x3FBA];
	_ =	sdelay $0x3  }
0x34: {  	[smem:$0x3FBA] =	sst s10  }
0x35: {  	s10 =	sld [smem:$0x3FB9];
	_ =	sdelay $0x3  }
0x36: {  	p1 =	seq.s32 s10, $0x1;
	s10 =	sld [smem:$0x3FBA];
	_ =	sdelay $0x3  }
0x37: {  	[smem:$0x3FBA] =	sst s10  }
0x38: {  	s10 =	sld [smem:$0x3FBB]  }
0x39: {  	_ = 	snop;
	(pc) =	sbr.ind lr, $3  }
0x3a: {  	_ = 	snop  }
0x3b: {  	_ = 	snop  }
0x3c: {  	p2 =	seq.s32 s10, $0x1;
	s10 =	sld [smem:$0x3FBA]  }
0x3d: {  	_ =	shalt  }
0x3e: {  	_ =	shalt  }
0x3f: {  	_ =	shalt  }
0x40: {  	_ =	shalt  }
0x41: {  	_ =	shalt  }
0x42: {  	_ =	shalt  }
0x43: {  	_ =	shalt  }
0x44: {  	_ =	shalt  }
0x45: {  	_ =	shalt  }
0x46: {  	_ =	shalt  }
0x47: {  	_ =	shalt  }
0x48: {  	_ =	shalt  }
0x49: {  	_ =	shalt  }
0x4a: {  	_ =	shalt  }
0x4b: {  	_ =	shalt  }
0x4c: {  	_ =	shalt  }
0x4d: {  	_ =	shalt  }
0x4e: {  	_ =	shalt  }
0x4f: {  	_ =	shalt  }
0x50: {  	_ =	shalt  }
0x51: {  	_ =	shalt  }
0x52: {  	_ =	shalt  }
0x53: {  	_ =	shalt  }
0x54: {  	_ =	shalt  }
0x55: {  	_ =	shalt  }
0x56: {  	_ =	shalt  }
0x57: {  	_ =	shalt  }
0x58: {  	_ =	shalt  }
0x59: {  	_ =	shalt  }
0x5a: {  	_ =	shalt  }
0x5b: {  	_ =	shalt  }
0x5c: {  	_ =	shalt  }
0x5d: {  	_ =	shalt  }
0x5e: {  	_ =	shalt  }
0x5f: {  	_ =	shalt  }
0x60: {  	_ =	shalt  }
0x61: {  	_ =	shalt  }
0x62: {  	_ =	shalt  }
0x63: {  	_ =	shalt  }
0x64: {  	_ =	shalt  }
0x65: {  	_ =	shalt  }
0x66: {  	_ =	shalt  }
0x67: {  	_ =	shalt  }
0x68: {  	_ =	shalt  }
0x69: {  	_ =	shalt  }
0x6a: {  	_ =	shalt  }
0x6b: {  	_ =	shalt  }
0x6c: {  	_ =	shalt  }
0x6d: {  	_ =	shalt  }
0x6e: {  	_ =	shalt  }
0x6f: {  	_ =	shalt  }
0x70: {  	_ =	shalt  }
0x71: {  	_ =	shalt  }
0x72: {  	_ =	shalt  }
0x73: {  	_ =	shalt  }
0x74: {  	_ =	shalt  }
0x75: {  	_ =	shalt  }
0x76: {  	_ =	shalt  }
0x77: {  	_ =	shalt  }
0x78: {  	_ =	shalt  }
0x79: {  	_ =	shalt  }
0x7a: {  	_ =	shalt  }
0x7b: {  	_ =	shalt  }
0x7c: {  	_ =	shalt  }
0x7d: {  	_ =	shalt  }
0x7e: {  	_ =	shalt  }
0x7f: {  	_ =	shalt  }
0x80: {  	_ =	shalt  }
0x81: {  	_ =	shalt  }
0x82: {  	_ =	shalt  }
0x83: {  	_ =	shalt  }
0x84: {  	_ =	shalt  }
0x85: {  	_ =	shalt  }
0x86: {  	_ =	shalt  }
0x87: {  	_ =	shalt  }
.Lfunc_end0:
.L_simem_size_0:
called_computation_lowered:
.L_overlay_start_0:
0x88: {  	s2 =	sld [smem:$0x3FD9]  }
0x89: {  	s3 =	sld [smem:$0x3FFE];
	_ =	sdelay $0x1  }
0x8a: {  	s1 =	srdreg.scid  }
0x8b: {  	s0 =	sand.u32 $0x1, s1  }
0x8c: {  	s18 =	sshll.u32 s0, $0xA;
	s2 =	sadd.s32 s3, s2  }
0x8d: {  	s2 =	sadd.s32 s2, s18  }
0x8e: {  	[smem:$0x3FC6] =	sst s2  }
0x8f: {  	_ = 	snop  }
0x90: {  	s2 =	sld [smem:$0x3FC9]  }
0x91: {  	s19 =	sld [smem:$0x3FC8]  }
0x92: {  	s4 =	sld [smem:$0x3FD0];
	(tm) =	ssettm $0x1  }
0x93: {  	s5 =	sld [smem:$0x3FFB];
	_ =	sdelay $0x3  }
0x94: {  	_ =	strace s5  }
0x95: {  	s5 =	sld [smem:$0x3FFC];
	_ =	sdelay $0x3  }
0x96: {  	_ =	strace s5  }
0x97: {  	s5 =	sld [smem:$0x3FFD];
	_ =	sdelay $0x3  }
0x98: {  	_ =	strace s5  }
0x99: {  	_ =	strace $0x8FFFFFFF  }
0x9a: {  	s20 =	sld [smem:$0x3FDB];
	_ =	sdelay $0x1  }
0x9b: {  	s6 =	simm.s32 $_scs_section_size  }
0x9c: {  	s7 =	simm.s32 $_size__tile_overlayer_lowered;
	s8 =	simm.s32 $_tile_overlayer_lowered  }
0x9d: {  	s23 =	simm.s32 $0x1BFF;
	s22 =	sshll.u32 s8, $0x1;
	s5 =	sadd.s32 s6, s20  }
0x9e: {  	s9 =	simm.s32 $0x0;
	s21 =	sshll.u32 s7, $0x1;
	s7 =	sadd.s32 s22, s5  }
0x9f: {  	[timem:s9], [sflag:s23] =	dma.local [hbm:s7], s21  }
0xa0: {  	_ =	swait.ge [sflag:s23], s21  }
0xa1: {  	s6 =	ssub.s32 $0x0, s21;
	[sflag:s23] =	ssyncset.done $0x0  }
0xa2: {  	[sflag:s23] =	ssyncadd.s32 s6;
	_ =	sdelay $0x1  }
0xa3: {  	s24 =	simm.s32 $0x1B8B  }
0xa4: {  	_ =	swait.ge [sflag:s24], $0x1  }
0xa5: {  	[sflag:s24] =	ssyncset.done $0x0  }
0xa6: {  	s25 =	simm.s32 $0x1B8E;
	[sflag:s24] =	ssyncadd.s32 $0xFFFFFFFF  }
0xa7: {  	s26 =	simm.s32 $execute0_lowered;
	[smem:$0x3FD2] =	sst s25  }
0xa8: {  	s6 =	sshll.u32 s26, $0x1;
	_ =	strace $0x80000046;
	[dreg:$0x1] =	wrdreg $0xFFFFFFFF  }
0xa9: {  	s28 =	simm.s32 $_size_execute0_lowered;
	s5 =	sadd.s32 s5, s6;
	[dreg:$0x0] =	wrdreg $0x0  }
0xaa: {  	s6 =	sshll.u32 s28, $0x1;
	[dreg:$0x2] =	wrdreg s5  }
0xab: {  	[dreg:$0x3] =	wrdreg s6  }
0xac: {  	[dreg:$0x4] =	wrdreg $0xC0  }
0xad: {  	_ =	task [dreg:s9], $0x5FFFF  }
0xae: {  	[dreg:$0x1] =	wrdreg $0xFFFFFFFF  }
0xaf: {  	[dreg:$0x0] =	wrdreg $0x60  }
0xb0: {  	[dreg:$0x2] =	wrdreg s2  }
0xb1: {  	[dreg:$0x3] =	wrdreg s19  }
0xb2: {  	[dreg:$0x4] =	wrdreg s4  }
0xb3: {  	[dreg:$0x5] =	wrdreg $0x9  }
0xb4: {  	_ =	task.clear_ibuf [dreg:s9], $0x6FFFF;
	_ =	strace $0x90000046  }
0xb5: {  	s29 =	simm.s32 $0x9;
	_ =	strace $0x80000048  }
0xb6: {  	_ =	swait.ge [sflag:s29], $0x1  }
0xb7: {  	[sflag:s29] =	ssyncadd.s32 $0xFFFFFFFF  }
0xb8: {  	_ =	strace $0x90000048  }
0xb9: {  	_ =	sfence  }
0xba: {  	s30 =	sld [smem:$0x0];
	_ =	sdelay $0x2  }
0xbb: {  	s31 =	sshll.u32 s1, $0xD;
	s1 =	sshrl.u32 s1, $0x2  }
0xbc: {  	s3 =	sand.u32 $0x4000, s31;
	s1 =	sadd.s32 s1, s30  }
0xbd: {  	s0 =	sor.u32 s3, s0;
	s1 =	sshll.u32 s1, $0x11  }
0xbe: {  	s0 =	sor.u32 s1, s0  }
0xbf: {  	s0 =	sadd.s32 $0x8F2B, s0  }
0xc0: {  	[sflag:s0] =	ssyncadd.remote.s32 $0x1  }
0xc1: {  	_ =	sfence.sel $0xFFFF  }
0xc2: {  	[dreg:$0x0] =	wrdreg $0xFFFFFFFF;
	(pc) =	sbr.abs _section_cstart, $3  }
0xc3: {  	[dreg:$0x1] =	wrdreg $0xFFFFFFFF  }
0xc4: {  	_ =	task.clear_ibuf [dreg:s9], $0x2FFFF;
	_ =	strace $0x9FFFFFFF  }
0xc5: {  	(tm) =	ssettm $0x7FFFFFFF  }
tec
execute0_lowered:
.L_overlay_start_1:
0x0: {  	(tag) =	ssettag $0x1  }
0x1: {  	s0 =	rddreg [dreg:$0x0]  }
0x2: {  	s2 =	rddreg [dreg:$0x1]  }
0x3: {  	s1 =	rddreg [dreg:$0x2]  }
0x4: {  	s3 =	srdreg.scid;
	s4 =	stileid.u32;
	s6 =	simm.s32 $0x0  }
0x5: {  	s11 =	simm.s32 $0x400;
	s12 =	simm.s32 $0x7A1400;
	s13 =	simm.s32 $0x200  }
0x6: {  	s14 =	simm.s32 $0x2200;
	s15 =	simm.s32 $0x4200;
	s16 =	simm.s32 $0x6200  }
0x7: {  	s17 =	simm.s32 $0x8200;
	s18 =	simm.s32 $0xA200;
	s19 =	simm.s32 $0xC200  }
0x8: {  	s20 =	simm.s32 $0xE200;
	s22 =	simm.s32 $0x10200;
	s24 =	simm.s32 $0x2  }
0x9: {  	s28 =	simm.s32 $0x3;
	s3 =	sand.u32 $0x1, s3;
	s4 =	sshll.u32 s4, $0xA  }
0xa: {  	[smem:$0x7FF] =	sst s6;
	s6 =	simm.s32 $0x0;
	s5 =	sshll.u32 s3, $0x9  }
0xb: {  	s3 =	ssub.s32 $0x2, s3;
	_ =	strace $0x80000047;
	s4 =	sor.u32 s5, s4  }
0xc: {  	s25 =	sshrl.u32 s3, $0x1;
	s26 =	sshrl.u32 s4, $0x3;
	s29 =	sadd.s32 s1, s4  }
0xd: {  	s3 =	ssub.s32 s3, s25;
	s0 =	sadd.s32 s0, s26;
	[dreg:$0x5] =	wrdreg s29  }
.Ltmp0:
0xe: {  	s1 =	sadd.s32 $0x80, s29;
	[dreg:$0x4] =	wrdreg s0;
	(pc) =	sbr.rel .LBB2_1-.Ltmp0, $4  }
0xf: {  	v0 =	vlaneseq.u32;
	s25 =	simm.s32 $0x4;
	s30 =	sadd.s32 $0x100, s29;
	[dreg:$0x6] =	wrdreg s1  }
0x10: {  	v0 =	vmul.u32 $0x80, v0;
	s31 =	smax.u32 s3, $0x1;
	s26 =	simm.s32 $0x1;
	[dreg:$0x7] =	wrdreg s30  }
0x11: {  	s3 =	simm.s32 $0x16200;
	s0 =	sadd.s32 $0x180, s29;
	[dreg:$0x9] =	wrdreg s31  }
0x12: {  	v1 =	vor.u32 $0x800, v0;
	v2 =	vor.u32 $0x1000, v0;
	v3 =	vor.u32 $0x1800, v0;
	s1 =	simm.s32 $0x14200;
	[dreg:$0x8] =	wrdreg s0;
	s0 =	simm.s32 $0x12200  }
.LBB2_10:
0x13: {  	s4 =	rddreg [dreg:$0x8];
	s5 =	simm.s32 $0x20000;
	s30 =	simm.s32 $0x9  }
0x14: {  	[hbm4b:s4+s11] =	stream.strided.scatter [tilespmem:s3], [sflag:$0x9], $0x2000, s5, s11, $0x38;
	[tilespmem:$0x18200] =	vst v63  }
0x15: {  	_ =	swait.ge [sflag:s30], $0x2000  }
0x16: {  	[sflag:s30] =	ssyncset.done $0x0  }
0x17: {  	[sflag:s30] =	ssyncadd.s32 $0xFFFFE000  }
0x18: {  	_ =	swait.ge [sflag:s30], $0x2000  }
0x19: {  	[sflag:s30] =	ssyncset.done $0x0  }
0x1a: {  	[sflag:s30] =	ssyncadd.s32 $0xFFFFE000  }
0x1b: {  	_ =	swait.ge [sflag:s30], $0x2000  }
0x1c: {  	[sflag:s30] =	ssyncset.done $0x0  }
0x1d: {  	[sflag:s30] =	ssyncadd.s32 $0xFFFFE000  }
0x1e: {  	_ =	swait.ge [sflag:s30], $0x2000  }
0x1f: {  	s6 =	rddreg [dreg:$0xa]  }
0x20: {  	s31 =	rddreg [dreg:$0x9];
	s6 =	sadd.s32 $0x1, s6  }
0x21: {  	p0 =	sne.s32 s6, s31  }
.Ltmp1:
0x22: {  	_ = 	snop;
	(pc) =	sbr.rel @!p0 .LBB2_11-.Ltmp1, $3  }
0x23: {  	_ =	sdelay $0x1  }
0x24: {  	[sflag:s30] =	ssyncset.done $0x0  }
0x25: {  	s26 =	simm.s32 $0x1;
	s24 =	simm.s32 $0x2;
	[sflag:s30] =	ssyncadd.s32 $0xFFFFE000  }
.LBB2_1:
0x26: {  	[dreg:$0xa] =	wrdreg s6  }
0x27: {  	s4 =	simm.s32 $0x0;
	s5 =	rddreg [dreg:$0x4];
	s30 =	simm.s32 $0xA  }
0x28: {  	[tilespmem:s4], [sflag:$0xA] =	stream.linear.gather [hbm4b:s5+s4], $0x200, $0x38;
	[tilespmem:$0x18200] =	vst v63  }
0x29: {  	_ =	swait.ge [sflag:s30], $0x200  }
0x2a: {  	[sflag:s30] =	ssyncset.done $0x0  }
0x2b: {  	[sflag:s30] =	ssyncadd.s32 $0xFFFFFE00  }
0x2c: {  	v4 =	vld [tilespmem:$0x0];
	_ =	sdelay $0x4  }
0x2d: {  	(v2sf) =	vpush v4, $0x0  }
0x2e: {  	(v2sf) =	vpush v4, $0x1;
	_ =	sdelay $0x1  }
0x2f: {  	(v2sf) =	vpush v4, $0x2;
	_ =	sdelay $0x4  }
0x30: {  	(v2sf) =	vpush v4, $0x3  }
0x31: {  	(v2sf) =	vpush v4, $0x4;
	_ =	sdelay $0x5  }
0x32: {  	s31 =	spop (v2sf);
	(v2sf) =	vpush v4, $0x5  }
0x33: {  	s5 =	spop (v2sf);
	(v2sf) =	vpush v4, $0x6  }
0x34: {  	s4 =	sand.u32 $0xFFFFF80, s31  }
0x35: {  	s4 =	sadd.s32 s2, s4;
	s6 =	spop (v2sf)  }
0x36: {  	(v2sf) =	vpush v4, $0x7;
	[tilespmem:s13], [sflag:$0x1] =	stream.strided.gather [hbm4b:s4+s11], $0x2000, s12, s11, $0x38;
	[tilespmem:$0x18200] =	vst v63  }
0x37: {  	s4 =	sand.u32 $0xFFFFF80, s5  }
0x38: {  	s4 =	sadd.s32 s2, s4  }
0x39: {  	[tilespmem:s14], [sflag:$0x2] =	stream.strided.gather [hbm4b:s4+s11], $0x2000, s12, s11, $0x38;
	[tilespmem:$0x18200] =	vst v63  }
0x3a: {  	s7 =	spop (v2sf);
	s4 =	sand.u32 $0xFFFFF80, s6  }
0x3b: {  	s8 =	sand.u32 $0xFFFFF80, s7;
	s9 =	spop (v2sf);
	s4 =	sadd.s32 s2, s4  }
0x3c: {  	[tilespmem:s15], [sflag:$0x3] =	stream.strided.gather [hbm4b:s4+s11], $0x2000, s12, s11, $0x38;
	[tilespmem:$0x18200] =	vst v63  }
0x3d: {  	s10 =	sand.u32 $0xFFFFF80, s9;
	s4 =	sadd.s32 s2, s8  }
0x3e: {  	[tilespmem:s16], [sflag:$0x4] =	stream.strided.gather [hbm4b:s4+s11], $0x2000, s12, s11, $0x38;
	[tilespmem:$0x18200] =	vst v63  }
0x3f: {  	s4 =	sadd.s32 s2, s10  }
0x40: {  	[tilespmem:s17], [sflag:$0x5] =	stream.strided.gather [hbm4b:s4+s11], $0x2000, s12, s11, $0x38;
	[tilespmem:$0x18200] =	vst v63  }
0x41: {  	s21 =	spop (v2sf)  }
0x42: {  	s23 =	sand.u32 $0xFFFFF80, s21;
	s29 =	spop (v2sf)  }
0x43: {  	s4 =	sadd.s32 s2, s23;
	s30 =	sand.u32 $0xFFFFF80, s29  }
0x44: {  	[tilespmem:s18], [sflag:$0x6] =	stream.strided.gather [hbm4b:s4+s11], $0x2000, s12, s11, $0x38;
	[tilespmem:$0x18200] =	vst v63  }
0x45: {  	s31 =	spop (v2sf);
	s4 =	sadd.s32 s2, s30  }
0x46: {  	[tilespmem:s19], [sflag:$0x7] =	stream.strided.gather [hbm4b:s4+s11], $0x2000, s12, s11, $0x38;
	[tilespmem:$0x18200] =	vst v63  }
0x47: {  	s4 =	sand.u32 $0xFFFFF80, s31  }
0x48: {  	s7 =	simm.s32 $0xF;
	s8 =	simm.s32 $0x10;
	s4 =	sadd.s32 s2, s4  }
0x49: {  	[tilespmem:s20], [sflag:$0x8] =	stream.strided.gather [hbm4b:s4+s11], $0x2000, s12, s11, $0x38;
	[tilespmem:$0x18200] =	vst v63  }
.LBB2_2:
0x4a: {  	(v2sf) =	vpush v4, $0x0;
	_ =	sdelay $0xe  }
0x4b: {  	s4 =	spop (v2sf)  }
0x4c: {  	s4 =	sand.u32 $0x7F, s4  }
0x4d: {  	s5 =	sadd.s32 $0xFFFFFFF1, s7;
	v6 =	vor.u32 s4, v0  }
0x4e: {  	v7 =	vmov s5  }
0x4f: {  	v5 =	vmov v4;
	v4 =	vld [tilespmem:s8+$0x0];
	v7 =	vand.u32 $0x70, v7;
	_ =	swait.ge [sflag:s26], $0x2000  }
0x50: {  	v7 =	vbroadcast v7, $0x0;
	[sflag:s26] =	ssyncset.done $0x0  }
0x51: {  	[sflag:s26] =	ssyncadd.s32 $0xFFFFE000  }
0x52: {  	v8 =	vor.u32 v0, v7;
	v6 =	vld.idx.msk [tilespmem:v6+s13+$0x0], $0xffff  }
0x53: {  	v9 =	vor.u32 s4, v1;
	_ =	sdelay $0x3  }
0x54: {  	(v2sf) =	vpush v5, $0x8;
	[tilespmem:v8+s22+$0x0] =	vst.idx.msk $0xffff, v6  }
0x55: {  	v48 =	vor.u32 v1, v7;
	(v2sf) =	vpush v5, $0x1;
	v6 =	vld.idx.msk [tilespmem:v9+s13+$0x0], $0xffff  }
0x56: {  	v49 =	vor.u32 s4, v2;
	_ =	sdelay $0x3  }
0x57: {  	[tilespmem:v48+s22+$0x0] =	vst.idx.msk $0xffff, v6  }
0x58: {  	v50 =	vor.u32 v2, v7;
	v6 =	vld.idx.msk [tilespmem:v49+s13+$0x0], $0xffff  }
0x59: {  	v51 =	vor.u32 s4, v3;
	_ =	sdelay $0x3  }
0x5a: {  	[tilespmem:v50+s22+$0x0] =	vst.idx.msk $0xffff, v6  }
0x5b: {  	v7 =	vor.u32 v3, v7;
	v6 =	vld.idx.msk [tilespmem:v51+s13+$0x0], $0xffff;
	_ =	sdelay $0x1  }
0x5c: {  	s9 =	spop (v2sf)  }
0x5d: {  	s29 =	spop (v2sf)  }
0x5e: {  	s31 =	sand.u32 $0xFFFFF80, s9;
	s4 =	sand.u32 $0x7F, s29  }
0x5f: {  	s6 =	sadd.s32 $0xFFFFFFF2, s7;
	s5 =	sadd.s32 s2, s31;
	[tilespmem:v7+s22+$0x0] =	vst.idx.msk $0xffff, v6;
	v6 =	vor.u32 s4, v0  }
0x60: {  	v7 =	vmov s6;
	[tilespmem:s13], [sflag:$0x1] =	stream.strided.gather [hbm4b:s5+s11], $0x2000, s12, s11, $0x38;
	[tilespmem:$0x18200] =	vst v63  }
0x61: {  	v7 =	vand.u32 $0x71, v7;
	_ =	swait.ge [sflag:s24], $0x2000  }
0x62: {  	v7 =	vbroadcast v7, $0x0;
	[sflag:s24] =	ssyncset.done $0x0  }
0x63: {  	[sflag:s24] =	ssyncadd.s32 $0xFFFFE000  }
0x64: {  	v52 =	vor.u32 v0, v7;
	v6 =	vld.idx.msk [tilespmem:v6+s14+$0x0], $0xffff  }
0x65: {  	v53 =	vor.u32 s4, v1;
	_ =	sdelay $0x3  }
0x66: {  	(v2sf) =	vpush v5, $0x9;
	[tilespmem:v52+s22+$0x0] =	vst.idx.msk $0xffff, v6  }
0x67: {  	v54 =	vor.u32 v1, v7;
	(v2sf) =	vpush v5, $0x2;
	v6 =	vld.idx.msk [tilespmem:v53+s14+$0x0], $0xffff  }
0x68: {  	v55 =	vor.u32 s4, v2;
	_ =	sdelay $0x3  }
0x69: {  	[tilespmem:v54+s22+$0x0] =	vst.idx.msk $0xffff, v6  }
0x6a: {  	v56 =	vor.u32 v2, v7;
	v6 =	vld.idx.msk [tilespmem:v55+s14+$0x0], $0xffff  }
0x6b: {  	v57 =	vor.u32 s4, v3;
	_ =	sdelay $0x3  }
0x6c: {  	[tilespmem:v56+s22+$0x0] =	vst.idx.msk $0xffff, v6  }
0x6d: {  	v7 =	vor.u32 v3, v7;
	v6 =	vld.idx.msk [tilespmem:v57+s14+$0x0], $0xffff;
	_ =	sdelay $0x1  }
0x6e: {  	s5 =	spop (v2sf)  }
0x6f: {  	s6 =	spop (v2sf)  }
0x70: {  	s10 =	sand.u32 $0xFFFFF80, s5;
	s4 =	sand.u32 $0x7F, s6  }
0x71: {  	s6 =	sadd.s32 s2, s10;
	s10 =	sadd.s32 $0xFFFFFFF3, s7;
	[tilespmem:v7+s22+$0x0] =	vst.idx.msk $0xffff, v6;
	v6 =	vor.u32 s4, v0  }
0x72: {  	v7 =	vmov s10;
	[tilespmem:s14], [sflag:$0x2] =	stream.strided.gather [hbm4b:s6+s11], $0x2000, s12, s11, $0x38;
	[tilespmem:$0x18200] =	vst v63  }
0x73: {  	v7 =	vand.u32 $0x72, v7;
	_ =	swait.ge [sflag:s28], $0x2000  }
0x74: {  	v7 =	vbroadcast v7, $0x0;
	[sflag:s28] =	ssyncset.done $0x0  }
0x75: {  	[sflag:s28] =	ssyncadd.s32 $0xFFFFE000  }
0x76: {  	v58 =	vor.u32 v0, v7;
	v6 =	vld.idx.msk [tilespmem:v6+s15+$0x0], $0xffff  }
0x77: {  	v59 =	vor.u32 s4, v1;
	_ =	sdelay $0x3  }
0x78: {  	(v2sf) =	vpush v5, $0xA;
	[tilespmem:v58+s22+$0x0] =	vst.idx.msk $0xffff, v6  }
0x79: {  	v60 =	vor.u32 v1, v7;
	(v2sf) =	vpush v5, $0x3;
	v6 =	vld.idx.msk [tilespmem:v59+s15+$0x0], $0xffff  }
0x7a: {  	v61 =	vor.u32 s4, v2;
	_ =	sdelay $0x3  }
0x7b: {  	[tilespmem:v60+s22+$0x0] =	vst.idx.msk $0xffff, v6  }
0x7c: {  	v62 =	vor.u32 v2, v7;
	v6 =	vld.idx.msk [tilespmem:v61+s15+$0x0], $0xffff  }
0x7d: {  	v63 =	vor.u32 s4, v3;
	_ =	sdelay $0x3  }
0x7e: {  	[tilespmem:v62+s22+$0x0] =	vst.idx.msk $0xffff, v6  }
0x7f: {  	v7 =	vor.u32 v3, v7;
	v6 =	vld.idx.msk [tilespmem:v63+s15+$0x0], $0xffff;
	_ =	sdelay $0x1  }
0x80: {  	s4 =	spop (v2sf)  }
0x81: {  	s21 =	spop (v2sf)  }
0x82: {  	s23 =	sand.u32 $0xFFFFF80, s4;
	s6 =	sand.u32 $0x7F, s21  }
0x83: {  	s10 =	sadd.s32 s2, s23;
	s21 =	sadd.s32 $0xFFFFFFF4, s7;
	[tilespmem:v7+s22+$0x0] =	vst.idx.msk $0xffff, v6;
	v6 =	vor.u32 s6, v0  }
0x84: {  	v7 =	vmov s21;
	[tilespmem:s15], [sflag:$0x3] =	stream.strided.gather [hbm4b:s10+s11], $0x2000, s12, s11, $0x38;
	[tilespmem:$0x18200] =	vst v63  }
0x85: {  	v7 =	vand.u32 $0x73, v7;
	_ =	swait.ge [sflag:s25], $0x2000  }
0x86: {  	v7 =	vbroadcast v7, $0x0;
	[sflag:s25] =	ssyncset.done $0x0  }
0x87: {  	[sflag:s25] =	ssyncadd.s32 $0xFFFFE000  }
0x88: {  	v12 =	vor.u32 v0, v7;
	v6 =	vld.idx.msk [tilespmem:v6+s16+$0x0], $0xffff  }
0x89: {  	v13 =	vor.u32 s6, v1;
	_ =	sdelay $0x3  }
0x8a: {  	(v2sf) =	vpush v5, $0xB;
	[tilespmem:v12+s22+$0x0] =	vst.idx.msk $0xffff, v6  }
0x8b: {  	v14 =	vor.u32 v1, v7;
	(v2sf) =	vpush v5, $0x4;
	v6 =	vld.idx.msk [tilespmem:v13+s16+$0x0], $0xffff  }
0x8c: {  	v15 =	vor.u32 s6, v2;
	_ =	sdelay $0x3  }
0x8d: {  	[tilespmem:v14+s22+$0x0] =	vst.idx.msk $0xffff, v6  }
0x8e: {  	v16 =	vor.u32 v2, v7;
	v6 =	vld.idx.msk [tilespmem:v15+s16+$0x0], $0xffff  }
0x8f: {  	v17 =	vor.u32 s6, v3;
	_ =	sdelay $0x3  }
0x90: {  	[tilespmem:v16+s22+$0x0] =	vst.idx.msk $0xffff, v6  }
0x91: {  	v7 =	vor.u32 v3, v7;
	v6 =	vld.idx.msk [tilespmem:v17+s16+$0x0], $0xffff;
	_ =	sdelay $0x1  }
0x92: {  	s6 =	spop (v2sf)  }
0x93: {  	s25 =	spop (v2sf)  }
0x94: {  	s31 =	sand.u32 $0xFFFFF80, s6;
	s10 =	sand.u32 $0x7F, s25  }
0x95: {  	s24 =	simm.s32 $0x5;
	s23 =	sadd.s32 $0xFFFFFFF5, s7;
	s21 =	sadd.s32 s2, s31;
	[tilespmem:v7+s22+$0x0] =	vst.idx.msk $0xffff, v6;
	v6 =	vor.u32 s10, v0  }
0x96: {  	v7 =	vmov s23;
	[tilespmem:s16], [sflag:$0x4] =	stream.strided.gather [hbm4b:s21+s11], $0x2000, s12, s11, $0x38;
	[tilespmem:$0x18200] =	vst v63  }
0x97: {  	v7 =	vand.u32 $0x74, v7;
	_ =	swait.ge [sflag:s24], $0x2000  }
0x98: {  	v7 =	vbroadcast v7, $0x0;
	[sflag:s24] =	ssyncset.done $0x0  }
0x99: {  	[sflag:s24] =	ssyncadd.s32 $0xFFFFE000  }
0x9a: {  	v18 =	vor.u32 v0, v7;
	v6 =	vld.idx.msk [tilespmem:v6+s17+$0x0], $0xffff  }
0x9b: {  	v19 =	vor.u32 s10, v1;
	_ =	sdelay $0x3  }
0x9c: {  	(v2sf) =	vpush v5, $0xC;
	[tilespmem:v18+s22+$0x0] =	vst.idx.msk $0xffff, v6  }
0x9d: {  	v20 =	vor.u32 v1, v7;
	(v2sf) =	vpush v5, $0x5;
	v6 =	vld.idx.msk [tilespmem:v19+s17+$0x0], $0xffff  }
0x9e: {  	v21 =	vor.u32 s10, v2;
	_ =	sdelay $0x3  }
0x9f: {  	[tilespmem:v20+s22+$0x0] =	vst.idx.msk $0xffff, v6  }
0xa0: {  	v22 =	vor.u32 v2, v7;
	v6 =	vld.idx.msk [tilespmem:v21+s17+$0x0], $0xffff  }
0xa1: {  	v23 =	vor.u32 s10, v3;
	_ =	sdelay $0x3  }
0xa2: {  	[tilespmem:v22+s22+$0x0] =	vst.idx.msk $0xffff, v6  }
0xa3: {  	v7 =	vor.u32 v3, v7;
	v6 =	vld.idx.msk [tilespmem:v23+s17+$0x0], $0xffff;
	_ =	sdelay $0x1  }
0xa4: {  	s10 =	spop (v2sf)  }
0xa5: {  	s23 =	spop (v2sf)  }
0xa6: {  	s24 =	sand.u32 $0xFFFFF80, s10;
	s21 =	sand.u32 $0x7F, s23  }
0xa7: {  	s30 =	simm.s32 $0x6;
	s31 =	sadd.s32 $0xFFFFFFF6, s7;
	s23 =	sadd.s32 s2, s24;
	[tilespmem:v7+s22+$0x0] =	vst.idx.msk $0xffff, v6;
	v6 =	vor.u32 s21, v0  }
0xa8: {  	v7 =	vmov s31;
	[tilespmem:s17], [sflag:$0x5] =	stream.strided.gather [hbm4b:s23+s11], $0x2000, s12, s11, $0x38;
	[tilespmem:$0x18200] =	vst v63  }
0xa9: {  	v7 =	vand.u32 $0x75, v7;
	_ =	swait.ge [sflag:s30], $0x2000  }
0xaa: {  	v7 =	vbroadcast v7, $0x0;
	[sflag:s30] =	ssyncset.done $0x0  }
0xab: {  	[sflag:s30] =	ssyncadd.s32 $0xFFFFE000  }
0xac: {  	v24 =	vor.u32 v0, v7;
	v6 =	vld.idx.msk [tilespmem:v6+s18+$0x0], $0xffff  }
0xad: {  	v25 =	vor.u32 s21, v1;
	_ =	sdelay $0x3  }
0xae: {  	(v2sf) =	vpush v5, $0xD;
	[tilespmem:v24+s22+$0x0] =	vst.idx.msk $0xffff, v6  }
0xaf: {  	v26 =	vor.u32 v1, v7;
	(v2sf) =	vpush v5, $0x6;
	v6 =	vld.idx.msk [tilespmem:v25+s18+$0x0], $0xffff  }
0xb0: {  	v27 =	vor.u32 s21, v2;
	_ =	sdelay $0x3  }
0xb1: {  	[tilespmem:v26+s22+$0x0] =	vst.idx.msk $0xffff, v6  }
0xb2: {  	v28 =	vor.u32 v2, v7;
	v6 =	vld.idx.msk [tilespmem:v27+s18+$0x0], $0xffff  }
0xb3: {  	v29 =	vor.u32 s21, v3;
	_ =	sdelay $0x3  }
0xb4: {  	[tilespmem:v28+s22+$0x0] =	vst.idx.msk $0xffff, v6  }
0xb5: {  	v7 =	vor.u32 v3, v7;
	v6 =	vld.idx.msk [tilespmem:v29+s18+$0x0], $0xffff;
	_ =	sdelay $0x1  }
0xb6: {  	s21 =	spop (v2sf)  }
0xb7: {  	s25 =	spop (v2sf)  }
0xb8: {  	s24 =	sand.u32 $0xFFFFF80, s21;
	s23 =	sand.u32 $0x7F, s25  }
0xb9: {  	s30 =	simm.s32 $0x7;
	s31 =	sadd.s32 s2, s24;
	s25 =	sadd.s32 $0xFFFFFFF7, s7;
	[tilespmem:v7+s22+$0x0] =	vst.idx.msk $0xffff, v6;
	v6 =	vor.u32 s23, v0  }
0xba: {  	v7 =	vmov s25;
	[tilespmem:s18], [sflag:$0x6] =	stream.strided.gather [hbm4b:s31+s11], $0x2000, s12, s11, $0x38;
	[tilespmem:$0x18200] =	vst v63  }
0xbb: {  	v7 =	vand.u32 $0x76, v7;
	_ =	swait.ge [sflag:s30], $0x2000  }
0xbc: {  	v7 =	vbroadcast v7, $0x0;
	[sflag:s30] =	ssyncset.done $0x0  }
0xbd: {  	[sflag:s30] =	ssyncadd.s32 $0xFFFFE000  }
0xbe: {  	v30 =	vor.u32 v0, v7;
	v6 =	vld.idx.msk [tilespmem:v6+s19+$0x0], $0xffff  }
0xbf: {  	v31 =	vor.u32 s23, v1;
	_ =	sdelay $0x3  }
0xc0: {  	(v2sf) =	vpush v5, $0xE;
	[tilespmem:v30+s22+$0x0] =	vst.idx.msk $0xffff, v6  }
0xc1: {  	v32 =	vor.u32 v1, v7;
	(v2sf) =	vpush v5, $0x7;
	v6 =	vld.idx.msk [tilespmem:v31+s19+$0x0], $0xffff  }
0xc2: {  	v33 =	vor.u32 s23, v2;
	_ =	sdelay $0x3  }
0xc3: {  	[tilespmem:v32+s22+$0x0] =	vst.idx.msk $0xffff, v6  }
0xc4: {  	v34 =	vor.u32 v2, v7;
	v6 =	vld.idx.msk [tilespmem:v33+s19+$0x0], $0xffff  }
0xc5: {  	v35 =	vor.u32 s23, v3;
	_ =	sdelay $0x3  }
0xc6: {  	[tilespmem:v34+s22+$0x0] =	vst.idx.msk $0xffff, v6  }
0xc7: {  	v7 =	vor.u32 v3, v7;
	v6 =	vld.idx.msk [tilespmem:v35+s19+$0x0], $0xffff;
	_ =	sdelay $0x1  }
0xc8: {  	s31 =	spop (v2sf)  }
0xc9: {  	s24 =	spop (v2sf)  }
0xca: {  	s25 =	sand.u32 $0xFFFFF80, s31;
	s23 =	sand.u32 $0x7F, s24  }
0xcb: {  	s29 =	simm.s32 $0x8;
	s24 =	sadd.s32 s2, s25;
	s25 =	sadd.s32 $0xFFFFFFF8, s7;
	[tilespmem:v7+s22+$0x0] =	vst.idx.msk $0xffff, v6;
	v6 =	vor.u32 s23, v0  }
0xcc: {  	v7 =	vmov s25;
	[tilespmem:s19], [sflag:$0x7] =	stream.strided.gather [hbm4b:s24+s11], $0x2000, s12, s11, $0x38;
	[tilespmem:$0x18200] =	vst v63  }
0xcd: {  	v7 =	vand.u32 $0x77, v7;
	_ =	swait.ge [sflag:s29], $0x2000  }
0xce: {  	v7 =	vbroadcast v7, $0x0;
	[sflag:s29] =	ssyncset.done $0x0  }
0xcf: {  	[sflag:s29] =	ssyncadd.s32 $0xFFFFE000  }
0xd0: {  	v36 =	vor.u32 v0, v7;
	v6 =	vld.idx.msk [tilespmem:v6+s20+$0x0], $0xffff  }
0xd1: {  	v37 =	vor.u32 s23, v1;
	_ =	sdelay $0x3  }
0xd2: {  	[tilespmem:v36+s22+$0x0] =	vst.idx.msk $0xffff, v6  }
0xd3: {  	(v2sf) =	vpush v5, $0xF;
	v38 =	vor.u32 v1, v7;
	v6 =	vld.idx.msk [tilespmem:v37+s20+$0x0], $0xffff  }
0xd4: {  	v5 =	vor.u32 s23, v2;
	_ =	sdelay $0x3  }
0xd5: {  	[tilespmem:v38+s22+$0x0] =	vst.idx.msk $0xffff, v6  }
0xd6: {  	v6 =	vor.u32 v2, v7;
	v5 =	vld.idx.msk [tilespmem:v5+s20+$0x0], $0xffff  }
0xd7: {  	v39 =	vor.u32 s23, v3;
	_ =	sdelay $0x3  }
0xd8: {  	[tilespmem:v6+s22+$0x0] =	vst.idx.msk $0xffff, v5  }
0xd9: {  	v6 =	vor.u32 v3, v7;
	v5 =	vld.idx.msk [tilespmem:v39+s20+$0x0], $0xffff;
	_ =	sdelay $0x2  }
0xda: {  	s23 =	spop (v2sf)  }
0xdb: {  	s9 =	sand.u32 $0x7F, s9;
	s25 =	sand.u32 $0xFFFFF80, s23  }
0xdc: {  	s29 =	sadd.s32 $0xFFFFFFF9, s7;
	s24 =	sadd.s32 s2, s25;
	[tilespmem:v6+s22+$0x0] =	vst.idx.msk $0xffff, v5;
	v5 =	vor.u32 s9, v0  }
0xdd: {  	v6 =	vmov s29;
	[tilespmem:s20], [sflag:$0x8] =	stream.strided.gather [hbm4b:s24+s11], $0x2000, s12, s11, $0x38;
	[tilespmem:$0x18200] =	vst v63  }
0xde: {  	v6 =	vand.u32 $0x78, v6;
	_ =	swait.ge [sflag:s26], $0x2000  }
0xdf: {  	v6 =	vbroadcast v6, $0x0;
	[sflag:s26] =	ssyncset.done $0x0  }
0xe0: {  	[sflag:s26] =	ssyncadd.s32 $0xFFFFE000  }
0xe1: {  	v7 =	vor.u32 v0, v6;
	v5 =	vld.idx.msk [tilespmem:v5+s13+$0x0], $0xffff  }
0xe2: {  	v40 =	vor.u32 s9, v1;
	_ =	sdelay $0x3  }
0xe3: {  	[tilespmem:v7+s22+$0x0] =	vst.idx.msk $0xffff, v5  }
0xe4: {  	(v2sf) =	vpush v4, $0x0;
	v7 =	vor.u32 v1, v6;
	v5 =	vld.idx.msk [tilespmem:v40+s13+$0x0], $0xffff  }
0xe5: {  	v41 =	vor.u32 s9, v2;
	_ =	sdelay $0x3  }
0xe6: {  	[tilespmem:v7+s22+$0x0] =	vst.idx.msk $0xffff, v5  }
0xe7: {  	v7 =	vor.u32 v2, v6;
	v5 =	vld.idx.msk [tilespmem:v41+s13+$0x0], $0xffff  }
0xe8: {  	v42 =	vor.u32 s9, v3;
	_ =	sdelay $0x3  }
0xe9: {  	[tilespmem:v7+s22+$0x0] =	vst.idx.msk $0xffff, v5  }
0xea: {  	v6 =	vor.u32 v3, v6;
	v5 =	vld.idx.msk [tilespmem:v42+s13+$0x0], $0xffff;
	_ =	sdelay $0x2  }
0xeb: {  	s24 =	spop (v2sf)  }
0xec: {  	s5 =	sand.u32 $0x7F, s5;
	s9 =	sand.u32 $0xFFFFF80, s24  }
0xed: {  	s29 =	sadd.s32 $0xFFFFFFFA, s7;
	s24 =	simm.s32 $0x2;
	s9 =	sadd.s32 s2, s9;
	[tilespmem:v6+s22+$0x0] =	vst.idx.msk $0xffff, v5;
	v5 =	vor.u32 s5, v0  }
0xee: {  	v6 =	vmov s29;
	[tilespmem:s13], [sflag:$0x1] =	stream.strided.gather [hbm4b:s9+s11], $0x2000, s12, s11, $0x38;
	[tilespmem:$0x18200] =	vst v63  }
0xef: {  	v6 =	vand.u32 $0x79, v6;
	_ =	swait.ge [sflag:s24], $0x2000  }
0xf0: {  	v6 =	vbroadcast v6, $0x0;
	[sflag:s24] =	ssyncset.done $0x0  }
0xf1: {  	[sflag:s24] =	ssyncadd.s32 $0xFFFFE000  }
0xf2: {  	v7 =	vor.u32 v0, v6;
	v5 =	vld.idx.msk [tilespmem:v5+s14+$0x0], $0xffff  }
0xf3: {  	v43 =	vor.u32 s5, v1;
	_ =	sdelay $0x3  }
0xf4: {  	[tilespmem:v7+s22+$0x0] =	vst.idx.msk $0xffff, v5  }
0xf5: {  	(v2sf) =	vpush v4, $0x1;
	v7 =	vor.u32 v1, v6;
	v5 =	vld.idx.msk [tilespmem:v43+s14+$0x0], $0xffff  }
0xf6: {  	v44 =	vor.u32 s5, v2;
	_ =	sdelay $0x3  }
0xf7: {  	[tilespmem:v7+s22+$0x0] =	vst.idx.msk $0xffff, v5  }
0xf8: {  	v7 =	vor.u32 v2, v6;
	v5 =	vld.idx.msk [tilespmem:v44+s14+$0x0], $0xffff  }
0xf9: {  	v45 =	vor.u32 s5, v3;
	_ =	sdelay $0x3  }
0xfa: {  	[tilespmem:v7+s22+$0x0] =	vst.idx.msk $0xffff, v5  }
0xfb: {  	v6 =	vor.u32 v3, v6;
	v5 =	vld.idx.msk [tilespmem:v45+s14+$0x0], $0xffff;
	_ =	sdelay $0x2  }
0xfc: {  	s9 =	spop (v2sf)  }
0xfd: {  	s4 =	sand.u32 $0x7F, s4;
	s5 =	sand.u32 $0xFFFFF80, s9  }
0xfe: {  	s29 =	sadd.s32 $0xFFFFFFFB, s7;
	s5 =	sadd.s32 s2, s5;
	[tilespmem:v6+s22+$0x0] =	vst.idx.msk $0xffff, v5;
	v5 =	vor.u32 s4, v0  }
0xff: {  	v6 =	vmov s29;
	[tilespmem:s14], [sflag:$0x2] =	stream.strided.gather [hbm4b:s5+s11], $0x2000, s12, s11, $0x38;
	[tilespmem:$0x18200] =	vst v63  }
0x100: {  	v6 =	vand.u32 $0x7A, v6;
	_ =	swait.ge [sflag:s28], $0x2000  }
0x101: {  	v6 =	vbroadcast v6, $0x0;
	[sflag:s28] =	ssyncset.done $0x0  }
0x102: {  	[sflag:s28] =	ssyncadd.s32 $0xFFFFE000  }
0x103: {  	v7 =	vor.u32 v0, v6;
	v5 =	vld.idx.msk [tilespmem:v5+s15+$0x0], $0xffff  }
0x104: {  	v46 =	vor.u32 s4, v1;
	_ =	sdelay $0x3  }
0x105: {  	[tilespmem:v7+s22+$0x0] =	vst.idx.msk $0xffff, v5  }
0x106: {  	(v2sf) =	vpush v4, $0x2;
	v7 =	vor.u32 v1, v6;
	v5 =	vld.idx.msk [tilespmem:v46+s15+$0x0], $0xffff  }
0x107: {  	v47 =	vor.u32 s4, v2;
	_ =	sdelay $0x3  }
0x108: {  	[tilespmem:v7+s22+$0x0] =	vst.idx.msk $0xffff, v5  }
0x109: {  	v7 =	vor.u32 v2, v6;
	v5 =	vld.idx.msk [tilespmem:v47+s15+$0x0], $0xffff  }
0x10a: {  	v48 =	vor.u32 s4, v3;
	_ =	sdelay $0x3  }
0x10b: {  	[tilespmem:v7+s22+$0x0] =	vst.idx.msk $0xffff, v5  }
0x10c: {  	v6 =	vor.u32 v3, v6;
	v5 =	vld.idx.msk [tilespmem:v48+s15+$0x0], $0xffff;
	_ =	sdelay $0x2  }
0x10d: {  	s5 =	spop (v2sf)  }
0x10e: {  	s4 =	sand.u32 $0xFFFFF80, s5;
	s5 =	sand.u32 $0x7F, s6  }
0x10f: {  	s25 =	simm.s32 $0x4;
	s29 =	sadd.s32 $0xFFFFFFFC, s7;
	s4 =	sadd.s32 s2, s4;
	[tilespmem:v6+s22+$0x0] =	vst.idx.msk $0xffff, v5;
	v5 =	vor.u32 s5, v0  }
0x110: {  	v6 =	vmov s29;
	[tilespmem:s15], [sflag:$0x3] =	stream.strided.gather [hbm4b:s4+s11], $0x2000, s12, s11, $0x38;
	[tilespmem:$0x18200] =	vst v63  }
0x111: {  	v6 =	vand.u32 $0x7B, v6;
	_ =	swait.ge [sflag:s25], $0x2000  }
0x112: {  	v6 =	vbroadcast v6, $0x0;
	[sflag:s25] =	ssyncset.done $0x0  }
0x113: {  	[sflag:s25] =	ssyncadd.s32 $0xFFFFE000  }
0x114: {  	v7 =	vor.u32 v0, v6;
	v5 =	vld.idx.msk [tilespmem:v5+s16+$0x0], $0xffff  }
0x115: {  	v49 =	vor.u32 s5, v1;
	_ =	sdelay $0x3  }
0x116: {  	[tilespmem:v7+s22+$0x0] =	vst.idx.msk $0xffff, v5  }
0x117: {  	(v2sf) =	vpush v4, $0x3;
	v7 =	vor.u32 v1, v6;
	v5 =	vld.idx.msk [tilespmem:v49+s16+$0x0], $0xffff  }
0x118: {  	v50 =	vor.u32 s5, v2;
	_ =	sdelay $0x3  }
0x119: {  	[tilespmem:v7+s22+$0x0] =	vst.idx.msk $0xffff, v5  }
0x11a: {  	v7 =	vor.u32 v2, v6;
	v5 =	vld.idx.msk [tilespmem:v50+s16+$0x0], $0xffff  }
0x11b: {  	v51 =	vor.u32 s5, v3;
	_ =	sdelay $0x3  }
0x11c: {  	[tilespmem:v7+s22+$0x0] =	vst.idx.msk $0xffff, v5  }
0x11d: {  	v6 =	vor.u32 v3, v6;
	v5 =	vld.idx.msk [tilespmem:v51+s16+$0x0], $0xffff;
	_ =	sdelay $0x2  }
0x11e: {  	s6 =	spop (v2sf)  }
0x11f: {  	s5 =	sand.u32 $0x7F, s10;
	s4 =	sand.u32 $0xFFFFF80, s6  }
0x120: {  	s10 =	simm.s32 $0x5;
	s29 =	sadd.s32 $0xFFFFFFFD, s7;
	s4 =	sadd.s32 s2, s4;
	[tilespmem:v6+s22+$0x0] =	vst.idx.msk $0xffff, v5;
	v5 =	vor.u32 s5, v0  }
0x121: {  	v6 =	vmov s29;
	[tilespmem:s16], [sflag:$0x4] =	stream.strided.gather [hbm4b:s4+s11], $0x2000, s12, s11, $0x38;
	[tilespmem:$0x18200] =	vst v63  }
0x122: {  	v6 =	vand.u32 $0x7C, v6;
	_ =	swait.ge [sflag:s10], $0x2000  }
0x123: {  	v6 =	vbroadcast v6, $0x0;
	[sflag:s10] =	ssyncset.done $0x0  }
0x124: {  	[sflag:s10] =	ssyncadd.s32 $0xFFFFE000  }
0x125: {  	v7 =	vor.u32 v0, v6;
	v5 =	vld.idx.msk [tilespmem:v5+s17+$0x0], $0xffff  }
0x126: {  	v52 =	vor.u32 s5, v1;
	_ =	sdelay $0x3  }
0x127: {  	[tilespmem:v7+s22+$0x0] =	vst.idx.msk $0xffff, v5  }
0x128: {  	(v2sf) =	vpush v4, $0x4;
	v7 =	vor.u32 v1, v6;
	v5 =	vld.idx.msk [tilespmem:v52+s17+$0x0], $0xffff  }
0x129: {  	v53 =	vor.u32 s5, v2;
	_ =	sdelay $0x3  }
0x12a: {  	[tilespmem:v7+s22+$0x0] =	vst.idx.msk $0xffff, v5  }
0x12b: {  	v7 =	vor.u32 v2, v6;
	v5 =	vld.idx.msk [tilespmem:v53+s17+$0x0], $0xffff  }
0x12c: {  	v54 =	vor.u32 s5, v3;
	_ =	sdelay $0x3  }
0x12d: {  	[tilespmem:v7+s22+$0x0] =	vst.idx.msk $0xffff, v5  }
0x12e: {  	v6 =	vor.u32 v3, v6;
	v5 =	vld.idx.msk [tilespmem:v54+s17+$0x0], $0xffff;
	_ =	sdelay $0x2  }
0x12f: {  	s10 =	spop (v2sf)  }
0x130: {  	s21 =	sand.u32 $0x7F, s21;
	s4 =	sand.u32 $0xFFFFF80, s10  }
0x131: {  	s9 =	simm.s32 $0x6;
	s29 =	sadd.s32 $0xFFFFFFFE, s7;
	s4 =	sadd.s32 s2, s4;
	[tilespmem:v6+s22+$0x0] =	vst.idx.msk $0xffff, v5;
	v5 =	vor.u32 s21, v0  }
0x132: {  	v6 =	vmov s29;
	[tilespmem:s17], [sflag:$0x5] =	stream.strided.gather [hbm4b:s4+s11], $0x2000, s12, s11, $0x38;
	[tilespmem:$0x18200] =	vst v63  }
0x133: {  	v6 =	vand.u32 $0x7D, v6;
	_ =	swait.ge [sflag:s9], $0x2000  }
0x134: {  	v6 =	vbroadcast v6, $0x0;
	[sflag:s9] =	ssyncset.done $0x0  }
0x135: {  	[sflag:s9] =	ssyncadd.s32 $0xFFFFE000  }
0x136: {  	v7 =	vor.u32 v0, v6;
	v5 =	vld.idx.msk [tilespmem:v5+s18+$0x0], $0xffff  }
0x137: {  	v55 =	vor.u32 s21, v1;
	_ =	sdelay $0x3  }
0x138: {  	[tilespmem:v7+s22+$0x0] =	vst.idx.msk $0xffff, v5  }
0x139: {  	(v2sf) =	vpush v4, $0x5;
	v7 =	vor.u32 v1, v6;
	v5 =	vld.idx.msk [tilespmem:v55+s18+$0x0], $0xffff  }
0x13a: {  	v56 =	vor.u32 s21, v2;
	_ =	sdelay $0x3  }
0x13b: {  	[tilespmem:v7+s22+$0x0] =	vst.idx.msk $0xffff, v5  }
0x13c: {  	v7 =	vor.u32 v2, v6;
	v5 =	vld.idx.msk [tilespmem:v56+s18+$0x0], $0xffff  }
0x13d: {  	v57 =	vor.u32 s21, v3;
	_ =	sdelay $0x3  }
0x13e: {  	[tilespmem:v7+s22+$0x0] =	vst.idx.msk $0xffff, v5  }
0x13f: {  	v6 =	vor.u32 v3, v6;
	v5 =	vld.idx.msk [tilespmem:v57+s18+$0x0], $0xffff;
	_ =	sdelay $0x2  }
0x140: {  	s6 =	spop (v2sf)  }
0x141: {  	s9 =	sand.u32 $0x7F, s31;
	s4 =	sand.u32 $0xFFFFF80, s6  }
0x142: {  	s10 =	sadd.s32 $0xFFFFFFFF, s7;
	s4 =	sadd.s32 s2, s4;
	[tilespmem:v6+s22+$0x0] =	vst.idx.msk $0xffff, v5;
	v5 =	vor.u32 s9, v0  }
0x143: {  	v6 =	vmov s10;
	[tilespmem:s18], [sflag:$0x6] =	stream.strided.gather [hbm4b:s4+s11], $0x2000, s12, s11, $0x38;
	[tilespmem:$0x18200] =	vst v63  }
0x144: {  	v6 =	vand.u32 $0x7E, v6;
	_ =	swait.ge [sflag:s30], $0x2000  }
0x145: {  	v6 =	vbroadcast v6, $0x0;
	[sflag:s30] =	ssyncset.done $0x0  }
0x146: {  	[sflag:s30] =	ssyncadd.s32 $0xFFFFE000  }
0x147: {  	v7 =	vor.u32 v0, v6;
	v5 =	vld.idx.msk [tilespmem:v5+s19+$0x0], $0xffff  }
0x148: {  	v58 =	vor.u32 s9, v1;
	_ =	sdelay $0x3  }
0x149: {  	[tilespmem:v7+s22+$0x0] =	vst.idx.msk $0xffff, v5  }
0x14a: {  	(v2sf) =	vpush v4, $0x6;
	v7 =	vor.u32 v1, v6;
	v5 =	vld.idx.msk [tilespmem:v58+s19+$0x0], $0xffff  }
0x14b: {  	v59 =	vor.u32 s9, v2;
	_ =	sdelay $0x3  }
0x14c: {  	[tilespmem:v7+s22+$0x0] =	vst.idx.msk $0xffff, v5  }
0x14d: {  	v7 =	vor.u32 v2, v6;
	v5 =	vld.idx.msk [tilespmem:v59+s19+$0x0], $0xffff  }
0x14e: {  	v60 =	vor.u32 s9, v3;
	_ =	sdelay $0x3  }
0x14f: {  	[tilespmem:v7+s22+$0x0] =	vst.idx.msk $0xffff, v5  }
0x150: {  	v6 =	vor.u32 v3, v6;
	v5 =	vld.idx.msk [tilespmem:v60+s19+$0x0], $0xffff;
	_ =	sdelay $0x2  }
0x151: {  	s29 =	spop (v2sf)  }
0x152: {  	s30 =	sand.u32 $0x7F, s23;
	s4 =	sand.u32 $0xFFFFF80, s29  }
0x153: {  	s21 =	simm.s32 $0x8;
	s4 =	sadd.s32 s2, s4;
	[tilespmem:v6+s22+$0x0] =	vst.idx.msk $0xffff, v5;
	v5 =	vor.u32 s30, v0  }
0x154: {  	v6 =	vmov s7;
	[tilespmem:s19], [sflag:$0x7] =	stream.strided.gather [hbm4b:s4+s11], $0x2000, s12, s11, $0x38;
	[tilespmem:$0x18200] =	vst v63  }
0x155: {  	v6 =	vand.u32 $0x7F, v6;
	_ =	swait.ge [sflag:s21], $0x2000  }
0x156: {  	v6 =	vbroadcast v6, $0x0;
	[sflag:s21] =	ssyncset.done $0x0  }
0x157: {  	[sflag:s21] =	ssyncadd.s32 $0xFFFFE000  }
0x158: {  	v7 =	vor.u32 v0, v6;
	v5 =	vld.idx.msk [tilespmem:v5+s20+$0x0], $0xffff  }
0x159: {  	v61 =	vor.u32 s30, v1;
	_ =	sdelay $0x3  }
0x15a: {  	[tilespmem:v7+s22+$0x0] =	vst.idx.msk $0xffff, v5  }
0x15b: {  	(v2sf) =	vpush v4, $0x7;
	v7 =	vor.u32 v1, v6;
	v5 =	vld.idx.msk [tilespmem:v61+s20+$0x0], $0xffff  }
0x15c: {  	v62 =	vor.u32 s30, v2;
	_ =	sdelay $0x3  }
0x15d: {  	[tilespmem:v7+s22+$0x0] =	vst.idx.msk $0xffff, v5  }
0x15e: {  	v7 =	vor.u32 v2, v6;
	v5 =	vld.idx.msk [tilespmem:v62+s20+$0x0], $0xffff  }
0x15f: {  	v63 =	vor.u32 s30, v3;
	_ =	sdelay $0x3  }
0x160: {  	[tilespmem:v7+s22+$0x0] =	vst.idx.msk $0xffff, v5  }
0x161: {  	v6 =	vor.u32 v3, v6;
	v5 =	vld.idx.msk [tilespmem:v63+s20+$0x0], $0xffff  }
0x162: {  	p0 =	sne.s32 s7, $0x7F  }
.Ltmp2:
0x163: {  	_ = 	snop;
	(pc) =	sbr.rel @p0 .LBB2_2-.Ltmp2, $4  }
0x164: {  	s31 =	spop (v2sf)  }
0x165: {  	s4 =	sand.u32 $0xFFFFF80, s31  }
0x166: {  	s8 =	sadd.s32 $0x10, s8;
	s7 =	sadd.s32 $0x10, s7;
	s4 =	sadd.s32 s2, s4;
	[tilespmem:v6+s22+$0x0] =	vst.idx.msk $0xffff, v5  }
0x167: {  	[tilespmem:s20], [sflag:$0x8] =	stream.strided.gather [hbm4b:s4+s11], $0x2000, s12, s11, $0x38;
	[tilespmem:$0x18200] =	vst v63  }
0x168: {  	s4 =	rddreg [dreg:$0x5]  }
0x169: {  	s5 =	simm.s32 $0x20000;
	s7 =	simm.s32 $0xF;
	s8 =	simm.s32 $0x90  }
0x16a: {  	[hbm4b:s4+s11] =	stream.strided.scatter [tilespmem:s22], [sflag:$0x9], $0x2000, s5, s11, $0x38;
	[tilespmem:$0x18200] =	vst v63  }
.LBB2_4:
0x16b: {  	(v2sf) =	vpush v4, $0x0;
	_ =	sdelay $0xe  }
0x16c: {  	s4 =	spop (v2sf)  }
0x16d: {  	s4 =	sand.u32 $0x7F, s4  }
0x16e: {  	s5 =	sadd.s32 $0xFFFFFFF1, s7;
	v6 =	vor.u32 s4, v0  }
0x16f: {  	v7 =	vmov s5  }
0x170: {  	v5 =	vmov v4;
	v4 =	vld [tilespmem:s8+$0x0];
	v7 =	vand.u32 $0x70, v7;
	_ =	swait.ge [sflag:s26], $0x2000  }
0x171: {  	v7 =	vbroadcast v7, $0x0;
	[sflag:s26] =	ssyncset.done $0x0  }
0x172: {  	[sflag:s26] =	ssyncadd.s32 $0xFFFFE000  }
0x173: {  	v8 =	vor.u32 v0, v7;
	v6 =	vld.idx.msk [tilespmem:v6+s13+$0x0], $0xffff  }
0x174: {  	v9 =	vor.u32 s4, v1;
	_ =	sdelay $0x3  }
0x175: {  	(v2sf) =	vpush v5, $0x8;
	[tilespmem:v8+s0+$0x0] =	vst.idx.msk $0xffff, v6  }
0x176: {  	v48 =	vor.u32 v1, v7;
	(v2sf) =	vpush v5, $0x1;
	v6 =	vld.idx.msk [tilespmem:v9+s13+$0x0], $0xffff  }
0x177: {  	v49 =	vor.u32 s4, v2;
	_ =	sdelay $0x3  }
0x178: {  	[tilespmem:v48+s0+$0x0] =	vst.idx.msk $0xffff, v6  }
0x179: {  	v50 =	vor.u32 v2, v7;
	v6 =	vld.idx.msk [tilespmem:v49+s13+$0x0], $0xffff  }
0x17a: {  	v51 =	vor.u32 s4, v3;
	_ =	sdelay $0x3  }
0x17b: {  	[tilespmem:v50+s0+$0x0] =	vst.idx.msk $0xffff, v6  }
0x17c: {  	v7 =	vor.u32 v3, v7;
	v6 =	vld.idx.msk [tilespmem:v51+s13+$0x0], $0xffff;
	_ =	sdelay $0x1  }
0x17d: {  	s9 =	spop (v2sf)  }
0x17e: {  	s5 =	spop (v2sf)  }
0x17f: {  	s6 =	sand.u32 $0xFFFFF80, s9;
	s4 =	sand.u32 $0x7F, s5  }
0x180: {  	s5 =	sadd.s32 s2, s6;
	s6 =	sadd.s32 $0xFFFFFFF2, s7;
	[tilespmem:v7+s0+$0x0] =	vst.idx.msk $0xffff, v6;
	v6 =	vor.u32 s4, v0  }
0x181: {  	v7 =	vmov s6;
	[tilespmem:s13], [sflag:$0x1] =	stream.strided.gather [hbm4b:s5+s11], $0x2000, s12, s11, $0x38;
	[tilespmem:$0x18200] =	vst v63  }
0x182: {  	v7 =	vand.u32 $0x71, v7;
	_ =	swait.ge [sflag:s24], $0x2000  }
0x183: {  	v7 =	vbroadcast v7, $0x0;
	[sflag:s24] =	ssyncset.done $0x0  }
0x184: {  	[sflag:s24] =	ssyncadd.s32 $0xFFFFE000  }
0x185: {  	v52 =	vor.u32 v0, v7;
	v6 =	vld.idx.msk [tilespmem:v6+s14+$0x0], $0xffff  }
0x186: {  	v53 =	vor.u32 s4, v1;
	_ =	sdelay $0x3  }
0x187: {  	(v2sf) =	vpush v5, $0x9;
	[tilespmem:v52+s0+$0x0] =	vst.idx.msk $0xffff, v6  }
0x188: {  	v54 =	vor.u32 v1, v7;
	(v2sf) =	vpush v5, $0x2;
	v6 =	vld.idx.msk [tilespmem:v53+s14+$0x0], $0xffff  }
0x189: {  	v55 =	vor.u32 s4, v2;
	_ =	sdelay $0x3  }
0x18a: {  	[tilespmem:v54+s0+$0x0] =	vst.idx.msk $0xffff, v6  }
0x18b: {  	v56 =	vor.u32 v2, v7;
	v6 =	vld.idx.msk [tilespmem:v55+s14+$0x0], $0xffff  }
0x18c: {  	v57 =	vor.u32 s4, v3;
	_ =	sdelay $0x3  }
0x18d: {  	[tilespmem:v56+s0+$0x0] =	vst.idx.msk $0xffff, v6  }
0x18e: {  	v7 =	vor.u32 v3, v7;
	v6 =	vld.idx.msk [tilespmem:v57+s14+$0x0], $0xffff;
	_ =	sdelay $0x1  }
0x18f: {  	s5 =	spop (v2sf)  }
0x190: {  	s10 =	spop (v2sf)  }
0x191: {  	s21 =	sand.u32 $0xFFFFF80, s5;
	s4 =	sand.u32 $0x7F, s10  }
0x192: {  	s6 =	sadd.s32 s2, s21;
	s10 =	sadd.s32 $0xFFFFFFF3, s7;
	[tilespmem:v7+s0+$0x0] =	vst.idx.msk $0xffff, v6;
	v6 =	vor.u32 s4, v0  }
0x193: {  	v7 =	vmov s10;
	[tilespmem:s14], [sflag:$0x2] =	stream.strided.gather [hbm4b:s6+s11], $0x2000, s12, s11, $0x38;
	[tilespmem:$0x18200] =	vst v63  }
0x194: {  	v7 =	vand.u32 $0x72, v7;
	_ =	swait.ge [sflag:s28], $0x2000  }
0x195: {  	v7 =	vbroadcast v7, $0x0;
	[sflag:s28] =	ssyncset.done $0x0  }
0x196: {  	[sflag:s28] =	ssyncadd.s32 $0xFFFFE000  }
0x197: {  	v58 =	vor.u32 v0, v7;
	v6 =	vld.idx.msk [tilespmem:v6+s15+$0x0], $0xffff  }
0x198: {  	v59 =	vor.u32 s4, v1;
	_ =	sdelay $0x3  }
0x199: {  	(v2sf) =	vpush v5, $0xA;
	[tilespmem:v58+s0+$0x0] =	vst.idx.msk $0xffff, v6  }
0x19a: {  	v60 =	vor.u32 v1, v7;
	(v2sf) =	vpush v5, $0x3;
	v6 =	vld.idx.msk [tilespmem:v59+s15+$0x0], $0xffff  }
0x19b: {  	v61 =	vor.u32 s4, v2;
	_ =	sdelay $0x3  }
0x19c: {  	[tilespmem:v60+s0+$0x0] =	vst.idx.msk $0xffff, v6  }
0x19d: {  	v62 =	vor.u32 v2, v7;
	v6 =	vld.idx.msk [tilespmem:v61+s15+$0x0], $0xffff  }
0x19e: {  	v63 =	vor.u32 s4, v3;
	_ =	sdelay $0x3  }
0x19f: {  	[tilespmem:v62+s0+$0x0] =	vst.idx.msk $0xffff, v6  }
0x1a0: {  	v7 =	vor.u32 v3, v7;
	v6 =	vld.idx.msk [tilespmem:v63+s15+$0x0], $0xffff;
	_ =	sdelay $0x1  }
0x1a1: {  	s4 =	spop (v2sf)  }
0x1a2: {  	s23 =	spop (v2sf)  }
0x1a3: {  	s31 =	sand.u32 $0xFFFFF80, s4;
	s6 =	sand.u32 $0x7F, s23  }
0x1a4: {  	s21 =	sadd.s32 $0xFFFFFFF4, s7;
	s10 =	sadd.s32 s2, s31;
	[tilespmem:v7+s0+$0x0] =	vst.idx.msk $0xffff, v6;
	v6 =	vor.u32 s6, v0  }
0x1a5: {  	v7 =	vmov s21;
	[tilespmem:s15], [sflag:$0x3] =	stream.strided.gather [hbm4b:s10+s11], $0x2000, s12, s11, $0x38;
	[tilespmem:$0x18200] =	vst v63  }
0x1a6: {  	v7 =	vand.u32 $0x73, v7;
	_ =	swait.ge [sflag:s25], $0x2000  }
0x1a7: {  	v7 =	vbroadcast v7, $0x0;
	[sflag:s25] =	ssyncset.done $0x0  }
0x1a8: {  	[sflag:s25] =	ssyncadd.s32 $0xFFFFE000  }
0x1a9: {  	v12 =	vor.u32 v0, v7;
	v6 =	vld.idx.msk [tilespmem:v6+s16+$0x0], $0xffff  }
0x1aa: {  	v13 =	vor.u32 s6, v1;
	_ =	sdelay $0x3  }
0x1ab: {  	(v2sf) =	vpush v5, $0xB;
	[tilespmem:v12+s0+$0x0] =	vst.idx.msk $0xffff, v6  }
0x1ac: {  	v14 =	vor.u32 v1, v7;
	(v2sf) =	vpush v5, $0x4;
	v6 =	vld.idx.msk [tilespmem:v13+s16+$0x0], $0xffff  }
0x1ad: {  	v15 =	vor.u32 s6, v2;
	_ =	sdelay $0x3  }
0x1ae: {  	[tilespmem:v14+s0+$0x0] =	vst.idx.msk $0xffff, v6  }
0x1af: {  	v16 =	vor.u32 v2, v7;
	v6 =	vld.idx.msk [tilespmem:v15+s16+$0x0], $0xffff  }
0x1b0: {  	v17 =	vor.u32 s6, v3;
	_ =	sdelay $0x3  }
0x1b1: {  	[tilespmem:v16+s0+$0x0] =	vst.idx.msk $0xffff, v6  }
0x1b2: {  	v7 =	vor.u32 v3, v7;
	v6 =	vld.idx.msk [tilespmem:v17+s16+$0x0], $0xffff;
	_ =	sdelay $0x1  }
0x1b3: {  	s6 =	spop (v2sf)  }
0x1b4: {  	s21 =	spop (v2sf)  }
0x1b5: {  	s23 =	sand.u32 $0xFFFFF80, s6;
	s10 =	sand.u32 $0x7F, s21  }
0x1b6: {  	s24 =	simm.s32 $0x5;
	s21 =	sadd.s32 s2, s23;
	s23 =	sadd.s32 $0xFFFFFFF5, s7;
	[tilespmem:v7+s0+$0x0] =	vst.idx.msk $0xffff, v6;
	v6 =	vor.u32 s10, v0  }
0x1b7: {  	v7 =	vmov s23;
	[tilespmem:s16], [sflag:$0x4] =	stream.strided.gather [hbm4b:s21+s11], $0x2000, s12, s11, $0x38;
	[tilespmem:$0x18200] =	vst v63  }
0x1b8: {  	v7 =	vand.u32 $0x74, v7;
	_ =	swait.ge [sflag:s24], $0x2000  }
0x1b9: {  	v7 =	vbroadcast v7, $0x0;
	[sflag:s24] =	ssyncset.done $0x0  }
0x1ba: {  	[sflag:s24] =	ssyncadd.s32 $0xFFFFE000  }
0x1bb: {  	v18 =	vor.u32 v0, v7;
	v6 =	vld.idx.msk [tilespmem:v6+s17+$0x0], $0xffff  }
0x1bc: {  	v19 =	vor.u32 s10, v1;
	_ =	sdelay $0x3  }
0x1bd: {  	(v2sf) =	vpush v5, $0xC;
	[tilespmem:v18+s0+$0x0] =	vst.idx.msk $0xffff, v6  }
0x1be: {  	v20 =	vor.u32 v1, v7;
	(v2sf) =	vpush v5, $0x5;
	v6 =	vld.idx.msk [tilespmem:v19+s17+$0x0], $0xffff  }
0x1bf: {  	v21 =	vor.u32 s10, v2;
	_ =	sdelay $0x3  }
0x1c0: {  	[tilespmem:v20+s0+$0x0] =	vst.idx.msk $0xffff, v6  }
0x1c1: {  	v22 =	vor.u32 v2, v7;
	v6 =	vld.idx.msk [tilespmem:v21+s17+$0x0], $0xffff  }
0x1c2: {  	v23 =	vor.u32 s10, v3;
	_ =	sdelay $0x3  }
0x1c3: {  	[tilespmem:v22+s0+$0x0] =	vst.idx.msk $0xffff, v6  }
0x1c4: {  	v7 =	vor.u32 v3, v7;
	v6 =	vld.idx.msk [tilespmem:v23+s17+$0x0], $0xffff;
	_ =	sdelay $0x1  }
0x1c5: {  	s10 =	spop (v2sf)  }
0x1c6: {  	s24 =	spop (v2sf)  }
0x1c7: {  	s25 =	sand.u32 $0xFFFFF80, s10;
	s21 =	sand.u32 $0x7F, s24  }
0x1c8: {  	s30 =	simm.s32 $0x6;
	s31 =	sadd.s32 $0xFFFFFFF6, s7;
	s23 =	sadd.s32 s2, s25;
	[tilespmem:v7+s0+$0x0] =	vst.idx.msk $0xffff, v6;
	v6 =	vor.u32 s21, v0  }
0x1c9: {  	v7 =	vmov s31;
	[tilespmem:s17], [sflag:$0x5] =	stream.strided.gather [hbm4b:s23+s11], $0x2000, s12, s11, $0x38;
	[tilespmem:$0x18200] =	vst v63  }
0x1ca: {  	v7 =	vand.u32 $0x75, v7;
	_ =	swait.ge [sflag:s30], $0x2000  }
0x1cb: {  	v7 =	vbroadcast v7, $0x0;
	[sflag:s30] =	ssyncset.done $0x0  }
0x1cc: {  	[sflag:s30] =	ssyncadd.s32 $0xFFFFE000  }
0x1cd: {  	v24 =	vor.u32 v0, v7;
	v6 =	vld.idx.msk [tilespmem:v6+s18+$0x0], $0xffff  }
0x1ce: {  	v25 =	vor.u32 s21, v1;
	_ =	sdelay $0x3  }
0x1cf: {  	(v2sf) =	vpush v5, $0xD;
	[tilespmem:v24+s0+$0x0] =	vst.idx.msk $0xffff, v6  }
0x1d0: {  	v26 =	vor.u32 v1, v7;
	(v2sf) =	vpush v5, $0x6;
	v6 =	vld.idx.msk [tilespmem:v25+s18+$0x0], $0xffff  }
0x1d1: {  	v27 =	vor.u32 s21, v2;
	_ =	sdelay $0x3  }
0x1d2: {  	[tilespmem:v26+s0+$0x0] =	vst.idx.msk $0xffff, v6  }
0x1d3: {  	v28 =	vor.u32 v2, v7;
	v6 =	vld.idx.msk [tilespmem:v27+s18+$0x0], $0xffff  }
0x1d4: {  	v29 =	vor.u32 s21, v3;
	_ =	sdelay $0x3  }
0x1d5: {  	[tilespmem:v28+s0+$0x0] =	vst.idx.msk $0xffff, v6  }
0x1d6: {  	v7 =	vor.u32 v3, v7;
	v6 =	vld.idx.msk [tilespmem:v29+s18+$0x0], $0xffff;
	_ =	sdelay $0x1  }
0x1d7: {  	s21 =	spop (v2sf)  }
0x1d8: {  	s24 =	spop (v2sf)  }
0x1d9: {  	s25 =	sand.u32 $0xFFFFF80, s21;
	s23 =	sand.u32 $0x7F, s24  }
0x1da: {  	s31 =	sadd.s32 $0xFFFFFFF7, s7;
	s30 =	simm.s32 $0x7;
	s24 =	sadd.s32 s2, s25;
	[tilespmem:v7+s0+$0x0] =	vst.idx.msk $0xffff, v6;
	v6 =	vor.u32 s23, v0  }
0x1db: {  	v7 =	vmov s31;
	[tilespmem:s18], [sflag:$0x6] =	stream.strided.gather [hbm4b:s24+s11], $0x2000, s12, s11, $0x38;
	[tilespmem:$0x18200] =	vst v63  }
0x1dc: {  	v7 =	vand.u32 $0x76, v7;
	_ =	swait.ge [sflag:s30], $0x2000  }
0x1dd: {  	v7 =	vbroadcast v7, $0x0;
	[sflag:s30] =	ssyncset.done $0x0  }
0x1de: {  	[sflag:s30] =	ssyncadd.s32 $0xFFFFE000  }
0x1df: {  	v30 =	vor.u32 v0, v7;
	v6 =	vld.idx.msk [tilespmem:v6+s19+$0x0], $0xffff  }
0x1e0: {  	v31 =	vor.u32 s23, v1;
	_ =	sdelay $0x3  }
0x1e1: {  	(v2sf) =	vpush v5, $0xE;
	[tilespmem:v30+s0+$0x0] =	vst.idx.msk $0xffff, v6  }
0x1e2: {  	v32 =	vor.u32 v1, v7;
	(v2sf) =	vpush v5, $0x7;
	v6 =	vld.idx.msk [tilespmem:v31+s19+$0x0], $0xffff  }
0x1e3: {  	v33 =	vor.u32 s23, v2;
	_ =	sdelay $0x3  }
0x1e4: {  	[tilespmem:v32+s0+$0x0] =	vst.idx.msk $0xffff, v6  }
0x1e5: {  	v34 =	vor.u32 v2, v7;
	v6 =	vld.idx.msk [tilespmem:v33+s19+$0x0], $0xffff  }
0x1e6: {  	v35 =	vor.u32 s23, v3;
	_ =	sdelay $0x3  }
0x1e7: {  	[tilespmem:v34+s0+$0x0] =	vst.idx.msk $0xffff, v6  }
0x1e8: {  	v7 =	vor.u32 v3, v7;
	v6 =	vld.idx.msk [tilespmem:v35+s19+$0x0], $0xffff;
	_ =	sdelay $0x1  }
0x1e9: {  	s31 =	spop (v2sf)  }
0x1ea: {  	s24 =	spop (v2sf)  }
0x1eb: {  	s25 =	sand.u32 $0xFFFFF80, s31;
	s23 =	sand.u32 $0x7F, s24  }
0x1ec: {  	s29 =	simm.s32 $0x8;
	s24 =	sadd.s32 s2, s25;
	s25 =	sadd.s32 $0xFFFFFFF8, s7;
	[tilespmem:v7+s0+$0x0] =	vst.idx.msk $0xffff, v6;
	v6 =	vor.u32 s23, v0  }
0x1ed: {  	v7 =	vmov s25;
	[tilespmem:s19], [sflag:$0x7] =	stream.strided.gather [hbm4b:s24+s11], $0x2000, s12, s11, $0x38;
	[tilespmem:$0x18200] =	vst v63  }
0x1ee: {  	v7 =	vand.u32 $0x77, v7;
	_ =	swait.ge [sflag:s29], $0x2000  }
0x1ef: {  	v7 =	vbroadcast v7, $0x0;
	[sflag:s29] =	ssyncset.done $0x0  }
0x1f0: {  	[sflag:s29] =	ssyncadd.s32 $0xFFFFE000  }
0x1f1: {  	v36 =	vor.u32 v0, v7;
	v6 =	vld.idx.msk [tilespmem:v6+s20+$0x0], $0xffff  }
0x1f2: {  	v37 =	vor.u32 s23, v1;
	_ =	sdelay $0x3  }
0x1f3: {  	[tilespmem:v36+s0+$0x0] =	vst.idx.msk $0xffff, v6  }
0x1f4: {  	(v2sf) =	vpush v5, $0xF;
	v38 =	vor.u32 v1, v7;
	v6 =	vld.idx.msk [tilespmem:v37+s20+$0x0], $0xffff  }
0x1f5: {  	v5 =	vor.u32 s23, v2;
	_ =	sdelay $0x3  }
0x1f6: {  	[tilespmem:v38+s0+$0x0] =	vst.idx.msk $0xffff, v6  }
0x1f7: {  	v6 =	vor.u32 v2, v7;
	v5 =	vld.idx.msk [tilespmem:v5+s20+$0x0], $0xffff  }
0x1f8: {  	v39 =	vor.u32 s23, v3;
	_ =	sdelay $0x3  }
0x1f9: {  	[tilespmem:v6+s0+$0x0] =	vst.idx.msk $0xffff, v5  }
0x1fa: {  	v6 =	vor.u32 v3, v7;
	v5 =	vld.idx.msk [tilespmem:v39+s20+$0x0], $0xffff;
	_ =	sdelay $0x2  }
0x1fb: {  	s23 =	spop (v2sf)  }
0x1fc: {  	s9 =	sand.u32 $0x7F, s9;
	s25 =	sand.u32 $0xFFFFF80, s23  }
0x1fd: {  	s29 =	sadd.s32 $0xFFFFFFF9, s7;
	s24 =	sadd.s32 s2, s25;
	[tilespmem:v6+s0+$0x0] =	vst.idx.msk $0xffff, v5;
	v5 =	vor.u32 s9, v0  }
0x1fe: {  	v6 =	vmov s29;
	[tilespmem:s20], [sflag:$0x8] =	stream.strided.gather [hbm4b:s24+s11], $0x2000, s12, s11, $0x38;
	[tilespmem:$0x18200] =	vst v63  }
0x1ff: {  	v6 =	vand.u32 $0x78, v6;
	_ =	swait.ge [sflag:s26], $0x2000  }
0x200: {  	v6 =	vbroadcast v6, $0x0;
	[sflag:s26] =	ssyncset.done $0x0  }
0x201: {  	[sflag:s26] =	ssyncadd.s32 $0xFFFFE000  }
0x202: {  	v7 =	vor.u32 v0, v6;
	v5 =	vld.idx.msk [tilespmem:v5+s13+$0x0], $0xffff  }
0x203: {  	v40 =	vor.u32 s9, v1;
	_ =	sdelay $0x3  }
0x204: {  	[tilespmem:v7+s0+$0x0] =	vst.idx.msk $0xffff, v5  }
0x205: {  	(v2sf) =	vpush v4, $0x0;
	v7 =	vor.u32 v1, v6;
	v5 =	vld.idx.msk [tilespmem:v40+s13+$0x0], $0xffff  }
0x206: {  	v41 =	vor.u32 s9, v2;
	_ =	sdelay $0x3  }
0x207: {  	[tilespmem:v7+s0+$0x0] =	vst.idx.msk $0xffff, v5  }
0x208: {  	v7 =	vor.u32 v2, v6;
	v5 =	vld.idx.msk [tilespmem:v41+s13+$0x0], $0xffff  }
0x209: {  	v42 =	vor.u32 s9, v3;
	_ =	sdelay $0x3  }
0x20a: {  	[tilespmem:v7+s0+$0x0] =	vst.idx.msk $0xffff, v5  }
0x20b: {  	v6 =	vor.u32 v3, v6;
	v5 =	vld.idx.msk [tilespmem:v42+s13+$0x0], $0xffff;
	_ =	sdelay $0x2  }
0x20c: {  	s24 =	spop (v2sf)  }
0x20d: {  	s5 =	sand.u32 $0x7F, s5;
	s9 =	sand.u32 $0xFFFFF80, s24  }
0x20e: {  	s29 =	sadd.s32 $0xFFFFFFFA, s7;
	s24 =	simm.s32 $0x2;
	s9 =	sadd.s32 s2, s9;
	[tilespmem:v6+s0+$0x0] =	vst.idx.msk $0xffff, v5;
	v5 =	vor.u32 s5, v0  }
0x20f: {  	v6 =	vmov s29;
	[tilespmem:s13], [sflag:$0x1] =	stream.strided.gather [hbm4b:s9+s11], $0x2000, s12, s11, $0x38;
	[tilespmem:$0x18200] =	vst v63  }
0x210: {  	v6 =	vand.u32 $0x79, v6;
	_ =	swait.ge [sflag:s24], $0x2000  }
0x211: {  	v6 =	vbroadcast v6, $0x0;
	[sflag:s24] =	ssyncset.done $0x0  }
0x212: {  	[sflag:s24] =	ssyncadd.s32 $0xFFFFE000  }
0x213: {  	v7 =	vor.u32 v0, v6;
	v5 =	vld.idx.msk [tilespmem:v5+s14+$0x0], $0xffff  }
0x214: {  	v43 =	vor.u32 s5, v1;
	_ =	sdelay $0x3  }
0x215: {  	[tilespmem:v7+s0+$0x0] =	vst.idx.msk $0xffff, v5  }
0x216: {  	(v2sf) =	vpush v4, $0x1;
	v7 =	vor.u32 v1, v6;
	v5 =	vld.idx.msk [tilespmem:v43+s14+$0x0], $0xffff  }
0x217: {  	v44 =	vor.u32 s5, v2;
	_ =	sdelay $0x3  }
0x218: {  	[tilespmem:v7+s0+$0x0] =	vst.idx.msk $0xffff, v5  }
0x219: {  	v7 =	vor.u32 v2, v6;
	v5 =	vld.idx.msk [tilespmem:v44+s14+$0x0], $0xffff  }
0x21a: {  	v45 =	vor.u32 s5, v3;
	_ =	sdelay $0x3  }
0x21b: {  	[tilespmem:v7+s0+$0x0] =	vst.idx.msk $0xffff, v5  }
0x21c: {  	v6 =	vor.u32 v3, v6;
	v5 =	vld.idx.msk [tilespmem:v45+s14+$0x0], $0xffff;
	_ =	sdelay $0x2  }
0x21d: {  	s9 =	spop (v2sf)  }
0x21e: {  	s4 =	sand.u32 $0x7F, s4;
	s5 =	sand.u32 $0xFFFFF80, s9  }
0x21f: {  	s29 =	sadd.s32 $0xFFFFFFFB, s7;
	s5 =	sadd.s32 s2, s5;
	[tilespmem:v6+s0+$0x0] =	vst.idx.msk $0xffff, v5;
	v5 =	vor.u32 s4, v0  }
0x220: {  	v6 =	vmov s29;
	[tilespmem:s14], [sflag:$0x2] =	stream.strided.gather [hbm4b:s5+s11], $0x2000, s12, s11, $0x38;
	[tilespmem:$0x18200] =	vst v63  }
0x221: {  	v6 =	vand.u32 $0x7A, v6;
	_ =	swait.ge [sflag:s28], $0x2000  }
0x222: {  	v6 =	vbroadcast v6, $0x0;
	[sflag:s28] =	ssyncset.done $0x0  }
0x223: {  	[sflag:s28] =	ssyncadd.s32 $0xFFFFE000  }
0x224: {  	v7 =	vor.u32 v0, v6;
	v5 =	vld.idx.msk [tilespmem:v5+s15+$0x0], $0xffff  }
0x225: {  	v46 =	vor.u32 s4, v1;
	_ =	sdelay $0x3  }
0x226: {  	[tilespmem:v7+s0+$0x0] =	vst.idx.msk $0xffff, v5  }
0x227: {  	(v2sf) =	vpush v4, $0x2;
	v7 =	vor.u32 v1, v6;
	v5 =	vld.idx.msk [tilespmem:v46+s15+$0x0], $0xffff  }
0x228: {  	v47 =	vor.u32 s4, v2;
	_ =	sdelay $0x3  }
0x229: {  	[tilespmem:v7+s0+$0x0] =	vst.idx.msk $0xffff, v5  }
0x22a: {  	v7 =	vor.u32 v2, v6;
	v5 =	vld.idx.msk [tilespmem:v47+s15+$0x0], $0xffff  }
0x22b: {  	v48 =	vor.u32 s4, v3;
	_ =	sdelay $0x3  }
0x22c: {  	[tilespmem:v7+s0+$0x0] =	vst.idx.msk $0xffff, v5  }
0x22d: {  	v6 =	vor.u32 v3, v6;
	v5 =	vld.idx.msk [tilespmem:v48+s15+$0x0], $0xffff;
	_ =	sdelay $0x2  }
0x22e: {  	s5 =	spop (v2sf)  }
0x22f: {  	s4 =	sand.u32 $0xFFFFF80, s5;
	s5 =	sand.u32 $0x7F, s6  }
0x230: {  	s25 =	simm.s32 $0x4;
	s29 =	sadd.s32 $0xFFFFFFFC, s7;
	s4 =	sadd.s32 s2, s4;
	[tilespmem:v6+s0+$0x0] =	vst.idx.msk $0xffff, v5;
	v5 =	vor.u32 s5, v0  }
0x231: {  	v6 =	vmov s29;
	[tilespmem:s15], [sflag:$0x3] =	stream.strided.gather [hbm4b:s4+s11], $0x2000, s12, s11, $0x38;
	[tilespmem:$0x18200] =	vst v63  }
0x232: {  	v6 =	vand.u32 $0x7B, v6;
	_ =	swait.ge [sflag:s25], $0x2000  }
0x233: {  	v6 =	vbroadcast v6, $0x0;
	[sflag:s25] =	ssyncset.done $0x0  }
0x234: {  	[sflag:s25] =	ssyncadd.s32 $0xFFFFE000  }
0x235: {  	v7 =	vor.u32 v0, v6;
	v5 =	vld.idx.msk [tilespmem:v5+s16+$0x0], $0xffff  }
0x236: {  	v49 =	vor.u32 s5, v1;
	_ =	sdelay $0x3  }
0x237: {  	[tilespmem:v7+s0+$0x0] =	vst.idx.msk $0xffff, v5  }
0x238: {  	(v2sf) =	vpush v4, $0x3;
	v7 =	vor.u32 v1, v6;
	v5 =	vld.idx.msk [tilespmem:v49+s16+$0x0], $0xffff  }
0x239: {  	v50 =	vor.u32 s5, v2;
	_ =	sdelay $0x3  }
0x23a: {  	[tilespmem:v7+s0+$0x0] =	vst.idx.msk $0xffff, v5  }
0x23b: {  	v7 =	vor.u32 v2, v6;
	v5 =	vld.idx.msk [tilespmem:v50+s16+$0x0], $0xffff  }
0x23c: {  	v51 =	vor.u32 s5, v3;
	_ =	sdelay $0x3  }
0x23d: {  	[tilespmem:v7+s0+$0x0] =	vst.idx.msk $0xffff, v5  }
0x23e: {  	v6 =	vor.u32 v3, v6;
	v5 =	vld.idx.msk [tilespmem:v51+s16+$0x0], $0xffff;
	_ =	sdelay $0x2  }
0x23f: {  	s6 =	spop (v2sf)  }
0x240: {  	s5 =	sand.u32 $0x7F, s10;
	s4 =	sand.u32 $0xFFFFF80, s6  }
0x241: {  	s10 =	simm.s32 $0x5;
	s29 =	sadd.s32 $0xFFFFFFFD, s7;
	s4 =	sadd.s32 s2, s4;
	[tilespmem:v6+s0+$0x0] =	vst.idx.msk $0xffff, v5;
	v5 =	vor.u32 s5, v0  }
0x242: {  	v6 =	vmov s29;
	[tilespmem:s16], [sflag:$0x4] =	stream.strided.gather [hbm4b:s4+s11], $0x2000, s12, s11, $0x38;
	[tilespmem:$0x18200] =	vst v63  }
0x243: {  	v6 =	vand.u32 $0x7C, v6;
	_ =	swait.ge [sflag:s10], $0x2000  }
0x244: {  	v6 =	vbroadcast v6, $0x0;
	[sflag:s10] =	ssyncset.done $0x0  }
0x245: {  	[sflag:s10] =	ssyncadd.s32 $0xFFFFE000  }
0x246: {  	v7 =	vor.u32 v0, v6;
	v5 =	vld.idx.msk [tilespmem:v5+s17+$0x0], $0xffff  }
0x247: {  	v52 =	vor.u32 s5, v1;
	_ =	sdelay $0x3  }
0x248: {  	[tilespmem:v7+s0+$0x0] =	vst.idx.msk $0xffff, v5  }
0x249: {  	(v2sf) =	vpush v4, $0x4;
	v7 =	vor.u32 v1, v6;
	v5 =	vld.idx.msk [tilespmem:v52+s17+$0x0], $0xffff  }
0x24a: {  	v53 =	vor.u32 s5, v2;
	_ =	sdelay $0x3  }
0x24b: {  	[tilespmem:v7+s0+$0x0] =	vst.idx.msk $0xffff, v5  }
0x24c: {  	v7 =	vor.u32 v2, v6;
	v5 =	vld.idx.msk [tilespmem:v53+s17+$0x0], $0xffff  }
0x24d: {  	v54 =	vor.u32 s5, v3;
	_ =	sdelay $0x3  }
0x24e: {  	[tilespmem:v7+s0+$0x0] =	vst.idx.msk $0xffff, v5  }
0x24f: {  	v6 =	vor.u32 v3, v6;
	v5 =	vld.idx.msk [tilespmem:v54+s17+$0x0], $0xffff;
	_ =	sdelay $0x2  }
0x250: {  	s10 =	spop (v2sf)  }
0x251: {  	s21 =	sand.u32 $0x7F, s21;
	s4 =	sand.u32 $0xFFFFF80, s10  }
0x252: {  	s9 =	simm.s32 $0x6;
	s29 =	sadd.s32 $0xFFFFFFFE, s7;
	s4 =	sadd.s32 s2, s4;
	[tilespmem:v6+s0+$0x0] =	vst.idx.msk $0xffff, v5;
	v5 =	vor.u32 s21, v0  }
0x253: {  	v6 =	vmov s29;
	[tilespmem:s17], [sflag:$0x5] =	stream.strided.gather [hbm4b:s4+s11], $0x2000, s12, s11, $0x38;
	[tilespmem:$0x18200] =	vst v63  }
0x254: {  	v6 =	vand.u32 $0x7D, v6;
	_ =	swait.ge [sflag:s9], $0x2000  }
0x255: {  	v6 =	vbroadcast v6, $0x0;
	[sflag:s9] =	ssyncset.done $0x0  }
0x256: {  	[sflag:s9] =	ssyncadd.s32 $0xFFFFE000  }
0x257: {  	v7 =	vor.u32 v0, v6;
	v5 =	vld.idx.msk [tilespmem:v5+s18+$0x0], $0xffff  }
0x258: {  	v55 =	vor.u32 s21, v1;
	_ =	sdelay $0x3  }
0x259: {  	[tilespmem:v7+s0+$0x0] =	vst.idx.msk $0xffff, v5  }
0x25a: {  	(v2sf) =	vpush v4, $0x5;
	v7 =	vor.u32 v1, v6;
	v5 =	vld.idx.msk [tilespmem:v55+s18+$0x0], $0xffff  }
0x25b: {  	v56 =	vor.u32 s21, v2;
	_ =	sdelay $0x3  }
0x25c: {  	[tilespmem:v7+s0+$0x0] =	vst.idx.msk $0xffff, v5  }
0x25d: {  	v7 =	vor.u32 v2, v6;
	v5 =	vld.idx.msk [tilespmem:v56+s18+$0x0], $0xffff  }
0x25e: {  	v57 =	vor.u32 s21, v3;
	_ =	sdelay $0x3  }
0x25f: {  	[tilespmem:v7+s0+$0x0] =	vst.idx.msk $0xffff, v5  }
0x260: {  	v6 =	vor.u32 v3, v6;
	v5 =	vld.idx.msk [tilespmem:v57+s18+$0x0], $0xffff;
	_ =	sdelay $0x2  }
0x261: {  	s6 =	spop (v2sf)  }
0x262: {  	s9 =	sand.u32 $0x7F, s31;
	s4 =	sand.u32 $0xFFFFF80, s6  }
0x263: {  	s10 =	sadd.s32 $0xFFFFFFFF, s7;
	s4 =	sadd.s32 s2, s4;
	[tilespmem:v6+s0+$0x0] =	vst.idx.msk $0xffff, v5;
	v5 =	vor.u32 s9, v0  }
0x264: {  	v6 =	vmov s10;
	[tilespmem:s18], [sflag:$0x6] =	stream.strided.gather [hbm4b:s4+s11], $0x2000, s12, s11, $0x38;
	[tilespmem:$0x18200] =	vst v63  }
0x265: {  	v6 =	vand.u32 $0x7E, v6;
	_ =	swait.ge [sflag:s30], $0x2000  }
0x266: {  	v6 =	vbroadcast v6, $0x0;
	[sflag:s30] =	ssyncset.done $0x0  }
0x267: {  	[sflag:s30] =	ssyncadd.s32 $0xFFFFE000  }
0x268: {  	v7 =	vor.u32 v0, v6;
	v5 =	vld.idx.msk [tilespmem:v5+s19+$0x0], $0xffff  }
0x269: {  	v58 =	vor.u32 s9, v1;
	_ =	sdelay $0x3  }
0x26a: {  	[tilespmem:v7+s0+$0x0] =	vst.idx.msk $0xffff, v5  }
0x26b: {  	(v2sf) =	vpush v4, $0x6;
	v7 =	vor.u32 v1, v6;
	v5 =	vld.idx.msk [tilespmem:v58+s19+$0x0], $0xffff  }
0x26c: {  	v59 =	vor.u32 s9, v2;
	_ =	sdelay $0x3  }
0x26d: {  	[tilespmem:v7+s0+$0x0] =	vst.idx.msk $0xffff, v5  }
0x26e: {  	v7 =	vor.u32 v2, v6;
	v5 =	vld.idx.msk [tilespmem:v59+s19+$0x0], $0xffff  }
0x26f: {  	v60 =	vor.u32 s9, v3;
	_ =	sdelay $0x3  }
0x270: {  	[tilespmem:v7+s0+$0x0] =	vst.idx.msk $0xffff, v5  }
0x271: {  	v6 =	vor.u32 v3, v6;
	v5 =	vld.idx.msk [tilespmem:v60+s19+$0x0], $0xffff;
	_ =	sdelay $0x2  }
0x272: {  	s29 =	spop (v2sf)  }
0x273: {  	s30 =	sand.u32 $0x7F, s23;
	s4 =	sand.u32 $0xFFFFF80, s29  }
0x274: {  	s21 =	simm.s32 $0x8;
	s4 =	sadd.s32 s2, s4;
	[tilespmem:v6+s0+$0x0] =	vst.idx.msk $0xffff, v5;
	v5 =	vor.u32 s30, v0  }
0x275: {  	v6 =	vmov s7;
	[tilespmem:s19], [sflag:$0x7] =	stream.strided.gather [hbm4b:s4+s11], $0x2000, s12, s11, $0x38;
	[tilespmem:$0x18200] =	vst v63  }
0x276: {  	v6 =	vand.u32 $0x7F, v6;
	_ =	swait.ge [sflag:s21], $0x2000  }
0x277: {  	v6 =	vbroadcast v6, $0x0;
	[sflag:s21] =	ssyncset.done $0x0  }
0x278: {  	[sflag:s21] =	ssyncadd.s32 $0xFFFFE000  }
0x279: {  	v7 =	vor.u32 v0, v6;
	v5 =	vld.idx.msk [tilespmem:v5+s20+$0x0], $0xffff  }
0x27a: {  	v61 =	vor.u32 s30, v1;
	_ =	sdelay $0x3  }
0x27b: {  	[tilespmem:v7+s0+$0x0] =	vst.idx.msk $0xffff, v5  }
0x27c: {  	(v2sf) =	vpush v4, $0x7;
	v7 =	vor.u32 v1, v6;
	v5 =	vld.idx.msk [tilespmem:v61+s20+$0x0], $0xffff  }
0x27d: {  	v62 =	vor.u32 s30, v2;
	_ =	sdelay $0x3  }
0x27e: {  	[tilespmem:v7+s0+$0x0] =	vst.idx.msk $0xffff, v5  }
0x27f: {  	v7 =	vor.u32 v2, v6;
	v5 =	vld.idx.msk [tilespmem:v62+s20+$0x0], $0xffff  }
0x280: {  	v63 =	vor.u32 s30, v3;
	_ =	sdelay $0x3  }
0x281: {  	[tilespmem:v7+s0+$0x0] =	vst.idx.msk $0xffff, v5  }
0x282: {  	v6 =	vor.u32 v3, v6;
	v5 =	vld.idx.msk [tilespmem:v63+s20+$0x0], $0xffff  }
0x283: {  	p0 =	sne.s32 s7, $0x7F  }
.Ltmp3:
0x284: {  	_ = 	snop;
	(pc) =	sbr.rel @p0 .LBB2_4-.Ltmp3, $4  }
0x285: {  	s31 =	spop (v2sf)  }
0x286: {  	s4 =	sand.u32 $0xFFFFF80, s31  }
0x287: {  	s8 =	sadd.s32 $0x10, s8;
	s7 =	sadd.s32 $0x10, s7;
	s4 =	sadd.s32 s2, s4;
	[tilespmem:v6+s0+$0x0] =	vst.idx.msk $0xffff, v5  }
0x288: {  	[tilespmem:s20], [sflag:$0x8] =	stream.strided.gather [hbm4b:s4+s11], $0x2000, s12, s11, $0x38;
	[tilespmem:$0x18200] =	vst v63  }
0x289: {  	s4 =	rddreg [dreg:$0x6]  }
0x28a: {  	s5 =	simm.s32 $0x20000;
	s7 =	simm.s32 $0xF;
	s8 =	simm.s32 $0x110  }
0x28b: {  	[hbm4b:s4+s11] =	stream.strided.scatter [tilespmem:s0], [sflag:$0x9], $0x2000, s5, s11, $0x38;
	[tilespmem:$0x18200] =	vst v63  }
.LBB2_6:
0x28c: {  	(v2sf) =	vpush v4, $0x0;
	_ =	sdelay $0xe  }
0x28d: {  	s4 =	spop (v2sf)  }
0x28e: {  	s4 =	sand.u32 $0x7F, s4  }
0x28f: {  	s5 =	sadd.s32 $0xFFFFFFF1, s7;
	v6 =	vor.u32 s4, v0  }
0x290: {  	v7 =	vmov s5  }
0x291: {  	v5 =	vmov v4;
	v4 =	vld [tilespmem:s8+$0x0];
	v7 =	vand.u32 $0x70, v7;
	_ =	swait.ge [sflag:s26], $0x2000  }
0x292: {  	v7 =	vbroadcast v7, $0x0;
	[sflag:s26] =	ssyncset.done $0x0  }
0x293: {  	[sflag:s26] =	ssyncadd.s32 $0xFFFFE000  }
0x294: {  	v8 =	vor.u32 v0, v7;
	v6 =	vld.idx.msk [tilespmem:v6+s13+$0x0], $0xffff  }
0x295: {  	v9 =	vor.u32 s4, v1;
	_ =	sdelay $0x3  }
0x296: {  	(v2sf) =	vpush v5, $0x8;
	[tilespmem:v8+s1+$0x0] =	vst.idx.msk $0xffff, v6  }
0x297: {  	v48 =	vor.u32 v1, v7;
	(v2sf) =	vpush v5, $0x1;
	v6 =	vld.idx.msk [tilespmem:v9+s13+$0x0], $0xffff  }
0x298: {  	v49 =	vor.u32 s4, v2;
	_ =	sdelay $0x3  }
0x299: {  	[tilespmem:v48+s1+$0x0] =	vst.idx.msk $0xffff, v6  }
0x29a: {  	v50 =	vor.u32 v2, v7;
	v6 =	vld.idx.msk [tilespmem:v49+s13+$0x0], $0xffff  }
0x29b: {  	v51 =	vor.u32 s4, v3;
	_ =	sdelay $0x3  }
0x29c: {  	[tilespmem:v50+s1+$0x0] =	vst.idx.msk $0xffff, v6  }
0x29d: {  	v7 =	vor.u32 v3, v7;
	v6 =	vld.idx.msk [tilespmem:v51+s13+$0x0], $0xffff;
	_ =	sdelay $0x1  }
0x29e: {  	s9 =	spop (v2sf)  }
0x29f: {  	s5 =	spop (v2sf)  }
0x2a0: {  	s6 =	sand.u32 $0xFFFFF80, s9;
	s4 =	sand.u32 $0x7F, s5  }
0x2a1: {  	s5 =	sadd.s32 s2, s6;
	s6 =	sadd.s32 $0xFFFFFFF2, s7;
	[tilespmem:v7+s1+$0x0] =	vst.idx.msk $0xffff, v6;
	v6 =	vor.u32 s4, v0  }
0x2a2: {  	v7 =	vmov s6;
	[tilespmem:s13], [sflag:$0x1] =	stream.strided.gather [hbm4b:s5+s11], $0x2000, s12, s11, $0x38;
	[tilespmem:$0x18200] =	vst v63  }
0x2a3: {  	v7 =	vand.u32 $0x71, v7;
	_ =	swait.ge [sflag:s24], $0x2000  }
0x2a4: {  	v7 =	vbroadcast v7, $0x0;
	[sflag:s24] =	ssyncset.done $0x0  }
0x2a5: {  	[sflag:s24] =	ssyncadd.s32 $0xFFFFE000  }
0x2a6: {  	v52 =	vor.u32 v0, v7;
	v6 =	vld.idx.msk [tilespmem:v6+s14+$0x0], $0xffff  }
0x2a7: {  	v53 =	vor.u32 s4, v1;
	_ =	sdelay $0x3  }
0x2a8: {  	(v2sf) =	vpush v5, $0x9;
	[tilespmem:v52+s1+$0x0] =	vst.idx.msk $0xffff, v6  }
0x2a9: {  	v54 =	vor.u32 v1, v7;
	(v2sf) =	vpush v5, $0x2;
	v6 =	vld.idx.msk [tilespmem:v53+s14+$0x0], $0xffff  }
0x2aa: {  	v55 =	vor.u32 s4, v2;
	_ =	sdelay $0x3  }
0x2ab: {  	[tilespmem:v54+s1+$0x0] =	vst.idx.msk $0xffff, v6  }
0x2ac: {  	v56 =	vor.u32 v2, v7;
	v6 =	vld.idx.msk [tilespmem:v55+s14+$0x0], $0xffff  }
0x2ad: {  	v57 =	vor.u32 s4, v3;
	_ =	sdelay $0x3  }
0x2ae: {  	[tilespmem:v56+s1+$0x0] =	vst.idx.msk $0xffff, v6  }
0x2af: {  	v7 =	vor.u32 v3, v7;
	v6 =	vld.idx.msk [tilespmem:v57+s14+$0x0], $0xffff;
	_ =	sdelay $0x1  }
0x2b0: {  	s5 =	spop (v2sf)  }
0x2b1: {  	s10 =	spop (v2sf)  }
0x2b2: {  	s21 =	sand.u32 $0xFFFFF80, s5;
	s4 =	sand.u32 $0x7F, s10  }
0x2b3: {  	s6 =	sadd.s32 s2, s21;
	s10 =	sadd.s32 $0xFFFFFFF3, s7;
	[tilespmem:v7+s1+$0x0] =	vst.idx.msk $0xffff, v6;
	v6 =	vor.u32 s4, v0  }
0x2b4: {  	v7 =	vmov s10;
	[tilespmem:s14], [sflag:$0x2] =	stream.strided.gather [hbm4b:s6+s11], $0x2000, s12, s11, $0x38;
	[tilespmem:$0x18200] =	vst v63  }
0x2b5: {  	v7 =	vand.u32 $0x72, v7;
	_ =	swait.ge [sflag:s28], $0x2000  }
0x2b6: {  	v7 =	vbroadcast v7, $0x0;
	[sflag:s28] =	ssyncset.done $0x0  }
0x2b7: {  	[sflag:s28] =	ssyncadd.s32 $0xFFFFE000  }
0x2b8: {  	v58 =	vor.u32 v0, v7;
	v6 =	vld.idx.msk [tilespmem:v6+s15+$0x0], $0xffff  }
0x2b9: {  	v59 =	vor.u32 s4, v1;
	_ =	sdelay $0x3  }
0x2ba: {  	(v2sf) =	vpush v5, $0xA;
	[tilespmem:v58+s1+$0x0] =	vst.idx.msk $0xffff, v6  }
0x2bb: {  	v60 =	vor.u32 v1, v7;
	(v2sf) =	vpush v5, $0x3;
	v6 =	vld.idx.msk [tilespmem:v59+s15+$0x0], $0xffff  }
0x2bc: {  	v61 =	vor.u32 s4, v2;
	_ =	sdelay $0x3  }
0x2bd: {  	[tilespmem:v60+s1+$0x0] =	vst.idx.msk $0xffff, v6  }
0x2be: {  	v62 =	vor.u32 v2, v7;
	v6 =	vld.idx.msk [tilespmem:v61+s15+$0x0], $0xffff  }
0x2bf: {  	v63 =	vor.u32 s4, v3;
	_ =	sdelay $0x3  }
0x2c0: {  	[tilespmem:v62+s1+$0x0] =	vst.idx.msk $0xffff, v6  }
0x2c1: {  	v7 =	vor.u32 v3, v7;
	v6 =	vld.idx.msk [tilespmem:v63+s15+$0x0], $0xffff;
	_ =	sdelay $0x1  }
0x2c2: {  	s4 =	spop (v2sf)  }
0x2c3: {  	s23 =	spop (v2sf)  }
0x2c4: {  	s31 =	sand.u32 $0xFFFFF80, s4;
	s6 =	sand.u32 $0x7F, s23  }
0x2c5: {  	s21 =	sadd.s32 $0xFFFFFFF4, s7;
	s10 =	sadd.s32 s2, s31;
	[tilespmem:v7+s1+$0x0] =	vst.idx.msk $0xffff, v6;
	v6 =	vor.u32 s6, v0  }
0x2c6: {  	v7 =	vmov s21;
	[tilespmem:s15], [sflag:$0x3] =	stream.strided.gather [hbm4b:s10+s11], $0x2000, s12, s11, $0x38;
	[tilespmem:$0x18200] =	vst v63  }
0x2c7: {  	v7 =	vand.u32 $0x73, v7;
	_ =	swait.ge [sflag:s25], $0x2000  }
0x2c8: {  	v7 =	vbroadcast v7, $0x0;
	[sflag:s25] =	ssyncset.done $0x0  }
0x2c9: {  	[sflag:s25] =	ssyncadd.s32 $0xFFFFE000  }
0x2ca: {  	v12 =	vor.u32 v0, v7;
	v6 =	vld.idx.msk [tilespmem:v6+s16+$0x0], $0xffff  }
0x2cb: {  	v13 =	vor.u32 s6, v1;
	_ =	sdelay $0x3  }
0x2cc: {  	(v2sf) =	vpush v5, $0xB;
	[tilespmem:v12+s1+$0x0] =	vst.idx.msk $0xffff, v6  }
0x2cd: {  	v14 =	vor.u32 v1, v7;
	(v2sf) =	vpush v5, $0x4;
	v6 =	vld.idx.msk [tilespmem:v13+s16+$0x0], $0xffff  }
0x2ce: {  	v15 =	vor.u32 s6, v2;
	_ =	sdelay $0x3  }
0x2cf: {  	[tilespmem:v14+s1+$0x0] =	vst.idx.msk $0xffff, v6  }
0x2d0: {  	v16 =	vor.u32 v2, v7;
	v6 =	vld.idx.msk [tilespmem:v15+s16+$0x0], $0xffff  }
0x2d1: {  	v17 =	vor.u32 s6, v3;
	_ =	sdelay $0x3  }
0x2d2: {  	[tilespmem:v16+s1+$0x0] =	vst.idx.msk $0xffff, v6  }
0x2d3: {  	v7 =	vor.u32 v3, v7;
	v6 =	vld.idx.msk [tilespmem:v17+s16+$0x0], $0xffff;
	_ =	sdelay $0x1  }
0x2d4: {  	s6 =	spop (v2sf)  }
0x2d5: {  	s21 =	spop (v2sf)  }
0x2d6: {  	s23 =	sand.u32 $0xFFFFF80, s6;
	s10 =	sand.u32 $0x7F, s21  }
0x2d7: {  	s24 =	simm.s32 $0x5;
	s21 =	sadd.s32 s2, s23;
	s23 =	sadd.s32 $0xFFFFFFF5, s7;
	[tilespmem:v7+s1+$0x0] =	vst.idx.msk $0xffff, v6;
	v6 =	vor.u32 s10, v0  }
0x2d8: {  	v7 =	vmov s23;
	[tilespmem:s16], [sflag:$0x4] =	stream.strided.gather [hbm4b:s21+s11], $0x2000, s12, s11, $0x38;
	[tilespmem:$0x18200] =	vst v63  }
0x2d9: {  	v7 =	vand.u32 $0x74, v7;
	_ =	swait.ge [sflag:s24], $0x2000  }
0x2da: {  	v7 =	vbroadcast v7, $0x0;
	[sflag:s24] =	ssyncset.done $0x0  }
0x2db: {  	[sflag:s24] =	ssyncadd.s32 $0xFFFFE000  }
0x2dc: {  	v18 =	vor.u32 v0, v7;
	v6 =	vld.idx.msk [tilespmem:v6+s17+$0x0], $0xffff  }
0x2dd: {  	v19 =	vor.u32 s10, v1;
	_ =	sdelay $0x3  }
0x2de: {  	(v2sf) =	vpush v5, $0xC;
	[tilespmem:v18+s1+$0x0] =	vst.idx.msk $0xffff, v6  }
0x2df: {  	v20 =	vor.u32 v1, v7;
	(v2sf) =	vpush v5, $0x5;
	v6 =	vld.idx.msk [tilespmem:v19+s17+$0x0], $0xffff  }
0x2e0: {  	v21 =	vor.u32 s10, v2;
	_ =	sdelay $0x3  }
0x2e1: {  	[tilespmem:v20+s1+$0x0] =	vst.idx.msk $0xffff, v6  }
0x2e2: {  	v22 =	vor.u32 v2, v7;
	v6 =	vld.idx.msk [tilespmem:v21+s17+$0x0], $0xffff  }
0x2e3: {  	v23 =	vor.u32 s10, v3;
	_ =	sdelay $0x3  }
0x2e4: {  	[tilespmem:v22+s1+$0x0] =	vst.idx.msk $0xffff, v6  }
0x2e5: {  	v7 =	vor.u32 v3, v7;
	v6 =	vld.idx.msk [tilespmem:v23+s17+$0x0], $0xffff;
	_ =	sdelay $0x1  }
0x2e6: {  	s10 =	spop (v2sf)  }
0x2e7: {  	s24 =	spop (v2sf)  }
0x2e8: {  	s25 =	sand.u32 $0xFFFFF80, s10;
	s21 =	sand.u32 $0x7F, s24  }
0x2e9: {  	s30 =	simm.s32 $0x6;
	s31 =	sadd.s32 $0xFFFFFFF6, s7;
	s23 =	sadd.s32 s2, s25;
	[tilespmem:v7+s1+$0x0] =	vst.idx.msk $0xffff, v6;
	v6 =	vor.u32 s21, v0  }
0x2ea: {  	v7 =	vmov s31;
	[tilespmem:s17], [sflag:$0x5] =	stream.strided.gather [hbm4b:s23+s11], $0x2000, s12, s11, $0x38;
	[tilespmem:$0x18200] =	vst v63  }
0x2eb: {  	v7 =	vand.u32 $0x75, v7;
	_ =	swait.ge [sflag:s30], $0x2000  }
0x2ec: {  	v7 =	vbroadcast v7, $0x0;
	[sflag:s30] =	ssyncset.done $0x0  }
0x2ed: {  	[sflag:s30] =	ssyncadd.s32 $0xFFFFE000  }
0x2ee: {  	v24 =	vor.u32 v0, v7;
	v6 =	vld.idx.msk [tilespmem:v6+s18+$0x0], $0xffff  }
0x2ef: {  	v25 =	vor.u32 s21, v1;
	_ =	sdelay $0x3  }
0x2f0: {  	(v2sf) =	vpush v5, $0xD;
	[tilespmem:v24+s1+$0x0] =	vst.idx.msk $0xffff, v6  }
0x2f1: {  	v26 =	vor.u32 v1, v7;
	(v2sf) =	vpush v5, $0x6;
	v6 =	vld.idx.msk [tilespmem:v25+s18+$0x0], $0xffff  }
0x2f2: {  	v27 =	vor.u32 s21, v2;
	_ =	sdelay $0x3  }
0x2f3: {  	[tilespmem:v26+s1+$0x0] =	vst.idx.msk $0xffff, v6  }
0x2f4: {  	v28 =	vor.u32 v2, v7;
	v6 =	vld.idx.msk [tilespmem:v27+s18+$0x0], $0xffff  }
0x2f5: {  	v29 =	vor.u32 s21, v3;
	_ =	sdelay $0x3  }
0x2f6: {  	[tilespmem:v28+s1+$0x0] =	vst.idx.msk $0xffff, v6  }
0x2f7: {  	v7 =	vor.u32 v3, v7;
	v6 =	vld.idx.msk [tilespmem:v29+s18+$0x0], $0xffff;
	_ =	sdelay $0x1  }
0x2f8: {  	s21 =	spop (v2sf)  }
0x2f9: {  	s24 =	spop (v2sf)  }
0x2fa: {  	s25 =	sand.u32 $0xFFFFF80, s21;
	s23 =	sand.u32 $0x7F, s24  }
0x2fb: {  	s31 =	sadd.s32 $0xFFFFFFF7, s7;
	s30 =	simm.s32 $0x7;
	s24 =	sadd.s32 s2, s25;
	[tilespmem:v7+s1+$0x0] =	vst.idx.msk $0xffff, v6;
	v6 =	vor.u32 s23, v0  }
0x2fc: {  	v7 =	vmov s31;
	[tilespmem:s18], [sflag:$0x6] =	stream.strided.gather [hbm4b:s24+s11], $0x2000, s12, s11, $0x38;
	[tilespmem:$0x18200] =	vst v63  }
0x2fd: {  	v7 =	vand.u32 $0x76, v7;
	_ =	swait.ge [sflag:s30], $0x2000  }
0x2fe: {  	v7 =	vbroadcast v7, $0x0;
	[sflag:s30] =	ssyncset.done $0x0  }
0x2ff: {  	[sflag:s30] =	ssyncadd.s32 $0xFFFFE000  }
0x300: {  	v30 =	vor.u32 v0, v7;
	v6 =	vld.idx.msk [tilespmem:v6+s19+$0x0], $0xffff  }
0x301: {  	v31 =	vor.u32 s23, v1;
	_ =	sdelay $0x3  }
0x302: {  	(v2sf) =	vpush v5, $0xE;
	[tilespmem:v30+s1+$0x0] =	vst.idx.msk $0xffff, v6  }
0x303: {  	v32 =	vor.u32 v1, v7;
	(v2sf) =	vpush v5, $0x7;
	v6 =	vld.idx.msk [tilespmem:v31+s19+$0x0], $0xffff  }
0x304: {  	v33 =	vor.u32 s23, v2;
	_ =	sdelay $0x3  }
0x305: {  	[tilespmem:v32+s1+$0x0] =	vst.idx.msk $0xffff, v6  }
0x306: {  	v34 =	vor.u32 v2, v7;
	v6 =	vld.idx.msk [tilespmem:v33+s19+$0x0], $0xffff  }
0x307: {  	v35 =	vor.u32 s23, v3;
	_ =	sdelay $0x3  }
0x308: {  	[tilespmem:v34+s1+$0x0] =	vst.idx.msk $0xffff, v6  }
0x309: {  	v7 =	vor.u32 v3, v7;
	v6 =	vld.idx.msk [tilespmem:v35+s19+$0x0], $0xffff;
	_ =	sdelay $0x1  }
0x30a: {  	s31 =	spop (v2sf)  }
0x30b: {  	s24 =	spop (v2sf)  }
0x30c: {  	s25 =	sand.u32 $0xFFFFF80, s31;
	s23 =	sand.u32 $0x7F, s24  }
0x30d: {  	s29 =	simm.s32 $0x8;
	s24 =	sadd.s32 s2, s25;
	s25 =	sadd.s32 $0xFFFFFFF8, s7;
	[tilespmem:v7+s1+$0x0] =	vst.idx.msk $0xffff, v6;
	v6 =	vor.u32 s23, v0  }
0x30e: {  	v7 =	vmov s25;
	[tilespmem:s19], [sflag:$0x7] =	stream.strided.gather [hbm4b:s24+s11], $0x2000, s12, s11, $0x38;
	[tilespmem:$0x18200] =	vst v63  }
0x30f: {  	v7 =	vand.u32 $0x77, v7;
	_ =	swait.ge [sflag:s29], $0x2000  }
0x310: {  	v7 =	vbroadcast v7, $0x0;
	[sflag:s29] =	ssyncset.done $0x0  }
0x311: {  	[sflag:s29] =	ssyncadd.s32 $0xFFFFE000  }
0x312: {  	v36 =	vor.u32 v0, v7;
	v6 =	vld.idx.msk [tilespmem:v6+s20+$0x0], $0xffff  }
0x313: {  	v37 =	vor.u32 s23, v1;
	_ =	sdelay $0x3  }
0x314: {  	[tilespmem:v36+s1+$0x0] =	vst.idx.msk $0xffff, v6  }
0x315: {  	(v2sf) =	vpush v5, $0xF;
	v38 =	vor.u32 v1, v7;
	v6 =	vld.idx.msk [tilespmem:v37+s20+$0x0], $0xffff  }
0x316: {  	v5 =	vor.u32 s23, v2;
	_ =	sdelay $0x3  }
0x317: {  	[tilespmem:v38+s1+$0x0] =	vst.idx.msk $0xffff, v6  }
0x318: {  	v6 =	vor.u32 v2, v7;
	v5 =	vld.idx.msk [tilespmem:v5+s20+$0x0], $0xffff  }
0x319: {  	v39 =	vor.u32 s23, v3;
	_ =	sdelay $0x3  }
0x31a: {  	[tilespmem:v6+s1+$0x0] =	vst.idx.msk $0xffff, v5  }
0x31b: {  	v6 =	vor.u32 v3, v7;
	v5 =	vld.idx.msk [tilespmem:v39+s20+$0x0], $0xffff;
	_ =	sdelay $0x2  }
0x31c: {  	s23 =	spop (v2sf)  }
0x31d: {  	s9 =	sand.u32 $0x7F, s9;
	s25 =	sand.u32 $0xFFFFF80, s23  }
0x31e: {  	s29 =	sadd.s32 $0xFFFFFFF9, s7;
	s24 =	sadd.s32 s2, s25;
	[tilespmem:v6+s1+$0x0] =	vst.idx.msk $0xffff, v5;
	v5 =	vor.u32 s9, v0  }
0x31f: {  	v6 =	vmov s29;
	[tilespmem:s20], [sflag:$0x8] =	stream.strided.gather [hbm4b:s24+s11], $0x2000, s12, s11, $0x38;
	[tilespmem:$0x18200] =	vst v63  }
0x320: {  	v6 =	vand.u32 $0x78, v6;
	_ =	swait.ge [sflag:s26], $0x2000  }
0x321: {  	v6 =	vbroadcast v6, $0x0;
	[sflag:s26] =	ssyncset.done $0x0  }
0x322: {  	[sflag:s26] =	ssyncadd.s32 $0xFFFFE000  }
0x323: {  	v7 =	vor.u32 v0, v6;
	v5 =	vld.idx.msk [tilespmem:v5+s13+$0x0], $0xffff  }
0x324: {  	v40 =	vor.u32 s9, v1;
	_ =	sdelay $0x3  }
0x325: {  	[tilespmem:v7+s1+$0x0] =	vst.idx.msk $0xffff, v5  }
0x326: {  	(v2sf) =	vpush v4, $0x0;
	v7 =	vor.u32 v1, v6;
	v5 =	vld.idx.msk [tilespmem:v40+s13+$0x0], $0xffff  }
0x327: {  	v41 =	vor.u32 s9, v2;
	_ =	sdelay $0x3  }
0x328: {  	[tilespmem:v7+s1+$0x0] =	vst.idx.msk $0xffff, v5  }
0x329: {  	v7 =	vor.u32 v2, v6;
	v5 =	vld.idx.msk [tilespmem:v41+s13+$0x0], $0xffff  }
0x32a: {  	v42 =	vor.u32 s9, v3;
	_ =	sdelay $0x3  }
0x32b: {  	[tilespmem:v7+s1+$0x0] =	vst.idx.msk $0xffff, v5  }
0x32c: {  	v6 =	vor.u32 v3, v6;
	v5 =	vld.idx.msk [tilespmem:v42+s13+$0x0], $0xffff;
	_ =	sdelay $0x2  }
0x32d: {  	s24 =	spop (v2sf)  }
0x32e: {  	s5 =	sand.u32 $0x7F, s5;
	s9 =	sand.u32 $0xFFFFF80, s24  }
0x32f: {  	s29 =	sadd.s32 $0xFFFFFFFA, s7;
	s24 =	simm.s32 $0x2;
	s9 =	sadd.s32 s2, s9;
	[tilespmem:v6+s1+$0x0] =	vst.idx.msk $0xffff, v5;
	v5 =	vor.u32 s5, v0  }
0x330: {  	v6 =	vmov s29;
	[tilespmem:s13], [sflag:$0x1] =	stream.strided.gather [hbm4b:s9+s11], $0x2000, s12, s11, $0x38;
	[tilespmem:$0x18200] =	vst v63  }
0x331: {  	v6 =	vand.u32 $0x79, v6;
	_ =	swait.ge [sflag:s24], $0x2000  }
0x332: {  	v6 =	vbroadcast v6, $0x0;
	[sflag:s24] =	ssyncset.done $0x0  }
0x333: {  	[sflag:s24] =	ssyncadd.s32 $0xFFFFE000  }
0x334: {  	v7 =	vor.u32 v0, v6;
	v5 =	vld.idx.msk [tilespmem:v5+s14+$0x0], $0xffff  }
0x335: {  	v43 =	vor.u32 s5, v1;
	_ =	sdelay $0x3  }
0x336: {  	[tilespmem:v7+s1+$0x0] =	vst.idx.msk $0xffff, v5  }
0x337: {  	(v2sf) =	vpush v4, $0x1;
	v7 =	vor.u32 v1, v6;
	v5 =	vld.idx.msk [tilespmem:v43+s14+$0x0], $0xffff  }
0x338: {  	v44 =	vor.u32 s5, v2;
	_ =	sdelay $0x3  }
0x339: {  	[tilespmem:v7+s1+$0x0] =	vst.idx.msk $0xffff, v5  }
0x33a: {  	v7 =	vor.u32 v2, v6;
	v5 =	vld.idx.msk [tilespmem:v44+s14+$0x0], $0xffff  }
0x33b: {  	v45 =	vor.u32 s5, v3;
	_ =	sdelay $0x3  }
0x33c: {  	[tilespmem:v7+s1+$0x0] =	vst.idx.msk $0xffff, v5  }
0x33d: {  	v6 =	vor.u32 v3, v6;
	v5 =	vld.idx.msk [tilespmem:v45+s14+$0x0], $0xffff;
	_ =	sdelay $0x2  }
0x33e: {  	s9 =	spop (v2sf)  }
0x33f: {  	s4 =	sand.u32 $0x7F, s4;
	s5 =	sand.u32 $0xFFFFF80, s9  }
0x340: {  	s29 =	sadd.s32 $0xFFFFFFFB, s7;
	s5 =	sadd.s32 s2, s5;
	[tilespmem:v6+s1+$0x0] =	vst.idx.msk $0xffff, v5;
	v5 =	vor.u32 s4, v0  }
0x341: {  	v6 =	vmov s29;
	[tilespmem:s14], [sflag:$0x2] =	stream.strided.gather [hbm4b:s5+s11], $0x2000, s12, s11, $0x38;
	[tilespmem:$0x18200] =	vst v63  }
0x342: {  	v6 =	vand.u32 $0x7A, v6;
	_ =	swait.ge [sflag:s28], $0x2000  }
0x343: {  	v6 =	vbroadcast v6, $0x0;
	[sflag:s28] =	ssyncset.done $0x0  }
0x344: {  	[sflag:s28] =	ssyncadd.s32 $0xFFFFE000  }
0x345: {  	v7 =	vor.u32 v0, v6;
	v5 =	vld.idx.msk [tilespmem:v5+s15+$0x0], $0xffff  }
0x346: {  	v46 =	vor.u32 s4, v1;
	_ =	sdelay $0x3  }
0x347: {  	[tilespmem:v7+s1+$0x0] =	vst.idx.msk $0xffff, v5  }
0x348: {  	(v2sf) =	vpush v4, $0x2;
	v7 =	vor.u32 v1, v6;
	v5 =	vld.idx.msk [tilespmem:v46+s15+$0x0], $0xffff  }
0x349: {  	v47 =	vor.u32 s4, v2;
	_ =	sdelay $0x3  }
0x34a: {  	[tilespmem:v7+s1+$0x0] =	vst.idx.msk $0xffff, v5  }
0x34b: {  	v7 =	vor.u32 v2, v6;
	v5 =	vld.idx.msk [tilespmem:v47+s15+$0x0], $0xffff  }
0x34c: {  	v48 =	vor.u32 s4, v3;
	_ =	sdelay $0x3  }
0x34d: {  	[tilespmem:v7+s1+$0x0] =	vst.idx.msk $0xffff, v5  }
0x34e: {  	v6 =	vor.u32 v3, v6;
	v5 =	vld.idx.msk [tilespmem:v48+s15+$0x0], $0xffff;
	_ =	sdelay $0x2  }
0x34f: {  	s5 =	spop (v2sf)  }
0x350: {  	s4 =	sand.u32 $0xFFFFF80, s5;
	s5 =	sand.u32 $0x7F, s6  }
0x351: {  	s25 =	simm.s32 $0x4;
	s29 =	sadd.s32 $0xFFFFFFFC, s7;
	s4 =	sadd.s32 s2, s4;
	[tilespmem:v6+s1+$0x0] =	vst.idx.msk $0xffff, v5;
	v5 =	vor.u32 s5, v0  }
0x352: {  	v6 =	vmov s29;
	[tilespmem:s15], [sflag:$0x3] =	stream.strided.gather [hbm4b:s4+s11], $0x2000, s12, s11, $0x38;
	[tilespmem:$0x18200] =	vst v63  }
0x353: {  	v6 =	vand.u32 $0x7B, v6;
	_ =	swait.ge [sflag:s25], $0x2000  }
0x354: {  	v6 =	vbroadcast v6, $0x0;
	[sflag:s25] =	ssyncset.done $0x0  }
0x355: {  	[sflag:s25] =	ssyncadd.s32 $0xFFFFE000  }
0x356: {  	v7 =	vor.u32 v0, v6;
	v5 =	vld.idx.msk [tilespmem:v5+s16+$0x0], $0xffff  }
0x357: {  	v49 =	vor.u32 s5, v1;
	_ =	sdelay $0x3  }
0x358: {  	[tilespmem:v7+s1+$0x0] =	vst.idx.msk $0xffff, v5  }
0x359: {  	(v2sf) =	vpush v4, $0x3;
	v7 =	vor.u32 v1, v6;
	v5 =	vld.idx.msk [tilespmem:v49+s16+$0x0], $0xffff  }
0x35a: {  	v50 =	vor.u32 s5, v2;
	_ =	sdelay $0x3  }
0x35b: {  	[tilespmem:v7+s1+$0x0] =	vst.idx.msk $0xffff, v5  }
0x35c: {  	v7 =	vor.u32 v2, v6;
	v5 =	vld.idx.msk [tilespmem:v50+s16+$0x0], $0xffff  }
0x35d: {  	v51 =	vor.u32 s5, v3;
	_ =	sdelay $0x3  }
0x35e: {  	[tilespmem:v7+s1+$0x0] =	vst.idx.msk $0xffff, v5  }
0x35f: {  	v6 =	vor.u32 v3, v6;
	v5 =	vld.idx.msk [tilespmem:v51+s16+$0x0], $0xffff;
	_ =	sdelay $0x2  }
0x360: {  	s6 =	spop (v2sf)  }
0x361: {  	s5 =	sand.u32 $0x7F, s10;
	s4 =	sand.u32 $0xFFFFF80, s6  }
0x362: {  	s10 =	simm.s32 $0x5;
	s29 =	sadd.s32 $0xFFFFFFFD, s7;
	s4 =	sadd.s32 s2, s4;
	[tilespmem:v6+s1+$0x0] =	vst.idx.msk $0xffff, v5;
	v5 =	vor.u32 s5, v0  }
0x363: {  	v6 =	vmov s29;
	[tilespmem:s16], [sflag:$0x4] =	stream.strided.gather [hbm4b:s4+s11], $0x2000, s12, s11, $0x38;
	[tilespmem:$0x18200] =	vst v63  }
0x364: {  	v6 =	vand.u32 $0x7C, v6;
	_ =	swait.ge [sflag:s10], $0x2000  }
0x365: {  	v6 =	vbroadcast v6, $0x0;
	[sflag:s10] =	ssyncset.done $0x0  }
0x366: {  	[sflag:s10] =	ssyncadd.s32 $0xFFFFE000  }
0x367: {  	v7 =	vor.u32 v0, v6;
	v5 =	vld.idx.msk [tilespmem:v5+s17+$0x0], $0xffff  }
0x368: {  	v52 =	vor.u32 s5, v1;
	_ =	sdelay $0x3  }
0x369: {  	[tilespmem:v7+s1+$0x0] =	vst.idx.msk $0xffff, v5  }
0x36a: {  	(v2sf) =	vpush v4, $0x4;
	v7 =	vor.u32 v1, v6;
	v5 =	vld.idx.msk [tilespmem:v52+s17+$0x0], $0xffff  }
0x36b: {  	v53 =	vor.u32 s5, v2;
	_ =	sdelay $0x3  }
0x36c: {  	[tilespmem:v7+s1+$0x0] =	vst.idx.msk $0xffff, v5  }
0x36d: {  	v7 =	vor.u32 v2, v6;
	v5 =	vld.idx.msk [tilespmem:v53+s17+$0x0], $0xffff  }
0x36e: {  	v54 =	vor.u32 s5, v3;
	_ =	sdelay $0x3  }
0x36f: {  	[tilespmem:v7+s1+$0x0] =	vst.idx.msk $0xffff, v5  }
0x370: {  	v6 =	vor.u32 v3, v6;
	v5 =	vld.idx.msk [tilespmem:v54+s17+$0x0], $0xffff;
	_ =	sdelay $0x2  }
0x371: {  	s10 =	spop (v2sf)  }
0x372: {  	s21 =	sand.u32 $0x7F, s21;
	s4 =	sand.u32 $0xFFFFF80, s10  }
0x373: {  	s9 =	simm.s32 $0x6;
	s29 =	sadd.s32 $0xFFFFFFFE, s7;
	s4 =	sadd.s32 s2, s4;
	[tilespmem:v6+s1+$0x0] =	vst.idx.msk $0xffff, v5;
	v5 =	vor.u32 s21, v0  }
0x374: {  	v6 =	vmov s29;
	[tilespmem:s17], [sflag:$0x5] =	stream.strided.gather [hbm4b:s4+s11], $0x2000, s12, s11, $0x38;
	[tilespmem:$0x18200] =	vst v63  }
0x375: {  	v6 =	vand.u32 $0x7D, v6;
	_ =	swait.ge [sflag:s9], $0x2000  }
0x376: {  	v6 =	vbroadcast v6, $0x0;
	[sflag:s9] =	ssyncset.done $0x0  }
0x377: {  	[sflag:s9] =	ssyncadd.s32 $0xFFFFE000  }
0x378: {  	v7 =	vor.u32 v0, v6;
	v5 =	vld.idx.msk [tilespmem:v5+s18+$0x0], $0xffff  }
0x379: {  	v55 =	vor.u32 s21, v1;
	_ =	sdelay $0x3  }
0x37a: {  	[tilespmem:v7+s1+$0x0] =	vst.idx.msk $0xffff, v5  }
0x37b: {  	(v2sf) =	vpush v4, $0x5;
	v7 =	vor.u32 v1, v6;
	v5 =	vld.idx.msk [tilespmem:v55+s18+$0x0], $0xffff  }
0x37c: {  	v56 =	vor.u32 s21, v2;
	_ =	sdelay $0x3  }
0x37d: {  	[tilespmem:v7+s1+$0x0] =	vst.idx.msk $0xffff, v5  }
0x37e: {  	v7 =	vor.u32 v2, v6;
	v5 =	vld.idx.msk [tilespmem:v56+s18+$0x0], $0xffff  }
0x37f: {  	v57 =	vor.u32 s21, v3;
	_ =	sdelay $0x3  }
0x380: {  	[tilespmem:v7+s1+$0x0] =	vst.idx.msk $0xffff, v5  }
0x381: {  	v6 =	vor.u32 v3, v6;
	v5 =	vld.idx.msk [tilespmem:v57+s18+$0x0], $0xffff;
	_ =	sdelay $0x2  }
0x382: {  	s6 =	spop (v2sf)  }
0x383: {  	s9 =	sand.u32 $0x7F, s31;
	s4 =	sand.u32 $0xFFFFF80, s6  }
0x384: {  	s10 =	sadd.s32 $0xFFFFFFFF, s7;
	s4 =	sadd.s32 s2, s4;
	[tilespmem:v6+s1+$0x0] =	vst.idx.msk $0xffff, v5;
	v5 =	vor.u32 s9, v0  }
0x385: {  	v6 =	vmov s10;
	[tilespmem:s18], [sflag:$0x6] =	stream.strided.gather [hbm4b:s4+s11], $0x2000, s12, s11, $0x38;
	[tilespmem:$0x18200] =	vst v63  }
0x386: {  	v6 =	vand.u32 $0x7E, v6;
	_ =	swait.ge [sflag:s30], $0x2000  }
0x387: {  	v6 =	vbroadcast v6, $0x0;
	[sflag:s30] =	ssyncset.done $0x0  }
0x388: {  	[sflag:s30] =	ssyncadd.s32 $0xFFFFE000  }
0x389: {  	v7 =	vor.u32 v0, v6;
	v5 =	vld.idx.msk [tilespmem:v5+s19+$0x0], $0xffff  }
0x38a: {  	v58 =	vor.u32 s9, v1;
	_ =	sdelay $0x3  }
0x38b: {  	[tilespmem:v7+s1+$0x0] =	vst.idx.msk $0xffff, v5  }
0x38c: {  	(v2sf) =	vpush v4, $0x6;
	v7 =	vor.u32 v1, v6;
	v5 =	vld.idx.msk [tilespmem:v58+s19+$0x0], $0xffff  }
0x38d: {  	v59 =	vor.u32 s9, v2;
	_ =	sdelay $0x3  }
0x38e: {  	[tilespmem:v7+s1+$0x0] =	vst.idx.msk $0xffff, v5  }
0x38f: {  	v7 =	vor.u32 v2, v6;
	v5 =	vld.idx.msk [tilespmem:v59+s19+$0x0], $0xffff  }
0x390: {  	v60 =	vor.u32 s9, v3;
	_ =	sdelay $0x3  }
0x391: {  	[tilespmem:v7+s1+$0x0] =	vst.idx.msk $0xffff, v5  }
0x392: {  	v6 =	vor.u32 v3, v6;
	v5 =	vld.idx.msk [tilespmem:v60+s19+$0x0], $0xffff;
	_ =	sdelay $0x2  }
0x393: {  	s29 =	spop (v2sf)  }
0x394: {  	s30 =	sand.u32 $0x7F, s23;
	s4 =	sand.u32 $0xFFFFF80, s29  }
0x395: {  	s21 =	simm.s32 $0x8;
	s4 =	sadd.s32 s2, s4;
	[tilespmem:v6+s1+$0x0] =	vst.idx.msk $0xffff, v5;
	v5 =	vor.u32 s30, v0  }
0x396: {  	v6 =	vmov s7;
	[tilespmem:s19], [sflag:$0x7] =	stream.strided.gather [hbm4b:s4+s11], $0x2000, s12, s11, $0x38;
	[tilespmem:$0x18200] =	vst v63  }
0x397: {  	v6 =	vand.u32 $0x7F, v6;
	_ =	swait.ge [sflag:s21], $0x2000  }
0x398: {  	v6 =	vbroadcast v6, $0x0;
	[sflag:s21] =	ssyncset.done $0x0  }
0x399: {  	[sflag:s21] =	ssyncadd.s32 $0xFFFFE000  }
0x39a: {  	v7 =	vor.u32 v0, v6;
	v5 =	vld.idx.msk [tilespmem:v5+s20+$0x0], $0xffff  }
0x39b: {  	v61 =	vor.u32 s30, v1;
	_ =	sdelay $0x3  }
0x39c: {  	[tilespmem:v7+s1+$0x0] =	vst.idx.msk $0xffff, v5  }
0x39d: {  	(v2sf) =	vpush v4, $0x7;
	v7 =	vor.u32 v1, v6;
	v5 =	vld.idx.msk [tilespmem:v61+s20+$0x0], $0xffff  }
0x39e: {  	v62 =	vor.u32 s30, v2;
	_ =	sdelay $0x3  }
0x39f: {  	[tilespmem:v7+s1+$0x0] =	vst.idx.msk $0xffff, v5  }
0x3a0: {  	v7 =	vor.u32 v2, v6;
	v5 =	vld.idx.msk [tilespmem:v62+s20+$0x0], $0xffff  }
0x3a1: {  	v63 =	vor.u32 s30, v3;
	_ =	sdelay $0x3  }
0x3a2: {  	[tilespmem:v7+s1+$0x0] =	vst.idx.msk $0xffff, v5  }
0x3a3: {  	v6 =	vor.u32 v3, v6;
	v5 =	vld.idx.msk [tilespmem:v63+s20+$0x0], $0xffff  }
0x3a4: {  	p0 =	sne.s32 s7, $0x7F  }
.Ltmp4:
0x3a5: {  	_ = 	snop;
	(pc) =	sbr.rel @p0 .LBB2_6-.Ltmp4, $4  }
0x3a6: {  	s31 =	spop (v2sf)  }
0x3a7: {  	s4 =	sand.u32 $0xFFFFF80, s31  }
0x3a8: {  	s8 =	sadd.s32 $0x10, s8;
	s7 =	sadd.s32 $0x10, s7;
	s4 =	sadd.s32 s2, s4;
	[tilespmem:v6+s1+$0x0] =	vst.idx.msk $0xffff, v5  }
0x3a9: {  	[tilespmem:s20], [sflag:$0x8] =	stream.strided.gather [hbm4b:s4+s11], $0x2000, s12, s11, $0x38;
	[tilespmem:$0x18200] =	vst v63  }
0x3aa: {  	s4 =	rddreg [dreg:$0x7];
	s5 =	simm.s32 $0x20000;
	s7 =	simm.s32 $0x0  }
0x3ab: {  	s23 =	simm.s32 $0x5;
	s29 =	simm.s32 $0x6;
	s30 =	simm.s32 $0x7  }
0x3ac: {  	[hbm4b:s4+s11] =	stream.strided.scatter [tilespmem:s1], [sflag:$0x9], $0x2000, s5, s11, $0x38;
	[tilespmem:$0x18200] =	vst v63  }
.LBB2_8:
0x3ad: {  	(v2sf) =	vpush v4, $0x0;
	_ =	sdelay $0xe  }
0x3ae: {  	s4 =	spop (v2sf)  }
0x3af: {  	s4 =	sand.u32 $0x7F, s4  }
0x3b0: {  	v6 =	vor.u32 s4, v0  }
0x3b1: {  	s5 =	smin.u32 s7, $0x60;
	v7 =	vmov s7  }
0x3b2: {  	v5 =	vmov v4;
	v4 =	vld [tilespmem:s5+$0x190];
	v7 =	vand.u32 $0x70, v7;
	_ =	swait.ge [sflag:s26], $0x2000  }
0x3b3: {  	v7 =	vbroadcast v7, $0x0;
	[sflag:s26] =	ssyncset.done $0x0  }
0x3b4: {  	[sflag:s26] =	ssyncadd.s32 $0xFFFFE000  }
0x3b5: {  	v8 =	vor.u32 v0, v7;
	v6 =	vld.idx.msk [tilespmem:v6+s13+$0x0], $0xffff  }
0x3b6: {  	v9 =	vor.u32 s4, v1;
	_ =	sdelay $0x3  }
0x3b7: {  	(v2sf) =	vpush v5, $0x8;
	[tilespmem:v8+s3+$0x0] =	vst.idx.msk $0xffff, v6  }
0x3b8: {  	v48 =	vor.u32 v1, v7;
	(v2sf) =	vpush v5, $0x1;
	v6 =	vld.idx.msk [tilespmem:v9+s13+$0x0], $0xffff  }
0x3b9: {  	v49 =	vor.u32 s4, v2;
	_ =	sdelay $0x3  }
0x3ba: {  	[tilespmem:v48+s3+$0x0] =	vst.idx.msk $0xffff, v6  }
0x3bb: {  	v50 =	vor.u32 v2, v7;
	v6 =	vld.idx.msk [tilespmem:v49+s13+$0x0], $0xffff  }
0x3bc: {  	v51 =	vor.u32 s4, v3;
	_ =	sdelay $0x3  }
0x3bd: {  	[tilespmem:v50+s3+$0x0] =	vst.idx.msk $0xffff, v6  }
0x3be: {  	v7 =	vor.u32 v3, v7;
	v6 =	vld.idx.msk [tilespmem:v51+s13+$0x0], $0xffff;
	_ =	sdelay $0x1  }
0x3bf: {  	s5 =	spop (v2sf)  }
0x3c0: {  	s9 =	spop (v2sf)  }
0x3c1: {  	s6 =	sand.u32 $0xFFFFF80, s5;
	s4 =	sand.u32 $0x7F, s9  }
0x3c2: {  	s8 =	sadd.s32 $0x1, s7;
	s6 =	sadd.s32 s2, s6;
	[tilespmem:v7+s3+$0x0] =	vst.idx.msk $0xffff, v6;
	v6 =	vor.u32 s4, v0  }
0x3c3: {  	v7 =	vmov s8;
	[tilespmem:s13], [sflag:$0x1] =	stream.strided.gather [hbm4b:s6+s11], $0x2000, s12, s11, $0x38;
	[tilespmem:$0x18200] =	vst v63  }
0x3c4: {  	v7 =	vand.u32 $0x71, v7;
	_ =	swait.ge [sflag:s24], $0x2000  }
0x3c5: {  	v7 =	vbroadcast v7, $0x0;
	[sflag:s24] =	ssyncset.done $0x0  }
0x3c6: {  	[sflag:s24] =	ssyncadd.s32 $0xFFFFE000  }
0x3c7: {  	v52 =	vor.u32 v0, v7;
	v6 =	vld.idx.msk [tilespmem:v6+s14+$0x0], $0xffff  }
0x3c8: {  	v53 =	vor.u32 s4, v1;
	_ =	sdelay $0x3  }
0x3c9: {  	(v2sf) =	vpush v5, $0x9;
	[tilespmem:v52+s3+$0x0] =	vst.idx.msk $0xffff, v6  }
0x3ca: {  	v54 =	vor.u32 v1, v7;
	(v2sf) =	vpush v5, $0x2;
	v6 =	vld.idx.msk [tilespmem:v53+s14+$0x0], $0xffff  }
0x3cb: {  	v55 =	vor.u32 s4, v2;
	_ =	sdelay $0x3  }
0x3cc: {  	[tilespmem:v54+s3+$0x0] =	vst.idx.msk $0xffff, v6  }
0x3cd: {  	v56 =	vor.u32 v2, v7;
	v6 =	vld.idx.msk [tilespmem:v55+s14+$0x0], $0xffff  }
0x3ce: {  	v57 =	vor.u32 s4, v3;
	_ =	sdelay $0x3  }
0x3cf: {  	[tilespmem:v56+s3+$0x0] =	vst.idx.msk $0xffff, v6  }
0x3d0: {  	v7 =	vor.u32 v3, v7;
	v6 =	vld.idx.msk [tilespmem:v57+s14+$0x0], $0xffff;
	_ =	sdelay $0x1  }
0x3d1: {  	s8 =	spop (v2sf)  }
0x3d2: {  	s10 =	spop (v2sf)  }
0x3d3: {  	s21 =	sand.u32 $0xFFFFF80, s8;
	s4 =	sand.u32 $0x7F, s10  }
0x3d4: {  	s9 =	sadd.s32 $0x2, s7;
	s6 =	sadd.s32 s2, s21;
	[tilespmem:v7+s3+$0x0] =	vst.idx.msk $0xffff, v6;
	v6 =	vor.u32 s4, v0  }
0x3d5: {  	v7 =	vmov s9;
	[tilespmem:s14], [sflag:$0x2] =	stream.strided.gather [hbm4b:s6+s11], $0x2000, s12, s11, $0x38;
	[tilespmem:$0x18200] =	vst v63  }
0x3d6: {  	v7 =	vand.u32 $0x72, v7;
	_ =	swait.ge [sflag:s28], $0x2000  }
0x3d7: {  	v7 =	vbroadcast v7, $0x0;
	[sflag:s28] =	ssyncset.done $0x0  }
0x3d8: {  	[sflag:s28] =	ssyncadd.s32 $0xFFFFE000  }
0x3d9: {  	v58 =	vor.u32 v0, v7;
	v6 =	vld.idx.msk [tilespmem:v6+s15+$0x0], $0xffff  }
0x3da: {  	v59 =	vor.u32 s4, v1;
	_ =	sdelay $0x3  }
0x3db: {  	(v2sf) =	vpush v5, $0xA;
	[tilespmem:v58+s3+$0x0] =	vst.idx.msk $0xffff, v6  }
0x3dc: {  	v60 =	vor.u32 v1, v7;
	(v2sf) =	vpush v5, $0x3;
	v6 =	vld.idx.msk [tilespmem:v59+s15+$0x0], $0xffff  }
0x3dd: {  	v61 =	vor.u32 s4, v2;
	_ =	sdelay $0x3  }
0x3de: {  	[tilespmem:v60+s3+$0x0] =	vst.idx.msk $0xffff, v6  }
0x3df: {  	v62 =	vor.u32 v2, v7;
	v6 =	vld.idx.msk [tilespmem:v61+s15+$0x0], $0xffff  }
0x3e0: {  	v63 =	vor.u32 s4, v3;
	_ =	sdelay $0x3  }
0x3e1: {  	[tilespmem:v62+s3+$0x0] =	vst.idx.msk $0xffff, v6  }
0x3e2: {  	v7 =	vor.u32 v3, v7;
	v6 =	vld.idx.msk [tilespmem:v63+s15+$0x0], $0xffff;
	_ =	sdelay $0x1  }
0x3e3: {  	s9 =	spop (v2sf)  }
0x3e4: {  	s24 =	spop (v2sf)  }
0x3e5: {  	s31 =	sand.u32 $0xFFFFF80, s9;
	s4 =	sand.u32 $0x7F, s24  }
0x3e6: {  	s10 =	sadd.s32 $0x3, s7;
	s6 =	sadd.s32 s2, s31;
	[tilespmem:v7+s3+$0x0] =	vst.idx.msk $0xffff, v6;
	v6 =	vor.u32 s4, v0  }
0x3e7: {  	v7 =	vmov s10;
	[tilespmem:s15], [sflag:$0x3] =	stream.strided.gather [hbm4b:s6+s11], $0x2000, s12, s11, $0x38;
	[tilespmem:$0x18200] =	vst v63  }
0x3e8: {  	v7 =	vand.u32 $0x73, v7;
	_ =	swait.ge [sflag:s25], $0x2000  }
0x3e9: {  	v7 =	vbroadcast v7, $0x0;
	[sflag:s25] =	ssyncset.done $0x0  }
0x3ea: {  	[sflag:s25] =	ssyncadd.s32 $0xFFFFE000  }
0x3eb: {  	v12 =	vor.u32 v0, v7;
	v6 =	vld.idx.msk [tilespmem:v6+s16+$0x0], $0xffff  }
0x3ec: {  	v13 =	vor.u32 s4, v1;
	_ =	sdelay $0x3  }
0x3ed: {  	(v2sf) =	vpush v5, $0xB;
	[tilespmem:v12+s3+$0x0] =	vst.idx.msk $0xffff, v6  }
0x3ee: {  	v14 =	vor.u32 v1, v7;
	(v2sf) =	vpush v5, $0x4;
	v6 =	vld.idx.msk [tilespmem:v13+s16+$0x0], $0xffff  }
0x3ef: {  	v15 =	vor.u32 s4, v2;
	_ =	sdelay $0x3  }
0x3f0: {  	[tilespmem:v14+s3+$0x0] =	vst.idx.msk $0xffff, v6  }
0x3f1: {  	v16 =	vor.u32 v2, v7;
	v6 =	vld.idx.msk [tilespmem:v15+s16+$0x0], $0xffff  }
0x3f2: {  	v17 =	vor.u32 s4, v3;
	_ =	sdelay $0x3  }
0x3f3: {  	[tilespmem:v16+s3+$0x0] =	vst.idx.msk $0xffff, v6  }
0x3f4: {  	v7 =	vor.u32 v3, v7;
	v6 =	vld.idx.msk [tilespmem:v17+s16+$0x0], $0xffff;
	_ =	sdelay $0x1  }
0x3f5: {  	s10 =	spop (v2sf)  }
0x3f6: {  	s6 =	spop (v2sf)  }
0x3f7: {  	s21 =	sand.u32 $0xFFFFF80, s10;
	s4 =	sand.u32 $0x7F, s6  }
0x3f8: {  	s6 =	sadd.s32 s2, s21;
	s21 =	sadd.s32 $0x4, s7;
	[tilespmem:v7+s3+$0x0] =	vst.idx.msk $0xffff, v6;
	v6 =	vor.u32 s4, v0  }
0x3f9: {  	v7 =	vmov s21;
	[tilespmem:s16], [sflag:$0x4] =	stream.strided.gather [hbm4b:s6+s11], $0x2000, s12, s11, $0x38;
	[tilespmem:$0x18200] =	vst v63  }
0x3fa: {  	v7 =	vand.u32 $0x74, v7;
	_ =	swait.ge [sflag:s23], $0x2000  }
0x3fb: {  	v7 =	vbroadcast v7, $0x0;
	[sflag:s23] =	ssyncset.done $0x0  }
0x3fc: {  	[sflag:s23] =	ssyncadd.s32 $0xFFFFE000  }
0x3fd: {  	v18 =	vor.u32 v0, v7;
	v6 =	vld.idx.msk [tilespmem:v6+s17+$0x0], $0xffff  }
0x3fe: {  	v19 =	vor.u32 s4, v1;
	_ =	sdelay $0x3  }
0x3ff: {  	(v2sf) =	vpush v5, $0xC;
	[tilespmem:v18+s3+$0x0] =	vst.idx.msk $0xffff, v6  }
0x400: {  	v20 =	vor.u32 v1, v7;
	(v2sf) =	vpush v5, $0x5;
	v6 =	vld.idx.msk [tilespmem:v19+s17+$0x0], $0xffff  }
0x401: {  	v21 =	vor.u32 s4, v2;
	_ =	sdelay $0x3  }
0x402: {  	[tilespmem:v20+s3+$0x0] =	vst.idx.msk $0xffff, v6  }
0x403: {  	v22 =	vor.u32 v2, v7;
	v6 =	vld.idx.msk [tilespmem:v21+s17+$0x0], $0xffff  }
0x404: {  	v23 =	vor.u32 s4, v3;
	_ =	sdelay $0x3  }
0x405: {  	[tilespmem:v22+s3+$0x0] =	vst.idx.msk $0xffff, v6  }
0x406: {  	v7 =	vor.u32 v3, v7;
	v6 =	vld.idx.msk [tilespmem:v23+s17+$0x0], $0xffff;
	_ =	sdelay $0x1  }
0x407: {  	s31 =	spop (v2sf)  }
0x408: {  	s23 =	spop (v2sf)  }
0x409: {  	s24 =	sand.u32 $0xFFFFF80, s31;
	s4 =	sand.u32 $0x7F, s23  }
0x40a: {  	s25 =	sadd.s32 $0x5, s7;
	s6 =	sadd.s32 s2, s24;
	[tilespmem:v7+s3+$0x0] =	vst.idx.msk $0xffff, v6;
	v6 =	vor.u32 s4, v0  }
0x40b: {  	v7 =	vmov s25;
	[tilespmem:s17], [sflag:$0x5] =	stream.strided.gather [hbm4b:s6+s11], $0x2000, s12, s11, $0x38;
	[tilespmem:$0x18200] =	vst v63  }
0x40c: {  	v7 =	vand.u32 $0x75, v7;
	_ =	swait.ge [sflag:s29], $0x2000  }
0x40d: {  	v7 =	vbroadcast v7, $0x0;
	[sflag:s29] =	ssyncset.done $0x0  }
0x40e: {  	[sflag:s29] =	ssyncadd.s32 $0xFFFFE000  }
0x40f: {  	v24 =	vor.u32 v0, v7;
	v6 =	vld.idx.msk [tilespmem:v6+s18+$0x0], $0xffff  }
0x410: {  	v25 =	vor.u32 s4, v1;
	_ =	sdelay $0x3  }
0x411: {  	(v2sf) =	vpush v5, $0xD;
	[tilespmem:v24+s3+$0x0] =	vst.idx.msk $0xffff, v6  }
0x412: {  	v26 =	vor.u32 v1, v7;
	(v2sf) =	vpush v5, $0x6;
	v6 =	vld.idx.msk [tilespmem:v25+s18+$0x0], $0xffff  }
0x413: {  	v27 =	vor.u32 s4, v2;
	_ =	sdelay $0x3  }
0x414: {  	[tilespmem:v26+s3+$0x0] =	vst.idx.msk $0xffff, v6  }
0x415: {  	v28 =	vor.u32 v2, v7;
	v6 =	vld.idx.msk [tilespmem:v27+s18+$0x0], $0xffff  }
0x416: {  	v29 =	vor.u32 s4, v3;
	_ =	sdelay $0x3  }
0x417: {  	[tilespmem:v28+s3+$0x0] =	vst.idx.msk $0xffff, v6  }
0x418: {  	v7 =	vor.u32 v3, v7;
	v6 =	vld.idx.msk [tilespmem:v29+s18+$0x0], $0xffff;
	_ =	sdelay $0x1  }
0x419: {  	s4 =	spop (v2sf)  }
0x41a: {  	s23 =	spop (v2sf)  }
0x41b: {  	s24 =	sand.u32 $0xFFFFF80, s4;
	s6 =	sand.u32 $0x7F, s23  }
0x41c: {  	s25 =	sadd.s32 $0x6, s7;
	s21 =	sadd.s32 s2, s24;
	[tilespmem:v7+s3+$0x0] =	vst.idx.msk $0xffff, v6;
	v6 =	vor.u32 s6, v0  }
0x41d: {  	v7 =	vmov s25;
	[tilespmem:s18], [sflag:$0x6] =	stream.strided.gather [hbm4b:s21+s11], $0x2000, s12, s11, $0x38;
	[tilespmem:$0x18200] =	vst v63  }
0x41e: {  	v7 =	vand.u32 $0x76, v7;
	_ =	swait.ge [sflag:s30], $0x2000  }
0x41f: {  	v7 =	vbroadcast v7, $0x0;
	[sflag:s30] =	ssyncset.done $0x0  }
0x420: {  	[sflag:s30] =	ssyncadd.s32 $0xFFFFE000  }
0x421: {  	v30 =	vor.u32 v0, v7;
	v6 =	vld.idx.msk [tilespmem:v6+s19+$0x0], $0xffff  }
0x422: {  	v31 =	vor.u32 s6, v1;
	_ =	sdelay $0x3  }
0x423: {  	(v2sf) =	vpush v5, $0xE;
	[tilespmem:v30+s3+$0x0] =	vst.idx.msk $0xffff, v6  }
0x424: {  	v32 =	vor.u32 v1, v7;
	(v2sf) =	vpush v5, $0x7;
	v6 =	vld.idx.msk [tilespmem:v31+s19+$0x0], $0xffff  }
0x425: {  	v33 =	vor.u32 s6, v2;
	_ =	sdelay $0x3  }
0x426: {  	[tilespmem:v32+s3+$0x0] =	vst.idx.msk $0xffff, v6  }
0x427: {  	v34 =	vor.u32 v2, v7;
	v6 =	vld.idx.msk [tilespmem:v33+s19+$0x0], $0xffff  }
0x428: {  	v35 =	vor.u32 s6, v3;
	_ =	sdelay $0x3  }
0x429: {  	[tilespmem:v34+s3+$0x0] =	vst.idx.msk $0xffff, v6  }
0x42a: {  	v7 =	vor.u32 v3, v7;
	v6 =	vld.idx.msk [tilespmem:v35+s19+$0x0], $0xffff;
	_ =	sdelay $0x1  }
0x42b: {  	s6 =	spop (v2sf)  }
0x42c: {  	s23 =	spop (v2sf)  }
0x42d: {  	s25 =	sadd.s32 $0x7, s7;
	s24 =	sand.u32 $0xFFFFF80, s6;
	s21 =	sand.u32 $0x7F, s23  }
0x42e: {  	s23 =	sadd.s32 s2, s24;
	[tilespmem:v7+s3+$0x0] =	vst.idx.msk $0xffff, v6;
	v6 =	vor.u32 s21, v0;
	v7 =	vmov s25;
	s25 =	simm.s32 $0x8  }
0x42f: {  	[tilespmem:s19], [sflag:$0x7] =	stream.strided.gather [hbm4b:s23+s11], $0x2000, s12, s11, $0x38;
	[tilespmem:$0x18200] =	vst v63  }
0x430: {  	v7 =	vand.u32 $0x77, v7;
	_ =	swait.ge [sflag:s25], $0x2000  }
0x431: {  	v7 =	vbroadcast v7, $0x0;
	[sflag:s25] =	ssyncset.done $0x0  }
0x432: {  	[sflag:s25] =	ssyncadd.s32 $0xFFFFE000  }
0x433: {  	v36 =	vor.u32 v0, v7;
	v6 =	vld.idx.msk [tilespmem:v6+s20+$0x0], $0xffff  }
0x434: {  	v37 =	vor.u32 s21, v1;
	_ =	sdelay $0x3  }
0x435: {  	[tilespmem:v36+s3+$0x0] =	vst.idx.msk $0xffff, v6  }
0x436: {  	(v2sf) =	vpush v5, $0xF;
	v38 =	vor.u32 v1, v7;
	v6 =	vld.idx.msk [tilespmem:v37+s20+$0x0], $0xffff  }
0x437: {  	v5 =	vor.u32 s21, v2;
	_ =	sdelay $0x3  }
0x438: {  	[tilespmem:v38+s3+$0x0] =	vst.idx.msk $0xffff, v6  }
0x439: {  	v6 =	vor.u32 v2, v7;
	v5 =	vld.idx.msk [tilespmem:v5+s20+$0x0], $0xffff  }
0x43a: {  	v39 =	vor.u32 s21, v3;
	_ =	sdelay $0x3  }
0x43b: {  	[tilespmem:v6+s3+$0x0] =	vst.idx.msk $0xffff, v5  }
0x43c: {  	v6 =	vor.u32 v3, v7;
	v5 =	vld.idx.msk [tilespmem:v39+s20+$0x0], $0xffff;
	_ =	sdelay $0x2  }
0x43d: {  	s21 =	spop (v2sf)  }
0x43e: {  	s5 =	sand.u32 $0x7F, s5;
	s24 =	sand.u32 $0xFFFFF80, s21  }
0x43f: {  	s25 =	sadd.s32 $0x8, s7;
	s23 =	sadd.s32 s2, s24;
	[tilespmem:v6+s3+$0x0] =	vst.idx.msk $0xffff, v5;
	v5 =	vor.u32 s5, v0  }
0x440: {  	v6 =	vmov s25;
	[tilespmem:s20], [sflag:$0x8] =	stream.strided.gather [hbm4b:s23+s11], $0x2000, s12, s11, $0x38;
	[tilespmem:$0x18200] =	vst v63  }
0x441: {  	v6 =	vand.u32 $0x78, v6;
	_ =	swait.ge [sflag:s26], $0x2000  }
0x442: {  	v6 =	vbroadcast v6, $0x0;
	[sflag:s26] =	ssyncset.done $0x0  }
0x443: {  	[sflag:s26] =	ssyncadd.s32 $0xFFFFE000  }
0x444: {  	v7 =	vor.u32 v0, v6;
	v5 =	vld.idx.msk [tilespmem:v5+s13+$0x0], $0xffff  }
0x445: {  	v40 =	vor.u32 s5, v1;
	_ =	sdelay $0x3  }
0x446: {  	p0 =	seq.s32 s7, $0x70;
	[tilespmem:v7+s3+$0x0] =	vst.idx.msk $0xffff, v5  }
0x447: {  	(v2sf) =	vpush @!p0 v4, $0x0;
	v7 =	vor.u32 v1, v6;
	v5 =	vld.idx.msk [tilespmem:v40+s13+$0x0], $0xffff  }
0x448: {  	v41 =	vor.u32 s5, v2;
	_ =	sdelay $0x3  }
0x449: {  	[tilespmem:v7+s3+$0x0] =	vst.idx.msk $0xffff, v5  }
0x44a: {  	v7 =	vor.u32 v2, v6;
	v5 =	vld.idx.msk [tilespmem:v41+s13+$0x0], $0xffff  }
0x44b: {  	v42 =	vor.u32 s5, v3;
	_ =	sdelay $0x3  }
0x44c: {  	[tilespmem:v7+s3+$0x0] =	vst.idx.msk $0xffff, v5  }
0x44d: {  	v6 =	vor.u32 v3, v6;
	v5 =	vld.idx.msk [tilespmem:v42+s13+$0x0], $0xffff;
	_ =	sdelay $0x2  }
0x44e: {  	s24 =	sand.u32 $0x7F, s8;
	s8 =	simm.s32 @!p0 $0x7A1400;
	s5 =	spop @!p0 (v2sf)  }
0x44f: {  	s28 =	simm.s32 $0x2;
	s25 =	simm.s32 @!p0 $0x200;
	s5 =	sand.u32 @!p0 $0xFFFFF80, s5  }
0x450: {  	s26 =	sadd.s32 $0x9, s7;
	s23 =	sadd.s32 @!p0 s2, s5;
	s5 =	simm.s32 @!p0 $0x400;
	[tilespmem:v6+s3+$0x0] =	vst.idx.msk $0xffff, v5;
	v5 =	vor.u32 s24, v0  }
0x451: {  	v6 =	vmov s26;
	[tilespmem:s25], [sflag:$0x1] =	stream.strided.gather @!p0 [hbm4b:s23+s5], $0x2000, s8, s5, $0x38;
	[tilespmem:$0x18200] =	vst v63  }
0x452: {  	v6 =	vand.u32 $0x79, v6;
	_ =	swait.ge [sflag:s28], $0x2000  }
0x453: {  	v6 =	vbroadcast v6, $0x0;
	[sflag:s28] =	ssyncset.done $0x0  }
0x454: {  	[sflag:s28] =	ssyncadd.s32 $0xFFFFE000  }
0x455: {  	v7 =	vor.u32 v0, v6;
	v5 =	vld.idx.msk [tilespmem:v5+s14+$0x0], $0xffff  }
0x456: {  	v43 =	vor.u32 s24, v1;
	_ =	sdelay $0x3  }
0x457: {  	[tilespmem:v7+s3+$0x0] =	vst.idx.msk $0xffff, v5  }
0x458: {  	(v2sf) =	vpush @!p0 v4, $0x1;
	v7 =	vor.u32 v1, v6;
	v5 =	vld.idx.msk [tilespmem:v43+s14+$0x0], $0xffff  }
0x459: {  	v44 =	vor.u32 s24, v2;
	_ =	sdelay $0x3  }
0x45a: {  	[tilespmem:v7+s3+$0x0] =	vst.idx.msk $0xffff, v5  }
0x45b: {  	v7 =	vor.u32 v2, v6;
	v5 =	vld.idx.msk [tilespmem:v44+s14+$0x0], $0xffff  }
0x45c: {  	v45 =	vor.u32 s24, v3;
	_ =	sdelay $0x3  }
0x45d: {  	[tilespmem:v7+s3+$0x0] =	vst.idx.msk $0xffff, v5  }
0x45e: {  	v6 =	vor.u32 v3, v6;
	v5 =	vld.idx.msk [tilespmem:v45+s14+$0x0], $0xffff;
	_ =	sdelay $0x2  }
0x45f: {  	s23 =	spop @!p0 (v2sf)  }
0x460: {  	s9 =	sand.u32 $0x7F, s9;
	s24 =	simm.s32 @!p0 $0x2200;
	s23 =	sand.u32 @!p0 $0xFFFFF80, s23  }
0x461: {  	s26 =	sadd.s32 $0xA, s7;
	s28 =	simm.s32 $0x3;
	s23 =	sadd.s32 @!p0 s2, s23;
	[tilespmem:v6+s3+$0x0] =	vst.idx.msk $0xffff, v5;
	v5 =	vor.u32 s9, v0  }
0x462: {  	v6 =	vmov s26;
	[tilespmem:s24], [sflag:$0x2] =	stream.strided.gather @!p0 [hbm4b:s23+s5], $0x2000, s8, s5, $0x38;
	[tilespmem:$0x18200] =	vst v63  }
0x463: {  	v6 =	vand.u32 $0x7A, v6;
	_ =	swait.ge [sflag:s28], $0x2000  }
0x464: {  	v6 =	vbroadcast v6, $0x0;
	[sflag:s28] =	ssyncset.done $0x0  }
0x465: {  	[sflag:s28] =	ssyncadd.s32 $0xFFFFE000  }
0x466: {  	v7 =	vor.u32 v0, v6;
	v5 =	vld.idx.msk [tilespmem:v5+s15+$0x0], $0xffff  }
0x467: {  	v46 =	vor.u32 s9, v1;
	_ =	sdelay $0x3  }
0x468: {  	[tilespmem:v7+s3+$0x0] =	vst.idx.msk $0xffff, v5  }
0x469: {  	(v2sf) =	vpush @!p0 v4, $0x2;
	v7 =	vor.u32 v1, v6;
	v5 =	vld.idx.msk [tilespmem:v46+s15+$0x0], $0xffff  }
0x46a: {  	v47 =	vor.u32 s9, v2;
	_ =	sdelay $0x3  }
0x46b: {  	[tilespmem:v7+s3+$0x0] =	vst.idx.msk $0xffff, v5  }
0x46c: {  	v7 =	vor.u32 v2, v6;
	v5 =	vld.idx.msk [tilespmem:v47+s15+$0x0], $0xffff  }
0x46d: {  	v48 =	vor.u32 s9, v3;
	_ =	sdelay $0x3  }
0x46e: {  	[tilespmem:v7+s3+$0x0] =	vst.idx.msk $0xffff, v5  }
0x46f: {  	v6 =	vor.u32 v3, v6;
	v5 =	vld.idx.msk [tilespmem:v48+s15+$0x0], $0xffff;
	_ =	sdelay $0x2  }
0x470: {  	s9 =	spop @!p0 (v2sf)  }
0x471: {  	s10 =	sand.u32 $0x7F, s10;
	s25 =	simm.s32 $0x4;
	s9 =	sand.u32 @!p0 $0xFFFFF80, s9  }
0x472: {  	s26 =	sadd.s32 $0xB, s7;
	s23 =	simm.s32 @!p0 $0x4200;
	s9 =	sadd.s32 @!p0 s2, s9;
	[tilespmem:v6+s3+$0x0] =	vst.idx.msk $0xffff, v5;
	v5 =	vor.u32 s10, v0  }
0x473: {  	v6 =	vmov s26;
	[tilespmem:s23], [sflag:$0x3] =	stream.strided.gather @!p0 [hbm4b:s9+s5], $0x2000, s8, s5, $0x38;
	[tilespmem:$0x18200] =	vst v63  }
0x474: {  	v6 =	vand.u32 $0x7B, v6;
	_ =	swait.ge [sflag:s25], $0x2000  }
0x475: {  	v6 =	vbroadcast v6, $0x0;
	[sflag:s25] =	ssyncset.done $0x0  }
0x476: {  	[sflag:s25] =	ssyncadd.s32 $0xFFFFE000  }
0x477: {  	v7 =	vor.u32 v0, v6;
	v5 =	vld.idx.msk [tilespmem:v5+s16+$0x0], $0xffff  }
0x478: {  	v49 =	vor.u32 s10, v1;
	_ =	sdelay $0x3  }
0x479: {  	[tilespmem:v7+s3+$0x0] =	vst.idx.msk $0xffff, v5  }
0x47a: {  	(v2sf) =	vpush @!p0 v4, $0x3;
	v7 =	vor.u32 v1, v6;
	v5 =	vld.idx.msk [tilespmem:v49+s16+$0x0], $0xffff  }
0x47b: {  	v50 =	vor.u32 s10, v2;
	_ =	sdelay $0x3  }
0x47c: {  	[tilespmem:v7+s3+$0x0] =	vst.idx.msk $0xffff, v5  }
0x47d: {  	v7 =	vor.u32 v2, v6;
	v5 =	vld.idx.msk [tilespmem:v50+s16+$0x0], $0xffff  }
0x47e: {  	v51 =	vor.u32 s10, v3;
	_ =	sdelay $0x3  }
0x47f: {  	[tilespmem:v7+s3+$0x0] =	vst.idx.msk $0xffff, v5  }
0x480: {  	v6 =	vor.u32 v3, v6;
	v5 =	vld.idx.msk [tilespmem:v51+s16+$0x0], $0xffff;
	_ =	sdelay $0x2  }
0x481: {  	s9 =	spop @!p0 (v2sf)  }
0x482: {  	s31 =	sand.u32 $0x7F, s31;
	s29 =	simm.s32 $0x5;
	s9 =	sand.u32 @!p0 $0xFFFFF80, s9  }
0x483: {  	s26 =	sadd.s32 $0xC, s7;
	s23 =	simm.s32 @!p0 $0x6200;
	s9 =	sadd.s32 @!p0 s2, s9;
	[tilespmem:v6+s3+$0x0] =	vst.idx.msk $0xffff, v5;
	v5 =	vor.u32 s31, v0  }
0x484: {  	v6 =	vmov s26;
	[tilespmem:s23], [sflag:$0x4] =	stream.strided.gather @!p0 [hbm4b:s9+s5], $0x2000, s8, s5, $0x38;
	[tilespmem:$0x18200] =	vst v63  }
0x485: {  	v6 =	vand.u32 $0x7C, v6;
	_ =	swait.ge [sflag:s29], $0x2000  }
0x486: {  	v6 =	vbroadcast v6, $0x0;
	[sflag:s29] =	ssyncset.done $0x0  }
0x487: {  	[sflag:s29] =	ssyncadd.s32 $0xFFFFE000  }
0x488: {  	v7 =	vor.u32 v0, v6;
	v5 =	vld.idx.msk [tilespmem:v5+s17+$0x0], $0xffff  }
0x489: {  	v52 =	vor.u32 s31, v1;
	_ =	sdelay $0x3  }
0x48a: {  	[tilespmem:v7+s3+$0x0] =	vst.idx.msk $0xffff, v5  }
0x48b: {  	(v2sf) =	vpush @!p0 v4, $0x4;
	v7 =	vor.u32 v1, v6;
	v5 =	vld.idx.msk [tilespmem:v52+s17+$0x0], $0xffff  }
0x48c: {  	v53 =	vor.u32 s31, v2;
	_ =	sdelay $0x3  }
0x48d: {  	[tilespmem:v7+s3+$0x0] =	vst.idx.msk $0xffff, v5  }
0x48e: {  	v7 =	vor.u32 v2, v6;
	v5 =	vld.idx.msk [tilespmem:v53+s17+$0x0], $0xffff  }
0x48f: {  	v54 =	vor.u32 s31, v3;
	_ =	sdelay $0x3  }
0x490: {  	[tilespmem:v7+s3+$0x0] =	vst.idx.msk $0xffff, v5  }
0x491: {  	v6 =	vor.u32 v3, v6;
	v5 =	vld.idx.msk [tilespmem:v54+s17+$0x0], $0xffff;
	_ =	sdelay $0x2  }
0x492: {  	s9 =	spop @!p0 (v2sf)  }
0x493: {  	s4 =	sand.u32 $0x7F, s4;
	s10 =	simm.s32 @!p0 $0x8200;
	s9 =	sand.u32 @!p0 $0xFFFFF80, s9  }
0x494: {  	s31 =	sadd.s32 $0xD, s7;
	s29 =	simm.s32 $0x6;
	s9 =	sadd.s32 @!p0 s2, s9;
	[tilespmem:v6+s3+$0x0] =	vst.idx.msk $0xffff, v5;
	v5 =	vor.u32 s4, v0  }
0x495: {  	v6 =	vmov s31;
	[tilespmem:s10], [sflag:$0x5] =	stream.strided.gather @!p0 [hbm4b:s9+s5], $0x2000, s8, s5, $0x38;
	[tilespmem:$0x18200] =	vst v63  }
0x496: {  	v6 =	vand.u32 $0x7D, v6;
	_ =	swait.ge [sflag:s29], $0x2000  }
0x497: {  	v6 =	vbroadcast v6, $0x0;
	[sflag:s29] =	ssyncset.done $0x0  }
0x498: {  	[sflag:s29] =	ssyncadd.s32 $0xFFFFE000  }
0x499: {  	v7 =	vor.u32 v0, v6;
	v5 =	vld.idx.msk [tilespmem:v5+s18+$0x0], $0xffff  }
0x49a: {  	v55 =	vor.u32 s4, v1;
	_ =	sdelay $0x3  }
0x49b: {  	[tilespmem:v7+s3+$0x0] =	vst.idx.msk $0xffff, v5  }
0x49c: {  	(v2sf) =	vpush @!p0 v4, $0x5;
	v7 =	vor.u32 v1, v6;
	v5 =	vld.idx.msk [tilespmem:v55+s18+$0x0], $0xffff  }
0x49d: {  	v56 =	vor.u32 s4, v2;
	_ =	sdelay $0x3  }
0x49e: {  	[tilespmem:v7+s3+$0x0] =	vst.idx.msk $0xffff, v5  }
0x49f: {  	v7 =	vor.u32 v2, v6;
	v5 =	vld.idx.msk [tilespmem:v56+s18+$0x0], $0xffff  }
0x4a0: {  	v57 =	vor.u32 s4, v3;
	_ =	sdelay $0x3  }
0x4a1: {  	[tilespmem:v7+s3+$0x0] =	vst.idx.msk $0xffff, v5  }
0x4a2: {  	v6 =	vor.u32 v3, v6;
	v5 =	vld.idx.msk [tilespmem:v57+s18+$0x0], $0xffff;
	_ =	sdelay $0x2  }
0x4a3: {  	s4 =	spop @!p0 (v2sf)  }
0x4a4: {  	s6 =	sand.u32 $0x7F, s6;
	s4 =	sand.u32 @!p0 $0xFFFFF80, s4  }
0x4a5: {  	s23 =	sadd.s32 $0xE, s7;
	s9 =	simm.s32 @!p0 $0xA200;
	s4 =	sadd.s32 @!p0 s2, s4;
	[tilespmem:v6+s3+$0x0] =	vst.idx.msk $0xffff, v5;
	v5 =	vor.u32 s6, v0  }
0x4a6: {  	v6 =	vmov s23;
	[tilespmem:s9], [sflag:$0x6] =	stream.strided.gather @!p0 [hbm4b:s4+s5], $0x2000, s8, s5, $0x38;
	[tilespmem:$0x18200] =	vst v63  }
0x4a7: {  	v6 =	vand.u32 $0x7E, v6;
	_ =	swait.ge [sflag:s30], $0x2000  }
0x4a8: {  	v6 =	vbroadcast v6, $0x0;
	[sflag:s30] =	ssyncset.done $0x0  }
0x4a9: {  	[sflag:s30] =	ssyncadd.s32 $0xFFFFE000  }
0x4aa: {  	v7 =	vor.u32 v0, v6;
	v5 =	vld.idx.msk [tilespmem:v5+s19+$0x0], $0xffff  }
0x4ab: {  	v58 =	vor.u32 s6, v1;
	_ =	sdelay $0x3  }
0x4ac: {  	[tilespmem:v7+s3+$0x0] =	vst.idx.msk $0xffff, v5  }
0x4ad: {  	(v2sf) =	vpush @!p0 v4, $0x6;
	v7 =	vor.u32 v1, v6;
	v5 =	vld.idx.msk [tilespmem:v58+s19+$0x0], $0xffff  }
0x4ae: {  	v59 =	vor.u32 s6, v2;
	_ =	sdelay $0x3  }
0x4af: {  	[tilespmem:v7+s3+$0x0] =	vst.idx.msk $0xffff, v5  }
0x4b0: {  	v7 =	vor.u32 v2, v6;
	v5 =	vld.idx.msk [tilespmem:v59+s19+$0x0], $0xffff  }
0x4b1: {  	v60 =	vor.u32 s6, v3;
	_ =	sdelay $0x3  }
0x4b2: {  	[tilespmem:v7+s3+$0x0] =	vst.idx.msk $0xffff, v5  }
0x4b3: {  	v6 =	vor.u32 v3, v6;
	v5 =	vld.idx.msk [tilespmem:v60+s19+$0x0], $0xffff;
	_ =	sdelay $0x2  }
0x4b4: {  	s4 =	spop @!p0 (v2sf)  }
0x4b5: {  	s24 =	sand.u32 $0x7F, s21;
	s26 =	sadd.s32 $0xF, s7;
	s4 =	sand.u32 @!p0 $0xFFFFF80, s4  }
0x4b6: {  	s31 =	simm.s32 $0x8;
	s9 =	simm.s32 @!p0 $0xC200;
	s4 =	sadd.s32 @!p0 s2, s4;
	[tilespmem:v6+s3+$0x0] =	vst.idx.msk $0xffff, v5;
	v5 =	vor.u32 s24, v0  }
0x4b7: {  	v6 =	vmov s26;
	[tilespmem:s9], [sflag:$0x7] =	stream.strided.gather @!p0 [hbm4b:s4+s5], $0x2000, s8, s5, $0x38;
	[tilespmem:$0x18200] =	vst v63  }
0x4b8: {  	v6 =	vand.u32 $0x7F, v6;
	_ =	swait.ge [sflag:s31], $0x2000  }
0x4b9: {  	v6 =	vbroadcast v6, $0x0;
	[sflag:s31] =	ssyncset.done $0x0  }
0x4ba: {  	[sflag:s31] =	ssyncadd.s32 $0xFFFFE000  }
0x4bb: {  	v7 =	vor.u32 v0, v6;
	v5 =	vld.idx.msk [tilespmem:v5+s20+$0x0], $0xffff  }
0x4bc: {  	v61 =	vor.u32 s24, v1;
	_ =	sdelay $0x3  }
0x4bd: {  	[tilespmem:v7+s3+$0x0] =	vst.idx.msk $0xffff, v5  }
0x4be: {  	v7 =	vor.u32 v1, v6;
	v5 =	vld.idx.msk [tilespmem:v61+s20+$0x0], $0xffff  }
0x4bf: {  	v62 =	vor.u32 s24, v2;
	_ =	sdelay $0x3  }
0x4c0: {  	[tilespmem:v7+s3+$0x0] =	vst.idx.msk $0xffff, v5  }
0x4c1: {  	v7 =	vor.u32 v2, v6;
	v5 =	vld.idx.msk [tilespmem:v62+s20+$0x0], $0xffff  }
0x4c2: {  	v63 =	vor.u32 s24, v3;
	_ =	sdelay $0x3  }
0x4c3: {  	[tilespmem:v7+s3+$0x0] =	vst.idx.msk $0xffff, v5  }
0x4c4: {  	v6 =	vor.u32 v3, v6;
	v5 =	vld.idx.msk [tilespmem:v63+s20+$0x0], $0xffff  }
.Ltmp5:
0x4c5: {  	_ = 	snop;
	(pc) =	sbr.rel @p0 .LBB2_10-.Ltmp5, $2  }
0x4c6: {  	_ =	sdelay $0x2  }
0x4c7: {  	[tilespmem:v6+s3+$0x0] =	vst.idx.msk $0xffff, v5  }
0x4c8: {  	(v2sf) =	vpush v4, $0x7;
	_ =	sdelay $0xd  }
.Ltmp6:
0x4c9: {  	_ = 	snop;
	(pc) =	sbr.rel .LBB2_8-.Ltmp6, $4  }
0x4ca: {  	s4 =	spop (v2sf)  }
0x4cb: {  	s7 =	sadd.s32 $0x10, s7;
	s26 =	simm.s32 $0x1;
	s4 =	sand.u32 $0xFFFFF80, s4  }
0x4cc: {  	s24 =	simm.s32 $0x2;
	s23 =	simm.s32 $0x5;
	s4 =	sadd.s32 s2, s4  }
0x4cd: {  	[tilespmem:s20], [sflag:$0x8] =	stream.strided.gather [hbm4b:s4+s11], $0x2000, s12, s11, $0x38;
	[tilespmem:$0x18200] =	vst v63  }
.LBB2_11:
0x4ce: {  	_ =	sfence.sel $0x180000  }
0x4cf: {  	[bflag:$0x0] =	sbarrier.arrive $0xFFFF  }
0x4d0: {  	_ =	strace $0x90000047  }
0x4d1: {  	s0 =	stileid.u32;
	[bflag:$0x2] =	sbarrier.arrive $0xFFFF  }
0x4d2: {  	p0 =	sne.s32 s0, $0x0;
	s0 =	rddreg [dreg:$0x3]  }
0x4d3: {  	s0 =	sadd.s32 @!p0 $0x100000, s0  }
0x4d4: {  	[sflag:s0] =	ssyncadd.tile.s32 @!p0 $0x1;
	_ =	shalt  }
.Lfunc_end2:
_tile_overlayer_lowered:
.L_overlay_start_2:
0x4d5: {  	(tag) =	ssettag $0x2  }
0x4d6: {  	s0 =	rddreg [dreg:$0x0];
	s2 =	stileid.u32  }
0x4d7: {  	s1 =	rddreg [dreg:$0x1];
	p0 =	sne.s32 s2, $0x0  }
0x4d8: {  	s3 =	rddreg [dreg:$0x2];
	[bflag:$0x3] =	sbarrier.arrive $0xFFFF;
	s2 =	simm.s32 @!p0 $0x1C0A  }
0x4d9: {  	[timem:s3], [sflag:s2] =	dma.local @!p0 [hbm:s0], s1  }
0x4da: {  	s0 =	simm.s32 @!p0 $0xA  }
0x4db: {  	_ =	swait.ge @!p0 [sflag:s0], s1  }
0x4dc: {  	s1 =	ssub.s32 @!p0 $0x0, s1;
	[sflag:s0] =	ssyncset.done @!p0 $0x0  }
0x4dd: {  	[sflag:s0] =	ssyncadd.s32 @!p0 s1  }
0x4de: {  	[bflag:$0x3] =	sbarrier.arrive $0xFFFF  }
0x4df: {  	_ =	shalt  }

</sc_bundles>
